<compile_context>
chip_gen: v7x
topology: tpu7x:2x2x1
jax: 0.10.2.dev20260603
libtpu: 0.0.44.dev20260713+nightly
codegen_flags: <defaults>
</compile_context>

<pallas_src>
import functools

import jax
import jax.numpy as jnp
from jax import lax
from jax.experimental import pallas as pl
from jax.experimental.pallas import tpu as pltpu
from jax.experimental.pallas import tpu_sc as plsc

N_NODES = 10000
D = 128
N_GRAPHS = 64

ACC_ROWS = 10240
PAD_ROWS = ACC_ROWS - N_NODES
CHUNK = 128
N_TILES = 32
NCHUNK = 80
NBUF = 4
EPT = CHUNK * NCHUNK
E_PAD = EPT * N_TILES

NB = 5
BLK = N_NODES // NB

@functools.cache
def _build_segment_sum_sc():
    mesh = plsc.VectorSubcoreMesh(core_axis_name="c", subcore_axis_name="s")
    return functools.partial(
        pl.kernel,
        mesh=mesh,
        out_type=jax.ShapeDtypeStruct((2, ACC_ROWS, D), jnp.float32),
        scratch_types=[
            pltpu.VMEM_SHARED((ACC_ROWS, D), jnp.float32),
            pltpu.VMEM((CHUNK, D), jnp.float32),
            pltpu.VMEM((CHUNK, D), jnp.float32),
        ]
        + [pltpu.VMEM((2, CHUNK), jnp.int32) for _ in range(4)]
        + [pltpu.SemaphoreType.DMA for _ in range(2)]
        + [pltpu.SemaphoreType.DMA for _ in range(2)]
        + [pltpu.SemaphoreType.DMA for _ in range(4)],
    )(_segment_sum_body)


def _segment_sum_sc(h, idx):
    return _build_segment_sum_sc()(h, idx)


def _segment_sum_body(h_hbm, idx_hbm, out_hbm, acc, r0, r1, i0, i1, i2, i3,
                      g0, g1, s0, s1, q0, q1, q2, q3):
    rows = [r0, r1]
    idxb = [i0, i1, i2, i3]
    gsem = [g0, g1]
    ssem = [s0, s1]
    isem = [q0, q1, q2, q3]
    c = lax.axis_index("c")
    s = lax.axis_index("s")
    wid = s * 2 + c
    cbase = wid * NCHUNK

    pltpu.async_copy(idx_hbm.at[cbase], idxb[0], isem[0])
    pltpu.async_copy(idx_hbm.at[cbase + 1], idxb[1], isem[1])

    zeros16 = jnp.zeros((16,), jnp.float32)

    def _zrow(i, carry):
        for j in range(D // 16):
            rows[0][i, pl.ds(j * 16, 16)] = zeros16
        return carry

    lax.fori_loop(0, CHUNK, _zrow, 0)

    rows_per_tile = ACC_ROWS // 16

    def _zcopy(k, carry):
        pltpu.sync_copy(rows[0], acc.at[pl.ds(s * rows_per_tile + k * CHUNK, CHUNK)])
        return carry

    lax.fori_loop(0, rows_per_tile // CHUNK, _zcopy, 0)

    pltpu.make_async_copy(idx_hbm.at[0], idxb[0], isem[0]).wait()
    pltpu.async_copy(h_hbm.at[idxb[0].at[0]], rows[0], gsem[0])
    plsc.subcore_barrier()

    def _round(r, q, p, is_first, has_next, has_next2):
        pltpu.make_async_copy(h_hbm.at[pl.ds(0, CHUNK)], rows[p], gsem[p]).wait()
        if not is_first:
            pltpu.make_async_copy(h_hbm.at[pl.ds(0, CHUNK)], rows[1 - p],
                                  ssem[1 - p]).wait()
        pltpu.async_copy(rows[p], acc.at[idxb[q].at[1]], ssem[p], add=True)
        if has_next:
            qn = (q + 1) % 4
            pltpu.make_async_copy(idx_hbm.at[0], idxb[qn], isem[qn]).wait()
            pltpu.async_copy(h_hbm.at[idxb[qn].at[0]], rows[1 - p], gsem[1 - p])
        if has_next2:
            qn2 = (q + 2) % 4
            pltpu.async_copy(idx_hbm.at[cbase + r + 2], idxb[qn2], isem[qn2])

    _round(0, 0, 0, True, True, True)
    _round(1, 1, 1, False, True, True)

    def _loop(t, carry):
        rr = 2 + 4 * t
        for sub in range(4):
            _round(rr + sub, (2 + sub) % 4, sub % 2, False, True, True)
        return carry

    lax.fori_loop(0, (NCHUNK - 4) // 4, _loop, 0)
    _round(NCHUNK - 2, (NCHUNK - 2) % 4, 0, False, True, False)
    _round(NCHUNK - 1, (NCHUNK - 1) % 4, 1, False, False, False)
    pltpu.make_async_copy(h_hbm.at[pl.ds(0, CHUNK)], rows[1], ssem[1]).wait()
    plsc.subcore_barrier()

    pltpu.sync_copy(
        acc.at[pl.ds(s * rows_per_tile, rows_per_tile)],
        out_hbm.at[c, pl.ds(s * rows_per_tile, rows_per_tile)],
    )


def _mlp_body_relu(h_ref, p0_ref, p1_ref, wa_ref, ba_ref, wb_ref, bb_ref, z_ref):
    z = h_ref[...] + p0_ref[0] + p1_ref[0]
    z1 = jnp.maximum(
        jnp.dot(z, wa_ref[...], preferred_element_type=jnp.float32) + ba_ref[...], 0.0)
    z2 = jnp.dot(z1, wb_ref[...], preferred_element_type=jnp.float32) + bb_ref[...]
    z_ref[...] = jnp.maximum(z2, 0.0)


def _mlp_body_stats(h_ref, p0_ref, p1_ref, wa_ref, ba_ref, wb_ref, bb_ref, z_ref, st_ref):
    z = h_ref[...] + p0_ref[0] + p1_ref[0]
    z1 = jnp.maximum(
        jnp.dot(z, wa_ref[...], preferred_element_type=jnp.float32) + ba_ref[...], 0.0)
    z2 = jnp.dot(z1, wb_ref[...], preferred_element_type=jnp.float32) + bb_ref[...]
    z_ref[...] = z2

    @pl.when(pl.program_id(0) == 0)
    def _init():
        st_ref[...] = jnp.zeros_like(st_ref)

    st_ref[0:1, :] += jnp.sum(z2, axis=0, keepdims=True)
    st_ref[1:2, :] += jnp.sum(z2 * z2, axis=0, keepdims=True)


def _var_body(z_ref, st_ref, v_ref):
    @pl.when(pl.program_id(0) == 0)
    def _init():
        v_ref[...] = jnp.zeros_like(v_ref)

    mu = st_ref[0:1, :] * (1.0 / N_NODES)
    d = z_ref[...] - mu
    v_ref[0:1, :] += jnp.sum(d * d, axis=0, keepdims=True)


def _var_pass(z, stats):
    return pl.pallas_call(
        _var_body, grid=(NB,),
        in_specs=[_row_spec(), _const_spec((8, D))],
        out_specs=_const_spec((8, D)),
        out_shape=jax.ShapeDtypeStruct((8, D), jnp.float32),
    )(z, stats)


def _bn_body(z_ref, st_ref, v_ref, g_ref, b_ref, o_ref):
    inv_n = 1.0 / N_NODES
    mu = st_ref[0:1, :] * inv_n
    var = v_ref[0:1, :] * inv_n
    denom = jnp.sqrt(var + 1e-5)
    o_ref[...] = jnp.maximum(
        g_ref[...] * (z_ref[...] - mu) / denom + b_ref[...], 0.0)


def _pool_body(z_ref, st_ref, v_ref, g_ref, b_ref, batch_ref, wo1_ref, bo1_ref,
               wo2_ref, bo2_ref, out_ref, accs_ref, accc_ref):
    i = pl.program_id(0)

    @pl.when(i == 0)
    def _init():
        accs_ref[...] = jnp.zeros_like(accs_ref)
        accc_ref[...] = jnp.zeros_like(accc_ref)

    inv_n = 1.0 / N_NODES
    mu = st_ref[0:1, :] * inv_n
    var = v_ref[0:1, :] * inv_n
    denom = jnp.sqrt(var + 1e-5)
    h = jnp.maximum(g_ref[...] * (z_ref[...] - mu) / denom + b_ref[...], 0.0)

    bid = batch_ref[0]
    onehot = (bid == lax.broadcasted_iota(jnp.int32, (N_GRAPHS, BLK), 0)
              ).astype(jnp.float32)
    accs_ref[...] += jnp.dot(onehot, h, preferred_element_type=jnp.float32,
                             precision=lax.Precision.HIGHEST)
    accc_ref[...] += jnp.dot(onehot, jnp.ones_like(h),
                             preferred_element_type=jnp.float32)

    @pl.when(i == NB - 1)
    def _finish():
        pooled = accs_ref[...] / jnp.maximum(accc_ref[...], 1.0)
        zz = jnp.maximum(
            jnp.dot(pooled, wo1_ref[...], preferred_element_type=jnp.float32)
            + bo1_ref[...], 0.0)
        out_ref[...] = (jnp.dot(zz, wo2_ref[...], preferred_element_type=jnp.float32)
                        + bo2_ref[...])


def _row_spec():
    return pl.BlockSpec((BLK, D), lambda i: (i, 0))


def _const_spec(shape):
    nd = len(shape)
    return pl.BlockSpec(shape, lambda i: (0,) * nd)


def _mlp(h, parts, layer_params, relu_out):
    (wa, ba), (wb, bb) = layer_params
    in_specs = [
        _row_spec(),
        pl.BlockSpec((1, BLK, D), lambda i: (0, i, 0)),
        pl.BlockSpec((1, BLK, D), lambda i: (1, i, 0)),
        _const_spec((D, D)),
        _const_spec((1, D)),
        _const_spec((D, D)),
        _const_spec((1, D)),
    ]
    args = (h, parts, parts, wa, ba.reshape(1, D), wb, bb.reshape(1, D))
    if relu_out:
        return pl.pallas_call(
            _mlp_body_relu, grid=(NB,), in_specs=in_specs,
            out_specs=_row_spec(),
            out_shape=jax.ShapeDtypeStruct((N_NODES, D), jnp.float32),
        )(*args)
    return pl.pallas_call(
        _mlp_body_stats, grid=(NB,), in_specs=in_specs,
        out_specs=[_row_spec(), _const_spec((8, D))],
        out_shape=[jax.ShapeDtypeStruct((N_NODES, D), jnp.float32),
                   jax.ShapeDtypeStruct((8, D), jnp.float32)],
    )(*args)


def _bn_relu(z, stats, gamma, beta):
    v = _var_pass(z, stats)
    return pl.pallas_call(
        _bn_body, grid=(NB,),
        in_specs=[_row_spec(), _const_spec((8, D)), _const_spec((8, D)),
                  _const_spec((1, D)), _const_spec((1, D))],
        out_specs=_row_spec(),
        out_shape=jax.ShapeDtypeStruct((N_NODES, D), jnp.float32),
    )(z, stats, v, gamma.reshape(1, D), beta.reshape(1, D))


def _pool_head(z, stats, gamma, beta, batch3, out_params):
    (wo1, bo1), (wo2, bo2) = out_params
    v = _var_pass(z, stats)
    return pl.pallas_call(
        _pool_body, grid=(NB,),
        in_specs=[
            _row_spec(),
            _const_spec((8, D)),
            _const_spec((8, D)),
            _const_spec((1, D)),
            _const_spec((1, D)),
            pl.BlockSpec((1, 1, BLK), lambda i: (i, 0, 0)),
            _const_spec((D, D)),
            _const_spec((1, D)),
            _const_spec((D, 1)),
            _const_spec((1, 1)),
        ],
        out_specs=_const_spec((N_GRAPHS, 1)),
        out_shape=jax.ShapeDtypeStruct((N_GRAPHS, 1), jnp.float32),
        scratch_shapes=[pltpu.VMEM((N_GRAPHS, D), jnp.float32),
                        pltpu.VMEM((N_GRAPHS, D), jnp.float32)],
    )(z, stats, v, gamma.reshape(1, D), beta.reshape(1, D), batch3,
      wo1, bo1.reshape(1, D), wo2, bo2.reshape(1, 1))


def kernel(x, edge_index, batch, params):
    src = edge_index[0].astype(jnp.int32)
    dst = edge_index[1].astype(jnp.int32)
    n_edges = src.shape[0]
    pad = E_PAD - n_edges
    src_p = jnp.concatenate(
        [src, jnp.arange(pad, dtype=jnp.int32) % N_NODES]).reshape(-1, 1, CHUNK)
    dst_p = jnp.concatenate(
        [dst, N_NODES + (jnp.arange(pad, dtype=jnp.int32) % PAD_ROWS)]
    ).reshape(-1, 1, CHUNK)
    idx = jnp.concatenate([src_p, dst_p], axis=1)
    batch3 = batch.astype(jnp.int32).reshape(NB, 1, BLK)

    h = x
    parts = _segment_sum_sc(h, idx)
    z, stats = _mlp(h, parts, params["c1"][0], relu_out=False)
    g, b = params["bn1"]
    h = _bn_relu(z, stats, g, b)

    parts = _segment_sum_sc(h, idx)
    h = _mlp(h, parts, params["c2"][0], relu_out=True)
    parts = _segment_sum_sc(h, idx)
    z, stats = _mlp(h, parts, params["c2"][1], relu_out=False)
    g, b = params["bn2"]
    h = _bn_relu(z, stats, g, b)

    parts = _segment_sum_sc(h, idx)
    h = _mlp(h, parts, params["c3"][0], relu_out=True)
    parts = _segment_sum_sc(h, idx)
    z, stats = _mlp(h, parts, params["c3"][1], relu_out=False)

    g, b = params["bn3"]
    out = _pool_head(z, stats, g, b, batch3, params["out"])
    return out.reshape(-1)

# --- scband reference (transcript-rebuilt; emitter-appended) ---
"""Pipeline reference for scband-graph-isomorphism-network-13932873908319 (READ-ONLY COPY).

The authoritative reference and input builder live on the scoring server;
editing this copy changes nothing except your own understanding.
"""

import jax, jax.numpy as jnp
import numpy as np

N_NODES = 10000
N_EDGES = 320000
D_IN = 128
HIDDEN = 128
N_GRAPHS = 64


def _lin_params(key, fan_in, fan_out):
    w = jax.random.normal(key, (fan_in, fan_out), dtype=jnp.float32) / np.sqrt(fan_in)
    b = jnp.zeros((fan_out,), dtype=jnp.float32)
    return (w, b)


def setup_inputs(seed: int = 0):
    key = jax.random.key(seed)
    ks = jax.random.split(key, 20)
    params = {
        "c1": [(_lin_params(ks[0], D_IN, HIDDEN), _lin_params(ks[1], HIDDEN, HIDDEN))],
        "c2": [(_lin_params(ks[2], HIDDEN, HIDDEN), _lin_params(ks[3], HIDDEN, HIDDEN)),
               (_lin_params(ks[4], HIDDEN, HIDDEN), _lin_params(ks[5], HIDDEN, HIDDEN))],
        "c3": [(_lin_params(ks[6], HIDDEN, HIDDEN), _lin_params(ks[7], HIDDEN, HIDDEN)),
               (_lin_params(ks[8], HIDDEN, HIDDEN), _lin_params(ks[9], HIDDEN, HIDDEN))],
        "bn1": (jnp.ones((HIDDEN,), jnp.float32), jnp.zeros((HIDDEN,), jnp.float32)),
        "bn2": (jnp.ones((HIDDEN,), jnp.float32), jnp.zeros((HIDDEN,), jnp.float32)),
        "bn3": (jnp.ones((HIDDEN,), jnp.float32), jnp.zeros((HIDDEN,), jnp.float32)),
        "out": (_lin_params(ks[10], HIDDEN, HIDDEN), _lin_params(ks[11], HIDDEN, 1)),
    }
    x = jax.random.normal(ks[12], (N_NODES, D_IN), dtype=jnp.float32)
    edge_index = jax.random.randint(ks[13], (2, N_EDGES), 0, N_NODES)
    batch = jnp.sort(jax.random.randint(ks[14], (N_NODES,), 0, N_GRAPHS))
    return {"x": x, "edge_index": edge_index, "batch": batch, "params": params}


def _gin_block(x, layers, edge_index):
    # Stack of GINConv layers: h' = MLP((1+eps)*h + sum_{j in N(i)} h_j), eps=0
    src = edge_index[0]
    dst = edge_index[1]
    h = x
    n = len(layers)
    for i, ((wa, ba), (wb, bb)) in enumerate(layers):
        agg = jax.ops.segment_sum(h[src], dst, num_segments=h.shape[0])
        z = h + agg
        z = jnp.maximum(z @ wa + ba, 0.0)
        z = z @ wb + bb
        if i < n - 1:
            z = jnp.maximum(z, 0.0)
        h = z
    return h


def _batch_norm(x, gamma, beta, eps=1e-5):
    mu = jnp.mean(x, axis=0)
    var = jnp.var(x, axis=0)
    return gamma * (x - mu) / jnp.sqrt(var + eps) + beta


def _forward(x, params, edge_index, batch):
    out = _gin_block(x, params["c1"], edge_index)
    g, b = params["bn1"]
    out = jnp.maximum(_batch_norm(out, g, b), 0.0)  # l1: BN -> ReLU (dropout = identity in eval)
    out = _gin_block(out, params["c2"], edge_index)
    g, b = params["bn2"]
    out = jnp.maximum(_batch_norm(out, g, b), 0.0)  # l2
    out = _gin_block(out, params["c3"], edge_index)
    g, b = params["bn3"]
    out = jnp.maximum(_batch_norm(out, g, b), 0.0)  # l3
    # global_mean_pool over graph ids
    sums = jax.ops.segment_sum(out, batch, num_segments=N_GRAPHS)
    counts = jax.ops.segment_sum(jnp.ones((out.shape[0],), jnp.float32), batch, num_segments=N_GRAPHS)
    pooled = sums / jnp.clip(counts, 1.0)[:, None]
    (wo1, bo1), (wo2, bo2) = params["out"]
    z = jnp.maximum(pooled @ wo1 + bo1, 0.0) @ wo2 + bo2
    return z.reshape(-1)


def reference(x, edge_index, batch, params):
    return _forward(x, params, edge_index, batch)

if __name__ == "__main__":
    import jax
    _d = setup_inputs()
    print(jax.jit(kernel)(*tuple(_d.values())))

</pallas_src>

<mosaic_0001>
#map = affine_map<(d0, d1) -> (0, 0)>
#map1 = affine_map<(d0, d1) -> (0, 0, 0)>
module attributes {stable_mosaic.version = 14 : i64} {
  func.func @_segment_sum_body(%arg0: i32, %arg1: i32, %arg2: memref<10000x128xf32, #tpu.memory_space<hbm>>, %arg3: memref<2560x2x128xi32, #tpu.memory_space<hbm>>, %arg4: memref<2x10240x128xf32, #tpu.memory_space<hbm>>, %arg5: memref<10240x128xf32, #tpu.memory_space<vmem_shared>>, %arg6: memref<128x128xf32, #tpu.memory_space<vmem>>, %arg7: memref<128x128xf32, #tpu.memory_space<vmem>>, %arg8: memref<2x128xi32, #tpu.memory_space<vmem>>, %arg9: memref<2x128xi32, #tpu.memory_space<vmem>>, %arg10: memref<2x128xi32, #tpu.memory_space<vmem>>, %arg11: memref<2x128xi32, #tpu.memory_space<vmem>>, %arg12: memref<!tpu.dma_semaphore, #tpu.memory_space<semaphore_mem>>, %arg13: memref<!tpu.dma_semaphore, #tpu.memory_space<semaphore_mem>>, %arg14: memref<!tpu.dma_semaphore, #tpu.memory_space<semaphore_mem>>, %arg15: memref<!tpu.dma_semaphore, #tpu.memory_space<semaphore_mem>>, %arg16: memref<!tpu.dma_semaphore, #tpu.memory_space<semaphore_mem>>, %arg17: memref<!tpu.dma_semaphore, #tpu.memory_space<semaphore_mem>>, %arg18: memref<!tpu.dma_semaphore, #tpu.memory_space<semaphore_mem>>, %arg19: memref<!tpu.dma_semaphore, #tpu.memory_space<semaphore_mem>>) attributes {dimension_semantics = [#tpu.dimension_semantics<core_parallel>, #tpu.dimension_semantics<subcore_parallel>], iteration_bounds = array<i64: 2, 16>, scalar_prefetch = 0 : i64, scratch_operands = 15 : i64, tpu.core_type = #tpu.core_type<sc_vector_subcore>, window_params = [{transform_indices = #map}, {transform_indices = #map1}, {transform_indices = #map1}]} {
    %mul3A = arith.constant 2 : i32
    %mul3A_0 = arith.muli %arg1, %mul3A : i32
    %add3A = arith.addi %mul3A_0, %arg0 : i32
    %mul3A_1 = arith.constant 80 : i32
    %mul3A_2 = arith.muli %add3A, %mul3A_1 : i32
    %dma_start3A = arith.constant 0 : i32
    %dma_start3A_3 = arith.constant 0 : i32
    %dma_start3A_4 = tpu.memref_slice %arg3[%mul3A_2, %dma_start3A, %dma_start3A_3] : memref<2560x2x128xi32, #tpu.memory_space<hbm>> -> memref<1x2x128xi32, #tpu.memory_space<hbm>>
    %dma_start3A_5 = tpu.memref_squeeze %dma_start3A_4 : memref<1x2x128xi32, #tpu.memory_space<hbm>> -> memref<2x128xi32, #tpu.memory_space<hbm>>
    %dma_start3A_6 = arith.constant 0 : i32
    %dma_start3A_7 = arith.constant 0 : i32
    %dma_start3A_8 = tpu.memref_slice %arg3[%mul3A_2, %dma_start3A_6, %dma_start3A_7] : memref<2560x2x128xi32, #tpu.memory_space<hbm>> -> memref<1x2x128xi32, #tpu.memory_space<hbm>>
    %dma_start3A_9 = tpu.memref_squeeze %dma_start3A_8 : memref<1x2x128xi32, #tpu.memory_space<hbm>> -> memref<2x128xi32, #tpu.memory_space<hbm>>
    tpu.enqueue_dma source(%dma_start3A_9 : memref<2x128xi32, #tpu.memory_space<hbm>>) target(%arg8 : memref<2x128xi32, #tpu.memory_space<vmem>>) target_semaphore(%arg16 : memref<!tpu.dma_semaphore, #tpu.memory_space<semaphore_mem>>)
    %add3A_10 = arith.constant 1 : i32
    %add3A_11 = arith.addi %mul3A_2, %add3A_10 : i32
    %dma_start3A_12 = arith.constant 0 : i32
    %dma_start3A_13 = arith.constant 0 : i32
    %dma_start3A_14 = tpu.memref_slice %arg3[%add3A_11, %dma_start3A_12, %dma_start3A_13] : memref<2560x2x128xi32, #tpu.memory_space<hbm>> -> memref<1x2x128xi32, #tpu.memory_space<hbm>>
    %dma_start3A_15 = tpu.memref_squeeze %dma_start3A_14 : memref<1x2x128xi32, #tpu.memory_space<hbm>> -> memref<2x128xi32, #tpu.memory_space<hbm>>
    %dma_start3A_16 = arith.constant 0 : i32
    %dma_start3A_17 = arith.constant 0 : i32
    %dma_start3A_18 = tpu.memref_slice %arg3[%add3A_11, %dma_start3A_16, %dma_start3A_17] : memref<2560x2x128xi32, #tpu.memory_space<hbm>> -> memref<1x2x128xi32, #tpu.memory_space<hbm>>
    %dma_start3A_19 = tpu.memref_squeeze %dma_start3A_18 : memref<1x2x128xi32, #tpu.memory_space<hbm>> -> memref<2x128xi32, #tpu.memory_space<hbm>>
    tpu.enqueue_dma source(%dma_start3A_19 : memref<2x128xi32, #tpu.memory_space<hbm>>) target(%arg9 : memref<2x128xi32, #tpu.memory_space<vmem>>) target_semaphore(%arg17 : memref<!tpu.dma_semaphore, #tpu.memory_space<semaphore_mem>>)
    %broadcast_in_dim3A = arith.constant 0.000000e+00 : f32
    %broadcast_in_dim3A_20 = vector.broadcast %broadcast_in_dim3A : f32 to vector<16xf32>
    %scan3A = arith.constant 0 : i32
    %scan3A_21 = arith.constant 0 : i32
    %scan3A_22 = arith.constant 128 : i32
    %scan3A_23 = arith.addi %scan3A_21, %scan3A_22 : i32
    %scan3A_24 = arith.constant 1 : i32
    scf.for %scan3A_206 = %scan3A_21 to %scan3A_23 step %scan3A_24  : i32 {
      %swap3A = arith.index_cast %scan3A_206 : i32 to index
      %swap3A_207 = arith.constant 0 : index
      %swap3A_208 = tpu.vector_load %arg6[%swap3A, %swap3A_207] {strides = array<i32>} : memref<128x128xf32, #tpu.memory_space<vmem>>, vector<1x16xf32>,
      %swap3A_209 = vector.shape_cast %swap3A_208 : vector<1x16xf32> to vector<16xf32>
      %swap3A_210 = vector.shape_cast %broadcast_in_dim3A_20 : vector<16xf32> to vector<1x16xf32>
      tpu.vector_store %arg6[%swap3A, %swap3A_207], %swap3A_210 {strides = array<i32>} : memref<128x128xf32, #tpu.memory_space<vmem>>, vector<1x16xf32>,
      %swap3A_211 = arith.index_cast %scan3A_206 : i32 to index
      %swap3A_212 = arith.constant 16 : index
      %swap3A_213 = tpu.vector_load %arg6[%swap3A_211, %swap3A_212] {strides = array<i32>} : memref<128x128xf32, #tpu.memory_space<vmem>>, vector<1x16xf32>,
      %swap3A_214 = vector.shape_cast %swap3A_213 : vector<1x16xf32> to vector<16xf32>
      %swap3A_215 = vector.shape_cast %broadcast_in_dim3A_20 : vector<16xf32> to vector<1x16xf32>
      tpu.vector_store %arg6[%swap3A_211, %swap3A_212], %swap3A_215 {strides = array<i32>} : memref<128x128xf32, #tpu.memory_space<vmem>>, vector<1x16xf32>,
      %swap3A_216 = arith.index_cast %scan3A_206 : i32 to index
      %swap3A_217 = arith.constant 32 : index
      %swap3A_218 = tpu.vector_load %arg6[%swap3A_216, %swap3A_217] {strides = array<i32>} : memref<128x128xf32, #tpu.memory_space<vmem>>, vector<1x16xf32>,
      %swap3A_219 = vector.shape_cast %swap3A_218 : vector<1x16xf32> to vector<16xf32>
      %swap3A_220 = vector.shape_cast %broadcast_in_dim3A_20 : vector<16xf32> to vector<1x16xf32>
      tpu.vector_store %arg6[%swap3A_216, %swap3A_217], %swap3A_220 {strides = array<i32>} : memref<128x128xf32, #tpu.memory_space<vmem>>, vector<1x16xf32>,
      %swap3A_221 = arith.index_cast %scan3A_206 : i32 to index
      %swap3A_222 = arith.constant 48 : index
      %swap3A_223 = tpu.vector_load %arg6[%swap3A_221, %swap3A_222] {strides = array<i32>} : memref<128x128xf32, #tpu.memory_space<vmem>>, vector<1x16xf32>,
      %swap3A_224 = vector.shape_cast %swap3A_223 : vector<1x16xf32> to vector<16xf32>
      %swap3A_225 = vector.shape_cast %broadcast_in_dim3A_20 : vector<16xf32> to vector<1x16xf32>
      tpu.vector_store %arg6[%swap3A_221, %swap3A_222], %swap3A_225 {strides = array<i32>} : memref<128x128xf32, #tpu.memory_space<vmem>>, vector<1x16xf32>,
      %swap3A_226 = arith.index_cast %scan3A_206 : i32 to index
      %swap3A_227 = arith.constant 64 : index
      %swap3A_228 = tpu.vector_load %arg6[%swap3A_226, %swap3A_227] {strides = array<i32>} : memref<128x128xf32, #tpu.memory_space<vmem>>, vector<1x16xf32>,
      %swap3A_229 = vector.shape_cast %swap3A_228 : vector<1x16xf32> to vector<16xf32>
      %swap3A_230 = vector.shape_cast %broadcast_in_dim3A_20 : vector<16xf32> to vector<1x16xf32>
      tpu.vector_store %arg6[%swap3A_226, %swap3A_227], %swap3A_230 {strides = array<i32>} : memref<128x128xf32, #tpu.memory_space<vmem>>, vector<1x16xf32>,
      %swap3A_231 = arith.index_cast %scan3A_206 : i32 to index
      %swap3A_232 = arith.constant 80 : index
      %swap3A_233 = tpu.vector_load %arg6[%swap3A_231, %swap3A_232] {strides = array<i32>} : memref<128x128xf32, #tpu.memory_space<vmem>>, vector<1x16xf32>,
      %swap3A_234 = vector.shape_cast %swap3A_233 : vector<1x16xf32> to vector<16xf32>
      %swap3A_235 = vector.shape_cast %broadcast_in_dim3A_20 : vector<16xf32> to vector<1x16xf32>
      tpu.vector_store %arg6[%swap3A_231, %swap3A_232], %swap3A_235 {strides = array<i32>} : memref<128x128xf32, #tpu.memory_space<vmem>>, vector<1x16xf32>,
      %swap3A_236 = arith.index_cast %scan3A_206 : i32 to index
      %swap3A_237 = arith.constant 96 : index
      %swap3A_238 = tpu.vector_load %arg6[%swap3A_236, %swap3A_237] {strides = array<i32>} : memref<128x128xf32, #tpu.memory_space<vmem>>, vector<1x16xf32>,
      %swap3A_239 = vector.shape_cast %swap3A_238 : vector<1x16xf32> to vector<16xf32>
      %swap3A_240 = vector.shape_cast %broadcast_in_dim3A_20 : vector<16xf32> to vector<1x16xf32>
      tpu.vector_store %arg6[%swap3A_236, %swap3A_237], %swap3A_240 {strides = array<i32>} : memref<128x128xf32, #tpu.memory_space<vmem>>, vector<1x16xf32>,
      %swap3A_241 = arith.index_cast %scan3A_206 : i32 to index
      %swap3A_242 = arith.constant 112 : index
      %swap3A_243 = tpu.vector_load %arg6[%swap3A_241, %swap3A_242] {strides = array<i32>} : memref<128x128xf32, #tpu.memory_space<vmem>>, vector<1x16xf32>,
      %swap3A_244 = vector.shape_cast %swap3A_243 : vector<1x16xf32> to vector<16xf32>
      %swap3A_245 = vector.shape_cast %broadcast_in_dim3A_20 : vector<16xf32> to vector<1x16xf32>
      tpu.vector_store %arg6[%swap3A_241, %swap3A_242], %swap3A_245 {strides = array<i32>} : memref<128x128xf32, #tpu.memory_space<vmem>>, vector<1x16xf32>,
    }
    %scan3A_25 = arith.constant 128 : i32
    %scan3A_26 = arith.constant 0 : i32
    %scan3A_27 = arith.constant 0 : i32
    %scan3A_28 = arith.constant 5 : i32
    %scan3A_29 = arith.addi %scan3A_27, %scan3A_28 : i32
    %scan3A_30 = arith.constant 1 : i32
    scf.for %scan3A_206 = %scan3A_27 to %scan3A_29 step %scan3A_30  : i32 {
      %mul3A_207 = arith.constant 640 : i32
      %mul3A_208 = arith.muli %arg1, %mul3A_207 : i32
      %mul3A_209 = arith.constant 128 : i32
      %mul3A_210 = arith.muli %scan3A_206, %mul3A_209 : i32
      %add3A_211 = arith.addi %mul3A_208, %mul3A_210 : i32
      "tpu.region"() ({
        %run_scoped3A = tpu.sem_alloc : memref<!tpu.dma_semaphore, #tpu.memory_space<semaphore_mem>>
        %dma_start3A_212 = arith.constant 0 : i32
        %dma_start3A_213 = tpu.memref_slice %arg5[%add3A_211, %dma_start3A_212] : memref<10240x128xf32, #tpu.memory_space<vmem_shared>> -> memref<128x128xf32, #tpu.memory_space<vmem_shared>>
        %dma_start3A_214 = arith.constant 0 : i32
        %dma_start3A_215 = tpu.memref_slice %arg5[%add3A_211, %dma_start3A_214] : memref<10240x128xf32, #tpu.memory_space<vmem_shared>> -> memref<128x128xf32, #tpu.memory_space<vmem_shared>>
        tpu.enqueue_dma source(%arg6 : memref<128x128xf32, #tpu.memory_space<vmem>>) target(%dma_start3A_215 : memref<128x128xf32, #tpu.memory_space<vmem_shared>>) target_semaphore(%run_scoped3A : memref<!tpu.dma_semaphore, #tpu.memory_space<semaphore_mem>>)
        %dma_wait3A_216 = arith.constant 0 : i32
        %dma_wait3A_217 = tpu.memref_slice %arg5[%add3A_211, %dma_wait3A_216] : memref<10240x128xf32, #tpu.memory_space<vmem_shared>> -> memref<128x128xf32, #tpu.memory_space<vmem_shared>>
        %dma_wait3A_218 = arith.constant 0 : i32
        %dma_wait3A_219 = tpu.memref_slice %arg5[%add3A_211, %dma_wait3A_218] : memref<10240x128xf32, #tpu.memory_space<vmem_shared>> -> memref<128x128xf32, #tpu.memory_space<vmem_shared>>
        tpu.wait_dma2 semaphore(%run_scoped3A : memref<!tpu.dma_semaphore, #tpu.memory_space<semaphore_mem>>) src(%arg6 : memref<128x128xf32, #tpu.memory_space<vmem>>) dst(%dma_wait3A_219 : memref<128x128xf32, #tpu.memory_space<vmem_shared>>)
        tpu.yield
      }) : () -> ()
    }
    %scan3A_31 = arith.constant 5 : i32
    %dma_wait3A = arith.constant 0 : i32
    %dma_wait3A_32 = arith.constant 0 : i32
    %dma_wait3A_33 = arith.constant 0 : i32
    %dma_wait3A_34 = tpu.memref_slice %arg3[%dma_wait3A, %dma_wait3A_32, %dma_wait3A_33] : memref<2560x2x128xi32, #tpu.memory_space<hbm>> -> memref<1x2x128xi32, #tpu.memory_space<hbm>>
    %dma_wait3A_35 = tpu.memref_squeeze %dma_wait3A_34 : memref<1x2x128xi32, #tpu.memory_space<hbm>> -> memref<2x128xi32, #tpu.memory_space<hbm>>
    %dma_wait3A_36 = arith.constant 0 : i32
    %dma_wait3A_37 = arith.constant 0 : i32
    %dma_wait3A_38 = tpu.memref_slice %arg3[%dma_wait3A, %dma_wait3A_36, %dma_wait3A_37] : memref<2560x2x128xi32, #tpu.memory_space<hbm>> -> memref<1x2x128xi32, #tpu.memory_space<hbm>>
    %dma_wait3A_39 = tpu.memref_squeeze %dma_wait3A_38 : memref<1x2x128xi32, #tpu.memory_space<hbm>> -> memref<2x128xi32, #tpu.memory_space<hbm>>
    tpu.wait_dma2 semaphore(%arg16 : memref<!tpu.dma_semaphore, #tpu.memory_space<semaphore_mem>>) src(%dma_wait3A_39 : memref<2x128xi32, #tpu.memory_space<hbm>>) dst(%arg8 : memref<2x128xi32, #tpu.memory_space<vmem>>)
    %dma_start3A_40 = arith.constant 0 : i32
    %dma_start3A_41 = arith.constant 0 : i32
    %dma_start3A_42 = tpu.memref_slice %arg8[%dma_start3A_40, %dma_start3A_41] : memref<2x128xi32, #tpu.memory_space<vmem>> -> memref<1x128xi32, #tpu.memory_space<vmem>>
    %dma_start3A_43 = tpu.memref_squeeze %dma_start3A_42 : memref<1x128xi32, #tpu.memory_space<vmem>> -> memref<128xi32, #tpu.memory_space<vmem>>
    %dma_start3A_44 = arith.constant 0 : i32
    %dma_start3A_45 = arith.constant 0 : i32
    %dma_start3A_46 = tpu.memref_slice %arg2[%dma_start3A_44, %dma_start3A_45] : memref<10000x128xf32, #tpu.memory_space<hbm>> -> memref<10000x128xf32, #tpu.memory_space<hbm>>
    tpu.enqueue_indirect_dma source(%dma_start3A_46 : memref<10000x128xf32, #tpu.memory_space<hbm>>) target(%arg6 : memref<128x128xf32, #tpu.memory_space<vmem>>) offsets(%dma_start3A_43 : memref<128xi32, #tpu.memory_space<vmem>>) semaphore(%arg12 : memref<!tpu.dma_semaphore, #tpu.memory_space<semaphore_mem>>)
    %barrier3A = arith.constant 0 : index
    tpu.barrier barrier_id(%barrier3A)
    %dma_wait3A_47 = arith.constant 0 : i32
    %dma_wait3A_48 = arith.constant 0 : i32
    %dma_wait3A_49 = tpu.memref_slice %arg2[%dma_wait3A_47, %dma_wait3A_48] : memref<10000x128xf32, #tpu.memory_space<hbm>> -> memref<128x128xf32, #tpu.memory_space<hbm>>
    %dma_wait3A_50 = arith.constant 0 : i32
    %dma_wait3A_51 = arith.constant 0 : i32
    %dma_wait3A_52 = tpu.memref_slice %arg2[%dma_wait3A_50, %dma_wait3A_51] : memref<10000x128xf32, #tpu.memory_space<hbm>> -> memref<128x128xf32, #tpu.memory_space<hbm>>
    tpu.wait_dma2 semaphore(%arg12 : memref<!tpu.dma_semaphore, #tpu.memory_space<semaphore_mem>>) src(%dma_wait3A_52 : memref<128x128xf32, #tpu.memory_space<hbm>>) dst(%arg6 : memref<128x128xf32, #tpu.memory_space<vmem>>)
    %dma_start3A_53 = arith.constant 1 : i32
    %dma_start3A_54 = arith.constant 0 : i32
    %dma_start3A_55 = tpu.memref_slice %arg8[%dma_start3A_53, %dma_start3A_54] : memref<2x128xi32, #tpu.memory_space<vmem>> -> memref<1x128xi32, #tpu.memory_space<vmem>>
    %dma_start3A_56 = tpu.memref_squeeze %dma_start3A_55 : memref<1x128xi32, #tpu.memory_space<vmem>> -> memref<128xi32, #tpu.memory_space<vmem>>
    %dma_start3A_57 = arith.constant 0 : i32
    %dma_start3A_58 = arith.constant 0 : i32
    %dma_start3A_59 = tpu.memref_slice %arg5[%dma_start3A_57, %dma_start3A_58] : memref<10240x128xf32, #tpu.memory_space<vmem_shared>> -> memref<10240x128xf32, #tpu.memory_space<vmem_shared>>
    tpu.enqueue_indirect_dma source(%arg6 : memref<128x128xf32, #tpu.memory_space<vmem>>) target(%dma_start3A_59 : memref<10240x128xf32, #tpu.memory_space<vmem_shared>>) offsets(%dma_start3A_56 : memref<128xi32, #tpu.memory_space<vmem>>) semaphore(%arg14 : memref<!tpu.dma_semaphore, #tpu.memory_space<semaphore_mem>>) {add = true}
    %dma_wait3A_60 = arith.constant 0 : i32
    %dma_wait3A_61 = arith.constant 0 : i32
    %dma_wait3A_62 = arith.constant 0 : i32
    %dma_wait3A_63 = tpu.memref_slice %arg3[%dma_wait3A_60, %dma_wait3A_61, %dma_wait3A_62] : memref<2560x2x128xi32, #tpu.memory_space<hbm>> -> memref<1x2x128xi32, #tpu.memory_space<hbm>>
    %dma_wait3A_64 = tpu.memref_squeeze %dma_wait3A_63 : memref<1x2x128xi32, #tpu.memory_space<hbm>> -> memref<2x128xi32, #tpu.memory_space<hbm>>
    %dma_wait3A_65 = arith.constant 0 : i32
    %dma_wait3A_66 = arith.constant 0 : i32
    %dma_wait3A_67 = tpu.memref_slice %arg3[%dma_wait3A_60, %dma_wait3A_65, %dma_wait3A_66] : memref<2560x2x128xi32, #tpu.memory_space<hbm>> -> memref<1x2x128xi32, #tpu.memory_space<hbm>>
    %dma_wait3A_68 = tpu.memref_squeeze %dma_wait3A_67 : memref<1x2x128xi32, #tpu.memory_space<hbm>> -> memref<2x128xi32, #tpu.memory_space<hbm>>
    tpu.wait_dma2 semaphore(%arg17 : memref<!tpu.dma_semaphore, #tpu.memory_space<semaphore_mem>>) src(%dma_wait3A_68 : memref<2x128xi32, #tpu.memory_space<hbm>>) dst(%arg9 : memref<2x128xi32, #tpu.memory_space<vmem>>)
    %dma_start3A_69 = arith.constant 0 : i32
    %dma_start3A_70 = arith.constant 0 : i32
    %dma_start3A_71 = tpu.memref_slice %arg9[%dma_start3A_69, %dma_start3A_70] : memref<2x128xi32, #tpu.memory_space<vmem>> -> memref<1x128xi32, #tpu.memory_space<vmem>>
    %dma_start3A_72 = tpu.memref_squeeze %dma_start3A_71 : memref<1x128xi32, #tpu.memory_space<vmem>> -> memref<128xi32, #tpu.memory_space<vmem>>
    %dma_start3A_73 = arith.constant 0 : i32
    %dma_start3A_74 = arith.constant 0 : i32
    %dma_start3A_75 = tpu.memref_slice %arg2[%dma_start3A_73, %dma_start3A_74] : memref<10000x128xf32, #tpu.memory_space<hbm>> -> memref<10000x128xf32, #tpu.memory_space<hbm>>
    tpu.enqueue_indirect_dma source(%dma_start3A_75 : memref<10000x128xf32, #tpu.memory_space<hbm>>) target(%arg7 : memref<128x128xf32, #tpu.memory_space<vmem>>) offsets(%dma_start3A_72 : memref<128xi32, #tpu.memory_space<vmem>>) semaphore(%arg13 : memref<!tpu.dma_semaphore, #tpu.memory_space<semaphore_mem>>)
    %add3A_76 = arith.constant 0 : i32
    %add3A_77 = arith.addi %mul3A_2, %add3A_76 : i32
    %add3A_78 = arith.constant 2 : i32
    %add3A_79 = arith.addi %add3A_77, %add3A_78 : i32
    %dma_start3A_80 = arith.constant 0 : i32
    %dma_start3A_81 = arith.constant 0 : i32
    %dma_start3A_82 = tpu.memref_slice %arg3[%add3A_79, %dma_start3A_80, %dma_start3A_81] : memref<2560x2x128xi32, #tpu.memory_space<hbm>> -> memref<1x2x128xi32, #tpu.memory_space<hbm>>
    %dma_start3A_83 = tpu.memref_squeeze %dma_start3A_82 : memref<1x2x128xi32, #tpu.memory_space<hbm>> -> memref<2x128xi32, #tpu.memory_space<hbm>>
    %dma_start3A_84 = arith.constant 0 : i32
    %dma_start3A_85 = arith.constant 0 : i32
    %dma_start3A_86 = tpu.memref_slice %arg3[%add3A_79, %dma_start3A_84, %dma_start3A_85] : memref<2560x2x128xi32, #tpu.memory_space<hbm>> -> memref<1x2x128xi32, #tpu.memory_space<hbm>>
    %dma_start3A_87 = tpu.memref_squeeze %dma_start3A_86 : memref<1x2x128xi32, #tpu.memory_space<hbm>> -> memref<2x128xi32, #tpu.memory_space<hbm>>
    tpu.enqueue_dma source(%dma_start3A_87 : memref<2x128xi32, #tpu.memory_space<hbm>>) target(%arg10 : memref<2x128xi32, #tpu.memory_space<vmem>>) target_semaphore(%arg18 : memref<!tpu.dma_semaphore, #tpu.memory_space<semaphore_mem>>)
    %dma_wait3A_88 = arith.constant 0 : i32
    %dma_wait3A_89 = arith.constant 0 : i32
    %dma_wait3A_90 = tpu.memref_slice %arg2[%dma_wait3A_88, %dma_wait3A_89] : memref<10000x128xf32, #tpu.memory_space<hbm>> -> memref<128x128xf32, #tpu.memory_space<hbm>>
    %dma_wait3A_91 = arith.constant 0 : i32
    %dma_wait3A_92 = arith.constant 0 : i32
    %dma_wait3A_93 = tpu.memref_slice %arg2[%dma_wait3A_91, %dma_wait3A_92] : memref<10000x128xf32, #tpu.memory_space<hbm>> -> memref<128x128xf32, #tpu.memory_space<hbm>>
    tpu.wait_dma2 semaphore(%arg13 : memref<!tpu.dma_semaphore, #tpu.memory_space<semaphore_mem>>) src(%dma_wait3A_93 : memref<128x128xf32, #tpu.memory_space<hbm>>) dst(%arg7 : memref<128x128xf32, #tpu.memory_space<vmem>>)
    %dma_wait3A_94 = arith.constant 0 : i32
    %dma_wait3A_95 = arith.constant 0 : i32
    %dma_wait3A_96 = tpu.memref_slice %arg2[%dma_wait3A_94, %dma_wait3A_95] : memref<10000x128xf32, #tpu.memory_space<hbm>> -> memref<128x128xf32, #tpu.memory_space<hbm>>
    %dma_wait3A_97 = arith.constant 0 : i32
    %dma_wait3A_98 = arith.constant 0 : i32
    %dma_wait3A_99 = tpu.memref_slice %arg2[%dma_wait3A_97, %dma_wait3A_98] : memref<10000x128xf32, #tpu.memory_space<hbm>> -> memref<128x128xf32, #tpu.memory_space<hbm>>
    tpu.wait_dma2 semaphore(%arg14 : memref<!tpu.dma_semaphore, #tpu.memory_space<semaphore_mem>>) src(%dma_wait3A_99 : memref<128x128xf32, #tpu.memory_space<hbm>>) dst(%arg6 : memref<128x128xf32, #tpu.memory_space<vmem>>)
    %dma_start3A_100 = arith.constant 1 : i32
    %dma_start3A_101 = arith.constant 0 : i32
    %dma_start3A_102 = tpu.memref_slice %arg9[%dma_start3A_100, %dma_start3A_101] : memref<2x128xi32, #tpu.memory_space<vmem>> -> memref<1x128xi32, #tpu.memory_space<vmem>>
    %dma_start3A_103 = tpu.memref_squeeze %dma_start3A_102 : memref<1x128xi32, #tpu.memory_space<vmem>> -> memref<128xi32, #tpu.memory_space<vmem>>
    %dma_start3A_104 = arith.constant 0 : i32
    %dma_start3A_105 = arith.constant 0 : i32
    %dma_start3A_106 = tpu.memref_slice %arg5[%dma_start3A_104, %dma_start3A_105] : memref<10240x128xf32, #tpu.memory_space<vmem_shared>> -> memref<10240x128xf32, #tpu.memory_space<vmem_shared>>
    tpu.enqueue_indirect_dma source(%arg7 : memref<128x128xf32, #tpu.memory_space<vmem>>) target(%dma_start3A_106 : memref<10240x128xf32, #tpu.memory_space<vmem_shared>>) offsets(%dma_start3A_103 : memref<128xi32, #tpu.memory_space<vmem>>) semaphore(%arg15 : memref<!tpu.dma_semaphore, #tpu.memory_space<semaphore_mem>>) {add = true}
    %dma_wait3A_107 = arith.constant 0 : i32
    %dma_wait3A_108 = arith.constant 0 : i32
    %dma_wait3A_109 = arith.constant 0 : i32
    %dma_wait3A_110 = tpu.memref_slice %arg3[%dma_wait3A_107, %dma_wait3A_108, %dma_wait3A_109] : memref<2560x2x128xi32, #tpu.memory_space<hbm>> -> memref<1x2x128xi32, #tpu.memory_space<hbm>>
    %dma_wait3A_111 = tpu.memref_squeeze %dma_wait3A_110 : memref<1x2x128xi32, #tpu.memory_space<hbm>> -> memref<2x128xi32, #tpu.memory_space<hbm>>
    %dma_wait3A_112 = arith.constant 0 : i32
    %dma_wait3A_113 = arith.constant 0 : i32
    %dma_wait3A_114 = tpu.memref_slice %arg3[%dma_wait3A_107, %dma_wait3A_112, %dma_wait3A_113] : memref<2560x2x128xi32, #tpu.memory_space<hbm>> -> memref<1x2x128xi32, #tpu.memory_space<hbm>>
    %dma_wait3A_115 = tpu.memref_squeeze %dma_wait3A_114 : memref<1x2x128xi32, #tpu.memory_space<hbm>> -> memref<2x128xi32, #tpu.memory_space<hbm>>
    tpu.wait_dma2 semaphore(%arg18 : memref<!tpu.dma_semaphore, #tpu.memory_space<semaphore_mem>>) src(%dma_wait3A_115 : memref<2x128xi32, #tpu.memory_space<hbm>>) dst(%arg10 : memref<2x128xi32, #tpu.memory_space<vmem>>)
    %dma_start3A_116 = arith.constant 0 : i32
    %dma_start3A_117 = arith.constant 0 : i32
    %dma_start3A_118 = tpu.memref_slice %arg10[%dma_start3A_116, %dma_start3A_117] : memref<2x128xi32, #tpu.memory_space<vmem>> -> memref<1x128xi32, #tpu.memory_space<vmem>>
    %dma_start3A_119 = tpu.memref_squeeze %dma_start3A_118 : memref<1x128xi32, #tpu.memory_space<vmem>> -> memref<128xi32, #tpu.memory_space<vmem>>
    %dma_start3A_120 = arith.constant 0 : i32
    %dma_start3A_121 = arith.constant 0 : i32
    %dma_start3A_122 = tpu.memref_slice %arg2[%dma_start3A_120, %dma_start3A_121] : memref<10000x128xf32, #tpu.memory_space<hbm>> -> memref<10000x128xf32, #tpu.memory_space<hbm>>
    tpu.enqueue_indirect_dma source(%dma_start3A_122 : memref<10000x128xf32, #tpu.memory_space<hbm>>) target(%arg6 : memref<128x128xf32, #tpu.memory_space<vmem>>) offsets(%dma_start3A_119 : memref<128xi32, #tpu.memory_space<vmem>>) semaphore(%arg12 : memref<!tpu.dma_semaphore, #tpu.memory_space<semaphore_mem>>)
    %add3A_123 = arith.constant 1 : i32
    %add3A_124 = arith.addi %mul3A_2, %add3A_123 : i32
    %add3A_125 = arith.constant 2 : i32
    %add3A_126 = arith.addi %add3A_124, %add3A_125 : i32
    %dma_start3A_127 = arith.constant 0 : i32
    %dma_start3A_128 = arith.constant 0 : i32
    %dma_start3A_129 = tpu.memref_slice %arg3[%add3A_126, %dma_start3A_127, %dma_start3A_128] : memref<2560x2x128xi32, #tpu.memory_space<hbm>> -> memref<1x2x128xi32, #tpu.memory_space<hbm>>
    %dma_start3A_130 = tpu.memref_squeeze %dma_start3A_129 : memref<1x2x128xi32, #tpu.memory_space<hbm>> -> memref<2x128xi32, #tpu.memory_space<hbm>>
    %dma_start3A_131 = arith.constant 0 : i32
    %dma_start3A_132 = arith.constant 0 : i32
    %dma_start3A_133 = tpu.memref_slice %arg3[%add3A_126, %dma_start3A_131, %dma_start3A_132] : memref<2560x2x128xi32, #tpu.memory_space<hbm>> -> memref<1x2x128xi32, #tpu.memory_space<hbm>>
    %dma_start3A_134 = tpu.memref_squeeze %dma_start3A_133 : memref<1x2x128xi32, #tpu.memory_space<hbm>> -> memref<2x128xi32, #tpu.memory_space<hbm>>
    tpu.enqueue_dma source(%dma_start3A_134 : memref<2x128xi32, #tpu.memory_space<hbm>>) target(%arg11 : memref<2x128xi32, #tpu.memory_space<vmem>>) target_semaphore(%arg19 : memref<!tpu.dma_semaphore, #tpu.memory_space<semaphore_mem>>)
    %scan3A_135 = arith.constant 0 : i32
    %scan3A_136 = arith.constant 0 : i32
    %scan3A_137 = arith.constant 19 : i32
    %scan3A_138 = arith.addi %scan3A_136, %scan3A_137 : i32
    %scan3A_139 = arith.constant 1 : i32
    scf.for %scan3A_206 = %scan3A_136 to %scan3A_138 step %scan3A_139  : i32 {
      %mul3A_207 = arith.constant 4 : i32
      %mul3A_208 = arith.muli %mul3A_207, %scan3A_206 : i32
      %add3A_209 = arith.constant 2 : i32
      %add3A_210 = arith.addi %add3A_209, %mul3A_208 : i32
      %add3A_211 = arith.constant 0 : i32
      %add3A_212 = arith.addi %add3A_210, %add3A_211 : i32
      %dma_wait3A_213 = arith.constant 0 : i32
      %dma_wait3A_214 = arith.constant 0 : i32
      %dma_wait3A_215 = tpu.memref_slice %arg2[%dma_wait3A_213, %dma_wait3A_214] : memref<10000x128xf32, #tpu.memory_space<hbm>> -> memref<128x128xf32, #tpu.memory_space<hbm>>
      %dma_wait3A_216 = arith.constant 0 : i32
      %dma_wait3A_217 = arith.constant 0 : i32
      %dma_wait3A_218 = tpu.memref_slice %arg2[%dma_wait3A_216, %dma_wait3A_217] : memref<10000x128xf32, #tpu.memory_space<hbm>> -> memref<128x128xf32, #tpu.memory_space<hbm>>
      tpu.wait_dma2 semaphore(%arg12 : memref<!tpu.dma_semaphore, #tpu.memory_space<semaphore_mem>>) src(%dma_wait3A_218 : memref<128x128xf32, #tpu.memory_space<hbm>>) dst(%arg6 : memref<128x128xf32, #tpu.memory_space<vmem>>)
      %dma_wait3A_219 = arith.constant 0 : i32
      %dma_wait3A_220 = arith.constant 0 : i32
      %dma_wait3A_221 = tpu.memref_slice %arg2[%dma_wait3A_219, %dma_wait3A_220] : memref<10000x128xf32, #tpu.memory_space<hbm>> -> memref<128x128xf32, #tpu.memory_space<hbm>>
      %dma_wait3A_222 = arith.constant 0 : i32
      %dma_wait3A_223 = arith.constant 0 : i32
      %dma_wait3A_224 = tpu.memref_slice %arg2[%dma_wait3A_222, %dma_wait3A_223] : memref<10000x128xf32, #tpu.memory_space<hbm>> -> memref<128x128xf32, #tpu.memory_space<hbm>>
      tpu.wait_dma2 semaphore(%arg15 : memref<!tpu.dma_semaphore, #tpu.memory_space<semaphore_mem>>) src(%dma_wait3A_224 : memref<128x128xf32, #tpu.memory_space<hbm>>) dst(%arg7 : memref<128x128xf32, #tpu.memory_space<vmem>>)
      %dma_start3A_225 = arith.constant 1 : i32
      %dma_start3A_226 = arith.constant 0 : i32
      %dma_start3A_227 = tpu.memref_slice %arg10[%dma_start3A_225, %dma_start3A_226] : memref<2x128xi32, #tpu.memory_space<vmem>> -> memref<1x128xi32, #tpu.memory_space<vmem>>
      %dma_start3A_228 = tpu.memref_squeeze %dma_start3A_227 : memref<1x128xi32, #tpu.memory_space<vmem>> -> memref<128xi32, #tpu.memory_space<vmem>>
      %dma_start3A_229 = arith.constant 0 : i32
      %dma_start3A_230 = arith.constant 0 : i32
      %dma_start3A_231 = tpu.memref_slice %arg5[%dma_start3A_229, %dma_start3A_230] : memref<10240x128xf32, #tpu.memory_space<vmem_shared>> -> memref<10240x128xf32, #tpu.memory_space<vmem_shared>>
      tpu.enqueue_indirect_dma source(%arg6 : memref<128x128xf32, #tpu.memory_space<vmem>>) target(%dma_start3A_231 : memref<10240x128xf32, #tpu.memory_space<vmem_shared>>) offsets(%dma_start3A_228 : memref<128xi32, #tpu.memory_space<vmem>>) semaphore(%arg14 : memref<!tpu.dma_semaphore, #tpu.memory_space<semaphore_mem>>) {add = true}
      %dma_wait3A_232 = arith.constant 0 : i32
      %dma_wait3A_233 = arith.constant 0 : i32
      %dma_wait3A_234 = arith.constant 0 : i32
      %dma_wait3A_235 = tpu.memref_slice %arg3[%dma_wait3A_232, %dma_wait3A_233, %dma_wait3A_234] : memref<2560x2x128xi32, #tpu.memory_space<hbm>> -> memref<1x2x128xi32, #tpu.memory_space<hbm>>
      %dma_wait3A_236 = tpu.memref_squeeze %dma_wait3A_235 : memref<1x2x128xi32, #tpu.memory_space<hbm>> -> memref<2x128xi32, #tpu.memory_space<hbm>>
      %dma_wait3A_237 = arith.constant 0 : i32
      %dma_wait3A_238 = arith.constant 0 : i32
      %dma_wait3A_239 = tpu.memref_slice %arg3[%dma_wait3A_232, %dma_wait3A_237, %dma_wait3A_238] : memref<2560x2x128xi32, #tpu.memory_space<hbm>> -> memref<1x2x128xi32, #tpu.memory_space<hbm>>
      %dma_wait3A_240 = tpu.memref_squeeze %dma_wait3A_239 : memref<1x2x128xi32, #tpu.memory_space<hbm>> -> memref<2x128xi32, #tpu.memory_space<hbm>>
      tpu.wait_dma2 semaphore(%arg19 : memref<!tpu.dma_semaphore, #tpu.memory_space<semaphore_mem>>) src(%dma_wait3A_240 : memref<2x128xi32, #tpu.memory_space<hbm>>) dst(%arg11 : memref<2x128xi32, #tpu.memory_space<vmem>>)
      %dma_start3A_241 = arith.constant 0 : i32
      %dma_start3A_242 = arith.constant 0 : i32
      %dma_start3A_243 = tpu.memref_slice %arg11[%dma_start3A_241, %dma_start3A_242] : memref<2x128xi32, #tpu.memory_space<vmem>> -> memref<1x128xi32, #tpu.memory_space<vmem>>
      %dma_start3A_244 = tpu.memref_squeeze %dma_start3A_243 : memref<1x128xi32, #tpu.memory_space<vmem>> -> memref<128xi32, #tpu.memory_space<vmem>>
      %dma_start3A_245 = arith.constant 0 : i32
      %dma_start3A_246 = arith.constant 0 : i32
      %dma_start3A_247 = tpu.memref_slice %arg2[%dma_start3A_245, %dma_start3A_246] : memref<10000x128xf32, #tpu.memory_space<hbm>> -> memref<10000x128xf32, #tpu.memory_space<hbm>>
      tpu.enqueue_indirect_dma source(%dma_start3A_247 : memref<10000x128xf32, #tpu.memory_space<hbm>>) target(%arg7 : memref<128x128xf32, #tpu.memory_space<vmem>>) offsets(%dma_start3A_244 : memref<128xi32, #tpu.memory_space<vmem>>) semaphore(%arg13 : memref<!tpu.dma_semaphore, #tpu.memory_space<semaphore_mem>>)
      %add3A_248 = arith.addi %mul3A_2, %add3A_212 : i32
      %add3A_249 = arith.constant 2 : i32
      %add3A_250 = arith.addi %add3A_248, %add3A_249 : i32
      %dma_start3A_251 = arith.constant 0 : i32
      %dma_start3A_252 = arith.constant 0 : i32
      %dma_start3A_253 = tpu.memref_slice %arg3[%add3A_250, %dma_start3A_251, %dma_start3A_252] : memref<2560x2x128xi32, #tpu.memory_space<hbm>> -> memref<1x2x128xi32, #tpu.memory_space<hbm>>
      %dma_start3A_254 = tpu.memref_squeeze %dma_start3A_253 : memref<1x2x128xi32, #tpu.memory_space<hbm>> -> memref<2x128xi32, #tpu.memory_space<hbm>>
      %dma_start3A_255 = arith.constant 0 : i32
      %dma_start3A_256 = arith.constant 0 : i32
      %dma_start3A_257 = tpu.memref_slice %arg3[%add3A_250, %dma_start3A_255, %dma_start3A_256] : memref<2560x2x128xi32, #tpu.memory_space<hbm>> -> memref<1x2x128xi32, #tpu.memory_space<hbm>>
      %dma_start3A_258 = tpu.memref_squeeze %dma_start3A_257 : memref<1x2x128xi32, #tpu.memory_space<hbm>> -> memref<2x128xi32, #tpu.memory_space<hbm>>
      tpu.enqueue_dma source(%dma_start3A_258 : memref<2x128xi32, #tpu.memory_space<hbm>>) target(%arg8 : memref<2x128xi32, #tpu.memory_space<vmem>>) target_semaphore(%arg16 : memref<!tpu.dma_semaphore, #tpu.memory_space<semaphore_mem>>)
      %add3A_259 = arith.constant 1 : i32
      %add3A_260 = arith.addi %add3A_210, %add3A_259 : i32
      %dma_wait3A_261 = arith.constant 0 : i32
      %dma_wait3A_262 = arith.constant 0 : i32
      %dma_wait3A_263 = tpu.memref_slice %arg2[%dma_wait3A_261, %dma_wait3A_262] : memref<10000x128xf32, #tpu.memory_space<hbm>> -> memref<128x128xf32, #tpu.memory_space<hbm>>
      %dma_wait3A_264 = arith.constant 0 : i32
      %dma_wait3A_265 = arith.constant 0 : i32
      %dma_wait3A_266 = tpu.memref_slice %arg2[%dma_wait3A_264, %dma_wait3A_265] : memref<10000x128xf32, #tpu.memory_space<hbm>> -> memref<128x128xf32, #tpu.memory_space<hbm>>
      tpu.wait_dma2 semaphore(%arg13 : memref<!tpu.dma_semaphore, #tpu.memory_space<semaphore_mem>>) src(%dma_wait3A_266 : memref<128x128xf32, #tpu.memory_space<hbm>>) dst(%arg7 : memref<128x128xf32, #tpu.memory_space<vmem>>)
      %dma_wait3A_267 = arith.constant 0 : i32
      %dma_wait3A_268 = arith.constant 0 : i32
      %dma_wait3A_269 = tpu.memref_slice %arg2[%dma_wait3A_267, %dma_wait3A_268] : memref<10000x128xf32, #tpu.memory_space<hbm>> -> memref<128x128xf32, #tpu.memory_space<hbm>>
      %dma_wait3A_270 = arith.constant 0 : i32
      %dma_wait3A_271 = arith.constant 0 : i32
      %dma_wait3A_272 = tpu.memref_slice %arg2[%dma_wait3A_270, %dma_wait3A_271] : memref<10000x128xf32, #tpu.memory_space<hbm>> -> memref<128x128xf32, #tpu.memory_space<hbm>>
      tpu.wait_dma2 semaphore(%arg14 : memref<!tpu.dma_semaphore, #tpu.memory_space<semaphore_mem>>) src(%dma_wait3A_272 : memref<128x128xf32, #tpu.memory_space<hbm>>) dst(%arg6 : memref<128x128xf32, #tpu.memory_space<vmem>>)
      %dma_start3A_273 = arith.constant 1 : i32
      %dma_start3A_274 = arith.constant 0 : i32
      %dma_start3A_275 = tpu.memref_slice %arg11[%dma_start3A_273, %dma_start3A_274] : memref<2x128xi32, #tpu.memory_space<vmem>> -> memref<1x128xi32, #tpu.memory_space<vmem>>
      %dma_start3A_276 = tpu.memref_squeeze %dma_start3A_275 : memref<1x128xi32, #tpu.memory_space<vmem>> -> memref<128xi32, #tpu.memory_space<vmem>>
      %dma_start3A_277 = arith.constant 0 : i32
      %dma_start3A_278 = arith.constant 0 : i32
      %dma_start3A_279 = tpu.memref_slice %arg5[%dma_start3A_277, %dma_start3A_278] : memref<10240x128xf32, #tpu.memory_space<vmem_shared>> -> memref<10240x128xf32, #tpu.memory_space<vmem_shared>>
      tpu.enqueue_indirect_dma source(%arg7 : memref<128x128xf32, #tpu.memory_space<vmem>>) target(%dma_start3A_279 : memref<10240x128xf32, #tpu.memory_space<vmem_shared>>) offsets(%dma_start3A_276 : memref<128xi32, #tpu.memory_space<vmem>>) semaphore(%arg15 : memref<!tpu.dma_semaphore, #tpu.memory_space<semaphore_mem>>) {add = true}
      %dma_wait3A_280 = arith.constant 0 : i32
      %dma_wait3A_281 = arith.constant 0 : i32
      %dma_wait3A_282 = arith.constant 0 : i32
      %dma_wait3A_283 = tpu.memref_slice %arg3[%dma_wait3A_280, %dma_wait3A_281, %dma_wait3A_282] : memref<2560x2x128xi32, #tpu.memory_space<hbm>> -> memref<1x2x128xi32, #tpu.memory_space<hbm>>
      %dma_wait3A_284 = tpu.memref_squeeze %dma_wait3A_283 : memref<1x2x128xi32, #tpu.memory_space<hbm>> -> memref<2x128xi32, #tpu.memory_space<hbm>>
      %dma_wait3A_285 = arith.constant 0 : i32
      %dma_wait3A_286 = arith.constant 0 : i32
      %dma_wait3A_287 = tpu.memref_slice %arg3[%dma_wait3A_280, %dma_wait3A_285, %dma_wait3A_286] : memref<2560x2x128xi32, #tpu.memory_space<hbm>> -> memref<1x2x128xi32, #tpu.memory_space<hbm>>
      %dma_wait3A_288 = tpu.memref_squeeze %dma_wait3A_287 : memref<1x2x128xi32, #tpu.memory_space<hbm>> -> memref<2x128xi32, #tpu.memory_space<hbm>>
      tpu.wait_dma2 semaphore(%arg16 : memref<!tpu.dma_semaphore, #tpu.memory_space<semaphore_mem>>) src(%dma_wait3A_288 : memref<2x128xi32, #tpu.memory_space<hbm>>) dst(%arg8 : memref<2x128xi32, #tpu.memory_space<vmem>>)
      %dma_start3A_289 = arith.constant 0 : i32
      %dma_start3A_290 = arith.constant 0 : i32
      %dma_start3A_291 = tpu.memref_slice %arg8[%dma_start3A_289, %dma_start3A_290] : memref<2x128xi32, #tpu.memory_space<vmem>> -> memref<1x128xi32, #tpu.memory_space<vmem>>
      %dma_start3A_292 = tpu.memref_squeeze %dma_start3A_291 : memref<1x128xi32, #tpu.memory_space<vmem>> -> memref<128xi32, #tpu.memory_space<vmem>>
      %dma_start3A_293 = arith.constant 0 : i32
      %dma_start3A_294 = arith.constant 0 : i32
      %dma_start3A_295 = tpu.memref_slice %arg2[%dma_start3A_293, %dma_start3A_294] : memref<10000x128xf32, #tpu.memory_space<hbm>> -> memref<10000x128xf32, #tpu.memory_space<hbm>>
      tpu.enqueue_indirect_dma source(%dma_start3A_295 : memref<10000x128xf32, #tpu.memory_space<hbm>>) target(%arg6 : memref<128x128xf32, #tpu.memory_space<vmem>>) offsets(%dma_start3A_292 : memref<128xi32, #tpu.memory_space<vmem>>) semaphore(%arg12 : memref<!tpu.dma_semaphore, #tpu.memory_space<semaphore_mem>>)
      %add3A_296 = arith.addi %mul3A_2, %add3A_260 : i32
      %add3A_297 = arith.constant 2 : i32
      %add3A_298 = arith.addi %add3A_296, %add3A_297 : i32
      %dma_start3A_299 = arith.constant 0 : i32
      %dma_start3A_300 = arith.constant 0 : i32
      %dma_start3A_301 = tpu.memref_slice %arg3[%add3A_298, %dma_start3A_299, %dma_start3A_300] : memref<2560x2x128xi32, #tpu.memory_space<hbm>> -> memref<1x2x128xi32, #tpu.memory_space<hbm>>
      %dma_start3A_302 = tpu.memref_squeeze %dma_start3A_301 : memref<1x2x128xi32, #tpu.memory_space<hbm>> -> memref<2x128xi32, #tpu.memory_space<hbm>>
      %dma_start3A_303 = arith.constant 0 : i32
      %dma_start3A_304 = arith.constant 0 : i32
      %dma_start3A_305 = tpu.memref_slice %arg3[%add3A_298, %dma_start3A_303, %dma_start3A_304] : memref<2560x2x128xi32, #tpu.memory_space<hbm>> -> memref<1x2x128xi32, #tpu.memory_space<hbm>>
      %dma_start3A_306 = tpu.memref_squeeze %dma_start3A_305 : memref<1x2x128xi32, #tpu.memory_space<hbm>> -> memref<2x128xi32, #tpu.memory_space<hbm>>
      tpu.enqueue_dma source(%dma_start3A_306 : memref<2x128xi32, #tpu.memory_space<hbm>>) target(%arg9 : memref<2x128xi32, #tpu.memory_space<vmem>>) target_semaphore(%arg17 : memref<!tpu.dma_semaphore, #tpu.memory_space<semaphore_mem>>)
      %add3A_307 = arith.constant 2 : i32
      %add3A_308 = arith.addi %add3A_210, %add3A_307 : i32
      %dma_wait3A_309 = arith.constant 0 : i32
      %dma_wait3A_310 = arith.constant 0 : i32
      %dma_wait3A_311 = tpu.memref_slice %arg2[%dma_wait3A_309, %dma_wait3A_310] : memref<10000x128xf32, #tpu.memory_space<hbm>> -> memref<128x128xf32, #tpu.memory_space<hbm>>
      %dma_wait3A_312 = arith.constant 0 : i32
      %dma_wait3A_313 = arith.constant 0 : i32
      %dma_wait3A_314 = tpu.memref_slice %arg2[%dma_wait3A_312, %dma_wait3A_313] : memref<10000x128xf32, #tpu.memory_space<hbm>> -> memref<128x128xf32, #tpu.memory_space<hbm>>
      tpu.wait_dma2 semaphore(%arg12 : memref<!tpu.dma_semaphore, #tpu.memory_space<semaphore_mem>>) src(%dma_wait3A_314 : memref<128x128xf32, #tpu.memory_space<hbm>>) dst(%arg6 : memref<128x128xf32, #tpu.memory_space<vmem>>)
      %dma_wait3A_315 = arith.constant 0 : i32
      %dma_wait3A_316 = arith.constant 0 : i32
      %dma_wait3A_317 = tpu.memref_slice %arg2[%dma_wait3A_315, %dma_wait3A_316] : memref<10000x128xf32, #tpu.memory_space<hbm>> -> memref<128x128xf32, #tpu.memory_space<hbm>>
      %dma_wait3A_318 = arith.constant 0 : i32
      %dma_wait3A_319 = arith.constant 0 : i32
      %dma_wait3A_320 = tpu.memref_slice %arg2[%dma_wait3A_318, %dma_wait3A_319] : memref<10000x128xf32, #tpu.memory_space<hbm>> -> memref<128x128xf32, #tpu.memory_space<hbm>>
      tpu.wait_dma2 semaphore(%arg15 : memref<!tpu.dma_semaphore, #tpu.memory_space<semaphore_mem>>) src(%dma_wait3A_320 : memref<128x128xf32, #tpu.memory_space<hbm>>) dst(%arg7 : memref<128x128xf32, #tpu.memory_space<vmem>>)
      %dma_start3A_321 = arith.constant 1 : i32
      %dma_start3A_322 = arith.constant 0 : i32
      %dma_start3A_323 = tpu.memref_slice %arg8[%dma_start3A_321, %dma_start3A_322] : memref<2x128xi32, #tpu.memory_space<vmem>> -> memref<1x128xi32, #tpu.memory_space<vmem>>
      %dma_start3A_324 = tpu.memref_squeeze %dma_start3A_323 : memref<1x128xi32, #tpu.memory_space<vmem>> -> memref<128xi32, #tpu.memory_space<vmem>>
      %dma_start3A_325 = arith.constant 0 : i32
      %dma_start3A_326 = arith.constant 0 : i32
      %dma_start3A_327 = tpu.memref_slice %arg5[%dma_start3A_325, %dma_start3A_326] : memref<10240x128xf32, #tpu.memory_space<vmem_shared>> -> memref<10240x128xf32, #tpu.memory_space<vmem_shared>>
      tpu.enqueue_indirect_dma source(%arg6 : memref<128x128xf32, #tpu.memory_space<vmem>>) target(%dma_start3A_327 : memref<10240x128xf32, #tpu.memory_space<vmem_shared>>) offsets(%dma_start3A_324 : memref<128xi32, #tpu.memory_space<vmem>>) semaphore(%arg14 : memref<!tpu.dma_semaphore, #tpu.memory_space<semaphore_mem>>) {add = true}
      %dma_wait3A_328 = arith.constant 0 : i32
      %dma_wait3A_329 = arith.constant 0 : i32
      %dma_wait3A_330 = arith.constant 0 : i32
      %dma_wait3A_331 = tpu.memref_slice %arg3[%dma_wait3A_328, %dma_wait3A_329, %dma_wait3A_330] : memref<2560x2x128xi32, #tpu.memory_space<hbm>> -> memref<1x2x128xi32, #tpu.memory_space<hbm>>
      %dma_wait3A_332 = tpu.memref_squeeze %dma_wait3A_331 : memref<1x2x128xi32, #tpu.memory_space<hbm>> -> memref<2x128xi32, #tpu.memory_space<hbm>>
      %dma_wait3A_333 = arith.constant 0 : i32
      %dma_wait3A_334 = arith.constant 0 : i32
      %dma_wait3A_335 = tpu.memref_slice %arg3[%dma_wait3A_328, %dma_wait3A_333, %dma_wait3A_334] : memref<2560x2x128xi32, #tpu.memory_space<hbm>> -> memref<1x2x128xi32, #tpu.memory_space<hbm>>
      %dma_wait3A_336 = tpu.memref_squeeze %dma_wait3A_335 : memref<1x2x128xi32, #tpu.memory_space<hbm>> -> memref<2x128xi32, #tpu.memory_space<hbm>>
      tpu.wait_dma2 semaphore(%arg17 : memref<!tpu.dma_semaphore, #tpu.memory_space<semaphore_mem>>) src(%dma_wait3A_336 : memref<2x128xi32, #tpu.memory_space<hbm>>) dst(%arg9 : memref<2x128xi32, #tpu.memory_space<vmem>>)
      %dma_start3A_337 = arith.constant 0 : i32
      %dma_start3A_338 = arith.constant 0 : i32
      %dma_start3A_339 = tpu.memref_slice %arg9[%dma_start3A_337, %dma_start3A_338] : memref<2x128xi32, #tpu.memory_space<vmem>> -> memref<1x128xi32, #tpu.memory_space<vmem>>
      %dma_start3A_340 = tpu.memref_squeeze %dma_start3A_339 : memref<1x128xi32, #tpu.memory_space<vmem>> -> memref<128xi32, #tpu.memory_space<vmem>>
      %dma_start3A_341 = arith.constant 0 : i32
      %dma_start3A_342 = arith.constant 0 : i32
      %dma_start3A_343 = tpu.memref_slice %arg2[%dma_start3A_341, %dma_start3A_342] : memref<10000x128xf32, #tpu.memory_space<hbm>> -> memref<10000x128xf32, #tpu.memory_space<hbm>>
      tpu.enqueue_indirect_dma source(%dma_start3A_343 : memref<10000x128xf32, #tpu.memory_space<hbm>>) target(%arg7 : memref<128x128xf32, #tpu.memory_space<vmem>>) offsets(%dma_start3A_340 : memref<128xi32, #tpu.memory_space<vmem>>) semaphore(%arg13 : memref<!tpu.dma_semaphore, #tpu.memory_space<semaphore_mem>>)
      %add3A_344 = arith.addi %mul3A_2, %add3A_308 : i32
      %add3A_345 = arith.constant 2 : i32
      %add3A_346 = arith.addi %add3A_344, %add3A_345 : i32
      %dma_start3A_347 = arith.constant 0 : i32
      %dma_start3A_348 = arith.constant 0 : i32
      %dma_start3A_349 = tpu.memref_slice %arg3[%add3A_346, %dma_start3A_347, %dma_start3A_348] : memref<2560x2x128xi32, #tpu.memory_space<hbm>> -> memref<1x2x128xi32, #tpu.memory_space<hbm>>
      %dma_start3A_350 = tpu.memref_squeeze %dma_start3A_349 : memref<1x2x128xi32, #tpu.memory_space<hbm>> -> memref<2x128xi32, #tpu.memory_space<hbm>>
      %dma_start3A_351 = arith.constant 0 : i32
      %dma_start3A_352 = arith.constant 0 : i32
      %dma_start3A_353 = tpu.memref_slice %arg3[%add3A_346, %dma_start3A_351, %dma_start3A_352] : memref<2560x2x128xi32, #tpu.memory_space<hbm>> -> memref<1x2x128xi32, #tpu.memory_space<hbm>>
      %dma_start3A_354 = tpu.memref_squeeze %dma_start3A_353 : memref<1x2x128xi32, #tpu.memory_space<hbm>> -> memref<2x128xi32, #tpu.memory_space<hbm>>
      tpu.enqueue_dma source(%dma_start3A_354 : memref<2x128xi32, #tpu.memory_space<hbm>>) target(%arg10 : memref<2x128xi32, #tpu.memory_space<vmem>>) target_semaphore(%arg18 : memref<!tpu.dma_semaphore, #tpu.memory_space<semaphore_mem>>)
      %add3A_355 = arith.constant 3 : i32
      %add3A_356 = arith.addi %add3A_210, %add3A_355 : i32
      %dma_wait3A_357 = arith.constant 0 : i32
      %dma_wait3A_358 = arith.constant 0 : i32
      %dma_wait3A_359 = tpu.memref_slice %arg2[%dma_wait3A_357, %dma_wait3A_358] : memref<10000x128xf32, #tpu.memory_space<hbm>> -> memref<128x128xf32, #tpu.memory_space<hbm>>
      %dma_wait3A_360 = arith.constant 0 : i32
      %dma_wait3A_361 = arith.constant 0 : i32
      %dma_wait3A_362 = tpu.memref_slice %arg2[%dma_wait3A_360, %dma_wait3A_361] : memref<10000x128xf32, #tpu.memory_space<hbm>> -> memref<128x128xf32, #tpu.memory_space<hbm>>
      tpu.wait_dma2 semaphore(%arg13 : memref<!tpu.dma_semaphore, #tpu.memory_space<semaphore_mem>>) src(%dma_wait3A_362 : memref<128x128xf32, #tpu.memory_space<hbm>>) dst(%arg7 : memref<128x128xf32, #tpu.memory_space<vmem>>)
      %dma_wait3A_363 = arith.constant 0 : i32
      %dma_wait3A_364 = arith.constant 0 : i32
      %dma_wait3A_365 = tpu.memref_slice %arg2[%dma_wait3A_363, %dma_wait3A_364] : memref<10000x128xf32, #tpu.memory_space<hbm>> -> memref<128x128xf32, #tpu.memory_space<hbm>>
      %dma_wait3A_366 = arith.constant 0 : i32
      %dma_wait3A_367 = arith.constant 0 : i32
      %dma_wait3A_368 = tpu.memref_slice %arg2[%dma_wait3A_366, %dma_wait3A_367] : memref<10000x128xf32, #tpu.memory_space<hbm>> -> memref<128x128xf32, #tpu.memory_space<hbm>>
      tpu.wait_dma2 semaphore(%arg14 : memref<!tpu.dma_semaphore, #tpu.memory_space<semaphore_mem>>) src(%dma_wait3A_368 : memref<128x128xf32, #tpu.memory_space<hbm>>) dst(%arg6 : memref<128x128xf32, #tpu.memory_space<vmem>>)
      %dma_start3A_369 = arith.constant 1 : i32
      %dma_start3A_370 = arith.constant 0 : i32
      %dma_start3A_371 = tpu.memref_slice %arg9[%dma_start3A_369, %dma_start3A_370] : memref<2x128xi32, #tpu.memory_space<vmem>> -> memref<1x128xi32, #tpu.memory_space<vmem>>
      %dma_start3A_372 = tpu.memref_squeeze %dma_start3A_371 : memref<1x128xi32, #tpu.memory_space<vmem>> -> memref<128xi32, #tpu.memory_space<vmem>>
      %dma_start3A_373 = arith.constant 0 : i32
      %dma_start3A_374 = arith.constant 0 : i32
      %dma_start3A_375 = tpu.memref_slice %arg5[%dma_start3A_373, %dma_start3A_374] : memref<10240x128xf32, #tpu.memory_space<vmem_shared>> -> memref<10240x128xf32, #tpu.memory_space<vmem_shared>>
      tpu.enqueue_indirect_dma source(%arg7 : memref<128x128xf32, #tpu.memory_space<vmem>>) target(%dma_start3A_375 : memref<10240x128xf32, #tpu.memory_space<vmem_shared>>) offsets(%dma_start3A_372 : memref<128xi32, #tpu.memory_space<vmem>>) semaphore(%arg15 : memref<!tpu.dma_semaphore, #tpu.memory_space<semaphore_mem>>) {add = true}
      %dma_wait3A_376 = arith.constant 0 : i32
      %dma_wait3A_377 = arith.constant 0 : i32
      %dma_wait3A_378 = arith.constant 0 : i32
      %dma_wait3A_379 = tpu.memref_slice %arg3[%dma_wait3A_376, %dma_wait3A_377, %dma_wait3A_378] : memref<2560x2x128xi32, #tpu.memory_space<hbm>> -> memref<1x2x128xi32, #tpu.memory_space<hbm>>
      %dma_wait3A_380 = tpu.memref_squeeze %dma_wait3A_379 : memref<1x2x128xi32, #tpu.memory_space<hbm>> -> memref<2x128xi32, #tpu.memory_space<hbm>>
      %dma_wait3A_381 = arith.constant 0 : i32
      %dma_wait3A_382 = arith.constant 0 : i32
      %dma_wait3A_383 = tpu.memref_slice %arg3[%dma_wait3A_376, %dma_wait3A_381, %dma_wait3A_382] : memref<2560x2x128xi32, #tpu.memory_space<hbm>> -> memref<1x2x128xi32, #tpu.memory_space<hbm>>
      %dma_wait3A_384 = tpu.memref_squeeze %dma_wait3A_383 : memref<1x2x128xi32, #tpu.memory_space<hbm>> -> memref<2x128xi32, #tpu.memory_space<hbm>>
      tpu.wait_dma2 semaphore(%arg18 : memref<!tpu.dma_semaphore, #tpu.memory_space<semaphore_mem>>) src(%dma_wait3A_384 : memref<2x128xi32, #tpu.memory_space<hbm>>) dst(%arg10 : memref<2x128xi32, #tpu.memory_space<vmem>>)
      %dma_start3A_385 = arith.constant 0 : i32
      %dma_start3A_386 = arith.constant 0 : i32
      %dma_start3A_387 = tpu.memref_slice %arg10[%dma_start3A_385, %dma_start3A_386] : memref<2x128xi32, #tpu.memory_space<vmem>> -> memref<1x128xi32, #tpu.memory_space<vmem>>
      %dma_start3A_388 = tpu.memref_squeeze %dma_start3A_387 : memref<1x128xi32, #tpu.memory_space<vmem>> -> memref<128xi32, #tpu.memory_space<vmem>>
      %dma_start3A_389 = arith.constant 0 : i32
      %dma_start3A_390 = arith.constant 0 : i32
      %dma_start3A_391 = tpu.memref_slice %arg2[%dma_start3A_389, %dma_start3A_390] : memref<10000x128xf32, #tpu.memory_space<hbm>> -> memref<10000x128xf32, #tpu.memory_space<hbm>>
      tpu.enqueue_indirect_dma source(%dma_start3A_391 : memref<10000x128xf32, #tpu.memory_space<hbm>>) target(%arg6 : memref<128x128xf32, #tpu.memory_space<vmem>>) offsets(%dma_start3A_388 : memref<128xi32, #tpu.memory_space<vmem>>) semaphore(%arg12 : memref<!tpu.dma_semaphore, #tpu.memory_space<semaphore_mem>>)
      %add3A_392 = arith.addi %mul3A_2, %add3A_356 : i32
      %add3A_393 = arith.constant 2 : i32
      %add3A_394 = arith.addi %add3A_392, %add3A_393 : i32
      %dma_start3A_395 = arith.constant 0 : i32
      %dma_start3A_396 = arith.constant 0 : i32
      %dma_start3A_397 = tpu.memref_slice %arg3[%add3A_394, %dma_start3A_395, %dma_start3A_396] : memref<2560x2x128xi32, #tpu.memory_space<hbm>> -> memref<1x2x128xi32, #tpu.memory_space<hbm>>
      %dma_start3A_398 = tpu.memref_squeeze %dma_start3A_397 : memref<1x2x128xi32, #tpu.memory_space<hbm>> -> memref<2x128xi32, #tpu.memory_space<hbm>>
      %dma_start3A_399 = arith.constant 0 : i32
      %dma_start3A_400 = arith.constant 0 : i32
      %dma_start3A_401 = tpu.memref_slice %arg3[%add3A_394, %dma_start3A_399, %dma_start3A_400] : memref<2560x2x128xi32, #tpu.memory_space<hbm>> -> memref<1x2x128xi32, #tpu.memory_space<hbm>>
      %dma_start3A_402 = tpu.memref_squeeze %dma_start3A_401 : memref<1x2x128xi32, #tpu.memory_space<hbm>> -> memref<2x128xi32, #tpu.memory_space<hbm>>
      tpu.enqueue_dma source(%dma_start3A_402 : memref<2x128xi32, #tpu.memory_space<hbm>>) target(%arg11 : memref<2x128xi32, #tpu.memory_space<vmem>>) target_semaphore(%arg19 : memref<!tpu.dma_semaphore, #tpu.memory_space<semaphore_mem>>)
    }
    %scan3A_140 = arith.constant 19 : i32
    %dma_wait3A_141 = arith.constant 0 : i32
    %dma_wait3A_142 = arith.constant 0 : i32
    %dma_wait3A_143 = tpu.memref_slice %arg2[%dma_wait3A_141, %dma_wait3A_142] : memref<10000x128xf32, #tpu.memory_space<hbm>> -> memref<128x128xf32, #tpu.memory_space<hbm>>
    %dma_wait3A_144 = arith.constant 0 : i32
    %dma_wait3A_145 = arith.constant 0 : i32
    %dma_wait3A_146 = tpu.memref_slice %arg2[%dma_wait3A_144, %dma_wait3A_145] : memref<10000x128xf32, #tpu.memory_space<hbm>> -> memref<128x128xf32, #tpu.memory_space<hbm>>
    tpu.wait_dma2 semaphore(%arg12 : memref<!tpu.dma_semaphore, #tpu.memory_space<semaphore_mem>>) src(%dma_wait3A_146 : memref<128x128xf32, #tpu.memory_space<hbm>>) dst(%arg6 : memref<128x128xf32, #tpu.memory_space<vmem>>)
    %dma_wait3A_147 = arith.constant 0 : i32
    %dma_wait3A_148 = arith.constant 0 : i32
    %dma_wait3A_149 = tpu.memref_slice %arg2[%dma_wait3A_147, %dma_wait3A_148] : memref<10000x128xf32, #tpu.memory_space<hbm>> -> memref<128x128xf32, #tpu.memory_space<hbm>>
    %dma_wait3A_150 = arith.constant 0 : i32
    %dma_wait3A_151 = arith.constant 0 : i32
    %dma_wait3A_152 = tpu.memref_slice %arg2[%dma_wait3A_150, %dma_wait3A_151] : memref<10000x128xf32, #tpu.memory_space<hbm>> -> memref<128x128xf32, #tpu.memory_space<hbm>>
    tpu.wait_dma2 semaphore(%arg15 : memref<!tpu.dma_semaphore, #tpu.memory_space<semaphore_mem>>) src(%dma_wait3A_152 : memref<128x128xf32, #tpu.memory_space<hbm>>) dst(%arg7 : memref<128x128xf32, #tpu.memory_space<vmem>>)
    %dma_start3A_153 = arith.constant 1 : i32
    %dma_start3A_154 = arith.constant 0 : i32
    %dma_start3A_155 = tpu.memref_slice %arg10[%dma_start3A_153, %dma_start3A_154] : memref<2x128xi32, #tpu.memory_space<vmem>> -> memref<1x128xi32, #tpu.memory_space<vmem>>
    %dma_start3A_156 = tpu.memref_squeeze %dma_start3A_155 : memref<1x128xi32, #tpu.memory_space<vmem>> -> memref<128xi32, #tpu.memory_space<vmem>>
    %dma_start3A_157 = arith.constant 0 : i32
    %dma_start3A_158 = arith.constant 0 : i32
    %dma_start3A_159 = tpu.memref_slice %arg5[%dma_start3A_157, %dma_start3A_158] : memref<10240x128xf32, #tpu.memory_space<vmem_shared>> -> memref<10240x128xf32, #tpu.memory_space<vmem_shared>>
    tpu.enqueue_indirect_dma source(%arg6 : memref<128x128xf32, #tpu.memory_space<vmem>>) target(%dma_start3A_159 : memref<10240x128xf32, #tpu.memory_space<vmem_shared>>) offsets(%dma_start3A_156 : memref<128xi32, #tpu.memory_space<vmem>>) semaphore(%arg14 : memref<!tpu.dma_semaphore, #tpu.memory_space<semaphore_mem>>) {add = true}
    %dma_wait3A_160 = arith.constant 0 : i32
    %dma_wait3A_161 = arith.constant 0 : i32
    %dma_wait3A_162 = arith.constant 0 : i32
    %dma_wait3A_163 = tpu.memref_slice %arg3[%dma_wait3A_160, %dma_wait3A_161, %dma_wait3A_162] : memref<2560x2x128xi32, #tpu.memory_space<hbm>> -> memref<1x2x128xi32, #tpu.memory_space<hbm>>
    %dma_wait3A_164 = tpu.memref_squeeze %dma_wait3A_163 : memref<1x2x128xi32, #tpu.memory_space<hbm>> -> memref<2x128xi32, #tpu.memory_space<hbm>>
    %dma_wait3A_165 = arith.constant 0 : i32
    %dma_wait3A_166 = arith.constant 0 : i32
    %dma_wait3A_167 = tpu.memref_slice %arg3[%dma_wait3A_160, %dma_wait3A_165, %dma_wait3A_166] : memref<2560x2x128xi32, #tpu.memory_space<hbm>> -> memref<1x2x128xi32, #tpu.memory_space<hbm>>
    %dma_wait3A_168 = tpu.memref_squeeze %dma_wait3A_167 : memref<1x2x128xi32, #tpu.memory_space<hbm>> -> memref<2x128xi32, #tpu.memory_space<hbm>>
    tpu.wait_dma2 semaphore(%arg19 : memref<!tpu.dma_semaphore, #tpu.memory_space<semaphore_mem>>) src(%dma_wait3A_168 : memref<2x128xi32, #tpu.memory_space<hbm>>) dst(%arg11 : memref<2x128xi32, #tpu.memory_space<vmem>>)
    %dma_start3A_169 = arith.constant 0 : i32
    %dma_start3A_170 = arith.constant 0 : i32
    %dma_start3A_171 = tpu.memref_slice %arg11[%dma_start3A_169, %dma_start3A_170] : memref<2x128xi32, #tpu.memory_space<vmem>> -> memref<1x128xi32, #tpu.memory_space<vmem>>
    %dma_start3A_172 = tpu.memref_squeeze %dma_start3A_171 : memref<1x128xi32, #tpu.memory_space<vmem>> -> memref<128xi32, #tpu.memory_space<vmem>>
    %dma_start3A_173 = arith.constant 0 : i32
    %dma_start3A_174 = arith.constant 0 : i32
    %dma_start3A_175 = tpu.memref_slice %arg2[%dma_start3A_173, %dma_start3A_174] : memref<10000x128xf32, #tpu.memory_space<hbm>> -> memref<10000x128xf32, #tpu.memory_space<hbm>>
    tpu.enqueue_indirect_dma source(%dma_start3A_175 : memref<10000x128xf32, #tpu.memory_space<hbm>>) target(%arg7 : memref<128x128xf32, #tpu.memory_space<vmem>>) offsets(%dma_start3A_172 : memref<128xi32, #tpu.memory_space<vmem>>) semaphore(%arg13 : memref<!tpu.dma_semaphore, #tpu.memory_space<semaphore_mem>>)
    %dma_wait3A_176 = arith.constant 0 : i32
    %dma_wait3A_177 = arith.constant 0 : i32
    %dma_wait3A_178 = tpu.memref_slice %arg2[%dma_wait3A_176, %dma_wait3A_177] : memref<10000x128xf32, #tpu.memory_space<hbm>> -> memref<128x128xf32, #tpu.memory_space<hbm>>
    %dma_wait3A_179 = arith.constant 0 : i32
    %dma_wait3A_180 = arith.constant 0 : i32
    %dma_wait3A_181 = tpu.memref_slice %arg2[%dma_wait3A_179, %dma_wait3A_180] : memref<10000x128xf32, #tpu.memory_space<hbm>> -> memref<128x128xf32, #tpu.memory_space<hbm>>
    tpu.wait_dma2 semaphore(%arg13 : memref<!tpu.dma_semaphore, #tpu.memory_space<semaphore_mem>>) src(%dma_wait3A_181 : memref<128x128xf32, #tpu.memory_space<hbm>>) dst(%arg7 : memref<128x128xf32, #tpu.memory_space<vmem>>)
    %dma_wait3A_182 = arith.constant 0 : i32
    %dma_wait3A_183 = arith.constant 0 : i32
    %dma_wait3A_184 = tpu.memref_slice %arg2[%dma_wait3A_182, %dma_wait3A_183] : memref<10000x128xf32, #tpu.memory_space<hbm>> -> memref<128x128xf32, #tpu.memory_space<hbm>>
    %dma_wait3A_185 = arith.constant 0 : i32
    %dma_wait3A_186 = arith.constant 0 : i32
    %dma_wait3A_187 = tpu.memref_slice %arg2[%dma_wait3A_185, %dma_wait3A_186] : memref<10000x128xf32, #tpu.memory_space<hbm>> -> memref<128x128xf32, #tpu.memory_space<hbm>>
    tpu.wait_dma2 semaphore(%arg14 : memref<!tpu.dma_semaphore, #tpu.memory_space<semaphore_mem>>) src(%dma_wait3A_187 : memref<128x128xf32, #tpu.memory_space<hbm>>) dst(%arg6 : memref<128x128xf32, #tpu.memory_space<vmem>>)
    %dma_start3A_188 = arith.constant 1 : i32
    %dma_start3A_189 = arith.constant 0 : i32
    %dma_start3A_190 = tpu.memref_slice %arg11[%dma_start3A_188, %dma_start3A_189] : memref<2x128xi32, #tpu.memory_space<vmem>> -> memref<1x128xi32, #tpu.memory_space<vmem>>
    %dma_start3A_191 = tpu.memref_squeeze %dma_start3A_190 : memref<1x128xi32, #tpu.memory_space<vmem>> -> memref<128xi32, #tpu.memory_space<vmem>>
    %dma_start3A_192 = arith.constant 0 : i32
    %dma_start3A_193 = arith.constant 0 : i32
    %dma_start3A_194 = tpu.memref_slice %arg5[%dma_start3A_192, %dma_start3A_193] : memref<10240x128xf32, #tpu.memory_space<vmem_shared>> -> memref<10240x128xf32, #tpu.memory_space<vmem_shared>>
    tpu.enqueue_indirect_dma source(%arg7 : memref<128x128xf32, #tpu.memory_space<vmem>>) target(%dma_start3A_194 : memref<10240x128xf32, #tpu.memory_space<vmem_shared>>) offsets(%dma_start3A_191 : memref<128xi32, #tpu.memory_space<vmem>>) semaphore(%arg15 : memref<!tpu.dma_semaphore, #tpu.memory_space<semaphore_mem>>) {add = true}
    %dma_wait3A_195 = arith.constant 0 : i32
    %dma_wait3A_196 = arith.constant 0 : i32
    %dma_wait3A_197 = tpu.memref_slice %arg2[%dma_wait3A_195, %dma_wait3A_196] : memref<10000x128xf32, #tpu.memory_space<hbm>> -> memref<128x128xf32, #tpu.memory_space<hbm>>
    %dma_wait3A_198 = arith.constant 0 : i32
    %dma_wait3A_199 = arith.constant 0 : i32
    %dma_wait3A_200 = tpu.memref_slice %arg2[%dma_wait3A_198, %dma_wait3A_199] : memref<10000x128xf32, #tpu.memory_space<hbm>> -> memref<128x128xf32, #tpu.memory_space<hbm>>
    tpu.wait_dma2 semaphore(%arg15 : memref<!tpu.dma_semaphore, #tpu.memory_space<semaphore_mem>>) src(%dma_wait3A_200 : memref<128x128xf32, #tpu.memory_space<hbm>>) dst(%arg7 : memref<128x128xf32, #tpu.memory_space<vmem>>)
    %barrier3A_201 = arith.constant 0 : index
    tpu.barrier barrier_id(%barrier3A_201)
    %mul3A_202 = arith.constant 640 : i32
    %mul3A_203 = arith.muli %arg1, %mul3A_202 : i32
    %mul3A_204 = arith.constant 640 : i32
    %mul3A_205 = arith.muli %arg1, %mul3A_204 : i32
    "tpu.region"() ({
      %run_scoped3A = tpu.sem_alloc : memref<!tpu.dma_semaphore, #tpu.memory_space<semaphore_mem>>
      %dma_start3A_206 = arith.constant 0 : i32
      %dma_start3A_207 = tpu.memref_slice %arg4[%arg0, %mul3A_205, %dma_start3A_206] : memref<2x10240x128xf32, #tpu.memory_space<hbm>> -> memref<1x640x128xf32, #tpu.memory_space<hbm>>
      %dma_start3A_208 = tpu.memref_squeeze %dma_start3A_207 : memref<1x640x128xf32, #tpu.memory_space<hbm>> -> memref<640x128xf32, #tpu.memory_space<hbm>>
      %dma_start3A_209 = arith.constant 0 : i32
      %dma_start3A_210 = tpu.memref_slice %arg5[%mul3A_203, %dma_start3A_209] : memref<10240x128xf32, #tpu.memory_space<vmem_shared>> -> memref<640x128xf32, #tpu.memory_space<vmem_shared>>
      tpu.enqueue_dma source(%dma_start3A_210 : memref<640x128xf32, #tpu.memory_space<vmem_shared>>) target(%dma_start3A_208 : memref<640x128xf32, #tpu.memory_space<hbm>>) target_semaphore(%run_scoped3A : memref<!tpu.dma_semaphore, #tpu.memory_space<semaphore_mem>>)
      %dma_wait3A_211 = arith.constant 0 : i32
      %dma_wait3A_212 = tpu.memref_slice %arg4[%arg0, %mul3A_205, %dma_wait3A_211] : memref<2x10240x128xf32, #tpu.memory_space<hbm>> -> memref<1x640x128xf32, #tpu.memory_space<hbm>>
      %dma_wait3A_213 = tpu.memref_squeeze %dma_wait3A_212 : memref<1x640x128xf32, #tpu.memory_space<hbm>> -> memref<640x128xf32, #tpu.memory_space<hbm>>
      %dma_wait3A_214 = arith.constant 0 : i32
      %dma_wait3A_215 = tpu.memref_slice %arg5[%mul3A_203, %dma_wait3A_214] : memref<10240x128xf32, #tpu.memory_space<vmem_shared>> -> memref<640x128xf32, #tpu.memory_space<vmem_shared>>
      tpu.wait_dma2 semaphore(%run_scoped3A : memref<!tpu.dma_semaphore, #tpu.memory_space<semaphore_mem>>) src(%dma_wait3A_215 : memref<640x128xf32, #tpu.memory_space<vmem_shared>>) dst(%dma_wait3A_213 : memref<640x128xf32, #tpu.memory_space<hbm>>)
      tpu.yield
    }) : () -> ()
    return
  }
}

#map = affine_map<(d0, d1) -> (0, 0)>
#map1 = affine_map<(d0, d1) -> (0, 0, 0)>
module attributes {stable_mosaic.version = 14 : i64} {
  func.func @_segment_sum_body(%arg0: i32, %arg1: i32, %arg2: memref<10000x128xf32, #tpu.memory_space<hbm>>, %arg3: memref<2560x2x128xi32, #tpu.memory_space<hbm>>, %arg4: memref<2x10240x128xf32, #tpu.memory_space<hbm>>, %arg5: memref<10240x128xf32, #tpu.memory_space<vmem_shared>>, %arg6: memref<128x128xf32, #tpu.memory_space<vmem>>, %arg7: memref<128x128xf32, #tpu.memory_space<vmem>>, %arg8: memref<2x128xi32, #tpu.memory_space<vmem>>, %arg9: memref<2x128xi32, #tpu.memory_space<vmem>>, %arg10: memref<2x128xi32, #tpu.memory_space<vmem>>, %arg11: memref<2x128xi32, #tpu.memory_space<vmem>>, %arg12: memref<!tpu.dma_semaphore, #tpu.memory_space<semaphore_mem>>, %arg13: memref<!tpu.dma_semaphore, #tpu.memory_space<semaphore_mem>>, %arg14: memref<!tpu.dma_semaphore, #tpu.memory_space<semaphore_mem>>, %arg15: memref<!tpu.dma_semaphore, #tpu.memory_space<semaphore_mem>>, %arg16: memref<!tpu.dma_semaphore, #tpu.memory_space<semaphore_mem>>, %arg17: memref<!tpu.dma_semaphore, #tpu.memory_space<semaphore_mem>>, %arg18: memref<!tpu.dma_semaphore, #tpu.memory_space<semaphore_mem>>, %arg19: memref<!tpu.dma_semaphore, #tpu.memory_space<semaphore_mem>>) attributes {dimension_semantics = [#tpu.dimension_semantics<core_parallel>, #tpu.dimension_semantics<subcore_parallel>], iteration_bounds = array<i64: 2, 16>, scalar_prefetch = 0 : i64, scratch_operands = 15 : i64, tpu.core_type = #tpu.core_type<sc_vector_subcore>, window_params = [{transform_indices = #map}, {transform_indices = #map1}, {transform_indices = #map1}]} {
    %mul3A = arith.constant 2 : i32
    %mul3A_0 = arith.muli %arg1, %mul3A : i32
    %add3A = arith.addi %mul3A_0, %arg0 : i32
    %mul3A_1 = arith.constant 80 : i32
    %mul3A_2 = arith.muli %add3A, %mul3A_1 : i32
    %dma_start3A = arith.constant 0 : i32
    %dma_start3A_3 = arith.constant 0 : i32
    %dma_start3A_4 = tpu.memref_slice %arg3[%mul3A_2, %dma_start3A, %dma_start3A_3] : memref<2560x2x128xi32, #tpu.memory_space<hbm>> -> memref<1x2x128xi32, #tpu.memory_space<hbm>>
    %dma_start3A_5 = tpu.memref_squeeze %dma_start3A_4 : memref<1x2x128xi32, #tpu.memory_space<hbm>> -> memref<2x128xi32, #tpu.memory_space<hbm>>
    %dma_start3A_6 = arith.constant 0 : i32
    %dma_start3A_7 = arith.constant 0 : i32
    %dma_start3A_8 = tpu.memref_slice %arg3[%mul3A_2, %dma_start3A_6, %dma_start3A_7] : memref<2560x2x128xi32, #tpu.memory_space<hbm>> -> memref<1x2x128xi32, #tpu.memory_space<hbm>>
    %dma_start3A_9 = tpu.memref_squeeze %dma_start3A_8 : memref<1x2x128xi32, #tpu.memory_space<hbm>> -> memref<2x128xi32, #tpu.memory_space<hbm>>
    tpu.enqueue_dma source(%dma_start3A_9 : memref<2x128xi32, #tpu.memory_space<hbm>>) target(%arg8 : memref<2x128xi32, #tpu.memory_space<vmem>>) target_semaphore(%arg16 : memref<!tpu.dma_semaphore, #tpu.memory_space<semaphore_mem>>)
    %add3A_10 = arith.constant 1 : i32
    %add3A_11 = arith.addi %mul3A_2, %add3A_10 : i32
    %dma_start3A_12 = arith.constant 0 : i32
    %dma_start3A_13 = arith.constant 0 : i32
    %dma_start3A_14 = tpu.memref_slice %arg3[%add3A_11, %dma_start3A_12, %dma_start3A_13] : memref<2560x2x128xi32, #tpu.memory_space<hbm>> -> memref<1x2x128xi32, #tpu.memory_space<hbm>>
    %dma_start3A_15 = tpu.memref_squeeze %dma_start3A_14 : memref<1x2x128xi32, #tpu.memory_space<hbm>> -> memref<2x128xi32, #tpu.memory_space<hbm>>
    %dma_start3A_16 = arith.constant 0 : i32
    %dma_start3A_17 = arith.constant 0 : i32
    %dma_start3A_18 = tpu.memref_slice %arg3[%add3A_11, %dma_start3A_16, %dma_start3A_17] : memref<2560x2x128xi32, #tpu.memory_space<hbm>> -> memref<1x2x128xi32, #tpu.memory_space<hbm>>
    %dma_start3A_19 = tpu.memref_squeeze %dma_start3A_18 : memref<1x2x128xi32, #tpu.memory_space<hbm>> -> memref<2x128xi32, #tpu.memory_space<hbm>>
    tpu.enqueue_dma source(%dma_start3A_19 : memref<2x128xi32, #tpu.memory_space<hbm>>) target(%arg9 : memref<2x128xi32, #tpu.memory_space<vmem>>) target_semaphore(%arg17 : memref<!tpu.dma_semaphore, #tpu.memory_space<semaphore_mem>>)
    %broadcast_in_dim3A = arith.constant 0.000000e+00 : f32
    %broadcast_in_dim3A_20 = vector.broadcast %broadcast_in_dim3A : f32 to vector<16xf32>
    %scan3A = arith.constant 0 : i32
    %scan3A_21 = arith.constant 0 : i32
    %scan3A_22 = arith.constant 128 : i32
    %scan3A_23 = arith.addi %scan3A_21, %scan3A_22 : i32
    %scan3A_24 = arith.constant 1 : i32
    scf.for %scan3A_206 = %scan3A_21 to %scan3A_23 step %scan3A_24  : i32 {
      %swap3A = arith.index_cast %scan3A_206 : i32 to index
      %swap3A_207 = arith.constant 0 : index
      %swap3A_208 = tpu.vector_load %arg6[%swap3A, %swap3A_207] {strides = array<i32>} : memref<128x128xf32, #tpu.memory_space<vmem>>, vector<1x16xf32>,
      %swap3A_209 = vector.shape_cast %swap3A_208 : vector<1x16xf32> to vector<16xf32>
      %swap3A_210 = vector.shape_cast %broadcast_in_dim3A_20 : vector<16xf32> to vector<1x16xf32>
      tpu.vector_store %arg6[%swap3A, %swap3A_207], %swap3A_210 {strides = array<i32>} : memref<128x128xf32, #tpu.memory_space<vmem>>, vector<1x16xf32>,
      %swap3A_211 = arith.index_cast %scan3A_206 : i32 to index
      %swap3A_212 = arith.constant 16 : index
      %swap3A_213 = tpu.vector_load %arg6[%swap3A_211, %swap3A_212] {strides = array<i32>} : memref<128x128xf32, #tpu.memory_space<vmem>>, vector<1x16xf32>,
      %swap3A_214 = vector.shape_cast %swap3A_213 : vector<1x16xf32> to vector<16xf32>
      %swap3A_215 = vector.shape_cast %broadcast_in_dim3A_20 : vector<16xf32> to vector<1x16xf32>
      tpu.vector_store %arg6[%swap3A_211, %swap3A_212], %swap3A_215 {strides = array<i32>} : memref<128x128xf32, #tpu.memory_space<vmem>>, vector<1x16xf32>,
      %swap3A_216 = arith.index_cast %scan3A_206 : i32 to index
      %swap3A_217 = arith.constant 32 : index
      %swap3A_218 = tpu.vector_load %arg6[%swap3A_216, %swap3A_217] {strides = array<i32>} : memref<128x128xf32, #tpu.memory_space<vmem>>, vector<1x16xf32>,
      %swap3A_219 = vector.shape_cast %swap3A_218 : vector<1x16xf32> to vector<16xf32>
      %swap3A_220 = vector.shape_cast %broadcast_in_dim3A_20 : vector<16xf32> to vector<1x16xf32>
      tpu.vector_store %arg6[%swap3A_216, %swap3A_217], %swap3A_220 {strides = array<i32>} : memref<128x128xf32, #tpu.memory_space<vmem>>, vector<1x16xf32>,
      %swap3A_221 = arith.index_cast %scan3A_206 : i32 to index
      %swap3A_222 = arith.constant 48 : index
      %swap3A_223 = tpu.vector_load %arg6[%swap3A_221, %swap3A_222] {strides = array<i32>} : memref<128x128xf32, #tpu.memory_space<vmem>>, vector<1x16xf32>,
      %swap3A_224 = vector.shape_cast %swap3A_223 : vector<1x16xf32> to vector<16xf32>
      %swap3A_225 = vector.shape_cast %broadcast_in_dim3A_20 : vector<16xf32> to vector<1x16xf32>
      tpu.vector_store %arg6[%swap3A_221, %swap3A_222], %swap3A_225 {strides = array<i32>} : memref<128x128xf32, #tpu.memory_space<vmem>>, vector<1x16xf32>,
      %swap3A_226 = arith.index_cast %scan3A_206 : i32 to index
      %swap3A_227 = arith.constant 64 : index
      %swap3A_228 = tpu.vector_load %arg6[%swap3A_226, %swap3A_227] {strides = array<i32>} : memref<128x128xf32, #tpu.memory_space<vmem>>, vector<1x16xf32>,
      %swap3A_229 = vector.shape_cast %swap3A_228 : vector<1x16xf32> to vector<16xf32>
      %swap3A_230 = vector.shape_cast %broadcast_in_dim3A_20 : vector<16xf32> to vector<1x16xf32>
      tpu.vector_store %arg6[%swap3A_226, %swap3A_227], %swap3A_230 {strides = array<i32>} : memref<128x128xf32, #tpu.memory_space<vmem>>, vector<1x16xf32>,
      %swap3A_231 = arith.index_cast %scan3A_206 : i32 to index
      %swap3A_232 = arith.constant 80 : index
      %swap3A_233 = tpu.vector_load %arg6[%swap3A_231, %swap3A_232] {strides = array<i32>} : memref<128x128xf32, #tpu.memory_space<vmem>>, vector<1x16xf32>,
      %swap3A_234 = vector.shape_cast %swap3A_233 : vector<1x16xf32> to vector<16xf32>
      %swap3A_235 = vector.shape_cast %broadcast_in_dim3A_20 : vector<16xf32> to vector<1x16xf32>
      tpu.vector_store %arg6[%swap3A_231, %swap3A_232], %swap3A_235 {strides = array<i32>} : memref<128x128xf32, #tpu.memory_space<vmem>>, vector<1x16xf32>,
      %swap3A_236 = arith.index_cast %scan3A_206 : i32 to index
      %swap3A_237 = arith.constant 96 : index
      %swap3A_238 = tpu.vector_load %arg6[%swap3A_236, %swap3A_237] {strides = array<i32>} : memref<128x128xf32, #tpu.memory_space<vmem>>, vector<1x16xf32>,
      %swap3A_239 = vector.shape_cast %swap3A_238 : vector<1x16xf32> to vector<16xf32>
      %swap3A_240 = vector.shape_cast %broadcast_in_dim3A_20 : vector<16xf32> to vector<1x16xf32>
      tpu.vector_store %arg6[%swap3A_236, %swap3A_237], %swap3A_240 {strides = array<i32>} : memref<128x128xf32, #tpu.memory_space<vmem>>, vector<1x16xf32>,
      %swap3A_241 = arith.index_cast %scan3A_206 : i32 to index
      %swap3A_242 = arith.constant 112 : index
      %swap3A_243 = tpu.vector_load %arg6[%swap3A_241, %swap3A_242] {strides = array<i32>} : memref<128x128xf32, #tpu.memory_space<vmem>>, vector<1x16xf32>,
      %swap3A_244 = vector.shape_cast %swap3A_243 : vector<1x16xf32> to vector<16xf32>
      %swap3A_245 = vector.shape_cast %broadcast_in_dim3A_20 : vector<16xf32> to vector<1x16xf32>
      tpu.vector_store %arg6[%swap3A_241, %swap3A_242], %swap3A_245 {strides = array<i32>} : memref<128x128xf32, #tpu.memory_space<vmem>>, vector<1x16xf32>,
    }
    %scan3A_25 = arith.constant 128 : i32
    %scan3A_26 = arith.constant 0 : i32
    %scan3A_27 = arith.constant 0 : i32
    %scan3A_28 = arith.constant 5 : i32
    %scan3A_29 = arith.addi %scan3A_27, %scan3A_28 : i32
    %scan3A_30 = arith.constant 1 : i32
    scf.for %scan3A_206 = %scan3A_27 to %scan3A_29 step %scan3A_30  : i32 {
      %mul3A_207 = arith.constant 640 : i32
      %mul3A_208 = arith.muli %arg1, %mul3A_207 : i32
      %mul3A_209 = arith.constant 128 : i32
      %mul3A_210 = arith.muli %scan3A_206, %mul3A_209 : i32
      %add3A_211 = arith.addi %mul3A_208, %mul3A_210 : i32
      "tpu.region"() ({
        %run_scoped3A = tpu.sem_alloc : memref<!tpu.dma_semaphore, #tpu.memory_space<semaphore_mem>>
        %dma_start3A_212 = arith.constant 0 : i32
        %dma_start3A_213 = tpu.memref_slice %arg5[%add3A_211, %dma_start3A_212] : memref<10240x128xf32, #tpu.memory_space<vmem_shared>> -> memref<128x128xf32, #tpu.memory_space<vmem_shared>>
        %dma_start3A_214 = arith.constant 0 : i32
        %dma_start3A_215 = tpu.memref_slice %arg5[%add3A_211, %dma_start3A_214] : memref<10240x128xf32, #tpu.memory_space<vmem_shared>> -> memref<128x128xf32, #tpu.memory_space<vmem_shared>>
        tpu.enqueue_dma source(%arg6 : memref<128x128xf32, #tpu.memory_space<vmem>>) target(%dma_start3A_215 : memref<128x128xf32, #tpu.memory_space<vmem_shared>>) target_semaphore(%run_scoped3A : memref<!tpu.dma_semaphore, #tpu.memory_space<semaphore_mem>>)
        %dma_wait3A_216 = arith.constant 0 : i32
        %dma_wait3A_217 = tpu.memref_slice %arg5[%add3A_211, %dma_wait3A_216] : memref<10240x128xf32, #tpu.memory_space<vmem_shared>> -> memref<128x128xf32, #tpu.memory_space<vmem_shared>>
        %dma_wait3A_218 = arith.constant 0 : i32
        %dma_wait3A_219 = tpu.memref_slice %arg5[%add3A_211, %dma_wait3A_218] : memref<10240x128xf32, #tpu.memory_space<vmem_shared>> -> memref<128x128xf32, #tpu.memory_space<vmem_shared>>
        tpu.wait_dma2 semaphore(%run_scoped3A : memref<!tpu.dma_semaphore, #tpu.memory_space<semaphore_mem>>) src(%arg6 : memref<128x128xf32, #tpu.memory_space<vmem>>) dst(%dma_wait3A_219 : memref<128x128xf32, #tpu.memory_space<vmem_shared>>)
        tpu.yield
      }) : () -> ()
    }
    %scan3A_31 = arith.constant 5 : i32
    %dma_wait3A = arith.constant 0 : i32
    %dma_wait3A_32 = arith.constant 0 : i32
    %dma_wait3A_33 = arith.constant 0 : i32
    %dma_wait3A_34 = tpu.memref_slice %arg3[%dma_wait3A, %dma_wait3A_32, %dma_wait3A_33] : memref<2560x2x128xi32, #tpu.memory_space<hbm>> -> memref<1x2x128xi32, #tpu.memory_space<hbm>>
    %dma_wait3A_35 = tpu.memref_squeeze %dma_wait3A_34 : memref<1x2x128xi32, #tpu.memory_space<hbm>> -> memref<2x128xi32, #tpu.memory_space<hbm>>
    %dma_wait3A_36 = arith.constant 0 : i32
    %dma_wait3A_37 = arith.constant 0 : i32
    %dma_wait3A_38 = tpu.memref_slice %arg3[%dma_wait3A, %dma_wait3A_36, %dma_wait3A_37] : memref<2560x2x128xi32, #tpu.memory_space<hbm>> -> memref<1x2x128xi32, #tpu.memory_space<hbm>>
    %dma_wait3A_39 = tpu.memref_squeeze %dma_wait3A_38 : memref<1x2x128xi32, #tpu.memory_space<hbm>> -> memref<2x128xi32, #tpu.memory_space<hbm>>
    tpu.wait_dma2 semaphore(%arg16 : memref<!tpu.dma_semaphore, #tpu.memory_space<semaphore_mem>>) src(%dma_wait3A_39 : memref<2x128xi32, #tpu.memory_space<hbm>>) dst(%arg8 : memref<2x128xi32, #tpu.memory_space<vmem>>)
    %dma_start3A_40 = arith.constant 0 : i32
    %dma_start3A_41 = arith.constant 0 : i32
    %dma_start3A_42 = tpu.memref_slice %arg8[%dma_start3A_40, %dma_start3A_41] : memref<2x128xi32, #tpu.memory_space<vmem>> -> memref<1x128xi32, #tpu.memory_space<vmem>>
    %dma_start3A_43 = tpu.memref_squeeze %dma_start3A_42 : memref<1x128xi32, #tpu.memory_space<vmem>> -> memref<128xi32, #tpu.memory_space<vmem>>
    %dma_start3A_44 = arith.constant 0 : i32
    %dma_start3A_45 = arith.constant 0 : i32
    %dma_start3A_46 = tpu.memref_slice %arg2[%dma_start3A_44, %dma_start3A_45] : memref<10000x128xf32, #tpu.memory_space<hbm>> -> memref<10000x128xf32, #tpu.memory_space<hbm>>
    tpu.enqueue_indirect_dma source(%dma_start3A_46 : memref<10000x128xf32, #tpu.memory_space<hbm>>) target(%arg6 : memref<128x128xf32, #tpu.memory_space<vmem>>) offsets(%dma_start3A_43 : memref<128xi32, #tpu.memory_space<vmem>>) semaphore(%arg12 : memref<!tpu.dma_semaphore, #tpu.memory_space<semaphore_mem>>)
    %barrier3A = arith.constant 0 : index
    tpu.barrier barrier_id(%barrier3A)
    %dma_wait3A_47 = arith.constant 0 : i32
    %dma_wait3A_48 = arith.constant 0 : i32
    %dma_wait3A_49 = tpu.memref_slice %arg2[%dma_wait3A_47, %dma_wait3A_48] : memref<10000x128xf32, #tpu.memory_space<hbm>> -> memref<128x128xf32, #tpu.memory_space<hbm>>
    %dma_wait3A_50 = arith.constant 0 : i32
    %dma_wait3A_51 = arith.constant 0 : i32
    %dma_wait3A_52 = tpu.memref_slice %arg2[%dma_wait3A_50, %dma_wait3A_51] : memref<10000x128xf32, #tpu.memory_space<hbm>> -> memref<128x128xf32, #tpu.memory_space<hbm>>
    tpu.wait_dma2 semaphore(%arg12 : memref<!tpu.dma_semaphore, #tpu.memory_space<semaphore_mem>>) src(%dma_wait3A_52 : memref<128x128xf32, #tpu.memory_space<hbm>>) dst(%arg6 : memref<128x128xf32, #tpu.memory_space<vmem>>)
    %dma_start3A_53 = arith.constant 1 : i32
    %dma_start3A_54 = arith.constant 0 : i32
    %dma_start3A_55 = tpu.memref_slice %arg8[%dma_start3A_53, %dma_start3A_54] : memref<2x128xi32, #tpu.memory_space<vmem>> -> memref<1x128xi32, #tpu.memory_space<vmem>>
    %dma_start3A_56 = tpu.memref_squeeze %dma_start3A_55 : memref<1x128xi32, #tpu.memory_space<vmem>> -> memref<128xi32, #tpu.memory_space<vmem>>
    %dma_start3A_57 = arith.constant 0 : i32
    %dma_start3A_58 = arith.constant 0 : i32
    %dma_start3A_59 = tpu.memref_slice %arg5[%dma_start3A_57, %dma_start3A_58] : memref<10240x128xf32, #tpu.memory_space<vmem_shared>> -> memref<10240x128xf32, #tpu.memory_space<vmem_shared>>
    tpu.enqueue_indirect_dma source(%arg6 : memref<128x128xf32, #tpu.memory_space<vmem>>) target(%dma_start3A_59 : memref<10240x128xf32, #tpu.memory_space<vmem_shared>>) offsets(%dma_start3A_56 : memref<128xi32, #tpu.memory_space<vmem>>) semaphore(%arg14 : memref<!tpu.dma_semaphore, #tpu.memory_space<semaphore_mem>>) {add = true}
    %dma_wait3A_60 = arith.constant 0 : i32
    %dma_wait3A_61 = arith.constant 0 : i32
    %dma_wait3A_62 = arith.constant 0 : i32
    %dma_wait3A_63 = tpu.memref_slice %arg3[%dma_wait3A_60, %dma_wait3A_61, %dma_wait3A_62] : memref<2560x2x128xi32, #tpu.memory_space<hbm>> -> memref<1x2x128xi32, #tpu.memory_space<hbm>>
    %dma_wait3A_64 = tpu.memref_squeeze %dma_wait3A_63 : memref<1x2x128xi32, #tpu.memory_space<hbm>> -> memref<2x128xi32, #tpu.memory_space<hbm>>
    %dma_wait3A_65 = arith.constant 0 : i32
    %dma_wait3A_66 = arith.constant 0 : i32
    %dma_wait3A_67 = tpu.memref_slice %arg3[%dma_wait3A_60, %dma_wait3A_65, %dma_wait3A_66] : memref<2560x2x128xi32, #tpu.memory_space<hbm>> -> memref<1x2x128xi32, #tpu.memory_space<hbm>>
    %dma_wait3A_68 = tpu.memref_squeeze %dma_wait3A_67 : memref<1x2x128xi32, #tpu.memory_space<hbm>> -> memref<2x128xi32, #tpu.memory_space<hbm>>
    tpu.wait_dma2 semaphore(%arg17 : memref<!tpu.dma_semaphore, #tpu.memory_space<semaphore_mem>>) src(%dma_wait3A_68 : memref<2x128xi32, #tpu.memory_space<hbm>>) dst(%arg9 : memref<2x128xi32, #tpu.memory_space<vmem>>)
    %dma_start3A_69 = arith.constant 0 : i32
    %dma_start3A_70 = arith.constant 0 : i32
    %dma_start3A_71 = tpu.memref_slice %arg9[%dma_start3A_69, %dma_start3A_70] : memref<2x128xi32, #tpu.memory_space<vmem>> -> memref<1x128xi32, #tpu.memory_space<vmem>>
    %dma_start3A_72 = tpu.memref_squeeze %dma_start3A_71 : memref<1x128xi32, #tpu.memory_space<vmem>> -> memref<128xi32, #tpu.memory_space<vmem>>
    %dma_start3A_73 = arith.constant 0 : i32
    %dma_start3A_74 = arith.constant 0 : i32
    %dma_start3A_75 = tpu.memref_slice %arg2[%dma_start3A_73, %dma_start3A_74] : memref<10000x128xf32, #tpu.memory_space<hbm>> -> memref<10000x128xf32, #tpu.memory_space<hbm>>
    tpu.enqueue_indirect_dma source(%dma_start3A_75 : memref<10000x128xf32, #tpu.memory_space<hbm>>) target(%arg7 : memref<128x128xf32, #tpu.memory_space<vmem>>) offsets(%dma_start3A_72 : memref<128xi32, #tpu.memory_space<vmem>>) semaphore(%arg13 : memref<!tpu.dma_semaphore, #tpu.memory_space<semaphore_mem>>)
    %add3A_76 = arith.constant 0 : i32
    %add3A_77 = arith.addi %mul3A_2, %add3A_76 : i32
    %add3A_78 = arith.constant 2 : i32
    %add3A_79 = arith.addi %add3A_77, %add3A_78 : i32
    %dma_start3A_80 = arith.constant 0 : i32
    %dma_start3A_81 = arith.constant 0 : i32
    %dma_start3A_82 = tpu.memref_slice %arg3[%add3A_79, %dma_start3A_80, %dma_start3A_81] : memref<2560x2x128xi32, #tpu.memory_space<hbm>> -> memref<1x2x128xi32, #tpu.memory_space<hbm>>
    %dma_start3A_83 = tpu.memref_squeeze %dma_start3A_82 : memref<1x2x128xi32, #tpu.memory_space<hbm>> -> memref<2x128xi32, #tpu.memory_space<hbm>>
    %dma_start3A_84 = arith.constant 0 : i32
    %dma_start3A_85 = arith.constant 0 : i32
    %dma_start3A_86 = tpu.memref_slice %arg3[%add3A_79, %dma_start3A_84, %dma_start3A_85] : memref<2560x2x128xi32, #tpu.memory_space<hbm>> -> memref<1x2x128xi32, #tpu.memory_space<hbm>>
    %dma_start3A_87 = tpu.memref_squeeze %dma_start3A_86 : memref<1x2x128xi32, #tpu.memory_space<hbm>> -> memref<2x128xi32, #tpu.memory_space<hbm>>
    tpu.enqueue_dma source(%dma_start3A_87 : memref<2x128xi32, #tpu.memory_space<hbm>>) target(%arg10 : memref<2x128xi32, #tpu.memory_space<vmem>>) target_semaphore(%arg18 : memref<!tpu.dma_semaphore, #tpu.memory_space<semaphore_mem>>)
    %dma_wait3A_88 = arith.constant 0 : i32
    %dma_wait3A_89 = arith.constant 0 : i32
    %dma_wait3A_90 = tpu.memref_slice %arg2[%dma_wait3A_88, %dma_wait3A_89] : memref<10000x128xf32, #tpu.memory_space<hbm>> -> memref<128x128xf32, #tpu.memory_space<hbm>>
    %dma_wait3A_91 = arith.constant 0 : i32
    %dma_wait3A_92 = arith.constant 0 : i32
    %dma_wait3A_93 = tpu.memref_slice %arg2[%dma_wait3A_91, %dma_wait3A_92] : memref<10000x128xf32, #tpu.memory_space<hbm>> -> memref<128x128xf32, #tpu.memory_space<hbm>>
    tpu.wait_dma2 semaphore(%arg13 : memref<!tpu.dma_semaphore, #tpu.memory_space<semaphore_mem>>) src(%dma_wait3A_93 : memref<128x128xf32, #tpu.memory_space<hbm>>) dst(%arg7 : memref<128x128xf32, #tpu.memory_space<vmem>>)
    %dma_wait3A_94 = arith.constant 0 : i32
    %dma_wait3A_95 = arith.constant 0 : i32
    %dma_wait3A_96 = tpu.memref_slice %arg2[%dma_wait3A_94, %dma_wait3A_95] : memref<10000x128xf32, #tpu.memory_space<hbm>> -> memref<128x128xf32, #tpu.memory_space<hbm>>
    %dma_wait3A_97 = arith.constant 0 : i32
    %dma_wait3A_98 = arith.constant 0 : i32
    %dma_wait3A_99 = tpu.memref_slice %arg2[%dma_wait3A_97, %dma_wait3A_98] : memref<10000x128xf32, #tpu.memory_space<hbm>> -> memref<128x128xf32, #tpu.memory_space<hbm>>
    tpu.wait_dma2 semaphore(%arg14 : memref<!tpu.dma_semaphore, #tpu.memory_space<semaphore_mem>>) src(%dma_wait3A_99 : memref<128x128xf32, #tpu.memory_space<hbm>>) dst(%arg6 : memref<128x128xf32, #tpu.memory_space<vmem>>)
    %dma_start3A_100 = arith.constant 1 : i32
    %dma_start3A_101 = arith.constant 0 : i32
    %dma_start3A_102 = tpu.memref_slice %arg9[%dma_start3A_100, %dma_start3A_101] : memref<2x128xi32, #tpu.memory_space<vmem>> -> memref<1x128xi32, #tpu.memory_space<vmem>>
    %dma_start3A_103 = tpu.memref_squeeze %dma_start3A_102 : memref<1x128xi32, #tpu.memory_space<vmem>> -> memref<128xi32, #tpu.memory_space<vmem>>
    %dma_start3A_104 = arith.constant 0 : i32
    %dma_start3A_105 = arith.constant 0 : i32
    %dma_start3A_106 = tpu.memref_slice %arg5[%dma_start3A_104, %dma_start3A_105] : memref<10240x128xf32, #tpu.memory_space<vmem_shared>> -> memref<10240x128xf32, #tpu.memory_space<vmem_shared>>
    tpu.enqueue_indirect_dma source(%arg7 : memref<128x128xf32, #tpu.memory_space<vmem>>) target(%dma_start3A_106 : memref<10240x128xf32, #tpu.memory_space<vmem_shared>>) offsets(%dma_start3A_103 : memref<128xi32, #tpu.memory_space<vmem>>) semaphore(%arg15 : memref<!tpu.dma_semaphore, #tpu.memory_space<semaphore_mem>>) {add = true}
    %dma_wait3A_107 = arith.constant 0 : i32
    %dma_wait3A_108 = arith.constant 0 : i32
    %dma_wait3A_109 = arith.constant 0 : i32
    %dma_wait3A_110 = tpu.memref_slice %arg3[%dma_wait3A_107, %dma_wait3A_108, %dma_wait3A_109] : memref<2560x2x128xi32, #tpu.memory_space<hbm>> -> memref<1x2x128xi32, #tpu.memory_space<hbm>>
    %dma_wait3A_111 = tpu.memref_squeeze %dma_wait3A_110 : memref<1x2x128xi32, #tpu.memory_space<hbm>> -> memref<2x128xi32, #tpu.memory_space<hbm>>
    %dma_wait3A_112 = arith.constant 0 : i32
    %dma_wait3A_113 = arith.constant 0 : i32
    %dma_wait3A_114 = tpu.memref_slice %arg3[%dma_wait3A_107, %dma_wait3A_112, %dma_wait3A_113] : memref<2560x2x128xi32, #tpu.memory_space<hbm>> -> memref<1x2x128xi32, #tpu.memory_space<hbm>>
    %dma_wait3A_115 = tpu.memref_squeeze %dma_wait3A_114 : memref<1x2x128xi32, #tpu.memory_space<hbm>> -> memref<2x128xi32, #tpu.memory_space<hbm>>
    tpu.wait_dma2 semaphore(%arg18 : memref<!tpu.dma_semaphore, #tpu.memory_space<semaphore_mem>>) src(%dma_wait3A_115 : memref<2x128xi32, #tpu.memory_space<hbm>>) dst(%arg10 : memref<2x128xi32, #tpu.memory_space<vmem>>)
    %dma_start3A_116 = arith.constant 0 : i32
    %dma_start3A_117 = arith.constant 0 : i32
    %dma_start3A_118 = tpu.memref_slice %arg10[%dma_start3A_116, %dma_start3A_117] : memref<2x128xi32, #tpu.memory_space<vmem>> -> memref<1x128xi32, #tpu.memory_space<vmem>>
    %dma_start3A_119 = tpu.memref_squeeze %dma_start3A_118 : memref<1x128xi32, #tpu.memory_space<vmem>> -> memref<128xi32, #tpu.memory_space<vmem>>
    %dma_start3A_120 = arith.constant 0 : i32
    %dma_start3A_121 = arith.constant 0 : i32
    %dma_start3A_122 = tpu.memref_slice %arg2[%dma_start3A_120, %dma_start3A_121] : memref<10000x128xf32, #tpu.memory_space<hbm>> -> memref<10000x128xf32, #tpu.memory_space<hbm>>
    tpu.enqueue_indirect_dma source(%dma_start3A_122 : memref<10000x128xf32, #tpu.memory_space<hbm>>) target(%arg6 : memref<128x128xf32, #tpu.memory_space<vmem>>) offsets(%dma_start3A_119 : memref<128xi32, #tpu.memory_space<vmem>>) semaphore(%arg12 : memref<!tpu.dma_semaphore, #tpu.memory_space<semaphore_mem>>)
    %add3A_123 = arith.constant 1 : i32
    %add3A_124 = arith.addi %mul3A_2, %add3A_123 : i32
    %add3A_125 = arith.constant 2 : i32
    %add3A_126 = arith.addi %add3A_124, %add3A_125 : i32
    %dma_start3A_127 = arith.constant 0 : i32
    %dma_start3A_128 = arith.constant 0 : i32
    %dma_start3A_129 = tpu.memref_slice %arg3[%add3A_126, %dma_start3A_127, %dma_start3A_128] : memref<2560x2x128xi32, #tpu.memory_space<hbm>> -> memref<1x2x128xi32, #tpu.memory_space<hbm>>
    %dma_start3A_130 = tpu.memref_squeeze %dma_start3A_129 : memref<1x2x128xi32, #tpu.memory_space<hbm>> -> memref<2x128xi32, #tpu.memory_space<hbm>>
    %dma_start3A_131 = arith.constant 0 : i32
    %dma_start3A_132 = arith.constant 0 : i32
    %dma_start3A_133 = tpu.memref_slice %arg3[%add3A_126, %dma_start3A_131, %dma_start3A_132] : memref<2560x2x128xi32, #tpu.memory_space<hbm>> -> memref<1x2x128xi32, #tpu.memory_space<hbm>>
    %dma_start3A_134 = tpu.memref_squeeze %dma_start3A_133 : memref<1x2x128xi32, #tpu.memory_space<hbm>> -> memref<2x128xi32, #tpu.memory_space<hbm>>
    tpu.enqueue_dma source(%dma_start3A_134 : memref<2x128xi32, #tpu.memory_space<hbm>>) target(%arg11 : memref<2x128xi32, #tpu.memory_space<vmem>>) target_semaphore(%arg19 : memref<!tpu.dma_semaphore, #tpu.memory_space<semaphore_mem>>)
    %scan3A_135 = arith.constant 0 : i32
    %scan3A_136 = arith.constant 0 : i32
    %scan3A_137 = arith.constant 19 : i32
    %scan3A_138 = arith.addi %scan3A_136, %scan3A_137 : i32
    %scan3A_139 = arith.constant 1 : i32
    scf.for %scan3A_206 = %scan3A_136 to %scan3A_138 step %scan3A_139  : i32 {
      %mul3A_207 = arith.constant 4 : i32
      %mul3A_208 = arith.muli %mul3A_207, %scan3A_206 : i32
      %add3A_209 = arith.constant 2 : i32
      %add3A_210 = arith.addi %add3A_209, %mul3A_208 : i32
      %add3A_211 = arith.constant 0 : i32
      %add3A_212 = arith.addi %add3A_210, %add3A_211 : i32
      %dma_wait3A_213 = arith.constant 0 : i32
      %dma_wait3A_214 = arith.constant 0 : i32
      %dma_wait3A_215 = tpu.memref_slice %arg2[%dma_wait3A_213, %dma_wait3A_214] : memref<10000x128xf32, #tpu.memory_space<hbm>> -> memref<128x128xf32, #tpu.memory_space<hbm>>
      %dma_wait3A_216 = arith.constant 0 : i32
      %dma_wait3A_217 = arith.constant 0 : i32
      %dma_wait3A_218 = tpu.memref_slice %arg2[%dma_wait3A_216, %dma_wait3A_217] : memref<10000x128xf32, #tpu.memory_space<hbm>> -> memref<128x128xf32, #tpu.memory_space<hbm>>
      tpu.wait_dma2 semaphore(%arg12 : memref<!tpu.dma_semaphore, #tpu.memory_space<semaphore_mem>>) src(%dma_wait3A_218 : memref<128x128xf32, #tpu.memory_space<hbm>>) dst(%arg6 : memref<128x128xf32, #tpu.memory_space<vmem>>)
      %dma_wait3A_219 = arith.constant 0 : i32
      %dma_wait3A_220 = arith.constant 0 : i32
      %dma_wait3A_221 = tpu.memref_slice %arg2[%dma_wait3A_219, %dma_wait3A_220] : memref<10000x128xf32, #tpu.memory_space<hbm>> -> memref<128x128xf32, #tpu.memory_space<hbm>>
      %dma_wait3A_222 = arith.constant 0 : i32
      %dma_wait3A_223 = arith.constant 0 : i32
      %dma_wait3A_224 = tpu.memref_slice %arg2[%dma_wait3A_222, %dma_wait3A_223] : memref<10000x128xf32, #tpu.memory_space<hbm>> -> memref<128x128xf32, #tpu.memory_space<hbm>>
      tpu.wait_dma2 semaphore(%arg15 : memref<!tpu.dma_semaphore, #tpu.memory_space<semaphore_mem>>) src(%dma_wait3A_224 : memref<128x128xf32, #tpu.memory_space<hbm>>) dst(%arg7 : memref<128x128xf32, #tpu.memory_space<vmem>>)
      %dma_start3A_225 = arith.constant 1 : i32
      %dma_start3A_226 = arith.constant 0 : i32
      %dma_start3A_227 = tpu.memref_slice %arg10[%dma_start3A_225, %dma_start3A_226] : memref<2x128xi32, #tpu.memory_space<vmem>> -> memref<1x128xi32, #tpu.memory_space<vmem>>
      %dma_start3A_228 = tpu.memref_squeeze %dma_start3A_227 : memref<1x128xi32, #tpu.memory_space<vmem>> -> memref<128xi32, #tpu.memory_space<vmem>>
      %dma_start3A_229 = arith.constant 0 : i32
      %dma_start3A_230 = arith.constant 0 : i32
      %dma_start3A_231 = tpu.memref_slice %arg5[%dma_start3A_229, %dma_start3A_230] : memref<10240x128xf32, #tpu.memory_space<vmem_shared>> -> memref<10240x128xf32, #tpu.memory_space<vmem_shared>>
      tpu.enqueue_indirect_dma source(%arg6 : memref<128x128xf32, #tpu.memory_space<vmem>>) target(%dma_start3A_231 : memref<10240x128xf32, #tpu.memory_space<vmem_shared>>) offsets(%dma_start3A_228 : memref<128xi32, #tpu.memory_space<vmem>>) semaphore(%arg14 : memref<!tpu.dma_semaphore, #tpu.memory_space<semaphore_mem>>) {add = true}
      %dma_wait3A_232 = arith.constant 0 : i32
      %dma_wait3A_233 = arith.constant 0 : i32
      %dma_wait3A_234 = arith.constant 0 : i32
      %dma_wait3A_235 = tpu.memref_slice %arg3[%dma_wait3A_232, %dma_wait3A_233, %dma_wait3A_234] : memref<2560x2x128xi32, #tpu.memory_space<hbm>> -> memref<1x2x128xi32, #tpu.memory_space<hbm>>
      %dma_wait3A_236 = tpu.memref_squeeze %dma_wait3A_235 : memref<1x2x128xi32, #tpu.memory_space<hbm>> -> memref<2x128xi32, #tpu.memory_space<hbm>>
      %dma_wait3A_237 = arith.constant 0 : i32
      %dma_wait3A_238 = arith.constant 0 : i32
      %dma_wait3A_239 = tpu.memref_slice %arg3[%dma_wait3A_232, %dma_wait3A_237, %dma_wait3A_238] : memref<2560x2x128xi32, #tpu.memory_space<hbm>> -> memref<1x2x128xi32, #tpu.memory_space<hbm>>
      %dma_wait3A_240 = tpu.memref_squeeze %dma_wait3A_239 : memref<1x2x128xi32, #tpu.memory_space<hbm>> -> memref<2x128xi32, #tpu.memory_space<hbm>>
      tpu.wait_dma2 semaphore(%arg19 : memref<!tpu.dma_semaphore, #tpu.memory_space<semaphore_mem>>) src(%dma_wait3A_240 : memref<2x128xi32, #tpu.memory_space<hbm>>) dst(%arg11 : memref<2x128xi32, #tpu.memory_space<vmem>>)
      %dma_start3A_241 = arith.constant 0 : i32
      %dma_start3A_242 = arith.constant 0 : i32
      %dma_start3A_243 = tpu.memref_slice %arg11[%dma_start3A_241, %dma_start3A_242] : memref<2x128xi32, #tpu.memory_space<vmem>> -> memref<1x128xi32, #tpu.memory_space<vmem>>
      %dma_start3A_244 = tpu.memref_squeeze %dma_start3A_243 : memref<1x128xi32, #tpu.memory_space<vmem>> -> memref<128xi32, #tpu.memory_space<vmem>>
      %dma_start3A_245 = arith.constant 0 : i32
      %dma_start3A_246 = arith.constant 0 : i32
      %dma_start3A_247 = tpu.memref_slice %arg2[%dma_start3A_245, %dma_start3A_246] : memref<10000x128xf32, #tpu.memory_space<hbm>> -> memref<10000x128xf32, #tpu.memory_space<hbm>>
      tpu.enqueue_indirect_dma source(%dma_start3A_247 : memref<10000x128xf32, #tpu.memory_space<hbm>>) target(%arg7 : memref<128x128xf32, #tpu.memory_space<vmem>>) offsets(%dma_start3A_244 : memref<128xi32, #tpu.memory_space<vmem>>) semaphore(%arg13 : memref<!tpu.dma_semaphore, #tpu.memory_space<semaphore_mem>>)
      %add3A_248 = arith.addi %mul3A_2, %add3A_212 : i32
      %add3A_249 = arith.constant 2 : i32
      %add3A_250 = arith.addi %add3A_248, %add3A_249 : i32
      %dma_start3A_251 = arith.constant 0 : i32
      %dma_start3A_252 = arith.constant 0 : i32
      %dma_start3A_253 = tpu.memref_slice %arg3[%add3A_250, %dma_start3A_251, %dma_start3A_252] : memref<2560x2x128xi32, #tpu.memory_space<hbm>> -> memref<1x2x128xi32, #tpu.memory_space<hbm>>
      %dma_start3A_254 = tpu.memref_squeeze %dma_start3A_253 : memref<1x2x128xi32, #tpu.memory_space<hbm>> -> memref<2x128xi32, #tpu.memory_space<hbm>>
      %dma_start3A_255 = arith.constant 0 : i32
      %dma_start3A_256 = arith.constant 0 : i32
      %dma_start3A_257 = tpu.memref_slice %arg3[%add3A_250, %dma_start3A_255, %dma_start3A_256] : memref<2560x2x128xi32, #tpu.memory_space<hbm>> -> memref<1x2x128xi32, #tpu.memory_space<hbm>>
      %dma_start3A_258 = tpu.memref_squeeze %dma_start3A_257 : memref<1x2x128xi32, #tpu.memory_space<hbm>> -> memref<2x128xi32, #tpu.memory_space<hbm>>
      tpu.enqueue_dma source(%dma_start3A_258 : memref<2x128xi32, #tpu.memory_space<hbm>>) target(%arg8 : memref<2x128xi32, #tpu.memory_space<vmem>>) target_semaphore(%arg16 : memref<!tpu.dma_semaphore, #tpu.memory_space<semaphore_mem>>)
      %add3A_259 = arith.constant 1 : i32
      %add3A_260 = arith.addi %add3A_210, %add3A_259 : i32
      %dma_wait3A_261 = arith.constant 0 : i32
      %dma_wait3A_262 = arith.constant 0 : i32
      %dma_wait3A_263 = tpu.memref_slice %arg2[%dma_wait3A_261, %dma_wait3A_262] : memref<10000x128xf32, #tpu.memory_space<hbm>> -> memref<128x128xf32, #tpu.memory_space<hbm>>
      %dma_wait3A_264 = arith.constant 0 : i32
      %dma_wait3A_265 = arith.constant 0 : i32
      %dma_wait3A_266 = tpu.memref_slice %arg2[%dma_wait3A_264, %dma_wait3A_265] : memref<10000x128xf32, #tpu.memory_space<hbm>> -> memref<128x128xf32, #tpu.memory_space<hbm>>
      tpu.wait_dma2 semaphore(%arg13 : memref<!tpu.dma_semaphore, #tpu.memory_space<semaphore_mem>>) src(%dma_wait3A_266 : memref<128x128xf32, #tpu.memory_space<hbm>>) dst(%arg7 : memref<128x128xf32, #tpu.memory_space<vmem>>)
      %dma_wait3A_267 = arith.constant 0 : i32
      %dma_wait3A_268 = arith.constant 0 : i32
      %dma_wait3A_269 = tpu.memref_slice %arg2[%dma_wait3A_267, %dma_wait3A_268] : memref<10000x128xf32, #tpu.memory_space<hbm>> -> memref<128x128xf32, #tpu.memory_space<hbm>>
      %dma_wait3A_270 = arith.constant 0 : i32
      %dma_wait3A_271 = arith.constant 0 : i32
      %dma_wait3A_272 = tpu.memref_slice %arg2[%dma_wait3A_270, %dma_wait3A_271] : memref<10000x128xf32, #tpu.memory_space<hbm>> -> memref<128x128xf32, #tpu.memory_space<hbm>>
      tpu.wait_dma2 semaphore(%arg14 : memref<!tpu.dma_semaphore, #tpu.memory_space<semaphore_mem>>) src(%dma_wait3A_272 : memref<128x128xf32, #tpu.memory_space<hbm>>) dst(%arg6 : memref<128x128xf32, #tpu.memory_space<vmem>>)
      %dma_start3A_273 = arith.constant 1 : i32
      %dma_start3A_274 = arith.constant 0 : i32
      %dma_start3A_275 = tpu.memref_slice %arg11[%dma_start3A_273, %dma_start3A_274] : memref<2x128xi32, #tpu.memory_space<vmem>> -> memref<1x128xi32, #tpu.memory_space<vmem>>
      %dma_start3A_276 = tpu.memref_squeeze %dma_start3A_275 : memref<1x128xi32, #tpu.memory_space<vmem>> -> memref<128xi32, #tpu.memory_space<vmem>>
      %dma_start3A_277 = arith.constant 0 : i32
      %dma_start3A_278 = arith.constant 0 : i32
      %dma_start3A_279 = tpu.memref_slice %arg5[%dma_start3A_277, %dma_start3A_278] : memref<10240x128xf32, #tpu.memory_space<vmem_shared>> -> memref<10240x128xf32, #tpu.memory_space<vmem_shared>>
      tpu.enqueue_indirect_dma source(%arg7 : memref<128x128xf32, #tpu.memory_space<vmem>>) target(%dma_start3A_279 : memref<10240x128xf32, #tpu.memory_space<vmem_shared>>) offsets(%dma_start3A_276 : memref<128xi32, #tpu.memory_space<vmem>>) semaphore(%arg15 : memref<!tpu.dma_semaphore, #tpu.memory_space<semaphore_mem>>) {add = true}
      %dma_wait3A_280 = arith.constant 0 : i32
      %dma_wait3A_281 = arith.constant 0 : i32
      %dma_wait3A_282 = arith.constant 0 : i32
      %dma_wait3A_283 = tpu.memref_slice %arg3[%dma_wait3A_280, %dma_wait3A_281, %dma_wait3A_282] : memref<2560x2x128xi32, #tpu.memory_space<hbm>> -> memref<1x2x128xi32, #tpu.memory_space<hbm>>
      %dma_wait3A_284 = tpu.memref_squeeze %dma_wait3A_283 : memref<1x2x128xi32, #tpu.memory_space<hbm>> -> memref<2x128xi32, #tpu.memory_space<hbm>>
      %dma_wait3A_285 = arith.constant 0 : i32
      %dma_wait3A_286 = arith.constant 0 : i32
      %dma_wait3A_287 = tpu.memref_slice %arg3[%dma_wait3A_280, %dma_wait3A_285, %dma_wait3A_286] : memref<2560x2x128xi32, #tpu.memory_space<hbm>> -> memref<1x2x128xi32, #tpu.memory_space<hbm>>
      %dma_wait3A_288 = tpu.memref_squeeze %dma_wait3A_287 : memref<1x2x128xi32, #tpu.memory_space<hbm>> -> memref<2x128xi32, #tpu.memory_space<hbm>>
      tpu.wait_dma2 semaphore(%arg16 : memref<!tpu.dma_semaphore, #tpu.memory_space<semaphore_mem>>) src(%dma_wait3A_288 : memref<2x128xi32, #tpu.memory_space<hbm>>) dst(%arg8 : memref<2x128xi32, #tpu.memory_space<vmem>>)
      %dma_start3A_289 = arith.constant 0 : i32
      %dma_start3A_290 = arith.constant 0 : i32
      %dma_start3A_291 = tpu.memref_slice %arg8[%dma_start3A_289, %dma_start3A_290] : memref<2x128xi32, #tpu.memory_space<vmem>> -> memref<1x128xi32, #tpu.memory_space<vmem>>
      %dma_start3A_292 = tpu.memref_squeeze %dma_start3A_291 : memref<1x128xi32, #tpu.memory_space<vmem>> -> memref<128xi32, #tpu.memory_space<vmem>>
      %dma_start3A_293 = arith.constant 0 : i32
      %dma_start3A_294 = arith.constant 0 : i32
      %dma_start3A_295 = tpu.memref_slice %arg2[%dma_start3A_293, %dma_start3A_294] : memref<10000x128xf32, #tpu.memory_space<hbm>> -> memref<10000x128xf32, #tpu.memory_space<hbm>>
      tpu.enqueue_indirect_dma source(%dma_start3A_295 : memref<10000x128xf32, #tpu.memory_space<hbm>>) target(%arg6 : memref<128x128xf32, #tpu.memory_space<vmem>>) offsets(%dma_start3A_292 : memref<128xi32, #tpu.memory_space<vmem>>) semaphore(%arg12 : memref<!tpu.dma_semaphore, #tpu.memory_space<semaphore_mem>>)
      %add3A_296 = arith.addi %mul3A_2, %add3A_260 : i32
      %add3A_297 = arith.constant 2 : i32
      %add3A_298 = arith.addi %add3A_296, %add3A_297 : i32
      %dma_start3A_299 = arith.constant 0 : i32
      %dma_start3A_300 = arith.constant 0 : i32
      %dma_start3A_301 = tpu.memref_slice %arg3[%add3A_298, %dma_start3A_299, %dma_start3A_300] : memref<2560x2x128xi32, #tpu.memory_space<hbm>> -> memref<1x2x128xi32, #tpu.memory_space<hbm>>
      %dma_start3A_302 = tpu.memref_squeeze %dma_start3A_301 : memref<1x2x128xi32, #tpu.memory_space<hbm>> -> memref<2x128xi32, #tpu.memory_space<hbm>>
      %dma_start3A_303 = arith.constant 0 : i32
      %dma_start3A_304 = arith.constant 0 : i32
      %dma_start3A_305 = tpu.memref_slice %arg3[%add3A_298, %dma_start3A_303, %dma_start3A_304] : memref<2560x2x128xi32, #tpu.memory_space<hbm>> -> memref<1x2x128xi32, #tpu.memory_space<hbm>>
      %dma_start3A_306 = tpu.memref_squeeze %dma_start3A_305 : memref<1x2x128xi32, #tpu.memory_space<hbm>> -> memref<2x128xi32, #tpu.memory_space<hbm>>
      tpu.enqueue_dma source(%dma_start3A_306 : memref<2x128xi32, #tpu.memory_space<hbm>>) target(%arg9 : memref<2x128xi32, #tpu.memory_space<vmem>>) target_semaphore(%arg17 : memref<!tpu.dma_semaphore, #tpu.memory_space<semaphore_mem>>)
      %add3A_307 = arith.constant 2 : i32
      %add3A_308 = arith.addi %add3A_210, %add3A_307 : i32
      %dma_wait3A_309 = arith.constant 0 : i32
      %dma_wait3A_310 = arith.constant 0 : i32
      %dma_wait3A_311 = tpu.memref_slice %arg2[%dma_wait3A_309, %dma_wait3A_310] : memref<10000x128xf32, #tpu.memory_space<hbm>> -> memref<128x128xf32, #tpu.memory_space<hbm>>
      %dma_wait3A_312 = arith.constant 0 : i32
      %dma_wait3A_313 = arith.constant 0 : i32
      %dma_wait3A_314 = tpu.memref_slice %arg2[%dma_wait3A_312, %dma_wait3A_313] : memref<10000x128xf32, #tpu.memory_space<hbm>> -> memref<128x128xf32, #tpu.memory_space<hbm>>
      tpu.wait_dma2 semaphore(%arg12 : memref<!tpu.dma_semaphore, #tpu.memory_space<semaphore_mem>>) src(%dma_wait3A_314 : memref<128x128xf32, #tpu.memory_space<hbm>>) dst(%arg6 : memref<128x128xf32, #tpu.memory_space<vmem>>)
      %dma_wait3A_315 = arith.constant 0 : i32
      %dma_wait3A_316 = arith.constant 0 : i32
      %dma_wait3A_317 = tpu.memref_slice %arg2[%dma_wait3A_315, %dma_wait3A_316] : memref<10000x128xf32, #tpu.memory_space<hbm>> -> memref<128x128xf32, #tpu.memory_space<hbm>>
      %dma_wait3A_318 = arith.constant 0 : i32
      %dma_wait3A_319 = arith.constant 0 : i32
      %dma_wait3A_320 = tpu.memref_slice %arg2[%dma_wait3A_318, %dma_wait3A_319] : memref<10000x128xf32, #tpu.memory_space<hbm>> -> memref<128x128xf32, #tpu.memory_space<hbm>>
      tpu.wait_dma2 semaphore(%arg15 : memref<!tpu.dma_semaphore, #tpu.memory_space<semaphore_mem>>) src(%dma_wait3A_320 : memref<128x128xf32, #tpu.memory_space<hbm>>) dst(%arg7 : memref<128x128xf32, #tpu.memory_space<vmem>>)
      %dma_start3A_321 = arith.constant 1 : i32
      %dma_start3A_322 = arith.constant 0 : i32
      %dma_start3A_323 = tpu.memref_slice %arg8[%dma_start3A_321, %dma_start3A_322] : memref<2x128xi32, #tpu.memory_space<vmem>> -> memref<1x128xi32, #tpu.memory_space<vmem>>
      %dma_start3A_324 = tpu.memref_squeeze %dma_start3A_323 : memref<1x128xi32, #tpu.memory_space<vmem>> -> memref<128xi32, #tpu.memory_space<vmem>>
      %dma_start3A_325 = arith.constant 0 : i32
      %dma_start3A_326 = arith.constant 0 : i32
      %dma_start3A_327 = tpu.memref_slice %arg5[%dma_start3A_325, %dma_start3A_326] : memref<10240x128xf32, #tpu.memory_space<vmem_shared>> -> memref<10240x128xf32, #tpu.memory_space<vmem_shared>>
      tpu.enqueue_indirect_dma source(%arg6 : memref<128x128xf32, #tpu.memory_space<vmem>>) target(%dma_start3A_327 : memref<10240x128xf32, #tpu.memory_space<vmem_shared>>) offsets(%dma_start3A_324 : memref<128xi32, #tpu.memory_space<vmem>>) semaphore(%arg14 : memref<!tpu.dma_semaphore, #tpu.memory_space<semaphore_mem>>) {add = true}
      %dma_wait3A_328 = arith.constant 0 : i32
      %dma_wait3A_329 = arith.constant 0 : i32
      %dma_wait3A_330 = arith.constant 0 : i32
      %dma_wait3A_331 = tpu.memref_slice %arg3[%dma_wait3A_328, %dma_wait3A_329, %dma_wait3A_330] : memref<2560x2x128xi32, #tpu.memory_space<hbm>> -> memref<1x2x128xi32, #tpu.memory_space<hbm>>
      %dma_wait3A_332 = tpu.memref_squeeze %dma_wait3A_331 : memref<1x2x128xi32, #tpu.memory_space<hbm>> -> memref<2x128xi32, #tpu.memory_space<hbm>>
      %dma_wait3A_333 = arith.constant 0 : i32
      %dma_wait3A_334 = arith.constant 0 : i32
      %dma_wait3A_335 = tpu.memref_slice %arg3[%dma_wait3A_328, %dma_wait3A_333, %dma_wait3A_334] : memref<2560x2x128xi32, #tpu.memory_space<hbm>> -> memref<1x2x128xi32, #tpu.memory_space<hbm>>
      %dma_wait3A_336 = tpu.memref_squeeze %dma_wait3A_335 : memref<1x2x128xi32, #tpu.memory_space<hbm>> -> memref<2x128xi32, #tpu.memory_space<hbm>>
      tpu.wait_dma2 semaphore(%arg17 : memref<!tpu.dma_semaphore, #tpu.memory_space<semaphore_mem>>) src(%dma_wait3A_336 : memref<2x128xi32, #tpu.memory_space<hbm>>) dst(%arg9 : memref<2x128xi32, #tpu.memory_space<vmem>>)
      %dma_start3A_337 = arith.constant 0 : i32
      %dma_start3A_338 = arith.constant 0 : i32
      %dma_start3A_339 = tpu.memref_slice %arg9[%dma_start3A_337, %dma_start3A_338] : memref<2x128xi32, #tpu.memory_space<vmem>> -> memref<1x128xi32, #tpu.memory_space<vmem>>
      %dma_start3A_340 = tpu.memref_squeeze %dma_start3A_339 : memref<1x128xi32, #tpu.memory_space<vmem>> -> memref<128xi32, #tpu.memory_space<vmem>>
      %dma_start3A_341 = arith.constant 0 : i32
      %dma_start3A_342 = arith.constant 0 : i32
      %dma_start3A_343 = tpu.memref_slice %arg2[%dma_start3A_341, %dma_start3A_342] : memref<10000x128xf32, #tpu.memory_space<hbm>> -> memref<10000x128xf32, #tpu.memory_space<hbm>>
      tpu.enqueue_indirect_dma source(%dma_start3A_343 : memref<10000x128xf32, #tpu.memory_space<hbm>>) target(%arg7 : memref<128x128xf32, #tpu.memory_space<vmem>>) offsets(%dma_start3A_340 : memref<128xi32, #tpu.memory_space<vmem>>) semaphore(%arg13 : memref<!tpu.dma_semaphore, #tpu.memory_space<semaphore_mem>>)
      %add3A_344 = arith.addi %mul3A_2, %add3A_308 : i32
      %add3A_345 = arith.constant 2 : i32
      %add3A_346 = arith.addi %add3A_344, %add3A_345 : i32
      %dma_start3A_347 = arith.constant 0 : i32
      %dma_start3A_348 = arith.constant 0 : i32
      %dma_start3A_349 = tpu.memref_slice %arg3[%add3A_346, %dma_start3A_347, %dma_start3A_348] : memref<2560x2x128xi32, #tpu.memory_space<hbm>> -> memref<1x2x128xi32, #tpu.memory_space<hbm>>
      %dma_start3A_350 = tpu.memref_squeeze %dma_start3A_349 : memref<1x2x128xi32, #tpu.memory_space<hbm>> -> memref<2x128xi32, #tpu.memory_space<hbm>>
      %dma_start3A_351 = arith.constant 0 : i32
      %dma_start3A_352 = arith.constant 0 : i32
      %dma_start3A_353 = tpu.memref_slice %arg3[%add3A_346, %dma_start3A_351, %dma_start3A_352] : memref<2560x2x128xi32, #tpu.memory_space<hbm>> -> memref<1x2x128xi32, #tpu.memory_space<hbm>>
      %dma_start3A_354 = tpu.memref_squeeze %dma_start3A_353 : memref<1x2x128xi32, #tpu.memory_space<hbm>> -> memref<2x128xi32, #tpu.memory_space<hbm>>
      tpu.enqueue_dma source(%dma_start3A_354 : memref<2x128xi32, #tpu.memory_space<hbm>>) target(%arg10 : memref<2x128xi32, #tpu.memory_space<vmem>>) target_semaphore(%arg18 : memref<!tpu.dma_semaphore, #tpu.memory_space<semaphore_mem>>)
      %add3A_355 = arith.constant 3 : i32
      %add3A_356 = arith.addi %add3A_210, %add3A_355 : i32
      %dma_wait3A_357 = arith.constant 0 : i32
      %dma_wait3A_358 = arith.constant 0 : i32
      %dma_wait3A_359 = tpu.memref_slice %arg2[%dma_wait3A_357, %dma_wait3A_358] : memref<10000x128xf32, #tpu.memory_space<hbm>> -> memref<128x128xf32, #tpu.memory_space<hbm>>
      %dma_wait3A_360 = arith.constant 0 : i32
      %dma_wait3A_361 = arith.constant 0 : i32
      %dma_wait3A_362 = tpu.memref_slice %arg2[%dma_wait3A_360, %dma_wait3A_361] : memref<10000x128xf32, #tpu.memory_space<hbm>> -> memref<128x128xf32, #tpu.memory_space<hbm>>
      tpu.wait_dma2 semaphore(%arg13 : memref<!tpu.dma_semaphore, #tpu.memory_space<semaphore_mem>>) src(%dma_wait3A_362 : memref<128x128xf32, #tpu.memory_space<hbm>>) dst(%arg7 : memref<128x128xf32, #tpu.memory_space<vmem>>)
      %dma_wait3A_363 = arith.constant 0 : i32
      %dma_wait3A_364 = arith.constant 0 : i32
      %dma_wait3A_365 = tpu.memref_slice %arg2[%dma_wait3A_363, %dma_wait3A_364] : memref<10000x128xf32, #tpu.memory_space<hbm>> -> memref<128x128xf32, #tpu.memory_space<hbm>>
      %dma_wait3A_366 = arith.constant 0 : i32
      %dma_wait3A_367 = arith.constant 0 : i32
      %dma_wait3A_368 = tpu.memref_slice %arg2[%dma_wait3A_366, %dma_wait3A_367] : memref<10000x128xf32, #tpu.memory_space<hbm>> -> memref<128x128xf32, #tpu.memory_space<hbm>>
      tpu.wait_dma2 semaphore(%arg14 : memref<!tpu.dma_semaphore, #tpu.memory_space<semaphore_mem>>) src(%dma_wait3A_368 : memref<128x128xf32, #tpu.memory_space<hbm>>) dst(%arg6 : memref<128x128xf32, #tpu.memory_space<vmem>>)
      %dma_start3A_369 = arith.constant 1 : i32
      %dma_start3A_370 = arith.constant 0 : i32
      %dma_start3A_371 = tpu.memref_slice %arg9[%dma_start3A_369, %dma_start3A_370] : memref<2x128xi32, #tpu.memory_space<vmem>> -> memref<1x128xi32, #tpu.memory_space<vmem>>
      %dma_start3A_372 = tpu.memref_squeeze %dma_start3A_371 : memref<1x128xi32, #tpu.memory_space<vmem>> -> memref<128xi32, #tpu.memory_space<vmem>>
      %dma_start3A_373 = arith.constant 0 : i32
      %dma_start3A_374 = arith.constant 0 : i32
      %dma_start3A_375 = tpu.memref_slice %arg5[%dma_start3A_373, %dma_start3A_374] : memref<10240x128xf32, #tpu.memory_space<vmem_shared>> -> memref<10240x128xf32, #tpu.memory_space<vmem_shared>>
      tpu.enqueue_indirect_dma source(%arg7 : memref<128x128xf32, #tpu.memory_space<vmem>>) target(%dma_start3A_375 : memref<10240x128xf32, #tpu.memory_space<vmem_shared>>) offsets(%dma_start3A_372 : memref<128xi32, #tpu.memory_space<vmem>>) semaphore(%arg15 : memref<!tpu.dma_semaphore, #tpu.memory_space<semaphore_mem>>) {add = true}
      %dma_wait3A_376 = arith.constant 0 : i32
      %dma_wait3A_377 = arith.constant 0 : i32
      %dma_wait3A_378 = arith.constant 0 : i32
      %dma_wait3A_379 = tpu.memref_slice %arg3[%dma_wait3A_376, %dma_wait3A_377, %dma_wait3A_378] : memref<2560x2x128xi32, #tpu.memory_space<hbm>> -> memref<1x2x128xi32, #tpu.memory_space<hbm>>
      %dma_wait3A_380 = tpu.memref_squeeze %dma_wait3A_379 : memref<1x2x128xi32, #tpu.memory_space<hbm>> -> memref<2x128xi32, #tpu.memory_space<hbm>>
      %dma_wait3A_381 = arith.constant 0 : i32
      %dma_wait3A_382 = arith.constant 0 : i32
      %dma_wait3A_383 = tpu.memref_slice %arg3[%dma_wait3A_376, %dma_wait3A_381, %dma_wait3A_382] : memref<2560x2x128xi32, #tpu.memory_space<hbm>> -> memref<1x2x128xi32, #tpu.memory_space<hbm>>
      %dma_wait3A_384 = tpu.memref_squeeze %dma_wait3A_383 : memref<1x2x128xi32, #tpu.memory_space<hbm>> -> memref<2x128xi32, #tpu.memory_space<hbm>>
      tpu.wait_dma2 semaphore(%arg18 : memref<!tpu.dma_semaphore, #tpu.memory_space<semaphore_mem>>) src(%dma_wait3A_384 : memref<2x128xi32, #tpu.memory_space<hbm>>) dst(%arg10 : memref<2x128xi32, #tpu.memory_space<vmem>>)
      %dma_start3A_385 = arith.constant 0 : i32
      %dma_start3A_386 = arith.constant 0 : i32
      %dma_start3A_387 = tpu.memref_slice %arg10[%dma_start3A_385, %dma_start3A_386] : memref<2x128xi32, #tpu.memory_space<vmem>> -> memref<1x128xi32, #tpu.memory_space<vmem>>
      %dma_start3A_388 = tpu.memref_squeeze %dma_start3A_387 : memref<1x128xi32, #tpu.memory_space<vmem>> -> memref<128xi32, #tpu.memory_space<vmem>>
      %dma_start3A_389 = arith.constant 0 : i32
      %dma_start3A_390 = arith.constant 0 : i32
      %dma_start3A_391 = tpu.memref_slice %arg2[%dma_start3A_389, %dma_start3A_390] : memref<10000x128xf32, #tpu.memory_space<hbm>> -> memref<10000x128xf32, #tpu.memory_space<hbm>>
      tpu.enqueue_indirect_dma source(%dma_start3A_391 : memref<10000x128xf32, #tpu.memory_space<hbm>>) target(%arg6 : memref<128x128xf32, #tpu.memory_space<vmem>>) offsets(%dma_start3A_388 : memref<128xi32, #tpu.memory_space<vmem>>) semaphore(%arg12 : memref<!tpu.dma_semaphore, #tpu.memory_space<semaphore_mem>>)
      %add3A_392 = arith.addi %mul3A_2, %add3A_356 : i32
      %add3A_393 = arith.constant 2 : i32
      %add3A_394 = arith.addi %add3A_392, %add3A_393 : i32
      %dma_start3A_395 = arith.constant 0 : i32
      %dma_start3A_396 = arith.constant 0 : i32
      %dma_start3A_397 = tpu.memref_slice %arg3[%add3A_394, %dma_start3A_395, %dma_start3A_396] : memref<2560x2x128xi32, #tpu.memory_space<hbm>> -> memref<1x2x128xi32, #tpu.memory_space<hbm>>
      %dma_start3A_398 = tpu.memref_squeeze %dma_start3A_397 : memref<1x2x128xi32, #tpu.memory_space<hbm>> -> memref<2x128xi32, #tpu.memory_space<hbm>>
      %dma_start3A_399 = arith.constant 0 : i32
      %dma_start3A_400 = arith.constant 0 : i32
      %dma_start3A_401 = tpu.memref_slice %arg3[%add3A_394, %dma_start3A_399, %dma_start3A_400] : memref<2560x2x128xi32, #tpu.memory_space<hbm>> -> memref<1x2x128xi32, #tpu.memory_space<hbm>>
      %dma_start3A_402 = tpu.memref_squeeze %dma_start3A_401 : memref<1x2x128xi32, #tpu.memory_space<hbm>> -> memref<2x128xi32, #tpu.memory_space<hbm>>
      tpu.enqueue_dma source(%dma_start3A_402 : memref<2x128xi32, #tpu.memory_space<hbm>>) target(%arg11 : memref<2x128xi32, #tpu.memory_space<vmem>>) target_semaphore(%arg19 : memref<!tpu.dma_semaphore, #tpu.memory_space<semaphore_mem>>)
    }
    %scan3A_140 = arith.constant 19 : i32
    %dma_wait3A_141 = arith.constant 0 : i32
    %dma_wait3A_142 = arith.constant 0 : i32
    %dma_wait3A_143 = tpu.memref_slice %arg2[%dma_wait3A_141, %dma_wait3A_142] : memref<10000x128xf32, #tpu.memory_space<hbm>> -> memref<128x128xf32, #tpu.memory_space<hbm>>
    %dma_wait3A_144 = arith.constant 0 : i32
    %dma_wait3A_145 = arith.constant 0 : i32
    %dma_wait3A_146 = tpu.memref_slice %arg2[%dma_wait3A_144, %dma_wait3A_145] : memref<10000x128xf32, #tpu.memory_space<hbm>> -> memref<128x128xf32, #tpu.memory_space<hbm>>
    tpu.wait_dma2 semaphore(%arg12 : memref<!tpu.dma_semaphore, #tpu.memory_space<semaphore_mem>>) src(%dma_wait3A_146 : memref<128x128xf32, #tpu.memory_space<hbm>>) dst(%arg6 : memref<128x128xf32, #tpu.memory_space<vmem>>)
    %dma_wait3A_147 = arith.constant 0 : i32
    %dma_wait3A_148 = arith.constant 0 : i32
    %dma_wait3A_149 = tpu.memref_slice %arg2[%dma_wait3A_147, %dma_wait3A_148] : memref<10000x128xf32, #tpu.memory_space<hbm>> -> memref<128x128xf32, #tpu.memory_space<hbm>>
    %dma_wait3A_150 = arith.constant 0 : i32
    %dma_wait3A_151 = arith.constant 0 : i32
    %dma_wait3A_152 = tpu.memref_slice %arg2[%dma_wait3A_150, %dma_wait3A_151] : memref<10000x128xf32, #tpu.memory_space<hbm>> -> memref<128x128xf32, #tpu.memory_space<hbm>>
    tpu.wait_dma2 semaphore(%arg15 : memref<!tpu.dma_semaphore, #tpu.memory_space<semaphore_mem>>) src(%dma_wait3A_152 : memref<128x128xf32, #tpu.memory_space<hbm>>) dst(%arg7 : memref<128x128xf32, #tpu.memory_space<vmem>>)
    %dma_start3A_153 = arith.constant 1 : i32
    %dma_start3A_154 = arith.constant 0 : i32
    %dma_start3A_155 = tpu.memref_slice %arg10[%dma_start3A_153, %dma_start3A_154] : memref<2x128xi32, #tpu.memory_space<vmem>> -> memref<1x128xi32, #tpu.memory_space<vmem>>
    %dma_start3A_156 = tpu.memref_squeeze %dma_start3A_155 : memref<1x128xi32, #tpu.memory_space<vmem>> -> memref<128xi32, #tpu.memory_space<vmem>>
    %dma_start3A_157 = arith.constant 0 : i32
    %dma_start3A_158 = arith.constant 0 : i32
    %dma_start3A_159 = tpu.memref_slice %arg5[%dma_start3A_157, %dma_start3A_158] : memref<10240x128xf32, #tpu.memory_space<vmem_shared>> -> memref<10240x128xf32, #tpu.memory_space<vmem_shared>>
    tpu.enqueue_indirect_dma source(%arg6 : memref<128x128xf32, #tpu.memory_space<vmem>>) target(%dma_start3A_159 : memref<10240x128xf32, #tpu.memory_space<vmem_shared>>) offsets(%dma_start3A_156 : memref<128xi32, #tpu.memory_space<vmem>>) semaphore(%arg14 : memref<!tpu.dma_semaphore, #tpu.memory_space<semaphore_mem>>) {add = true}
    %dma_wait3A_160 = arith.constant 0 : i32
    %dma_wait3A_161 = arith.constant 0 : i32
    %dma_wait3A_162 = arith.constant 0 : i32
    %dma_wait3A_163 = tpu.memref_slice %arg3[%dma_wait3A_160, %dma_wait3A_161, %dma_wait3A_162] : memref<2560x2x128xi32, #tpu.memory_space<hbm>> -> memref<1x2x128xi32, #tpu.memory_space<hbm>>
    %dma_wait3A_164 = tpu.memref_squeeze %dma_wait3A_163 : memref<1x2x128xi32, #tpu.memory_space<hbm>> -> memref<2x128xi32, #tpu.memory_space<hbm>>
    %dma_wait3A_165 = arith.constant 0 : i32
    %dma_wait3A_166 = arith.constant 0 : i32
    %dma_wait3A_167 = tpu.memref_slice %arg3[%dma_wait3A_160, %dma_wait3A_165, %dma_wait3A_166] : memref<2560x2x128xi32, #tpu.memory_space<hbm>> -> memref<1x2x128xi32, #tpu.memory_space<hbm>>
    %dma_wait3A_168 = tpu.memref_squeeze %dma_wait3A_167 : memref<1x2x128xi32, #tpu.memory_space<hbm>> -> memref<2x128xi32, #tpu.memory_space<hbm>>
    tpu.wait_dma2 semaphore(%arg19 : memref<!tpu.dma_semaphore, #tpu.memory_space<semaphore_mem>>) src(%dma_wait3A_168 : memref<2x128xi32, #tpu.memory_space<hbm>>) dst(%arg11 : memref<2x128xi32, #tpu.memory_space<vmem>>)
    %dma_start3A_169 = arith.constant 0 : i32
    %dma_start3A_170 = arith.constant 0 : i32
    %dma_start3A_171 = tpu.memref_slice %arg11[%dma_start3A_169, %dma_start3A_170] : memref<2x128xi32, #tpu.memory_space<vmem>> -> memref<1x128xi32, #tpu.memory_space<vmem>>
    %dma_start3A_172 = tpu.memref_squeeze %dma_start3A_171 : memref<1x128xi32, #tpu.memory_space<vmem>> -> memref<128xi32, #tpu.memory_space<vmem>>
    %dma_start3A_173 = arith.constant 0 : i32
    %dma_start3A_174 = arith.constant 0 : i32
    %dma_start3A_175 = tpu.memref_slice %arg2[%dma_start3A_173, %dma_start3A_174] : memref<10000x128xf32, #tpu.memory_space<hbm>> -> memref<10000x128xf32, #tpu.memory_space<hbm>>
    tpu.enqueue_indirect_dma source(%dma_start3A_175 : memref<10000x128xf32, #tpu.memory_space<hbm>>) target(%arg7 : memref<128x128xf32, #tpu.memory_space<vmem>>) offsets(%dma_start3A_172 : memref<128xi32, #tpu.memory_space<vmem>>) semaphore(%arg13 : memref<!tpu.dma_semaphore, #tpu.memory_space<semaphore_mem>>)
    %dma_wait3A_176 = arith.constant 0 : i32
    %dma_wait3A_177 = arith.constant 0 : i32
    %dma_wait3A_178 = tpu.memref_slice %arg2[%dma_wait3A_176, %dma_wait3A_177] : memref<10000x128xf32, #tpu.memory_space<hbm>> -> memref<128x128xf32, #tpu.memory_space<hbm>>
    %dma_wait3A_179 = arith.constant 0 : i32
    %dma_wait3A_180 = arith.constant 0 : i32
    %dma_wait3A_181 = tpu.memref_slice %arg2[%dma_wait3A_179, %dma_wait3A_180] : memref<10000x128xf32, #tpu.memory_space<hbm>> -> memref<128x128xf32, #tpu.memory_space<hbm>>
    tpu.wait_dma2 semaphore(%arg13 : memref<!tpu.dma_semaphore, #tpu.memory_space<semaphore_mem>>) src(%dma_wait3A_181 : memref<128x128xf32, #tpu.memory_space<hbm>>) dst(%arg7 : memref<128x128xf32, #tpu.memory_space<vmem>>)
    %dma_wait3A_182 = arith.constant 0 : i32
    %dma_wait3A_183 = arith.constant 0 : i32
    %dma_wait3A_184 = tpu.memref_slice %arg2[%dma_wait3A_182, %dma_wait3A_183] : memref<10000x128xf32, #tpu.memory_space<hbm>> -> memref<128x128xf32, #tpu.memory_space<hbm>>
    %dma_wait3A_185 = arith.constant 0 : i32
    %dma_wait3A_186 = arith.constant 0 : i32
    %dma_wait3A_187 = tpu.memref_slice %arg2[%dma_wait3A_185, %dma_wait3A_186] : memref<10000x128xf32, #tpu.memory_space<hbm>> -> memref<128x128xf32, #tpu.memory_space<hbm>>
    tpu.wait_dma2 semaphore(%arg14 : memref<!tpu.dma_semaphore, #tpu.memory_space<semaphore_mem>>) src(%dma_wait3A_187 : memref<128x128xf32, #tpu.memory_space<hbm>>) dst(%arg6 : memref<128x128xf32, #tpu.memory_space<vmem>>)
    %dma_start3A_188 = arith.constant 1 : i32
    %dma_start3A_189 = arith.constant 0 : i32
    %dma_start3A_190 = tpu.memref_slice %arg11[%dma_start3A_188, %dma_start3A_189] : memref<2x128xi32, #tpu.memory_space<vmem>> -> memref<1x128xi32, #tpu.memory_space<vmem>>
    %dma_start3A_191 = tpu.memref_squeeze %dma_start3A_190 : memref<1x128xi32, #tpu.memory_space<vmem>> -> memref<128xi32, #tpu.memory_space<vmem>>
    %dma_start3A_192 = arith.constant 0 : i32
    %dma_start3A_193 = arith.constant 0 : i32
    %dma_start3A_194 = tpu.memref_slice %arg5[%dma_start3A_192, %dma_start3A_193] : memref<10240x128xf32, #tpu.memory_space<vmem_shared>> -> memref<10240x128xf32, #tpu.memory_space<vmem_shared>>
    tpu.enqueue_indirect_dma source(%arg7 : memref<128x128xf32, #tpu.memory_space<vmem>>) target(%dma_start3A_194 : memref<10240x128xf32, #tpu.memory_space<vmem_shared>>) offsets(%dma_start3A_191 : memref<128xi32, #tpu.memory_space<vmem>>) semaphore(%arg15 : memref<!tpu.dma_semaphore, #tpu.memory_space<semaphore_mem>>) {add = true}
    %dma_wait3A_195 = arith.constant 0 : i32
    %dma_wait3A_196 = arith.constant 0 : i32
    %dma_wait3A_197 = tpu.memref_slice %arg2[%dma_wait3A_195, %dma_wait3A_196] : memref<10000x128xf32, #tpu.memory_space<hbm>> -> memref<128x128xf32, #tpu.memory_space<hbm>>
    %dma_wait3A_198 = arith.constant 0 : i32
    %dma_wait3A_199 = arith.constant 0 : i32
    %dma_wait3A_200 = tpu.memref_slice %arg2[%dma_wait3A_198, %dma_wait3A_199] : memref<10000x128xf32, #tpu.memory_space<hbm>> -> memref<128x128xf32, #tpu.memory_space<hbm>>
    tpu.wait_dma2 semaphore(%arg15 : memref<!tpu.dma_semaphore, #tpu.memory_space<semaphore_mem>>) src(%dma_wait3A_200 : memref<128x128xf32, #tpu.memory_space<hbm>>) dst(%arg7 : memref<128x128xf32, #tpu.memory_space<vmem>>)
    %barrier3A_201 = arith.constant 0 : index
    tpu.barrier barrier_id(%barrier3A_201)
    %mul3A_202 = arith.constant 640 : i32
    %mul3A_203 = arith.muli %arg1, %mul3A_202 : i32
    %mul3A_204 = arith.constant 640 : i32
    %mul3A_205 = arith.muli %arg1, %mul3A_204 : i32
    "tpu.region"() ({
      %run_scoped3A = tpu.sem_alloc : memref<!tpu.dma_semaphore, #tpu.memory_space<semaphore_mem>>
      %dma_start3A_206 = arith.constant 0 : i32
      %dma_start3A_207 = tpu.memref_slice %arg4[%arg0, %mul3A_205, %dma_start3A_206] : memref<2x10240x128xf32, #tpu.memory_space<hbm>> -> memref<1x640x128xf32, #tpu.memory_space<hbm>>
      %dma_start3A_208 = tpu.memref_squeeze %dma_start3A_207 : memref<1x640x128xf32, #tpu.memory_space<hbm>> -> memref<640x128xf32, #tpu.memory_space<hbm>>
      %dma_start3A_209 = arith.constant 0 : i32
      %dma_start3A_210 = tpu.memref_slice %arg5[%mul3A_203, %dma_start3A_209] : memref<10240x128xf32, #tpu.memory_space<vmem_shared>> -> memref<640x128xf32, #tpu.memory_space<vmem_shared>>
      tpu.enqueue_dma source(%dma_start3A_210 : memref<640x128xf32, #tpu.memory_space<vmem_shared>>) target(%dma_start3A_208 : memref<640x128xf32, #tpu.memory_space<hbm>>) target_semaphore(%run_scoped3A : memref<!tpu.dma_semaphore, #tpu.memory_space<semaphore_mem>>)
      %dma_wait3A_211 = arith.constant 0 : i32
      %dma_wait3A_212 = tpu.memref_slice %arg4[%arg0, %mul3A_205, %dma_wait3A_211] : memref<2x10240x128xf32, #tpu.memory_space<hbm>> -> memref<1x640x128xf32, #tpu.memory_space<hbm>>
      %dma_wait3A_213 = tpu.memref_squeeze %dma_wait3A_212 : memref<1x640x128xf32, #tpu.memory_space<hbm>> -> memref<640x128xf32, #tpu.memory_space<hbm>>
      %dma_wait3A_214 = arith.constant 0 : i32
      %dma_wait3A_215 = tpu.memref_slice %arg5[%mul3A_203, %dma_wait3A_214] : memref<10240x128xf32, #tpu.memory_space<vmem_shared>> -> memref<640x128xf32, #tpu.memory_space<vmem_shared>>
      tpu.wait_dma2 semaphore(%run_scoped3A : memref<!tpu.dma_semaphore, #tpu.memory_space<semaphore_mem>>) src(%dma_wait3A_215 : memref<640x128xf32, #tpu.memory_space<vmem_shared>>) dst(%dma_wait3A_213 : memref<640x128xf32, #tpu.memory_space<hbm>>)
      tpu.yield
    }) : () -> ()
    return
  }
}

#map = affine_map<(d0, d1) -> (0, 0)>
#map1 = affine_map<(d0, d1) -> (0, 0, 0)>
module attributes {stable_mosaic.version = 14 : i64} {
  func.func @_segment_sum_body(%arg0: i32, %arg1: i32, %arg2: memref<10000x128xf32, #tpu.memory_space<hbm>>, %arg3: memref<2560x2x128xi32, #tpu.memory_space<hbm>>, %arg4: memref<2x10240x128xf32, #tpu.memory_space<hbm>>, %arg5: memref<10240x128xf32, #tpu.memory_space<vmem_shared>>, %arg6: memref<128x128xf32, #tpu.memory_space<vmem>>, %arg7: memref<128x128xf32, #tpu.memory_space<vmem>>, %arg8: memref<2x128xi32, #tpu.memory_space<vmem>>, %arg9: memref<2x128xi32, #tpu.memory_space<vmem>>, %arg10: memref<2x128xi32, #tpu.memory_space<vmem>>, %arg11: memref<2x128xi32, #tpu.memory_space<vmem>>, %arg12: memref<!tpu.dma_semaphore, #tpu.memory_space<semaphore_mem>>, %arg13: memref<!tpu.dma_semaphore, #tpu.memory_space<semaphore_mem>>, %arg14: memref<!tpu.dma_semaphore, #tpu.memory_space<semaphore_mem>>, %arg15: memref<!tpu.dma_semaphore, #tpu.memory_space<semaphore_mem>>, %arg16: memref<!tpu.dma_semaphore, #tpu.memory_space<semaphore_mem>>, %arg17: memref<!tpu.dma_semaphore, #tpu.memory_space<semaphore_mem>>, %arg18: memref<!tpu.dma_semaphore, #tpu.memory_space<semaphore_mem>>, %arg19: memref<!tpu.dma_semaphore, #tpu.memory_space<semaphore_mem>>) attributes {dimension_semantics = [#tpu.dimension_semantics<core_parallel>, #tpu.dimension_semantics<subcore_parallel>], iteration_bounds = array<i64: 2, 16>, scalar_prefetch = 0 : i64, scratch_operands = 15 : i64, tpu.core_type = #tpu.core_type<sc_vector_subcore>, window_params = [{transform_indices = #map}, {transform_indices = #map1}, {transform_indices = #map1}]} {
    %mul3A = arith.constant 2 : i32
    %mul3A_0 = arith.muli %arg1, %mul3A : i32
    %add3A = arith.addi %mul3A_0, %arg0 : i32
    %mul3A_1 = arith.constant 80 : i32
    %mul3A_2 = arith.muli %add3A, %mul3A_1 : i32
    %dma_start3A = arith.constant 0 : i32
    %dma_start3A_3 = arith.constant 0 : i32
    %dma_start3A_4 = tpu.memref_slice %arg3[%mul3A_2, %dma_start3A, %dma_start3A_3] : memref<2560x2x128xi32, #tpu.memory_space<hbm>> -> memref<1x2x128xi32, #tpu.memory_space<hbm>>
    %dma_start3A_5 = tpu.memref_squeeze %dma_start3A_4 : memref<1x2x128xi32, #tpu.memory_space<hbm>> -> memref<2x128xi32, #tpu.memory_space<hbm>>
    %dma_start3A_6 = arith.constant 0 : i32
    %dma_start3A_7 = arith.constant 0 : i32
    %dma_start3A_8 = tpu.memref_slice %arg3[%mul3A_2, %dma_start3A_6, %dma_start3A_7] : memref<2560x2x128xi32, #tpu.memory_space<hbm>> -> memref<1x2x128xi32, #tpu.memory_space<hbm>>
    %dma_start3A_9 = tpu.memref_squeeze %dma_start3A_8 : memref<1x2x128xi32, #tpu.memory_space<hbm>> -> memref<2x128xi32, #tpu.memory_space<hbm>>
    tpu.enqueue_dma source(%dma_start3A_9 : memref<2x128xi32, #tpu.memory_space<hbm>>) target(%arg8 : memref<2x128xi32, #tpu.memory_space<vmem>>) target_semaphore(%arg16 : memref<!tpu.dma_semaphore, #tpu.memory_space<semaphore_mem>>)
    %add3A_10 = arith.constant 1 : i32
    %add3A_11 = arith.addi %mul3A_2, %add3A_10 : i32
    %dma_start3A_12 = arith.constant 0 : i32
    %dma_start3A_13 = arith.constant 0 : i32
    %dma_start3A_14 = tpu.memref_slice %arg3[%add3A_11, %dma_start3A_12, %dma_start3A_13] : memref<2560x2x128xi32, #tpu.memory_space<hbm>> -> memref<1x2x128xi32, #tpu.memory_space<hbm>>
    %dma_start3A_15 = tpu.memref_squeeze %dma_start3A_14 : memref<1x2x128xi32, #tpu.memory_space<hbm>> -> memref<2x128xi32, #tpu.memory_space<hbm>>
    %dma_start3A_16 = arith.constant 0 : i32
    %dma_start3A_17 = arith.constant 0 : i32
    %dma_start3A_18 = tpu.memref_slice %arg3[%add3A_11, %dma_start3A_16, %dma_start3A_17] : memref<2560x2x128xi32, #tpu.memory_space<hbm>> -> memref<1x2x128xi32, #tpu.memory_space<hbm>>
    %dma_start3A_19 = tpu.memref_squeeze %dma_start3A_18 : memref<1x2x128xi32, #tpu.memory_space<hbm>> -> memref<2x128xi32, #tpu.memory_space<hbm>>
    tpu.enqueue_dma source(%dma_start3A_19 : memref<2x128xi32, #tpu.memory_space<hbm>>) target(%arg9 : memref<2x128xi32, #tpu.memory_space<vmem>>) target_semaphore(%arg17 : memref<!tpu.dma_semaphore, #tpu.memory_space<semaphore_mem>>)
    %broadcast_in_dim3A = arith.constant 0.000000e+00 : f32
    %broadcast_in_dim3A_20 = vector.broadcast %broadcast_in_dim3A : f32 to vector<16xf32>
    %scan3A = arith.constant 0 : i32
    %scan3A_21 = arith.constant 0 : i32
    %scan3A_22 = arith.constant 128 : i32
    %scan3A_23 = arith.addi %scan3A_21, %scan3A_22 : i32
    %scan3A_24 = arith.constant 1 : i32
    scf.for %scan3A_206 = %scan3A_21 to %scan3A_23 step %scan3A_24  : i32 {
      %swap3A = arith.index_cast %scan3A_206 : i32 to index
      %swap3A_207 = arith.constant 0 : index
      %swap3A_208 = tpu.vector_load %arg6[%swap3A, %swap3A_207] {strides = array<i32>} : memref<128x128xf32, #tpu.memory_space<vmem>>, vector<1x16xf32>,
      %swap3A_209 = vector.shape_cast %swap3A_208 : vector<1x16xf32> to vector<16xf32>
      %swap3A_210 = vector.shape_cast %broadcast_in_dim3A_20 : vector<16xf32> to vector<1x16xf32>
      tpu.vector_store %arg6[%swap3A, %swap3A_207], %swap3A_210 {strides = array<i32>} : memref<128x128xf32, #tpu.memory_space<vmem>>, vector<1x16xf32>,
      %swap3A_211 = arith.index_cast %scan3A_206 : i32 to index
      %swap3A_212 = arith.constant 16 : index
      %swap3A_213 = tpu.vector_load %arg6[%swap3A_211, %swap3A_212] {strides = array<i32>} : memref<128x128xf32, #tpu.memory_space<vmem>>, vector<1x16xf32>,
      %swap3A_214 = vector.shape_cast %swap3A_213 : vector<1x16xf32> to vector<16xf32>
      %swap3A_215 = vector.shape_cast %broadcast_in_dim3A_20 : vector<16xf32> to vector<1x16xf32>
      tpu.vector_store %arg6[%swap3A_211, %swap3A_212], %swap3A_215 {strides = array<i32>} : memref<128x128xf32, #tpu.memory_space<vmem>>, vector<1x16xf32>,
      %swap3A_216 = arith.index_cast %scan3A_206 : i32 to index
      %swap3A_217 = arith.constant 32 : index
      %swap3A_218 = tpu.vector_load %arg6[%swap3A_216, %swap3A_217] {strides = array<i32>} : memref<128x128xf32, #tpu.memory_space<vmem>>, vector<1x16xf32>,
      %swap3A_219 = vector.shape_cast %swap3A_218 : vector<1x16xf32> to vector<16xf32>
      %swap3A_220 = vector.shape_cast %broadcast_in_dim3A_20 : vector<16xf32> to vector<1x16xf32>
      tpu.vector_store %arg6[%swap3A_216, %swap3A_217], %swap3A_220 {strides = array<i32>} : memref<128x128xf32, #tpu.memory_space<vmem>>, vector<1x16xf32>,
      %swap3A_221 = arith.index_cast %scan3A_206 : i32 to index
      %swap3A_222 = arith.constant 48 : index
      %swap3A_223 = tpu.vector_load %arg6[%swap3A_221, %swap3A_222] {strides = array<i32>} : memref<128x128xf32, #tpu.memory_space<vmem>>, vector<1x16xf32>,
      %swap3A_224 = vector.shape_cast %swap3A_223 : vector<1x16xf32> to vector<16xf32>
      %swap3A_225 = vector.shape_cast %broadcast_in_dim3A_20 : vector<16xf32> to vector<1x16xf32>
      tpu.vector_store %arg6[%swap3A_221, %swap3A_222], %swap3A_225 {strides = array<i32>} : memref<128x128xf32, #tpu.memory_space<vmem>>, vector<1x16xf32>,
      %swap3A_226 = arith.index_cast %scan3A_206 : i32 to index
      %swap3A_227 = arith.constant 64 : index
      %swap3A_228 = tpu.vector_load %arg6[%swap3A_226, %swap3A_227] {strides = array<i32>} : memref<128x128xf32, #tpu.memory_space<vmem>>, vector<1x16xf32>,
      %swap3A_229 = vector.shape_cast %swap3A_228 : vector<1x16xf32> to vector<16xf32>
      %swap3A_230 = vector.shape_cast %broadcast_in_dim3A_20 : vector<16xf32> to vector<1x16xf32>
      tpu.vector_store %arg6[%swap3A_226, %swap3A_227], %swap3A_230 {strides = array<i32>} : memref<128x128xf32, #tpu.memory_space<vmem>>, vector<1x16xf32>,
      %swap3A_231 = arith.index_cast %scan3A_206 : i32 to index
      %swap3A_232 = arith.constant 80 : index
      %swap3A_233 = tpu.vector_load %arg6[%swap3A_231, %swap3A_232] {strides = array<i32>} : memref<128x128xf32, #tpu.memory_space<vmem>>, vector<1x16xf32>,
      %swap3A_234 = vector.shape_cast %swap3A_233 : vector<1x16xf32> to vector<16xf32>
      %swap3A_235 = vector.shape_cast %broadcast_in_dim3A_20 : vector<16xf32> to vector<1x16xf32>
      tpu.vector_store %arg6[%swap3A_231, %swap3A_232], %swap3A_235 {strides = array<i32>} : memref<128x128xf32, #tpu.memory_space<vmem>>, vector<1x16xf32>,
      %swap3A_236 = arith.index_cast %scan3A_206 : i32 to index
      %swap3A_237 = arith.constant 96 : index
      %swap3A_238 = tpu.vector_load %arg6[%swap3A_236, %swap3A_237] {strides = array<i32>} : memref<128x128xf32, #tpu.memory_space<vmem>>, vector<1x16xf32>,
      %swap3A_239 = vector.shape_cast %swap3A_238 : vector<1x16xf32> to vector<16xf32>
      %swap3A_240 = vector.shape_cast %broadcast_in_dim3A_20 : vector<16xf32> to vector<1x16xf32>
      tpu.vector_store %arg6[%swap3A_236, %swap3A_237], %swap3A_240 {strides = array<i32>} : memref<128x128xf32, #tpu.memory_space<vmem>>, vector<1x16xf32>,
      %swap3A_241 = arith.index_cast %scan3A_206 : i32 to index
      %swap3A_242 = arith.constant 112 : index
      %swap3A_243 = tpu.vector_load %arg6[%swap3A_241, %swap3A_242] {strides = array<i32>} : memref<128x128xf32, #tpu.memory_space<vmem>>, vector<1x16xf32>,
      %swap3A_244 = vector.shape_cast %swap3A_243 : vector<1x16xf32> to vector<16xf32>
      %swap3A_245 = vector.shape_cast %broadcast_in_dim3A_20 : vector<16xf32> to vector<1x16xf32>
      tpu.vector_store %arg6[%swap3A_241, %swap3A_242], %swap3A_245 {strides = array<i32>} : memref<128x128xf32, #tpu.memory_space<vmem>>, vector<1x16xf32>,
    }
    %scan3A_25 = arith.constant 128 : i32
    %scan3A_26 = arith.constant 0 : i32
    %scan3A_27 = arith.constant 0 : i32
    %scan3A_28 = arith.constant 5 : i32
    %scan3A_29 = arith.addi %scan3A_27, %scan3A_28 : i32
    %scan3A_30 = arith.constant 1 : i32
    scf.for %scan3A_206 = %scan3A_27 to %scan3A_29 step %scan3A_30  : i32 {
      %mul3A_207 = arith.constant 640 : i32
      %mul3A_208 = arith.muli %arg1, %mul3A_207 : i32
      %mul3A_209 = arith.constant 128 : i32
      %mul3A_210 = arith.muli %scan3A_206, %mul3A_209 : i32
      %add3A_211 = arith.addi %mul3A_208, %mul3A_210 : i32
      "tpu.region"() ({
        %run_scoped3A = tpu.sem_alloc : memref<!tpu.dma_semaphore, #tpu.memory_space<semaphore_mem>>
        %dma_start3A_212 = arith.constant 0 : i32
        %dma_start3A_213 = tpu.memref_slice %arg5[%add3A_211, %dma_start3A_212] : memref<10240x128xf32, #tpu.memory_space<vmem_shared>> -> memref<128x128xf32, #tpu.memory_space<vmem_shared>>
        %dma_start3A_214 = arith.constant 0 : i32
        %dma_start3A_215 = tpu.memref_slice %arg5[%add3A_211, %dma_start3A_214] : memref<10240x128xf32, #tpu.memory_space<vmem_shared>> -> memref<128x128xf32, #tpu.memory_space<vmem_shared>>
        tpu.enqueue_dma source(%arg6 : memref<128x128xf32, #tpu.memory_space<vmem>>) target(%dma_start3A_215 : memref<128x128xf32, #tpu.memory_space<vmem_shared>>) target_semaphore(%run_scoped3A : memref<!tpu.dma_semaphore, #tpu.memory_space<semaphore_mem>>)
        %dma_wait3A_216 = arith.constant 0 : i32
        %dma_wait3A_217 = tpu.memref_slice %arg5[%add3A_211, %dma_wait3A_216] : memref<10240x128xf32, #tpu.memory_space<vmem_shared>> -> memref<128x128xf32, #tpu.memory_space<vmem_shared>>
        %dma_wait3A_218 = arith.constant 0 : i32
        %dma_wait3A_219 = tpu.memref_slice %arg5[%add3A_211, %dma_wait3A_218] : memref<10240x128xf32, #tpu.memory_space<vmem_shared>> -> memref<128x128xf32, #tpu.memory_space<vmem_shared>>
        tpu.wait_dma2 semaphore(%run_scoped3A : memref<!tpu.dma_semaphore, #tpu.memory_space<semaphore_mem>>) src(%arg6 : memref<128x128xf32, #tpu.memory_space<vmem>>) dst(%dma_wait3A_219 : memref<128x128xf32, #tpu.memory_space<vmem_shared>>)
        tpu.yield
      }) : () -> ()
    }
    %scan3A_31 = arith.constant 5 : i32
    %dma_wait3A = arith.constant 0 : i32
    %dma_wait3A_32 = arith.constant 0 : i32
    %dma_wait3A_33 = arith.constant 0 : i32
    %dma_wait3A_34 = tpu.memref_slice %arg3[%dma_wait3A, %dma_wait3A_32, %dma_wait3A_33] : memref<2560x2x128xi32, #tpu.memory_space<hbm>> -> memref<1x2x128xi32, #tpu.memory_space<hbm>>
    %dma_wait3A_35 = tpu.memref_squeeze %dma_wait3A_34 : memref<1x2x128xi32, #tpu.memory_space<hbm>> -> memref<2x128xi32, #tpu.memory_space<hbm>>
    %dma_wait3A_36 = arith.constant 0 : i32
    %dma_wait3A_37 = arith.constant 0 : i32
    %dma_wait3A_38 = tpu.memref_slice %arg3[%dma_wait3A, %dma_wait3A_36, %dma_wait3A_37] : memref<2560x2x128xi32, #tpu.memory_space<hbm>> -> memref<1x2x128xi32, #tpu.memory_space<hbm>>
    %dma_wait3A_39 = tpu.memref_squeeze %dma_wait3A_38 : memref<1x2x128xi32, #tpu.memory_space<hbm>> -> memref<2x128xi32, #tpu.memory_space<hbm>>
    tpu.wait_dma2 semaphore(%arg16 : memref<!tpu.dma_semaphore, #tpu.memory_space<semaphore_mem>>) src(%dma_wait3A_39 : memref<2x128xi32, #tpu.memory_space<hbm>>) dst(%arg8 : memref<2x128xi32, #tpu.memory_space<vmem>>)
    %dma_start3A_40 = arith.constant 0 : i32
    %dma_start3A_41 = arith.constant 0 : i32
    %dma_start3A_42 = tpu.memref_slice %arg8[%dma_start3A_40, %dma_start3A_41] : memref<2x128xi32, #tpu.memory_space<vmem>> -> memref<1x128xi32, #tpu.memory_space<vmem>>
    %dma_start3A_43 = tpu.memref_squeeze %dma_start3A_42 : memref<1x128xi32, #tpu.memory_space<vmem>> -> memref<128xi32, #tpu.memory_space<vmem>>
    %dma_start3A_44 = arith.constant 0 : i32
    %dma_start3A_45 = arith.constant 0 : i32
    %dma_start3A_46 = tpu.memref_slice %arg2[%dma_start3A_44, %dma_start3A_45] : memref<10000x128xf32, #tpu.memory_space<hbm>> -> memref<10000x128xf32, #tpu.memory_space<hbm>>
    tpu.enqueue_indirect_dma source(%dma_start3A_46 : memref<10000x128xf32, #tpu.memory_space<hbm>>) target(%arg6 : memref<128x128xf32, #tpu.memory_space<vmem>>) offsets(%dma_start3A_43 : memref<128xi32, #tpu.memory_space<vmem>>) semaphore(%arg12 : memref<!tpu.dma_semaphore, #tpu.memory_space<semaphore_mem>>)
    %barrier3A = arith.constant 0 : index
    tpu.barrier barrier_id(%barrier3A)
    %dma_wait3A_47 = arith.constant 0 : i32
    %dma_wait3A_48 = arith.constant 0 : i32
    %dma_wait3A_49 = tpu.memref_slice %arg2[%dma_wait3A_47, %dma_wait3A_48] : memref<10000x128xf32, #tpu.memory_space<hbm>> -> memref<128x128xf32, #tpu.memory_space<hbm>>
    %dma_wait3A_50 = arith.constant 0 : i32
    %dma_wait3A_51 = arith.constant 0 : i32
    %dma_wait3A_52 = tpu.memref_slice %arg2[%dma_wait3A_50, %dma_wait3A_51] : memref<10000x128xf32, #tpu.memory_space<hbm>> -> memref<128x128xf32, #tpu.memory_space<hbm>>
    tpu.wait_dma2 semaphore(%arg12 : memref<!tpu.dma_semaphore, #tpu.memory_space<semaphore_mem>>) src(%dma_wait3A_52 : memref<128x128xf32, #tpu.memory_space<hbm>>) dst(%arg6 : memref<128x128xf32, #tpu.memory_space<vmem>>)
    %dma_start3A_53 = arith.constant 1 : i32
    %dma_start3A_54 = arith.constant 0 : i32
    %dma_start3A_55 = tpu.memref_slice %arg8[%dma_start3A_53, %dma_start3A_54] : memref<2x128xi32, #tpu.memory_space<vmem>> -> memref<1x128xi32, #tpu.memory_space<vmem>>
    %dma_start3A_56 = tpu.memref_squeeze %dma_start3A_55 : memref<1x128xi32, #tpu.memory_space<vmem>> -> memref<128xi32, #tpu.memory_space<vmem>>
    %dma_start3A_57 = arith.constant 0 : i32
    %dma_start3A_58 = arith.constant 0 : i32
    %dma_start3A_59 = tpu.memref_slice %arg5[%dma_start3A_57, %dma_start3A_58] : memref<10240x128xf32, #tpu.memory_space<vmem_shared>> -> memref<10240x128xf32, #tpu.memory_space<vmem_shared>>
    tpu.enqueue_indirect_dma source(%arg6 : memref<128x128xf32, #tpu.memory_space<vmem>>) target(%dma_start3A_59 : memref<10240x128xf32, #tpu.memory_space<vmem_shared>>) offsets(%dma_start3A_56 : memref<128xi32, #tpu.memory_space<vmem>>) semaphore(%arg14 : memref<!tpu.dma_semaphore, #tpu.memory_space<semaphore_mem>>) {add = true}
    %dma_wait3A_60 = arith.constant 0 : i32
    %dma_wait3A_61 = arith.constant 0 : i32
    %dma_wait3A_62 = arith.constant 0 : i32
    %dma_wait3A_63 = tpu.memref_slice %arg3[%dma_wait3A_60, %dma_wait3A_61, %dma_wait3A_62] : memref<2560x2x128xi32, #tpu.memory_space<hbm>> -> memref<1x2x128xi32, #tpu.memory_space<hbm>>
    %dma_wait3A_64 = tpu.memref_squeeze %dma_wait3A_63 : memref<1x2x128xi32, #tpu.memory_space<hbm>> -> memref<2x128xi32, #tpu.memory_space<hbm>>
    %dma_wait3A_65 = arith.constant 0 : i32
    %dma_wait3A_66 = arith.constant 0 : i32
    %dma_wait3A_67 = tpu.memref_slice %arg3[%dma_wait3A_60, %dma_wait3A_65, %dma_wait3A_66] : memref<2560x2x128xi32, #tpu.memory_space<hbm>> -> memref<1x2x128xi32, #tpu.memory_space<hbm>>
    %dma_wait3A_68 = tpu.memref_squeeze %dma_wait3A_67 : memref<1x2x128xi32, #tpu.memory_space<hbm>> -> memref<2x128xi32, #tpu.memory_space<hbm>>
    tpu.wait_dma2 semaphore(%arg17 : memref<!tpu.dma_semaphore, #tpu.memory_space<semaphore_mem>>) src(%dma_wait3A_68 : memref<2x128xi32, #tpu.memory_space<hbm>>) dst(%arg9 : memref<2x128xi32, #tpu.memory_space<vmem>>)
    %dma_start3A_69 = arith.constant 0 : i32
    %dma_start3A_70 = arith.constant 0 : i32
    %dma_start3A_71 = tpu.memref_slice %arg9[%dma_start3A_69, %dma_start3A_70] : memref<2x128xi32, #tpu.memory_space<vmem>> -> memref<1x128xi32, #tpu.memory_space<vmem>>
    %dma_start3A_72 = tpu.memref_squeeze %dma_start3A_71 : memref<1x128xi32, #tpu.memory_space<vmem>> -> memref<128xi32, #tpu.memory_space<vmem>>
    %dma_start3A_73 = arith.constant 0 : i32
    %dma_start3A_74 = arith.constant 0 : i32
    %dma_start3A_75 = tpu.memref_slice %arg2[%dma_start3A_73, %dma_start3A_74] : memref<10000x128xf32, #tpu.memory_space<hbm>> -> memref<10000x128xf32, #tpu.memory_space<hbm>>
    tpu.enqueue_indirect_dma source(%dma_start3A_75 : memref<10000x128xf32, #tpu.memory_space<hbm>>) target(%arg7 : memref<128x128xf32, #tpu.memory_space<vmem>>) offsets(%dma_start3A_72 : memref<128xi32, #tpu.memory_space<vmem>>) semaphore(%arg13 : memref<!tpu.dma_semaphore, #tpu.memory_space<semaphore_mem>>)
    %add3A_76 = arith.constant 0 : i32
    %add3A_77 = arith.addi %mul3A_2, %add3A_76 : i32
    %add3A_78 = arith.constant 2 : i32
    %add3A_79 = arith.addi %add3A_77, %add3A_78 : i32
    %dma_start3A_80 = arith.constant 0 : i32
    %dma_start3A_81 = arith.constant 0 : i32
    %dma_start3A_82 = tpu.memref_slice %arg3[%add3A_79, %dma_start3A_80, %dma_start3A_81] : memref<2560x2x128xi32, #tpu.memory_space<hbm>> -> memref<1x2x128xi32, #tpu.memory_space<hbm>>
    %dma_start3A_83 = tpu.memref_squeeze %dma_start3A_82 : memref<1x2x128xi32, #tpu.memory_space<hbm>> -> memref<2x128xi32, #tpu.memory_space<hbm>>
    %dma_start3A_84 = arith.constant 0 : i32
    %dma_start3A_85 = arith.constant 0 : i32
    %dma_start3A_86 = tpu.memref_slice %arg3[%add3A_79, %dma_start3A_84, %dma_start3A_85] : memref<2560x2x128xi32, #tpu.memory_space<hbm>> -> memref<1x2x128xi32, #tpu.memory_space<hbm>>
    %dma_start3A_87 = tpu.memref_squeeze %dma_start3A_86 : memref<1x2x128xi32, #tpu.memory_space<hbm>> -> memref<2x128xi32, #tpu.memory_space<hbm>>
    tpu.enqueue_dma source(%dma_start3A_87 : memref<2x128xi32, #tpu.memory_space<hbm>>) target(%arg10 : memref<2x128xi32, #tpu.memory_space<vmem>>) target_semaphore(%arg18 : memref<!tpu.dma_semaphore, #tpu.memory_space<semaphore_mem>>)
    %dma_wait3A_88 = arith.constant 0 : i32
    %dma_wait3A_89 = arith.constant 0 : i32
    %dma_wait3A_90 = tpu.memref_slice %arg2[%dma_wait3A_88, %dma_wait3A_89] : memref<10000x128xf32, #tpu.memory_space<hbm>> -> memref<128x128xf32, #tpu.memory_space<hbm>>
    %dma_wait3A_91 = arith.constant 0 : i32
    %dma_wait3A_92 = arith.constant 0 : i32
    %dma_wait3A_93 = tpu.memref_slice %arg2[%dma_wait3A_91, %dma_wait3A_92] : memref<10000x128xf32, #tpu.memory_space<hbm>> -> memref<128x128xf32, #tpu.memory_space<hbm>>
    tpu.wait_dma2 semaphore(%arg13 : memref<!tpu.dma_semaphore, #tpu.memory_space<semaphore_mem>>) src(%dma_wait3A_93 : memref<128x128xf32, #tpu.memory_space<hbm>>) dst(%arg7 : memref<128x128xf32, #tpu.memory_space<vmem>>)
    %dma_wait3A_94 = arith.constant 0 : i32
    %dma_wait3A_95 = arith.constant 0 : i32
    %dma_wait3A_96 = tpu.memref_slice %arg2[%dma_wait3A_94, %dma_wait3A_95] : memref<10000x128xf32, #tpu.memory_space<hbm>> -> memref<128x128xf32, #tpu.memory_space<hbm>>
    %dma_wait3A_97 = arith.constant 0 : i32
    %dma_wait3A_98 = arith.constant 0 : i32
    %dma_wait3A_99 = tpu.memref_slice %arg2[%dma_wait3A_97, %dma_wait3A_98] : memref<10000x128xf32, #tpu.memory_space<hbm>> -> memref<128x128xf32, #tpu.memory_space<hbm>>
    tpu.wait_dma2 semaphore(%arg14 : memref<!tpu.dma_semaphore, #tpu.memory_space<semaphore_mem>>) src(%dma_wait3A_99 : memref<128x128xf32, #tpu.memory_space<hbm>>) dst(%arg6 : memref<128x128xf32, #tpu.memory_space<vmem>>)
    %dma_start3A_100 = arith.constant 1 : i32
    %dma_start3A_101 = arith.constant 0 : i32
    %dma_start3A_102 = tpu.memref_slice %arg9[%dma_start3A_100, %dma_start3A_101] : memref<2x128xi32, #tpu.memory_space<vmem>> -> memref<1x128xi32, #tpu.memory_space<vmem>>
    %dma_start3A_103 = tpu.memref_squeeze %dma_start3A_102 : memref<1x128xi32, #tpu.memory_space<vmem>> -> memref<128xi32, #tpu.memory_space<vmem>>
    %dma_start3A_104 = arith.constant 0 : i32
    %dma_start3A_105 = arith.constant 0 : i32
    %dma_start3A_106 = tpu.memref_slice %arg5[%dma_start3A_104, %dma_start3A_105] : memref<10240x128xf32, #tpu.memory_space<vmem_shared>> -> memref<10240x128xf32, #tpu.memory_space<vmem_shared>>
    tpu.enqueue_indirect_dma source(%arg7 : memref<128x128xf32, #tpu.memory_space<vmem>>) target(%dma_start3A_106 : memref<10240x128xf32, #tpu.memory_space<vmem_shared>>) offsets(%dma_start3A_103 : memref<128xi32, #tpu.memory_space<vmem>>) semaphore(%arg15 : memref<!tpu.dma_semaphore, #tpu.memory_space<semaphore_mem>>) {add = true}
    %dma_wait3A_107 = arith.constant 0 : i32
    %dma_wait3A_108 = arith.constant 0 : i32
    %dma_wait3A_109 = arith.constant 0 : i32
    %dma_wait3A_110 = tpu.memref_slice %arg3[%dma_wait3A_107, %dma_wait3A_108, %dma_wait3A_109] : memref<2560x2x128xi32, #tpu.memory_space<hbm>> -> memref<1x2x128xi32, #tpu.memory_space<hbm>>
    %dma_wait3A_111 = tpu.memref_squeeze %dma_wait3A_110 : memref<1x2x128xi32, #tpu.memory_space<hbm>> -> memref<2x128xi32, #tpu.memory_space<hbm>>
    %dma_wait3A_112 = arith.constant 0 : i32
    %dma_wait3A_113 = arith.constant 0 : i32
    %dma_wait3A_114 = tpu.memref_slice %arg3[%dma_wait3A_107, %dma_wait3A_112, %dma_wait3A_113] : memref<2560x2x128xi32, #tpu.memory_space<hbm>> -> memref<1x2x128xi32, #tpu.memory_space<hbm>>
    %dma_wait3A_115 = tpu.memref_squeeze %dma_wait3A_114 : memref<1x2x128xi32, #tpu.memory_space<hbm>> -> memref<2x128xi32, #tpu.memory_space<hbm>>
    tpu.wait_dma2 semaphore(%arg18 : memref<!tpu.dma_semaphore, #tpu.memory_space<semaphore_mem>>) src(%dma_wait3A_115 : memref<2x128xi32, #tpu.memory_space<hbm>>) dst(%arg10 : memref<2x128xi32, #tpu.memory_space<vmem>>)
    %dma_start3A_116 = arith.constant 0 : i32
    %dma_start3A_117 = arith.constant 0 : i32
    %dma_start3A_118 = tpu.memref_slice %arg10[%dma_start3A_116, %dma_start3A_117] : memref<2x128xi32, #tpu.memory_space<vmem>> -> memref<1x128xi32, #tpu.memory_space<vmem>>
    %dma_start3A_119 = tpu.memref_squeeze %dma_start3A_118 : memref<1x128xi32, #tpu.memory_space<vmem>> -> memref<128xi32, #tpu.memory_space<vmem>>
    %dma_start3A_120 = arith.constant 0 : i32
    %dma_start3A_121 = arith.constant 0 : i32
    %dma_start3A_122 = tpu.memref_slice %arg2[%dma_start3A_120, %dma_start3A_121] : memref<10000x128xf32, #tpu.memory_space<hbm>> -> memref<10000x128xf32, #tpu.memory_space<hbm>>
    tpu.enqueue_indirect_dma source(%dma_start3A_122 : memref<10000x128xf32, #tpu.memory_space<hbm>>) target(%arg6 : memref<128x128xf32, #tpu.memory_space<vmem>>) offsets(%dma_start3A_119 : memref<128xi32, #tpu.memory_space<vmem>>) semaphore(%arg12 : memref<!tpu.dma_semaphore, #tpu.memory_space<semaphore_mem>>)
    %add3A_123 = arith.constant 1 : i32
    %add3A_124 = arith.addi %mul3A_2, %add3A_123 : i32
    %add3A_125 = arith.constant 2 : i32
    %add3A_126 = arith.addi %add3A_124, %add3A_125 : i32
    %dma_start3A_127 = arith.constant 0 : i32
    %dma_start3A_128 = arith.constant 0 : i32
    %dma_start3A_129 = tpu.memref_slice %arg3[%add3A_126, %dma_start3A_127, %dma_start3A_128] : memref<2560x2x128xi32, #tpu.memory_space<hbm>> -> memref<1x2x128xi32, #tpu.memory_space<hbm>>
    %dma_start3A_130 = tpu.memref_squeeze %dma_start3A_129 : memref<1x2x128xi32, #tpu.memory_space<hbm>> -> memref<2x128xi32, #tpu.memory_space<hbm>>
    %dma_start3A_131 = arith.constant 0 : i32
    %dma_start3A_132 = arith.constant 0 : i32
    %dma_start3A_133 = tpu.memref_slice %arg3[%add3A_126, %dma_start3A_131, %dma_start3A_132] : memref<2560x2x128xi32, #tpu.memory_space<hbm>> -> memref<1x2x128xi32, #tpu.memory_space<hbm>>
    %dma_start3A_134 = tpu.memref_squeeze %dma_start3A_133 : memref<1x2x128xi32, #tpu.memory_space<hbm>> -> memref<2x128xi32, #tpu.memory_space<hbm>>
    tpu.enqueue_dma source(%dma_start3A_134 : memref<2x128xi32, #tpu.memory_space<hbm>>) target(%arg11 : memref<2x128xi32, #tpu.memory_space<vmem>>) target_semaphore(%arg19 : memref<!tpu.dma_semaphore, #tpu.memory_space<semaphore_mem>>)
    %scan3A_135 = arith.constant 0 : i32
    %scan3A_136 = arith.constant 0 : i32
    %scan3A_137 = arith.constant 19 : i32
    %scan3A_138 = arith.addi %scan3A_136, %scan3A_137 : i32
    %scan3A_139 = arith.constant 1 : i32
    scf.for %scan3A_206 = %scan3A_136 to %scan3A_138 step %scan3A_139  : i32 {
      %mul3A_207 = arith.constant 4 : i32
      %mul3A_208 = arith.muli %mul3A_207, %scan3A_206 : i32
      %add3A_209 = arith.constant 2 : i32
      %add3A_210 = arith.addi %add3A_209, %mul3A_208 : i32
      %add3A_211 = arith.constant 0 : i32
      %add3A_212 = arith.addi %add3A_210, %add3A_211 : i32
      %dma_wait3A_213 = arith.constant 0 : i32
      %dma_wait3A_214 = arith.constant 0 : i32
      %dma_wait3A_215 = tpu.memref_slice %arg2[%dma_wait3A_213, %dma_wait3A_214] : memref<10000x128xf32, #tpu.memory_space<hbm>> -> memref<128x128xf32, #tpu.memory_space<hbm>>
      %dma_wait3A_216 = arith.constant 0 : i32
      %dma_wait3A_217 = arith.constant 0 : i32
      %dma_wait3A_218 = tpu.memref_slice %arg2[%dma_wait3A_216, %dma_wait3A_217] : memref<10000x128xf32, #tpu.memory_space<hbm>> -> memref<128x128xf32, #tpu.memory_space<hbm>>
      tpu.wait_dma2 semaphore(%arg12 : memref<!tpu.dma_semaphore, #tpu.memory_space<semaphore_mem>>) src(%dma_wait3A_218 : memref<128x128xf32, #tpu.memory_space<hbm>>) dst(%arg6 : memref<128x128xf32, #tpu.memory_space<vmem>>)
      %dma_wait3A_219 = arith.constant 0 : i32
      %dma_wait3A_220 = arith.constant 0 : i32
      %dma_wait3A_221 = tpu.memref_slice %arg2[%dma_wait3A_219, %dma_wait3A_220] : memref<10000x128xf32, #tpu.memory_space<hbm>> -> memref<128x128xf32, #tpu.memory_space<hbm>>
      %dma_wait3A_222 = arith.constant 0 : i32
      %dma_wait3A_223 = arith.constant 0 : i32
      %dma_wait3A_224 = tpu.memref_slice %arg2[%dma_wait3A_222, %dma_wait3A_223] : memref<10000x128xf32, #tpu.memory_space<hbm>> -> memref<128x128xf32, #tpu.memory_space<hbm>>
      tpu.wait_dma2 semaphore(%arg15 : memref<!tpu.dma_semaphore, #tpu.memory_space<semaphore_mem>>) src(%dma_wait3A_224 : memref<128x128xf32, #tpu.memory_space<hbm>>) dst(%arg7 : memref<128x128xf32, #tpu.memory_space<vmem>>)
      %dma_start3A_225 = arith.constant 1 : i32
      %dma_start3A_226 = arith.constant 0 : i32
      %dma_start3A_227 = tpu.memref_slice %arg10[%dma_start3A_225, %dma_start3A_226] : memref<2x128xi32, #tpu.memory_space<vmem>> -> memref<1x128xi32, #tpu.memory_space<vmem>>
      %dma_start3A_228 = tpu.memref_squeeze %dma_start3A_227 : memref<1x128xi32, #tpu.memory_space<vmem>> -> memref<128xi32, #tpu.memory_space<vmem>>
      %dma_start3A_229 = arith.constant 0 : i32
      %dma_start3A_230 = arith.constant 0 : i32
      %dma_start3A_231 = tpu.memref_slice %arg5[%dma_start3A_229, %dma_start3A_230] : memref<10240x128xf32, #tpu.memory_space<vmem_shared>> -> memref<10240x128xf32, #tpu.memory_space<vmem_shared>>
      tpu.enqueue_indirect_dma source(%arg6 : memref<128x128xf32, #tpu.memory_space<vmem>>) target(%dma_start3A_231 : memref<10240x128xf32, #tpu.memory_space<vmem_shared>>) offsets(%dma_start3A_228 : memref<128xi32, #tpu.memory_space<vmem>>) semaphore(%arg14 : memref<!tpu.dma_semaphore, #tpu.memory_space<semaphore_mem>>) {add = true}
      %dma_wait3A_232 = arith.constant 0 : i32
      %dma_wait3A_233 = arith.constant 0 : i32
      %dma_wait3A_234 = arith.constant 0 : i32
      %dma_wait3A_235 = tpu.memref_slice %arg3[%dma_wait3A_232, %dma_wait3A_233, %dma_wait3A_234] : memref<2560x2x128xi32, #tpu.memory_space<hbm>> -> memref<1x2x128xi32, #tpu.memory_space<hbm>>
      %dma_wait3A_236 = tpu.memref_squeeze %dma_wait3A_235 : memref<1x2x128xi32, #tpu.memory_space<hbm>> -> memref<2x128xi32, #tpu.memory_space<hbm>>
      %dma_wait3A_237 = arith.constant 0 : i32
      %dma_wait3A_238 = arith.constant 0 : i32
      %dma_wait3A_239 = tpu.memref_slice %arg3[%dma_wait3A_232, %dma_wait3A_237, %dma_wait3A_238] : memref<2560x2x128xi32, #tpu.memory_space<hbm>> -> memref<1x2x128xi32, #tpu.memory_space<hbm>>
      %dma_wait3A_240 = tpu.memref_squeeze %dma_wait3A_239 : memref<1x2x128xi32, #tpu.memory_space<hbm>> -> memref<2x128xi32, #tpu.memory_space<hbm>>
      tpu.wait_dma2 semaphore(%arg19 : memref<!tpu.dma_semaphore, #tpu.memory_space<semaphore_mem>>) src(%dma_wait3A_240 : memref<2x128xi32, #tpu.memory_space<hbm>>) dst(%arg11 : memref<2x128xi32, #tpu.memory_space<vmem>>)
      %dma_start3A_241 = arith.constant 0 : i32
      %dma_start3A_242 = arith.constant 0 : i32
      %dma_start3A_243 = tpu.memref_slice %arg11[%dma_start3A_241, %dma_start3A_242] : memref<2x128xi32, #tpu.memory_space<vmem>> -> memref<1x128xi32, #tpu.memory_space<vmem>>
      %dma_start3A_244 = tpu.memref_squeeze %dma_start3A_243 : memref<1x128xi32, #tpu.memory_space<vmem>> -> memref<128xi32, #tpu.memory_space<vmem>>
      %dma_start3A_245 = arith.constant 0 : i32
      %dma_start3A_246 = arith.constant 0 : i32
      %dma_start3A_247 = tpu.memref_slice %arg2[%dma_start3A_245, %dma_start3A_246] : memref<10000x128xf32, #tpu.memory_space<hbm>> -> memref<10000x128xf32, #tpu.memory_space<hbm>>
      tpu.enqueue_indirect_dma source(%dma_start3A_247 : memref<10000x128xf32, #tpu.memory_space<hbm>>) target(%arg7 : memref<128x128xf32, #tpu.memory_space<vmem>>) offsets(%dma_start3A_244 : memref<128xi32, #tpu.memory_space<vmem>>) semaphore(%arg13 : memref<!tpu.dma_semaphore, #tpu.memory_space<semaphore_mem>>)
      %add3A_248 = arith.addi %mul3A_2, %add3A_212 : i32
      %add3A_249 = arith.constant 2 : i32
      %add3A_250 = arith.addi %add3A_248, %add3A_249 : i32
      %dma_start3A_251 = arith.constant 0 : i32
      %dma_start3A_252 = arith.constant 0 : i32
      %dma_start3A_253 = tpu.memref_slice %arg3[%add3A_250, %dma_start3A_251, %dma_start3A_252] : memref<2560x2x128xi32, #tpu.memory_space<hbm>> -> memref<1x2x128xi32, #tpu.memory_space<hbm>>
      %dma_start3A_254 = tpu.memref_squeeze %dma_start3A_253 : memref<1x2x128xi32, #tpu.memory_space<hbm>> -> memref<2x128xi32, #tpu.memory_space<hbm>>
      %dma_start3A_255 = arith.constant 0 : i32
      %dma_start3A_256 = arith.constant 0 : i32
      %dma_start3A_257 = tpu.memref_slice %arg3[%add3A_250, %dma_start3A_255, %dma_start3A_256] : memref<2560x2x128xi32, #tpu.memory_space<hbm>> -> memref<1x2x128xi32, #tpu.memory_space<hbm>>
      %dma_start3A_258 = tpu.memref_squeeze %dma_start3A_257 : memref<1x2x128xi32, #tpu.memory_space<hbm>> -> memref<2x128xi32, #tpu.memory_space<hbm>>
      tpu.enqueue_dma source(%dma_start3A_258 : memref<2x128xi32, #tpu.memory_space<hbm>>) target(%arg8 : memref<2x128xi32, #tpu.memory_space<vmem>>) target_semaphore(%arg16 : memref<!tpu.dma_semaphore, #tpu.memory_space<semaphore_mem>>)
      %add3A_259 = arith.constant 1 : i32
      %add3A_260 = arith.addi %add3A_210, %add3A_259 : i32
      %dma_wait3A_261 = arith.constant 0 : i32
      %dma_wait3A_262 = arith.constant 0 : i32
      %dma_wait3A_263 = tpu.memref_slice %arg2[%dma_wait3A_261, %dma_wait3A_262] : memref<10000x128xf32, #tpu.memory_space<hbm>> -> memref<128x128xf32, #tpu.memory_space<hbm>>
      %dma_wait3A_264 = arith.constant 0 : i32
      %dma_wait3A_265 = arith.constant 0 : i32
      %dma_wait3A_266 = tpu.memref_slice %arg2[%dma_wait3A_264, %dma_wait3A_265] : memref<10000x128xf32, #tpu.memory_space<hbm>> -> memref<128x128xf32, #tpu.memory_space<hbm>>
      tpu.wait_dma2 semaphore(%arg13 : memref<!tpu.dma_semaphore, #tpu.memory_space<semaphore_mem>>) src(%dma_wait3A_266 : memref<128x128xf32, #tpu.memory_space<hbm>>) dst(%arg7 : memref<128x128xf32, #tpu.memory_space<vmem>>)
      %dma_wait3A_267 = arith.constant 0 : i32
      %dma_wait3A_268 = arith.constant 0 : i32
      %dma_wait3A_269 = tpu.memref_slice %arg2[%dma_wait3A_267, %dma_wait3A_268] : memref<10000x128xf32, #tpu.memory_space<hbm>> -> memref<128x128xf32, #tpu.memory_space<hbm>>
      %dma_wait3A_270 = arith.constant 0 : i32
      %dma_wait3A_271 = arith.constant 0 : i32
      %dma_wait3A_272 = tpu.memref_slice %arg2[%dma_wait3A_270, %dma_wait3A_271] : memref<10000x128xf32, #tpu.memory_space<hbm>> -> memref<128x128xf32, #tpu.memory_space<hbm>>
      tpu.wait_dma2 semaphore(%arg14 : memref<!tpu.dma_semaphore, #tpu.memory_space<semaphore_mem>>) src(%dma_wait3A_272 : memref<128x128xf32, #tpu.memory_space<hbm>>) dst(%arg6 : memref<128x128xf32, #tpu.memory_space<vmem>>)
      %dma_start3A_273 = arith.constant 1 : i32
      %dma_start3A_274 = arith.constant 0 : i32
      %dma_start3A_275 = tpu.memref_slice %arg11[%dma_start3A_273, %dma_start3A_274] : memref<2x128xi32, #tpu.memory_space<vmem>> -> memref<1x128xi32, #tpu.memory_space<vmem>>
      %dma_start3A_276 = tpu.memref_squeeze %dma_start3A_275 : memref<1x128xi32, #tpu.memory_space<vmem>> -> memref<128xi32, #tpu.memory_space<vmem>>
      %dma_start3A_277 = arith.constant 0 : i32
      %dma_start3A_278 = arith.constant 0 : i32
      %dma_start3A_279 = tpu.memref_slice %arg5[%dma_start3A_277, %dma_start3A_278] : memref<10240x128xf32, #tpu.memory_space<vmem_shared>> -> memref<10240x128xf32, #tpu.memory_space<vmem_shared>>
      tpu.enqueue_indirect_dma source(%arg7 : memref<128x128xf32, #tpu.memory_space<vmem>>) target(%dma_start3A_279 : memref<10240x128xf32, #tpu.memory_space<vmem_shared>>) offsets(%dma_start3A_276 : memref<128xi32, #tpu.memory_space<vmem>>) semaphore(%arg15 : memref<!tpu.dma_semaphore, #tpu.memory_space<semaphore_mem>>) {add = true}
      %dma_wait3A_280 = arith.constant 0 : i32
      %dma_wait3A_281 = arith.constant 0 : i32
      %dma_wait3A_282 = arith.constant 0 : i32
      %dma_wait3A_283 = tpu.memref_slice %arg3[%dma_wait3A_280, %dma_wait3A_281, %dma_wait3A_282] : memref<2560x2x128xi32, #tpu.memory_space<hbm>> -> memref<1x2x128xi32, #tpu.memory_space<hbm>>
      %dma_wait3A_284 = tpu.memref_squeeze %dma_wait3A_283 : memref<1x2x128xi32, #tpu.memory_space<hbm>> -> memref<2x128xi32, #tpu.memory_space<hbm>>
      %dma_wait3A_285 = arith.constant 0 : i32
      %dma_wait3A_286 = arith.constant 0 : i32
      %dma_wait3A_287 = tpu.memref_slice %arg3[%dma_wait3A_280, %dma_wait3A_285, %dma_wait3A_286] : memref<2560x2x128xi32, #tpu.memory_space<hbm>> -> memref<1x2x128xi32, #tpu.memory_space<hbm>>
      %dma_wait3A_288 = tpu.memref_squeeze %dma_wait3A_287 : memref<1x2x128xi32, #tpu.memory_space<hbm>> -> memref<2x128xi32, #tpu.memory_space<hbm>>
      tpu.wait_dma2 semaphore(%arg16 : memref<!tpu.dma_semaphore, #tpu.memory_space<semaphore_mem>>) src(%dma_wait3A_288 : memref<2x128xi32, #tpu.memory_space<hbm>>) dst(%arg8 : memref<2x128xi32, #tpu.memory_space<vmem>>)
      %dma_start3A_289 = arith.constant 0 : i32
      %dma_start3A_290 = arith.constant 0 : i32
      %dma_start3A_291 = tpu.memref_slice %arg8[%dma_start3A_289, %dma_start3A_290] : memref<2x128xi32, #tpu.memory_space<vmem>> -> memref<1x128xi32, #tpu.memory_space<vmem>>
      %dma_start3A_292 = tpu.memref_squeeze %dma_start3A_291 : memref<1x128xi32, #tpu.memory_space<vmem>> -> memref<128xi32, #tpu.memory_space<vmem>>
      %dma_start3A_293 = arith.constant 0 : i32
      %dma_start3A_294 = arith.constant 0 : i32
      %dma_start3A_295 = tpu.memref_slice %arg2[%dma_start3A_293, %dma_start3A_294] : memref<10000x128xf32, #tpu.memory_space<hbm>> -> memref<10000x128xf32, #tpu.memory_space<hbm>>
      tpu.enqueue_indirect_dma source(%dma_start3A_295 : memref<10000x128xf32, #tpu.memory_space<hbm>>) target(%arg6 : memref<128x128xf32, #tpu.memory_space<vmem>>) offsets(%dma_start3A_292 : memref<128xi32, #tpu.memory_space<vmem>>) semaphore(%arg12 : memref<!tpu.dma_semaphore, #tpu.memory_space<semaphore_mem>>)
      %add3A_296 = arith.addi %mul3A_2, %add3A_260 : i32
      %add3A_297 = arith.constant 2 : i32
      %add3A_298 = arith.addi %add3A_296, %add3A_297 : i32
      %dma_start3A_299 = arith.constant 0 : i32
      %dma_start3A_300 = arith.constant 0 : i32
      %dma_start3A_301 = tpu.memref_slice %arg3[%add3A_298, %dma_start3A_299, %dma_start3A_300] : memref<2560x2x128xi32, #tpu.memory_space<hbm>> -> memref<1x2x128xi32, #tpu.memory_space<hbm>>
      %dma_start3A_302 = tpu.memref_squeeze %dma_start3A_301 : memref<1x2x128xi32, #tpu.memory_space<hbm>> -> memref<2x128xi32, #tpu.memory_space<hbm>>
      %dma_start3A_303 = arith.constant 0 : i32
      %dma_start3A_304 = arith.constant 0 : i32
      %dma_start3A_305 = tpu.memref_slice %arg3[%add3A_298, %dma_start3A_303, %dma_start3A_304] : memref<2560x2x128xi32, #tpu.memory_space<hbm>> -> memref<1x2x128xi32, #tpu.memory_space<hbm>>
      %dma_start3A_306 = tpu.memref_squeeze %dma_start3A_305 : memref<1x2x128xi32, #tpu.memory_space<hbm>> -> memref<2x128xi32, #tpu.memory_space<hbm>>
      tpu.enqueue_dma source(%dma_start3A_306 : memref<2x128xi32, #tpu.memory_space<hbm>>) target(%arg9 : memref<2x128xi32, #tpu.memory_space<vmem>>) target_semaphore(%arg17 : memref<!tpu.dma_semaphore, #tpu.memory_space<semaphore_mem>>)
      %add3A_307 = arith.constant 2 : i32
      %add3A_308 = arith.addi %add3A_210, %add3A_307 : i32
      %dma_wait3A_309 = arith.constant 0 : i32
      %dma_wait3A_310 = arith.constant 0 : i32
      %dma_wait3A_311 = tpu.memref_slice %arg2[%dma_wait3A_309, %dma_wait3A_310] : memref<10000x128xf32, #tpu.memory_space<hbm>> -> memref<128x128xf32, #tpu.memory_space<hbm>>
      %dma_wait3A_312 = arith.constant 0 : i32
      %dma_wait3A_313 = arith.constant 0 : i32
      %dma_wait3A_314 = tpu.memref_slice %arg2[%dma_wait3A_312, %dma_wait3A_313] : memref<10000x128xf32, #tpu.memory_space<hbm>> -> memref<128x128xf32, #tpu.memory_space<hbm>>
      tpu.wait_dma2 semaphore(%arg12 : memref<!tpu.dma_semaphore, #tpu.memory_space<semaphore_mem>>) src(%dma_wait3A_314 : memref<128x128xf32, #tpu.memory_space<hbm>>) dst(%arg6 : memref<128x128xf32, #tpu.memory_space<vmem>>)
      %dma_wait3A_315 = arith.constant 0 : i32
      %dma_wait3A_316 = arith.constant 0 : i32
      %dma_wait3A_317 = tpu.memref_slice %arg2[%dma_wait3A_315, %dma_wait3A_316] : memref<10000x128xf32, #tpu.memory_space<hbm>> -> memref<128x128xf32, #tpu.memory_space<hbm>>
      %dma_wait3A_318 = arith.constant 0 : i32
      %dma_wait3A_319 = arith.constant 0 : i32
      %dma_wait3A_320 = tpu.memref_slice %arg2[%dma_wait3A_318, %dma_wait3A_319] : memref<10000x128xf32, #tpu.memory_space<hbm>> -> memref<128x128xf32, #tpu.memory_space<hbm>>
      tpu.wait_dma2 semaphore(%arg15 : memref<!tpu.dma_semaphore, #tpu.memory_space<semaphore_mem>>) src(%dma_wait3A_320 : memref<128x128xf32, #tpu.memory_space<hbm>>) dst(%arg7 : memref<128x128xf32, #tpu.memory_space<vmem>>)
      %dma_start3A_321 = arith.constant 1 : i32
      %dma_start3A_322 = arith.constant 0 : i32
      %dma_start3A_323 = tpu.memref_slice %arg8[%dma_start3A_321, %dma_start3A_322] : memref<2x128xi32, #tpu.memory_space<vmem>> -> memref<1x128xi32, #tpu.memory_space<vmem>>
      %dma_start3A_324 = tpu.memref_squeeze %dma_start3A_323 : memref<1x128xi32, #tpu.memory_space<vmem>> -> memref<128xi32, #tpu.memory_space<vmem>>
      %dma_start3A_325 = arith.constant 0 : i32
      %dma_start3A_326 = arith.constant 0 : i32
      %dma_start3A_327 = tpu.memref_slice %arg5[%dma_start3A_325, %dma_start3A_326] : memref<10240x128xf32, #tpu.memory_space<vmem_shared>> -> memref<10240x128xf32, #tpu.memory_space<vmem_shared>>
      tpu.enqueue_indirect_dma source(%arg6 : memref<128x128xf32, #tpu.memory_space<vmem>>) target(%dma_start3A_327 : memref<10240x128xf32, #tpu.memory_space<vmem_shared>>) offsets(%dma_start3A_324 : memref<128xi32, #tpu.memory_space<vmem>>) semaphore(%arg14 : memref<!tpu.dma_semaphore, #tpu.memory_space<semaphore_mem>>) {add = true}
      %dma_wait3A_328 = arith.constant 0 : i32
      %dma_wait3A_329 = arith.constant 0 : i32
      %dma_wait3A_330 = arith.constant 0 : i32
      %dma_wait3A_331 = tpu.memref_slice %arg3[%dma_wait3A_328, %dma_wait3A_329, %dma_wait3A_330] : memref<2560x2x128xi32, #tpu.memory_space<hbm>> -> memref<1x2x128xi32, #tpu.memory_space<hbm>>
      %dma_wait3A_332 = tpu.memref_squeeze %dma_wait3A_331 : memref<1x2x128xi32, #tpu.memory_space<hbm>> -> memref<2x128xi32, #tpu.memory_space<hbm>>
      %dma_wait3A_333 = arith.constant 0 : i32
      %dma_wait3A_334 = arith.constant 0 : i32
      %dma_wait3A_335 = tpu.memref_slice %arg3[%dma_wait3A_328, %dma_wait3A_333, %dma_wait3A_334] : memref<2560x2x128xi32, #tpu.memory_space<hbm>> -> memref<1x2x128xi32, #tpu.memory_space<hbm>>
      %dma_wait3A_336 = tpu.memref_squeeze %dma_wait3A_335 : memref<1x2x128xi32, #tpu.memory_space<hbm>> -> memref<2x128xi32, #tpu.memory_space<hbm>>
      tpu.wait_dma2 semaphore(%arg17 : memref<!tpu.dma_semaphore, #tpu.memory_space<semaphore_mem>>) src(%dma_wait3A_336 : memref<2x128xi32, #tpu.memory_space<hbm>>) dst(%arg9 : memref<2x128xi32, #tpu.memory_space<vmem>>)
      %dma_start3A_337 = arith.constant 0 : i32
      %dma_start3A_338 = arith.constant 0 : i32
      %dma_start3A_339 = tpu.memref_slice %arg9[%dma_start3A_337, %dma_start3A_338] : memref<2x128xi32, #tpu.memory_space<vmem>> -> memref<1x128xi32, #tpu.memory_space<vmem>>
      %dma_start3A_340 = tpu.memref_squeeze %dma_start3A_339 : memref<1x128xi32, #tpu.memory_space<vmem>> -> memref<128xi32, #tpu.memory_space<vmem>>
      %dma_start3A_341 = arith.constant 0 : i32
      %dma_start3A_342 = arith.constant 0 : i32
      %dma_start3A_343 = tpu.memref_slice %arg2[%dma_start3A_341, %dma_start3A_342] : memref<10000x128xf32, #tpu.memory_space<hbm>> -> memref<10000x128xf32, #tpu.memory_space<hbm>>
      tpu.enqueue_indirect_dma source(%dma_start3A_343 : memref<10000x128xf32, #tpu.memory_space<hbm>>) target(%arg7 : memref<128x128xf32, #tpu.memory_space<vmem>>) offsets(%dma_start3A_340 : memref<128xi32, #tpu.memory_space<vmem>>) semaphore(%arg13 : memref<!tpu.dma_semaphore, #tpu.memory_space<semaphore_mem>>)
      %add3A_344 = arith.addi %mul3A_2, %add3A_308 : i32
      %add3A_345 = arith.constant 2 : i32
      %add3A_346 = arith.addi %add3A_344, %add3A_345 : i32
      %dma_start3A_347 = arith.constant 0 : i32
      %dma_start3A_348 = arith.constant 0 : i32
      %dma_start3A_349 = tpu.memref_slice %arg3[%add3A_346, %dma_start3A_347, %dma_start3A_348] : memref<2560x2x128xi32, #tpu.memory_space<hbm>> -> memref<1x2x128xi32, #tpu.memory_space<hbm>>
      %dma_start3A_350 = tpu.memref_squeeze %dma_start3A_349 : memref<1x2x128xi32, #tpu.memory_space<hbm>> -> memref<2x128xi32, #tpu.memory_space<hbm>>
      %dma_start3A_351 = arith.constant 0 : i32
      %dma_start3A_352 = arith.constant 0 : i32
      %dma_start3A_353 = tpu.memref_slice %arg3[%add3A_346, %dma_start3A_351, %dma_start3A_352] : memref<2560x2x128xi32, #tpu.memory_space<hbm>> -> memref<1x2x128xi32, #tpu.memory_space<hbm>>
      %dma_start3A_354 = tpu.memref_squeeze %dma_start3A_353 : memref<1x2x128xi32, #tpu.memory_space<hbm>> -> memref<2x128xi32, #tpu.memory_space<hbm>>
      tpu.enqueue_dma source(%dma_start3A_354 : memref<2x128xi32, #tpu.memory_space<hbm>>) target(%arg10 : memref<2x128xi32, #tpu.memory_space<vmem>>) target_semaphore(%arg18 : memref<!tpu.dma_semaphore, #tpu.memory_space<semaphore_mem>>)
      %add3A_355 = arith.constant 3 : i32
      %add3A_356 = arith.addi %add3A_210, %add3A_355 : i32
      %dma_wait3A_357 = arith.constant 0 : i32
      %dma_wait3A_358 = arith.constant 0 : i32
      %dma_wait3A_359 = tpu.memref_slice %arg2[%dma_wait3A_357, %dma_wait3A_358] : memref<10000x128xf32, #tpu.memory_space<hbm>> -> memref<128x128xf32, #tpu.memory_space<hbm>>
      %dma_wait3A_360 = arith.constant 0 : i32
      %dma_wait3A_361 = arith.constant 0 : i32
      %dma_wait3A_362 = tpu.memref_slice %arg2[%dma_wait3A_360, %dma_wait3A_361] : memref<10000x128xf32, #tpu.memory_space<hbm>> -> memref<128x128xf32, #tpu.memory_space<hbm>>
      tpu.wait_dma2 semaphore(%arg13 : memref<!tpu.dma_semaphore, #tpu.memory_space<semaphore_mem>>) src(%dma_wait3A_362 : memref<128x128xf32, #tpu.memory_space<hbm>>) dst(%arg7 : memref<128x128xf32, #tpu.memory_space<vmem>>)
      %dma_wait3A_363 = arith.constant 0 : i32
      %dma_wait3A_364 = arith.constant 0 : i32
      %dma_wait3A_365 = tpu.memref_slice %arg2[%dma_wait3A_363, %dma_wait3A_364] : memref<10000x128xf32, #tpu.memory_space<hbm>> -> memref<128x128xf32, #tpu.memory_space<hbm>>
      %dma_wait3A_366 = arith.constant 0 : i32
      %dma_wait3A_367 = arith.constant 0 : i32
      %dma_wait3A_368 = tpu.memref_slice %arg2[%dma_wait3A_366, %dma_wait3A_367] : memref<10000x128xf32, #tpu.memory_space<hbm>> -> memref<128x128xf32, #tpu.memory_space<hbm>>
      tpu.wait_dma2 semaphore(%arg14 : memref<!tpu.dma_semaphore, #tpu.memory_space<semaphore_mem>>) src(%dma_wait3A_368 : memref<128x128xf32, #tpu.memory_space<hbm>>) dst(%arg6 : memref<128x128xf32, #tpu.memory_space<vmem>>)
      %dma_start3A_369 = arith.constant 1 : i32
      %dma_start3A_370 = arith.constant 0 : i32
      %dma_start3A_371 = tpu.memref_slice %arg9[%dma_start3A_369, %dma_start3A_370] : memref<2x128xi32, #tpu.memory_space<vmem>> -> memref<1x128xi32, #tpu.memory_space<vmem>>
      %dma_start3A_372 = tpu.memref_squeeze %dma_start3A_371 : memref<1x128xi32, #tpu.memory_space<vmem>> -> memref<128xi32, #tpu.memory_space<vmem>>
      %dma_start3A_373 = arith.constant 0 : i32
      %dma_start3A_374 = arith.constant 0 : i32
      %dma_start3A_375 = tpu.memref_slice %arg5[%dma_start3A_373, %dma_start3A_374] : memref<10240x128xf32, #tpu.memory_space<vmem_shared>> -> memref<10240x128xf32, #tpu.memory_space<vmem_shared>>
      tpu.enqueue_indirect_dma source(%arg7 : memref<128x128xf32, #tpu.memory_space<vmem>>) target(%dma_start3A_375 : memref<10240x128xf32, #tpu.memory_space<vmem_shared>>) offsets(%dma_start3A_372 : memref<128xi32, #tpu.memory_space<vmem>>) semaphore(%arg15 : memref<!tpu.dma_semaphore, #tpu.memory_space<semaphore_mem>>) {add = true}
      %dma_wait3A_376 = arith.constant 0 : i32
      %dma_wait3A_377 = arith.constant 0 : i32
      %dma_wait3A_378 = arith.constant 0 : i32
      %dma_wait3A_379 = tpu.memref_slice %arg3[%dma_wait3A_376, %dma_wait3A_377, %dma_wait3A_378] : memref<2560x2x128xi32, #tpu.memory_space<hbm>> -> memref<1x2x128xi32, #tpu.memory_space<hbm>>
      %dma_wait3A_380 = tpu.memref_squeeze %dma_wait3A_379 : memref<1x2x128xi32, #tpu.memory_space<hbm>> -> memref<2x128xi32, #tpu.memory_space<hbm>>
      %dma_wait3A_381 = arith.constant 0 : i32
      %dma_wait3A_382 = arith.constant 0 : i32
      %dma_wait3A_383 = tpu.memref_slice %arg3[%dma_wait3A_376, %dma_wait3A_381, %dma_wait3A_382] : memref<2560x2x128xi32, #tpu.memory_space<hbm>> -> memref<1x2x128xi32, #tpu.memory_space<hbm>>
      %dma_wait3A_384 = tpu.memref_squeeze %dma_wait3A_383 : memref<1x2x128xi32, #tpu.memory_space<hbm>> -> memref<2x128xi32, #tpu.memory_space<hbm>>
      tpu.wait_dma2 semaphore(%arg18 : memref<!tpu.dma_semaphore, #tpu.memory_space<semaphore_mem>>) src(%dma_wait3A_384 : memref<2x128xi32, #tpu.memory_space<hbm>>) dst(%arg10 : memref<2x128xi32, #tpu.memory_space<vmem>>)
      %dma_start3A_385 = arith.constant 0 : i32
      %dma_start3A_386 = arith.constant 0 : i32
      %dma_start3A_387 = tpu.memref_slice %arg10[%dma_start3A_385, %dma_start3A_386] : memref<2x128xi32, #tpu.memory_space<vmem>> -> memref<1x128xi32, #tpu.memory_space<vmem>>
      %dma_start3A_388 = tpu.memref_squeeze %dma_start3A_387 : memref<1x128xi32, #tpu.memory_space<vmem>> -> memref<128xi32, #tpu.memory_space<vmem>>
      %dma_start3A_389 = arith.constant 0 : i32
      %dma_start3A_390 = arith.constant 0 : i32
      %dma_start3A_391 = tpu.memref_slice %arg2[%dma_start3A_389, %dma_start3A_390] : memref<10000x128xf32, #tpu.memory_space<hbm>> -> memref<10000x128xf32, #tpu.memory_space<hbm>>
      tpu.enqueue_indirect_dma source(%dma_start3A_391 : memref<10000x128xf32, #tpu.memory_space<hbm>>) target(%arg6 : memref<128x128xf32, #tpu.memory_space<vmem>>) offsets(%dma_start3A_388 : memref<128xi32, #tpu.memory_space<vmem>>) semaphore(%arg12 : memref<!tpu.dma_semaphore, #tpu.memory_space<semaphore_mem>>)
      %add3A_392 = arith.addi %mul3A_2, %add3A_356 : i32
      %add3A_393 = arith.constant 2 : i32
      %add3A_394 = arith.addi %add3A_392, %add3A_393 : i32
      %dma_start3A_395 = arith.constant 0 : i32
      %dma_start3A_396 = arith.constant 0 : i32
      %dma_start3A_397 = tpu.memref_slice %arg3[%add3A_394, %dma_start3A_395, %dma_start3A_396] : memref<2560x2x128xi32, #tpu.memory_space<hbm>> -> memref<1x2x128xi32, #tpu.memory_space<hbm>>
      %dma_start3A_398 = tpu.memref_squeeze %dma_start3A_397 : memref<1x2x128xi32, #tpu.memory_space<hbm>> -> memref<2x128xi32, #tpu.memory_space<hbm>>
      %dma_start3A_399 = arith.constant 0 : i32
      %dma_start3A_400 = arith.constant 0 : i32
      %dma_start3A_401 = tpu.memref_slice %arg3[%add3A_394, %dma_start3A_399, %dma_start3A_400] : memref<2560x2x128xi32, #tpu.memory_space<hbm>> -> memref<1x2x128xi32, #tpu.memory_space<hbm>>
      %dma_start3A_402 = tpu.memref_squeeze %dma_start3A_401 : memref<1x2x128xi32, #tpu.memory_space<hbm>> -> memref<2x128xi32, #tpu.memory_space<hbm>>
      tpu.enqueue_dma source(%dma_start3A_402 : memref<2x128xi32, #tpu.memory_space<hbm>>) target(%arg11 : memref<2x128xi32, #tpu.memory_space<vmem>>) target_semaphore(%arg19 : memref<!tpu.dma_semaphore, #tpu.memory_space<semaphore_mem>>)
    }
    %scan3A_140 = arith.constant 19 : i32
    %dma_wait3A_141 = arith.constant 0 : i32
    %dma_wait3A_142 = arith.constant 0 : i32
    %dma_wait3A_143 = tpu.memref_slice %arg2[%dma_wait3A_141, %dma_wait3A_142] : memref<10000x128xf32, #tpu.memory_space<hbm>> -> memref<128x128xf32, #tpu.memory_space<hbm>>
    %dma_wait3A_144 = arith.constant 0 : i32
    %dma_wait3A_145 = arith.constant 0 : i32
    %dma_wait3A_146 = tpu.memref_slice %arg2[%dma_wait3A_144, %dma_wait3A_145] : memref<10000x128xf32, #tpu.memory_space<hbm>> -> memref<128x128xf32, #tpu.memory_space<hbm>>
    tpu.wait_dma2 semaphore(%arg12 : memref<!tpu.dma_semaphore, #tpu.memory_space<semaphore_mem>>) src(%dma_wait3A_146 : memref<128x128xf32, #tpu.memory_space<hbm>>) dst(%arg6 : memref<128x128xf32, #tpu.memory_space<vmem>>)
    %dma_wait3A_147 = arith.constant 0 : i32
    %dma_wait3A_148 = arith.constant 0 : i32
    %dma_wait3A_149 = tpu.memref_slice %arg2[%dma_wait3A_147, %dma_wait3A_148] : memref<10000x128xf32, #tpu.memory_space<hbm>> -> memref<128x128xf32, #tpu.memory_space<hbm>>
    %dma_wait3A_150 = arith.constant 0 : i32
    %dma_wait3A_151 = arith.constant 0 : i32
    %dma_wait3A_152 = tpu.memref_slice %arg2[%dma_wait3A_150, %dma_wait3A_151] : memref<10000x128xf32, #tpu.memory_space<hbm>> -> memref<128x128xf32, #tpu.memory_space<hbm>>
    tpu.wait_dma2 semaphore(%arg15 : memref<!tpu.dma_semaphore, #tpu.memory_space<semaphore_mem>>) src(%dma_wait3A_152 : memref<128x128xf32, #tpu.memory_space<hbm>>) dst(%arg7 : memref<128x128xf32, #tpu.memory_space<vmem>>)
    %dma_start3A_153 = arith.constant 1 : i32
    %dma_start3A_154 = arith.constant 0 : i32
    %dma_start3A_155 = tpu.memref_slice %arg10[%dma_start3A_153, %dma_start3A_154] : memref<2x128xi32, #tpu.memory_space<vmem>> -> memref<1x128xi32, #tpu.memory_space<vmem>>
    %dma_start3A_156 = tpu.memref_squeeze %dma_start3A_155 : memref<1x128xi32, #tpu.memory_space<vmem>> -> memref<128xi32, #tpu.memory_space<vmem>>
    %dma_start3A_157 = arith.constant 0 : i32
    %dma_start3A_158 = arith.constant 0 : i32
    %dma_start3A_159 = tpu.memref_slice %arg5[%dma_start3A_157, %dma_start3A_158] : memref<10240x128xf32, #tpu.memory_space<vmem_shared>> -> memref<10240x128xf32, #tpu.memory_space<vmem_shared>>
    tpu.enqueue_indirect_dma source(%arg6 : memref<128x128xf32, #tpu.memory_space<vmem>>) target(%dma_start3A_159 : memref<10240x128xf32, #tpu.memory_space<vmem_shared>>) offsets(%dma_start3A_156 : memref<128xi32, #tpu.memory_space<vmem>>) semaphore(%arg14 : memref<!tpu.dma_semaphore, #tpu.memory_space<semaphore_mem>>) {add = true}
    %dma_wait3A_160 = arith.constant 0 : i32
    %dma_wait3A_161 = arith.constant 0 : i32
    %dma_wait3A_162 = arith.constant 0 : i32
    %dma_wait3A_163 = tpu.memref_slice %arg3[%dma_wait3A_160, %dma_wait3A_161, %dma_wait3A_162] : memref<2560x2x128xi32, #tpu.memory_space<hbm>> -> memref<1x2x128xi32, #tpu.memory_space<hbm>>
    %dma_wait3A_164 = tpu.memref_squeeze %dma_wait3A_163 : memref<1x2x128xi32, #tpu.memory_space<hbm>> -> memref<2x128xi32, #tpu.memory_space<hbm>>
    %dma_wait3A_165 = arith.constant 0 : i32
    %dma_wait3A_166 = arith.constant 0 : i32
    %dma_wait3A_167 = tpu.memref_slice %arg3[%dma_wait3A_160, %dma_wait3A_165, %dma_wait3A_166] : memref<2560x2x128xi32, #tpu.memory_space<hbm>> -> memref<1x2x128xi32, #tpu.memory_space<hbm>>
    %dma_wait3A_168 = tpu.memref_squeeze %dma_wait3A_167 : memref<1x2x128xi32, #tpu.memory_space<hbm>> -> memref<2x128xi32, #tpu.memory_space<hbm>>
    tpu.wait_dma2 semaphore(%arg19 : memref<!tpu.dma_semaphore, #tpu.memory_space<semaphore_mem>>) src(%dma_wait3A_168 : memref<2x128xi32, #tpu.memory_space<hbm>>) dst(%arg11 : memref<2x128xi32, #tpu.memory_space<vmem>>)
    %dma_start3A_169 = arith.constant 0 : i32
    %dma_start3A_170 = arith.constant 0 : i32
    %dma_start3A_171 = tpu.memref_slice %arg11[%dma_start3A_169, %dma_start3A_170] : memref<2x128xi32, #tpu.memory_space<vmem>> -> memref<1x128xi32, #tpu.memory_space<vmem>>
    %dma_start3A_172 = tpu.memref_squeeze %dma_start3A_171 : memref<1x128xi32, #tpu.memory_space<vmem>> -> memref<128xi32, #tpu.memory_space<vmem>>
    %dma_start3A_173 = arith.constant 0 : i32
    %dma_start3A_174 = arith.constant 0 : i32
    %dma_start3A_175 = tpu.memref_slice %arg2[%dma_start3A_173, %dma_start3A_174] : memref<10000x128xf32, #tpu.memory_space<hbm>> -> memref<10000x128xf32, #tpu.memory_space<hbm>>
    tpu.enqueue_indirect_dma source(%dma_start3A_175 : memref<10000x128xf32, #tpu.memory_space<hbm>>) target(%arg7 : memref<128x128xf32, #tpu.memory_space<vmem>>) offsets(%dma_start3A_172 : memref<128xi32, #tpu.memory_space<vmem>>) semaphore(%arg13 : memref<!tpu.dma_semaphore, #tpu.memory_space<semaphore_mem>>)
    %dma_wait3A_176 = arith.constant 0 : i32
    %dma_wait3A_177 = arith.constant 0 : i32
    %dma_wait3A_178 = tpu.memref_slice %arg2[%dma_wait3A_176, %dma_wait3A_177] : memref<10000x128xf32, #tpu.memory_space<hbm>> -> memref<128x128xf32, #tpu.memory_space<hbm>>
    %dma_wait3A_179 = arith.constant 0 : i32
    %dma_wait3A_180 = arith.constant 0 : i32
    %dma_wait3A_181 = tpu.memref_slice %arg2[%dma_wait3A_179, %dma_wait3A_180] : memref<10000x128xf32, #tpu.memory_space<hbm>> -> memref<128x128xf32, #tpu.memory_space<hbm>>
    tpu.wait_dma2 semaphore(%arg13 : memref<!tpu.dma_semaphore, #tpu.memory_space<semaphore_mem>>) src(%dma_wait3A_181 : memref<128x128xf32, #tpu.memory_space<hbm>>) dst(%arg7 : memref<128x128xf32, #tpu.memory_space<vmem>>)
    %dma_wait3A_182 = arith.constant 0 : i32
    %dma_wait3A_183 = arith.constant 0 : i32
    %dma_wait3A_184 = tpu.memref_slice %arg2[%dma_wait3A_182, %dma_wait3A_183] : memref<10000x128xf32, #tpu.memory_space<hbm>> -> memref<128x128xf32, #tpu.memory_space<hbm>>
    %dma_wait3A_185 = arith.constant 0 : i32
    %dma_wait3A_186 = arith.constant 0 : i32
    %dma_wait3A_187 = tpu.memref_slice %arg2[%dma_wait3A_185, %dma_wait3A_186] : memref<10000x128xf32, #tpu.memory_space<hbm>> -> memref<128x128xf32, #tpu.memory_space<hbm>>
    tpu.wait_dma2 semaphore(%arg14 : memref<!tpu.dma_semaphore, #tpu.memory_space<semaphore_mem>>) src(%dma_wait3A_187 : memref<128x128xf32, #tpu.memory_space<hbm>>) dst(%arg6 : memref<128x128xf32, #tpu.memory_space<vmem>>)
    %dma_start3A_188 = arith.constant 1 : i32
    %dma_start3A_189 = arith.constant 0 : i32
    %dma_start3A_190 = tpu.memref_slice %arg11[%dma_start3A_188, %dma_start3A_189] : memref<2x128xi32, #tpu.memory_space<vmem>> -> memref<1x128xi32, #tpu.memory_space<vmem>>
    %dma_start3A_191 = tpu.memref_squeeze %dma_start3A_190 : memref<1x128xi32, #tpu.memory_space<vmem>> -> memref<128xi32, #tpu.memory_space<vmem>>
    %dma_start3A_192 = arith.constant 0 : i32
    %dma_start3A_193 = arith.constant 0 : i32
    %dma_start3A_194 = tpu.memref_slice %arg5[%dma_start3A_192, %dma_start3A_193] : memref<10240x128xf32, #tpu.memory_space<vmem_shared>> -> memref<10240x128xf32, #tpu.memory_space<vmem_shared>>
    tpu.enqueue_indirect_dma source(%arg7 : memref<128x128xf32, #tpu.memory_space<vmem>>) target(%dma_start3A_194 : memref<10240x128xf32, #tpu.memory_space<vmem_shared>>) offsets(%dma_start3A_191 : memref<128xi32, #tpu.memory_space<vmem>>) semaphore(%arg15 : memref<!tpu.dma_semaphore, #tpu.memory_space<semaphore_mem>>) {add = true}
    %dma_wait3A_195 = arith.constant 0 : i32
    %dma_wait3A_196 = arith.constant 0 : i32
    %dma_wait3A_197 = tpu.memref_slice %arg2[%dma_wait3A_195, %dma_wait3A_196] : memref<10000x128xf32, #tpu.memory_space<hbm>> -> memref<128x128xf32, #tpu.memory_space<hbm>>
    %dma_wait3A_198 = arith.constant 0 : i32
    %dma_wait3A_199 = arith.constant 0 : i32
    %dma_wait3A_200 = tpu.memref_slice %arg2[%dma_wait3A_198, %dma_wait3A_199] : memref<10000x128xf32, #tpu.memory_space<hbm>> -> memref<128x128xf32, #tpu.memory_space<hbm>>
    tpu.wait_dma2 semaphore(%arg15 : memref<!tpu.dma_semaphore, #tpu.memory_space<semaphore_mem>>) src(%dma_wait3A_200 : memref<128x128xf32, #tpu.memory_space<hbm>>) dst(%arg7 : memref<128x128xf32, #tpu.memory_space<vmem>>)
    %barrier3A_201 = arith.constant 0 : index
    tpu.barrier barrier_id(%barrier3A_201)
    %mul3A_202 = arith.constant 640 : i32
    %mul3A_203 = arith.muli %arg1, %mul3A_202 : i32
    %mul3A_204 = arith.constant 640 : i32
    %mul3A_205 = arith.muli %arg1, %mul3A_204 : i32
    "tpu.region"() ({
      %run_scoped3A = tpu.sem_alloc : memref<!tpu.dma_semaphore, #tpu.memory_space<semaphore_mem>>
      %dma_start3A_206 = arith.constant 0 : i32
      %dma_start3A_207 = tpu.memref_slice %arg4[%arg0, %mul3A_205, %dma_start3A_206] : memref<2x10240x128xf32, #tpu.memory_space<hbm>> -> memref<1x640x128xf32, #tpu.memory_space<hbm>>
      %dma_start3A_208 = tpu.memref_squeeze %dma_start3A_207 : memref<1x640x128xf32, #tpu.memory_space<hbm>> -> memref<640x128xf32, #tpu.memory_space<hbm>>
      %dma_start3A_209 = arith.constant 0 : i32
      %dma_start3A_210 = tpu.memref_slice %arg5[%mul3A_203, %dma_start3A_209] : memref<10240x128xf32, #tpu.memory_space<vmem_shared>> -> memref<640x128xf32, #tpu.memory_space<vmem_shared>>
      tpu.enqueue_dma source(%dma_start3A_210 : memref<640x128xf32, #tpu.memory_space<vmem_shared>>) target(%dma_start3A_208 : memref<640x128xf32, #tpu.memory_space<hbm>>) target_semaphore(%run_scoped3A : memref<!tpu.dma_semaphore, #tpu.memory_space<semaphore_mem>>)
      %dma_wait3A_211 = arith.constant 0 : i32
      %dma_wait3A_212 = tpu.memref_slice %arg4[%arg0, %mul3A_205, %dma_wait3A_211] : memref<2x10240x128xf32, #tpu.memory_space<hbm>> -> memref<1x640x128xf32, #tpu.memory_space<hbm>>
      %dma_wait3A_213 = tpu.memref_squeeze %dma_wait3A_212 : memref<1x640x128xf32, #tpu.memory_space<hbm>> -> memref<640x128xf32, #tpu.memory_space<hbm>>
      %dma_wait3A_214 = arith.constant 0 : i32
      %dma_wait3A_215 = tpu.memref_slice %arg5[%mul3A_203, %dma_wait3A_214] : memref<10240x128xf32, #tpu.memory_space<vmem_shared>> -> memref<640x128xf32, #tpu.memory_space<vmem_shared>>
      tpu.wait_dma2 semaphore(%run_scoped3A : memref<!tpu.dma_semaphore, #tpu.memory_space<semaphore_mem>>) src(%dma_wait3A_215 : memref<640x128xf32, #tpu.memory_space<vmem_shared>>) dst(%dma_wait3A_213 : memref<640x128xf32, #tpu.memory_space<hbm>>)
      tpu.yield
    }) : () -> ()
    return
  }
}

#map = affine_map<(d0, d1) -> (0, 0)>
#map1 = affine_map<(d0, d1) -> (0, 0, 0)>
module attributes {stable_mosaic.version = 14 : i64} {
  func.func @_segment_sum_body(%arg0: i32, %arg1: i32, %arg2: memref<10000x128xf32, #tpu.memory_space<hbm>>, %arg3: memref<2560x2x128xi32, #tpu.memory_space<hbm>>, %arg4: memref<2x10240x128xf32, #tpu.memory_space<hbm>>, %arg5: memref<10240x128xf32, #tpu.memory_space<vmem_shared>>, %arg6: memref<128x128xf32, #tpu.memory_space<vmem>>, %arg7: memref<128x128xf32, #tpu.memory_space<vmem>>, %arg8: memref<2x128xi32, #tpu.memory_space<vmem>>, %arg9: memref<2x128xi32, #tpu.memory_space<vmem>>, %arg10: memref<2x128xi32, #tpu.memory_space<vmem>>, %arg11: memref<2x128xi32, #tpu.memory_space<vmem>>, %arg12: memref<!tpu.dma_semaphore, #tpu.memory_space<semaphore_mem>>, %arg13: memref<!tpu.dma_semaphore, #tpu.memory_space<semaphore_mem>>, %arg14: memref<!tpu.dma_semaphore, #tpu.memory_space<semaphore_mem>>, %arg15: memref<!tpu.dma_semaphore, #tpu.memory_space<semaphore_mem>>, %arg16: memref<!tpu.dma_semaphore, #tpu.memory_space<semaphore_mem>>, %arg17: memref<!tpu.dma_semaphore, #tpu.memory_space<semaphore_mem>>, %arg18: memref<!tpu.dma_semaphore, #tpu.memory_space<semaphore_mem>>, %arg19: memref<!tpu.dma_semaphore, #tpu.memory_space<semaphore_mem>>) attributes {dimension_semantics = [#tpu.dimension_semantics<core_parallel>, #tpu.dimension_semantics<subcore_parallel>], iteration_bounds = array<i64: 2, 16>, scalar_prefetch = 0 : i64, scratch_operands = 15 : i64, tpu.core_type = #tpu.core_type<sc_vector_subcore>, window_params = [{transform_indices = #map}, {transform_indices = #map1}, {transform_indices = #map1}]} {
    %mul3A = arith.constant 2 : i32
    %mul3A_0 = arith.muli %arg1, %mul3A : i32
    %add3A = arith.addi %mul3A_0, %arg0 : i32
    %mul3A_1 = arith.constant 80 : i32
    %mul3A_2 = arith.muli %add3A, %mul3A_1 : i32
    %dma_start3A = arith.constant 0 : i32
    %dma_start3A_3 = arith.constant 0 : i32
    %dma_start3A_4 = tpu.memref_slice %arg3[%mul3A_2, %dma_start3A, %dma_start3A_3] : memref<2560x2x128xi32, #tpu.memory_space<hbm>> -> memref<1x2x128xi32, #tpu.memory_space<hbm>>
    %dma_start3A_5 = tpu.memref_squeeze %dma_start3A_4 : memref<1x2x128xi32, #tpu.memory_space<hbm>> -> memref<2x128xi32, #tpu.memory_space<hbm>>
    %dma_start3A_6 = arith.constant 0 : i32
    %dma_start3A_7 = arith.constant 0 : i32
    %dma_start3A_8 = tpu.memref_slice %arg3[%mul3A_2, %dma_start3A_6, %dma_start3A_7] : memref<2560x2x128xi32, #tpu.memory_space<hbm>> -> memref<1x2x128xi32, #tpu.memory_space<hbm>>
    %dma_start3A_9 = tpu.memref_squeeze %dma_start3A_8 : memref<1x2x128xi32, #tpu.memory_space<hbm>> -> memref<2x128xi32, #tpu.memory_space<hbm>>
    tpu.enqueue_dma source(%dma_start3A_9 : memref<2x128xi32, #tpu.memory_space<hbm>>) target(%arg8 : memref<2x128xi32, #tpu.memory_space<vmem>>) target_semaphore(%arg16 : memref<!tpu.dma_semaphore, #tpu.memory_space<semaphore_mem>>)
    %add3A_10 = arith.constant 1 : i32
    %add3A_11 = arith.addi %mul3A_2, %add3A_10 : i32
    %dma_start3A_12 = arith.constant 0 : i32
    %dma_start3A_13 = arith.constant 0 : i32
    %dma_start3A_14 = tpu.memref_slice %arg3[%add3A_11, %dma_start3A_12, %dma_start3A_13] : memref<2560x2x128xi32, #tpu.memory_space<hbm>> -> memref<1x2x128xi32, #tpu.memory_space<hbm>>
    %dma_start3A_15 = tpu.memref_squeeze %dma_start3A_14 : memref<1x2x128xi32, #tpu.memory_space<hbm>> -> memref<2x128xi32, #tpu.memory_space<hbm>>
    %dma_start3A_16 = arith.constant 0 : i32
    %dma_start3A_17 = arith.constant 0 : i32
    %dma_start3A_18 = tpu.memref_slice %arg3[%add3A_11, %dma_start3A_16, %dma_start3A_17] : memref<2560x2x128xi32, #tpu.memory_space<hbm>> -> memref<1x2x128xi32, #tpu.memory_space<hbm>>
    %dma_start3A_19 = tpu.memref_squeeze %dma_start3A_18 : memref<1x2x128xi32, #tpu.memory_space<hbm>> -> memref<2x128xi32, #tpu.memory_space<hbm>>
    tpu.enqueue_dma source(%dma_start3A_19 : memref<2x128xi32, #tpu.memory_space<hbm>>) target(%arg9 : memref<2x128xi32, #tpu.memory_space<vmem>>) target_semaphore(%arg17 : memref<!tpu.dma_semaphore, #tpu.memory_space<semaphore_mem>>)
    %broadcast_in_dim3A = arith.constant 0.000000e+00 : f32
    %broadcast_in_dim3A_20 = vector.broadcast %broadcast_in_dim3A : f32 to vector<16xf32>
    %scan3A = arith.constant 0 : i32
    %scan3A_21 = arith.constant 0 : i32
    %scan3A_22 = arith.constant 128 : i32
    %scan3A_23 = arith.addi %scan3A_21, %scan3A_22 : i32
    %scan3A_24 = arith.constant 1 : i32
    scf.for %scan3A_206 = %scan3A_21 to %scan3A_23 step %scan3A_24  : i32 {
      %swap3A = arith.index_cast %scan3A_206 : i32 to index
      %swap3A_207 = arith.constant 0 : index
      %swap3A_208 = tpu.vector_load %arg6[%swap3A, %swap3A_207] {strides = array<i32>} : memref<128x128xf32, #tpu.memory_space<vmem>>, vector<1x16xf32>,
      %swap3A_209 = vector.shape_cast %swap3A_208 : vector<1x16xf32> to vector<16xf32>
      %swap3A_210 = vector.shape_cast %broadcast_in_dim3A_20 : vector<16xf32> to vector<1x16xf32>
      tpu.vector_store %arg6[%swap3A, %swap3A_207], %swap3A_210 {strides = array<i32>} : memref<128x128xf32, #tpu.memory_space<vmem>>, vector<1x16xf32>,
      %swap3A_211 = arith.index_cast %scan3A_206 : i32 to index
      %swap3A_212 = arith.constant 16 : index
      %swap3A_213 = tpu.vector_load %arg6[%swap3A_211, %swap3A_212] {strides = array<i32>} : memref<128x128xf32, #tpu.memory_space<vmem>>, vector<1x16xf32>,
      %swap3A_214 = vector.shape_cast %swap3A_213 : vector<1x16xf32> to vector<16xf32>
      %swap3A_215 = vector.shape_cast %broadcast_in_dim3A_20 : vector<16xf32> to vector<1x16xf32>
      tpu.vector_store %arg6[%swap3A_211, %swap3A_212], %swap3A_215 {strides = array<i32>} : memref<128x128xf32, #tpu.memory_space<vmem>>, vector<1x16xf32>,
      %swap3A_216 = arith.index_cast %scan3A_206 : i32 to index
      %swap3A_217 = arith.constant 32 : index
      %swap3A_218 = tpu.vector_load %arg6[%swap3A_216, %swap3A_217] {strides = array<i32>} : memref<128x128xf32, #tpu.memory_space<vmem>>, vector<1x16xf32>,
      %swap3A_219 = vector.shape_cast %swap3A_218 : vector<1x16xf32> to vector<16xf32>
      %swap3A_220 = vector.shape_cast %broadcast_in_dim3A_20 : vector<16xf32> to vector<1x16xf32>
      tpu.vector_store %arg6[%swap3A_216, %swap3A_217], %swap3A_220 {strides = array<i32>} : memref<128x128xf32, #tpu.memory_space<vmem>>, vector<1x16xf32>,
      %swap3A_221 = arith.index_cast %scan3A_206 : i32 to index
      %swap3A_222 = arith.constant 48 : index
      %swap3A_223 = tpu.vector_load %arg6[%swap3A_221, %swap3A_222] {strides = array<i32>} : memref<128x128xf32, #tpu.memory_space<vmem>>, vector<1x16xf32>,
      %swap3A_224 = vector.shape_cast %swap3A_223 : vector<1x16xf32> to vector<16xf32>
      %swap3A_225 = vector.shape_cast %broadcast_in_dim3A_20 : vector<16xf32> to vector<1x16xf32>
      tpu.vector_store %arg6[%swap3A_221, %swap3A_222], %swap3A_225 {strides = array<i32>} : memref<128x128xf32, #tpu.memory_space<vmem>>, vector<1x16xf32>,
      %swap3A_226 = arith.index_cast %scan3A_206 : i32 to index
      %swap3A_227 = arith.constant 64 : index
      %swap3A_228 = tpu.vector_load %arg6[%swap3A_226, %swap3A_227] {strides = array<i32>} : memref<128x128xf32, #tpu.memory_space<vmem>>, vector<1x16xf32>,
      %swap3A_229 = vector.shape_cast %swap3A_228 : vector<1x16xf32> to vector<16xf32>
      %swap3A_230 = vector.shape_cast %broadcast_in_dim3A_20 : vector<16xf32> to vector<1x16xf32>
      tpu.vector_store %arg6[%swap3A_226, %swap3A_227], %swap3A_230 {strides = array<i32>} : memref<128x128xf32, #tpu.memory_space<vmem>>, vector<1x16xf32>,
      %swap3A_231 = arith.index_cast %scan3A_206 : i32 to index
      %swap3A_232 = arith.constant 80 : index
      %swap3A_233 = tpu.vector_load %arg6[%swap3A_231, %swap3A_232] {strides = array<i32>} : memref<128x128xf32, #tpu.memory_space<vmem>>, vector<1x16xf32>,
      %swap3A_234 = vector.shape_cast %swap3A_233 : vector<1x16xf32> to vector<16xf32>
      %swap3A_235 = vector.shape_cast %broadcast_in_dim3A_20 : vector<16xf32> to vector<1x16xf32>
      tpu.vector_store %arg6[%swap3A_231, %swap3A_232], %swap3A_235 {strides = array<i32>} : memref<128x128xf32, #tpu.memory_space<vmem>>, vector<1x16xf32>,
      %swap3A_236 = arith.index_cast %scan3A_206 : i32 to index
      %swap3A_237 = arith.constant 96 : index
      %swap3A_238 = tpu.vector_load %arg6[%swap3A_236, %swap3A_237] {strides = array<i32>} : memref<128x128xf32, #tpu.memory_space<vmem>>, vector<1x16xf32>,
      %swap3A_239 = vector.shape_cast %swap3A_238 : vector<1x16xf32> to vector<16xf32>
      %swap3A_240 = vector.shape_cast %broadcast_in_dim3A_20 : vector<16xf32> to vector<1x16xf32>
      tpu.vector_store %arg6[%swap3A_236, %swap3A_237], %swap3A_240 {strides = array<i32>} : memref<128x128xf32, #tpu.memory_space<vmem>>, vector<1x16xf32>,
      %swap3A_241 = arith.index_cast %scan3A_206 : i32 to index
      %swap3A_242 = arith.constant 112 : index
      %swap3A_243 = tpu.vector_load %arg6[%swap3A_241, %swap3A_242] {strides = array<i32>} : memref<128x128xf32, #tpu.memory_space<vmem>>, vector<1x16xf32>,
      %swap3A_244 = vector.shape_cast %swap3A_243 : vector<1x16xf32> to vector<16xf32>
      %swap3A_245 = vector.shape_cast %broadcast_in_dim3A_20 : vector<16xf32> to vector<1x16xf32>
      tpu.vector_store %arg6[%swap3A_241, %swap3A_242], %swap3A_245 {strides = array<i32>} : memref<128x128xf32, #tpu.memory_space<vmem>>, vector<1x16xf32>,
    }
    %scan3A_25 = arith.constant 128 : i32
    %scan3A_26 = arith.constant 0 : i32
    %scan3A_27 = arith.constant 0 : i32
    %scan3A_28 = arith.constant 5 : i32
    %scan3A_29 = arith.addi %scan3A_27, %scan3A_28 : i32
    %scan3A_30 = arith.constant 1 : i32
    scf.for %scan3A_206 = %scan3A_27 to %scan3A_29 step %scan3A_30  : i32 {
      %mul3A_207 = arith.constant 640 : i32
      %mul3A_208 = arith.muli %arg1, %mul3A_207 : i32
      %mul3A_209 = arith.constant 128 : i32
      %mul3A_210 = arith.muli %scan3A_206, %mul3A_209 : i32
      %add3A_211 = arith.addi %mul3A_208, %mul3A_210 : i32
      "tpu.region"() ({
        %run_scoped3A = tpu.sem_alloc : memref<!tpu.dma_semaphore, #tpu.memory_space<semaphore_mem>>
        %dma_start3A_212 = arith.constant 0 : i32
        %dma_start3A_213 = tpu.memref_slice %arg5[%add3A_211, %dma_start3A_212] : memref<10240x128xf32, #tpu.memory_space<vmem_shared>> -> memref<128x128xf32, #tpu.memory_space<vmem_shared>>
        %dma_start3A_214 = arith.constant 0 : i32
        %dma_start3A_215 = tpu.memref_slice %arg5[%add3A_211, %dma_start3A_214] : memref<10240x128xf32, #tpu.memory_space<vmem_shared>> -> memref<128x128xf32, #tpu.memory_space<vmem_shared>>
        tpu.enqueue_dma source(%arg6 : memref<128x128xf32, #tpu.memory_space<vmem>>) target(%dma_start3A_215 : memref<128x128xf32, #tpu.memory_space<vmem_shared>>) target_semaphore(%run_scoped3A : memref<!tpu.dma_semaphore, #tpu.memory_space<semaphore_mem>>)
        %dma_wait3A_216 = arith.constant 0 : i32
        %dma_wait3A_217 = tpu.memref_slice %arg5[%add3A_211, %dma_wait3A_216] : memref<10240x128xf32, #tpu.memory_space<vmem_shared>> -> memref<128x128xf32, #tpu.memory_space<vmem_shared>>
        %dma_wait3A_218 = arith.constant 0 : i32
        %dma_wait3A_219 = tpu.memref_slice %arg5[%add3A_211, %dma_wait3A_218] : memref<10240x128xf32, #tpu.memory_space<vmem_shared>> -> memref<128x128xf32, #tpu.memory_space<vmem_shared>>
        tpu.wait_dma2 semaphore(%run_scoped3A : memref<!tpu.dma_semaphore, #tpu.memory_space<semaphore_mem>>) src(%arg6 : memref<128x128xf32, #tpu.memory_space<vmem>>) dst(%dma_wait3A_219 : memref<128x128xf32, #tpu.memory_space<vmem_shared>>)
        tpu.yield
      }) : () -> ()
    }
    %scan3A_31 = arith.constant 5 : i32
    %dma_wait3A = arith.constant 0 : i32
    %dma_wait3A_32 = arith.constant 0 : i32
    %dma_wait3A_33 = arith.constant 0 : i32
    %dma_wait3A_34 = tpu.memref_slice %arg3[%dma_wait3A, %dma_wait3A_32, %dma_wait3A_33] : memref<2560x2x128xi32, #tpu.memory_space<hbm>> -> memref<1x2x128xi32, #tpu.memory_space<hbm>>
    %dma_wait3A_35 = tpu.memref_squeeze %dma_wait3A_34 : memref<1x2x128xi32, #tpu.memory_space<hbm>> -> memref<2x128xi32, #tpu.memory_space<hbm>>
    %dma_wait3A_36 = arith.constant 0 : i32
    %dma_wait3A_37 = arith.constant 0 : i32
    %dma_wait3A_38 = tpu.memref_slice %arg3[%dma_wait3A, %dma_wait3A_36, %dma_wait3A_37] : memref<2560x2x128xi32, #tpu.memory_space<hbm>> -> memref<1x2x128xi32, #tpu.memory_space<hbm>>
    %dma_wait3A_39 = tpu.memref_squeeze %dma_wait3A_38 : memref<1x2x128xi32, #tpu.memory_space<hbm>> -> memref<2x128xi32, #tpu.memory_space<hbm>>
    tpu.wait_dma2 semaphore(%arg16 : memref<!tpu.dma_semaphore, #tpu.memory_space<semaphore_mem>>) src(%dma_wait3A_39 : memref<2x128xi32, #tpu.memory_space<hbm>>) dst(%arg8 : memref<2x128xi32, #tpu.memory_space<vmem>>)
    %dma_start3A_40 = arith.constant 0 : i32
    %dma_start3A_41 = arith.constant 0 : i32
    %dma_start3A_42 = tpu.memref_slice %arg8[%dma_start3A_40, %dma_start3A_41] : memref<2x128xi32, #tpu.memory_space<vmem>> -> memref<1x128xi32, #tpu.memory_space<vmem>>
    %dma_start3A_43 = tpu.memref_squeeze %dma_start3A_42 : memref<1x128xi32, #tpu.memory_space<vmem>> -> memref<128xi32, #tpu.memory_space<vmem>>
    %dma_start3A_44 = arith.constant 0 : i32
    %dma_start3A_45 = arith.constant 0 : i32
    %dma_start3A_46 = tpu.memref_slice %arg2[%dma_start3A_44, %dma_start3A_45] : memref<10000x128xf32, #tpu.memory_space<hbm>> -> memref<10000x128xf32, #tpu.memory_space<hbm>>
    tpu.enqueue_indirect_dma source(%dma_start3A_46 : memref<10000x128xf32, #tpu.memory_space<hbm>>) target(%arg6 : memref<128x128xf32, #tpu.memory_space<vmem>>) offsets(%dma_start3A_43 : memref<128xi32, #tpu.memory_space<vmem>>) semaphore(%arg12 : memref<!tpu.dma_semaphore, #tpu.memory_space<semaphore_mem>>)
    %barrier3A = arith.constant 0 : index
    tpu.barrier barrier_id(%barrier3A)
    %dma_wait3A_47 = arith.constant 0 : i32
    %dma_wait3A_48 = arith.constant 0 : i32
    %dma_wait3A_49 = tpu.memref_slice %arg2[%dma_wait3A_47, %dma_wait3A_48] : memref<10000x128xf32, #tpu.memory_space<hbm>> -> memref<128x128xf32, #tpu.memory_space<hbm>>
    %dma_wait3A_50 = arith.constant 0 : i32
    %dma_wait3A_51 = arith.constant 0 : i32
    %dma_wait3A_52 = tpu.memref_slice %arg2[%dma_wait3A_50, %dma_wait3A_51] : memref<10000x128xf32, #tpu.memory_space<hbm>> -> memref<128x128xf32, #tpu.memory_space<hbm>>
    tpu.wait_dma2 semaphore(%arg12 : memref<!tpu.dma_semaphore, #tpu.memory_space<semaphore_mem>>) src(%dma_wait3A_52 : memref<128x128xf32, #tpu.memory_space<hbm>>) dst(%arg6 : memref<128x128xf32, #tpu.memory_space<vmem>>)
    %dma_start3A_53 = arith.constant 1 : i32
    %dma_start3A_54 = arith.constant 0 : i32
    %dma_start3A_55 = tpu.memref_slice %arg8[%dma_start3A_53, %dma_start3A_54] : memref<2x128xi32, #tpu.memory_space<vmem>> -> memref<1x128xi32, #tpu.memory_space<vmem>>
    %dma_start3A_56 = tpu.memref_squeeze %dma_start3A_55 : memref<1x128xi32, #tpu.memory_space<vmem>> -> memref<128xi32, #tpu.memory_space<vmem>>
    %dma_start3A_57 = arith.constant 0 : i32
    %dma_start3A_58 = arith.constant 0 : i32
    %dma_start3A_59 = tpu.memref_slice %arg5[%dma_start3A_57, %dma_start3A_58] : memref<10240x128xf32, #tpu.memory_space<vmem_shared>> -> memref<10240x128xf32, #tpu.memory_space<vmem_shared>>
    tpu.enqueue_indirect_dma source(%arg6 : memref<128x128xf32, #tpu.memory_space<vmem>>) target(%dma_start3A_59 : memref<10240x128xf32, #tpu.memory_space<vmem_shared>>) offsets(%dma_start3A_56 : memref<128xi32, #tpu.memory_space<vmem>>) semaphore(%arg14 : memref<!tpu.dma_semaphore, #tpu.memory_space<semaphore_mem>>) {add = true}
    %dma_wait3A_60 = arith.constant 0 : i32
    %dma_wait3A_61 = arith.constant 0 : i32
    %dma_wait3A_62 = arith.constant 0 : i32
    %dma_wait3A_63 = tpu.memref_slice %arg3[%dma_wait3A_60, %dma_wait3A_61, %dma_wait3A_62] : memref<2560x2x128xi32, #tpu.memory_space<hbm>> -> memref<1x2x128xi32, #tpu.memory_space<hbm>>
    %dma_wait3A_64 = tpu.memref_squeeze %dma_wait3A_63 : memref<1x2x128xi32, #tpu.memory_space<hbm>> -> memref<2x128xi32, #tpu.memory_space<hbm>>
    %dma_wait3A_65 = arith.constant 0 : i32
    %dma_wait3A_66 = arith.constant 0 : i32
    %dma_wait3A_67 = tpu.memref_slice %arg3[%dma_wait3A_60, %dma_wait3A_65, %dma_wait3A_66] : memref<2560x2x128xi32, #tpu.memory_space<hbm>> -> memref<1x2x128xi32, #tpu.memory_space<hbm>>
    %dma_wait3A_68 = tpu.memref_squeeze %dma_wait3A_67 : memref<1x2x128xi32, #tpu.memory_space<hbm>> -> memref<2x128xi32, #tpu.memory_space<hbm>>
    tpu.wait_dma2 semaphore(%arg17 : memref<!tpu.dma_semaphore, #tpu.memory_space<semaphore_mem>>) src(%dma_wait3A_68 : memref<2x128xi32, #tpu.memory_space<hbm>>) dst(%arg9 : memref<2x128xi32, #tpu.memory_space<vmem>>)
    %dma_start3A_69 = arith.constant 0 : i32
    %dma_start3A_70 = arith.constant 0 : i32
    %dma_start3A_71 = tpu.memref_slice %arg9[%dma_start3A_69, %dma_start3A_70] : memref<2x128xi32, #tpu.memory_space<vmem>> -> memref<1x128xi32, #tpu.memory_space<vmem>>
    %dma_start3A_72 = tpu.memref_squeeze %dma_start3A_71 : memref<1x128xi32, #tpu.memory_space<vmem>> -> memref<128xi32, #tpu.memory_space<vmem>>
    %dma_start3A_73 = arith.constant 0 : i32
    %dma_start3A_74 = arith.constant 0 : i32
    %dma_start3A_75 = tpu.memref_slice %arg2[%dma_start3A_73, %dma_start3A_74] : memref<10000x128xf32, #tpu.memory_space<hbm>> -> memref<10000x128xf32, #tpu.memory_space<hbm>>
    tpu.enqueue_indirect_dma source(%dma_start3A_75 : memref<10000x128xf32, #tpu.memory_space<hbm>>) target(%arg7 : memref<128x128xf32, #tpu.memory_space<vmem>>) offsets(%dma_start3A_72 : memref<128xi32, #tpu.memory_space<vmem>>) semaphore(%arg13 : memref<!tpu.dma_semaphore, #tpu.memory_space<semaphore_mem>>)
    %add3A_76 = arith.constant 0 : i32
    %add3A_77 = arith.addi %mul3A_2, %add3A_76 : i32
    %add3A_78 = arith.constant 2 : i32
    %add3A_79 = arith.addi %add3A_77, %add3A_78 : i32
    %dma_start3A_80 = arith.constant 0 : i32
    %dma_start3A_81 = arith.constant 0 : i32
    %dma_start3A_82 = tpu.memref_slice %arg3[%add3A_79, %dma_start3A_80, %dma_start3A_81] : memref<2560x2x128xi32, #tpu.memory_space<hbm>> -> memref<1x2x128xi32, #tpu.memory_space<hbm>>
    %dma_start3A_83 = tpu.memref_squeeze %dma_start3A_82 : memref<1x2x128xi32, #tpu.memory_space<hbm>> -> memref<2x128xi32, #tpu.memory_space<hbm>>
    %dma_start3A_84 = arith.constant 0 : i32
    %dma_start3A_85 = arith.constant 0 : i32
    %dma_start3A_86 = tpu.memref_slice %arg3[%add3A_79, %dma_start3A_84, %dma_start3A_85] : memref<2560x2x128xi32, #tpu.memory_space<hbm>> -> memref<1x2x128xi32, #tpu.memory_space<hbm>>
    %dma_start3A_87 = tpu.memref_squeeze %dma_start3A_86 : memref<1x2x128xi32, #tpu.memory_space<hbm>> -> memref<2x128xi32, #tpu.memory_space<hbm>>
    tpu.enqueue_dma source(%dma_start3A_87 : memref<2x128xi32, #tpu.memory_space<hbm>>) target(%arg10 : memref<2x128xi32, #tpu.memory_space<vmem>>) target_semaphore(%arg18 : memref<!tpu.dma_semaphore, #tpu.memory_space<semaphore_mem>>)
    %dma_wait3A_88 = arith.constant 0 : i32
    %dma_wait3A_89 = arith.constant 0 : i32
    %dma_wait3A_90 = tpu.memref_slice %arg2[%dma_wait3A_88, %dma_wait3A_89] : memref<10000x128xf32, #tpu.memory_space<hbm>> -> memref<128x128xf32, #tpu.memory_space<hbm>>
    %dma_wait3A_91 = arith.constant 0 : i32
    %dma_wait3A_92 = arith.constant 0 : i32
    %dma_wait3A_93 = tpu.memref_slice %arg2[%dma_wait3A_91, %dma_wait3A_92] : memref<10000x128xf32, #tpu.memory_space<hbm>> -> memref<128x128xf32, #tpu.memory_space<hbm>>
    tpu.wait_dma2 semaphore(%arg13 : memref<!tpu.dma_semaphore, #tpu.memory_space<semaphore_mem>>) src(%dma_wait3A_93 : memref<128x128xf32, #tpu.memory_space<hbm>>) dst(%arg7 : memref<128x128xf32, #tpu.memory_space<vmem>>)
    %dma_wait3A_94 = arith.constant 0 : i32
    %dma_wait3A_95 = arith.constant 0 : i32
    %dma_wait3A_96 = tpu.memref_slice %arg2[%dma_wait3A_94, %dma_wait3A_95] : memref<10000x128xf32, #tpu.memory_space<hbm>> -> memref<128x128xf32, #tpu.memory_space<hbm>>
    %dma_wait3A_97 = arith.constant 0 : i32
    %dma_wait3A_98 = arith.constant 0 : i32
    %dma_wait3A_99 = tpu.memref_slice %arg2[%dma_wait3A_97, %dma_wait3A_98] : memref<10000x128xf32, #tpu.memory_space<hbm>> -> memref<128x128xf32, #tpu.memory_space<hbm>>
    tpu.wait_dma2 semaphore(%arg14 : memref<!tpu.dma_semaphore, #tpu.memory_space<semaphore_mem>>) src(%dma_wait3A_99 : memref<128x128xf32, #tpu.memory_space<hbm>>) dst(%arg6 : memref<128x128xf32, #tpu.memory_space<vmem>>)
    %dma_start3A_100 = arith.constant 1 : i32
    %dma_start3A_101 = arith.constant 0 : i32
    %dma_start3A_102 = tpu.memref_slice %arg9[%dma_start3A_100, %dma_start3A_101] : memref<2x128xi32, #tpu.memory_space<vmem>> -> memref<1x128xi32, #tpu.memory_space<vmem>>
    %dma_start3A_103 = tpu.memref_squeeze %dma_start3A_102 : memref<1x128xi32, #tpu.memory_space<vmem>> -> memref<128xi32, #tpu.memory_space<vmem>>
    %dma_start3A_104 = arith.constant 0 : i32
    %dma_start3A_105 = arith.constant 0 : i32
    %dma_start3A_106 = tpu.memref_slice %arg5[%dma_start3A_104, %dma_start3A_105] : memref<10240x128xf32, #tpu.memory_space<vmem_shared>> -> memref<10240x128xf32, #tpu.memory_space<vmem_shared>>
    tpu.enqueue_indirect_dma source(%arg7 : memref<128x128xf32, #tpu.memory_space<vmem>>) target(%dma_start3A_106 : memref<10240x128xf32, #tpu.memory_space<vmem_shared>>) offsets(%dma_start3A_103 : memref<128xi32, #tpu.memory_space<vmem>>) semaphore(%arg15 : memref<!tpu.dma_semaphore, #tpu.memory_space<semaphore_mem>>) {add = true}
    %dma_wait3A_107 = arith.constant 0 : i32
    %dma_wait3A_108 = arith.constant 0 : i32
    %dma_wait3A_109 = arith.constant 0 : i32
    %dma_wait3A_110 = tpu.memref_slice %arg3[%dma_wait3A_107, %dma_wait3A_108, %dma_wait3A_109] : memref<2560x2x128xi32, #tpu.memory_space<hbm>> -> memref<1x2x128xi32, #tpu.memory_space<hbm>>
    %dma_wait3A_111 = tpu.memref_squeeze %dma_wait3A_110 : memref<1x2x128xi32, #tpu.memory_space<hbm>> -> memref<2x128xi32, #tpu.memory_space<hbm>>
    %dma_wait3A_112 = arith.constant 0 : i32
    %dma_wait3A_113 = arith.constant 0 : i32
    %dma_wait3A_114 = tpu.memref_slice %arg3[%dma_wait3A_107, %dma_wait3A_112, %dma_wait3A_113] : memref<2560x2x128xi32, #tpu.memory_space<hbm>> -> memref<1x2x128xi32, #tpu.memory_space<hbm>>
    %dma_wait3A_115 = tpu.memref_squeeze %dma_wait3A_114 : memref<1x2x128xi32, #tpu.memory_space<hbm>> -> memref<2x128xi32, #tpu.memory_space<hbm>>
    tpu.wait_dma2 semaphore(%arg18 : memref<!tpu.dma_semaphore, #tpu.memory_space<semaphore_mem>>) src(%dma_wait3A_115 : memref<2x128xi32, #tpu.memory_space<hbm>>) dst(%arg10 : memref<2x128xi32, #tpu.memory_space<vmem>>)
    %dma_start3A_116 = arith.constant 0 : i32
    %dma_start3A_117 = arith.constant 0 : i32
    %dma_start3A_118 = tpu.memref_slice %arg10[%dma_start3A_116, %dma_start3A_117] : memref<2x128xi32, #tpu.memory_space<vmem>> -> memref<1x128xi32, #tpu.memory_space<vmem>>
    %dma_start3A_119 = tpu.memref_squeeze %dma_start3A_118 : memref<1x128xi32, #tpu.memory_space<vmem>> -> memref<128xi32, #tpu.memory_space<vmem>>
    %dma_start3A_120 = arith.constant 0 : i32
    %dma_start3A_121 = arith.constant 0 : i32
    %dma_start3A_122 = tpu.memref_slice %arg2[%dma_start3A_120, %dma_start3A_121] : memref<10000x128xf32, #tpu.memory_space<hbm>> -> memref<10000x128xf32, #tpu.memory_space<hbm>>
    tpu.enqueue_indirect_dma source(%dma_start3A_122 : memref<10000x128xf32, #tpu.memory_space<hbm>>) target(%arg6 : memref<128x128xf32, #tpu.memory_space<vmem>>) offsets(%dma_start3A_119 : memref<128xi32, #tpu.memory_space<vmem>>) semaphore(%arg12 : memref<!tpu.dma_semaphore, #tpu.memory_space<semaphore_mem>>)
    %add3A_123 = arith.constant 1 : i32
    %add3A_124 = arith.addi %mul3A_2, %add3A_123 : i32
    %add3A_125 = arith.constant 2 : i32
    %add3A_126 = arith.addi %add3A_124, %add3A_125 : i32
    %dma_start3A_127 = arith.constant 0 : i32
    %dma_start3A_128 = arith.constant 0 : i32
    %dma_start3A_129 = tpu.memref_slice %arg3[%add3A_126, %dma_start3A_127, %dma_start3A_128] : memref<2560x2x128xi32, #tpu.memory_space<hbm>> -> memref<1x2x128xi32, #tpu.memory_space<hbm>>
    %dma_start3A_130 = tpu.memref_squeeze %dma_start3A_129 : memref<1x2x128xi32, #tpu.memory_space<hbm>> -> memref<2x128xi32, #tpu.memory_space<hbm>>
    %dma_start3A_131 = arith.constant 0 : i32
    %dma_start3A_132 = arith.constant 0 : i32
    %dma_start3A_133 = tpu.memref_slice %arg3[%add3A_126, %dma_start3A_131, %dma_start3A_132] : memref<2560x2x128xi32, #tpu.memory_space<hbm>> -> memref<1x2x128xi32, #tpu.memory_space<hbm>>
    %dma_start3A_134 = tpu.memref_squeeze %dma_start3A_133 : memref<1x2x128xi32, #tpu.memory_space<hbm>> -> memref<2x128xi32, #tpu.memory_space<hbm>>
    tpu.enqueue_dma source(%dma_start3A_134 : memref<2x128xi32, #tpu.memory_space<hbm>>) target(%arg11 : memref<2x128xi32, #tpu.memory_space<vmem>>) target_semaphore(%arg19 : memref<!tpu.dma_semaphore, #tpu.memory_space<semaphore_mem>>)
    %scan3A_135 = arith.constant 0 : i32
    %scan3A_136 = arith.constant 0 : i32
    %scan3A_137 = arith.constant 19 : i32
    %scan3A_138 = arith.addi %scan3A_136, %scan3A_137 : i32
    %scan3A_139 = arith.constant 1 : i32
    scf.for %scan3A_206 = %scan3A_136 to %scan3A_138 step %scan3A_139  : i32 {
      %mul3A_207 = arith.constant 4 : i32
      %mul3A_208 = arith.muli %mul3A_207, %scan3A_206 : i32
      %add3A_209 = arith.constant 2 : i32
      %add3A_210 = arith.addi %add3A_209, %mul3A_208 : i32
      %add3A_211 = arith.constant 0 : i32
      %add3A_212 = arith.addi %add3A_210, %add3A_211 : i32
      %dma_wait3A_213 = arith.constant 0 : i32
      %dma_wait3A_214 = arith.constant 0 : i32
      %dma_wait3A_215 = tpu.memref_slice %arg2[%dma_wait3A_213, %dma_wait3A_214] : memref<10000x128xf32, #tpu.memory_space<hbm>> -> memref<128x128xf32, #tpu.memory_space<hbm>>
      %dma_wait3A_216 = arith.constant 0 : i32
      %dma_wait3A_217 = arith.constant 0 : i32
      %dma_wait3A_218 = tpu.memref_slice %arg2[%dma_wait3A_216, %dma_wait3A_217] : memref<10000x128xf32, #tpu.memory_space<hbm>> -> memref<128x128xf32, #tpu.memory_space<hbm>>
      tpu.wait_dma2 semaphore(%arg12 : memref<!tpu.dma_semaphore, #tpu.memory_space<semaphore_mem>>) src(%dma_wait3A_218 : memref<128x128xf32, #tpu.memory_space<hbm>>) dst(%arg6 : memref<128x128xf32, #tpu.memory_space<vmem>>)
      %dma_wait3A_219 = arith.constant 0 : i32
      %dma_wait3A_220 = arith.constant 0 : i32
      %dma_wait3A_221 = tpu.memref_slice %arg2[%dma_wait3A_219, %dma_wait3A_220] : memref<10000x128xf32, #tpu.memory_space<hbm>> -> memref<128x128xf32, #tpu.memory_space<hbm>>
      %dma_wait3A_222 = arith.constant 0 : i32
      %dma_wait3A_223 = arith.constant 0 : i32
      %dma_wait3A_224 = tpu.memref_slice %arg2[%dma_wait3A_222, %dma_wait3A_223] : memref<10000x128xf32, #tpu.memory_space<hbm>> -> memref<128x128xf32, #tpu.memory_space<hbm>>
      tpu.wait_dma2 semaphore(%arg15 : memref<!tpu.dma_semaphore, #tpu.memory_space<semaphore_mem>>) src(%dma_wait3A_224 : memref<128x128xf32, #tpu.memory_space<hbm>>) dst(%arg7 : memref<128x128xf32, #tpu.memory_space<vmem>>)
      %dma_start3A_225 = arith.constant 1 : i32
      %dma_start3A_226 = arith.constant 0 : i32
      %dma_start3A_227 = tpu.memref_slice %arg10[%dma_start3A_225, %dma_start3A_226] : memref<2x128xi32, #tpu.memory_space<vmem>> -> memref<1x128xi32, #tpu.memory_space<vmem>>
      %dma_start3A_228 = tpu.memref_squeeze %dma_start3A_227 : memref<1x128xi32, #tpu.memory_space<vmem>> -> memref<128xi32, #tpu.memory_space<vmem>>
      %dma_start3A_229 = arith.constant 0 : i32
      %dma_start3A_230 = arith.constant 0 : i32
      %dma_start3A_231 = tpu.memref_slice %arg5[%dma_start3A_229, %dma_start3A_230] : memref<10240x128xf32, #tpu.memory_space<vmem_shared>> -> memref<10240x128xf32, #tpu.memory_space<vmem_shared>>
      tpu.enqueue_indirect_dma source(%arg6 : memref<128x128xf32, #tpu.memory_space<vmem>>) target(%dma_start3A_231 : memref<10240x128xf32, #tpu.memory_space<vmem_shared>>) offsets(%dma_start3A_228 : memref<128xi32, #tpu.memory_space<vmem>>) semaphore(%arg14 : memref<!tpu.dma_semaphore, #tpu.memory_space<semaphore_mem>>) {add = true}
      %dma_wait3A_232 = arith.constant 0 : i32
      %dma_wait3A_233 = arith.constant 0 : i32
      %dma_wait3A_234 = arith.constant 0 : i32
      %dma_wait3A_235 = tpu.memref_slice %arg3[%dma_wait3A_232, %dma_wait3A_233, %dma_wait3A_234] : memref<2560x2x128xi32, #tpu.memory_space<hbm>> -> memref<1x2x128xi32, #tpu.memory_space<hbm>>
      %dma_wait3A_236 = tpu.memref_squeeze %dma_wait3A_235 : memref<1x2x128xi32, #tpu.memory_space<hbm>> -> memref<2x128xi32, #tpu.memory_space<hbm>>
      %dma_wait3A_237 = arith.constant 0 : i32
      %dma_wait3A_238 = arith.constant 0 : i32
      %dma_wait3A_239 = tpu.memref_slice %arg3[%dma_wait3A_232, %dma_wait3A_237, %dma_wait3A_238] : memref<2560x2x128xi32, #tpu.memory_space<hbm>> -> memref<1x2x128xi32, #tpu.memory_space<hbm>>
      %dma_wait3A_240 = tpu.memref_squeeze %dma_wait3A_239 : memref<1x2x128xi32, #tpu.memory_space<hbm>> -> memref<2x128xi32, #tpu.memory_space<hbm>>
      tpu.wait_dma2 semaphore(%arg19 : memref<!tpu.dma_semaphore, #tpu.memory_space<semaphore_mem>>) src(%dma_wait3A_240 : memref<2x128xi32, #tpu.memory_space<hbm>>) dst(%arg11 : memref<2x128xi32, #tpu.memory_space<vmem>>)
      %dma_start3A_241 = arith.constant 0 : i32
      %dma_start3A_242 = arith.constant 0 : i32
      %dma_start3A_243 = tpu.memref_slice %arg11[%dma_start3A_241, %dma_start3A_242] : memref<2x128xi32, #tpu.memory_space<vmem>> -> memref<1x128xi32, #tpu.memory_space<vmem>>
      %dma_start3A_244 = tpu.memref_squeeze %dma_start3A_243 : memref<1x128xi32, #tpu.memory_space<vmem>> -> memref<128xi32, #tpu.memory_space<vmem>>
      %dma_start3A_245 = arith.constant 0 : i32
      %dma_start3A_246 = arith.constant 0 : i32
      %dma_start3A_247 = tpu.memref_slice %arg2[%dma_start3A_245, %dma_start3A_246] : memref<10000x128xf32, #tpu.memory_space<hbm>> -> memref<10000x128xf32, #tpu.memory_space<hbm>>
      tpu.enqueue_indirect_dma source(%dma_start3A_247 : memref<10000x128xf32, #tpu.memory_space<hbm>>) target(%arg7 : memref<128x128xf32, #tpu.memory_space<vmem>>) offsets(%dma_start3A_244 : memref<128xi32, #tpu.memory_space<vmem>>) semaphore(%arg13 : memref<!tpu.dma_semaphore, #tpu.memory_space<semaphore_mem>>)
      %add3A_248 = arith.addi %mul3A_2, %add3A_212 : i32
      %add3A_249 = arith.constant 2 : i32
      %add3A_250 = arith.addi %add3A_248, %add3A_249 : i32
      %dma_start3A_251 = arith.constant 0 : i32
      %dma_start3A_252 = arith.constant 0 : i32
      %dma_start3A_253 = tpu.memref_slice %arg3[%add3A_250, %dma_start3A_251, %dma_start3A_252] : memref<2560x2x128xi32, #tpu.memory_space<hbm>> -> memref<1x2x128xi32, #tpu.memory_space<hbm>>
      %dma_start3A_254 = tpu.memref_squeeze %dma_start3A_253 : memref<1x2x128xi32, #tpu.memory_space<hbm>> -> memref<2x128xi32, #tpu.memory_space<hbm>>
      %dma_start3A_255 = arith.constant 0 : i32
      %dma_start3A_256 = arith.constant 0 : i32
      %dma_start3A_257 = tpu.memref_slice %arg3[%add3A_250, %dma_start3A_255, %dma_start3A_256] : memref<2560x2x128xi32, #tpu.memory_space<hbm>> -> memref<1x2x128xi32, #tpu.memory_space<hbm>>
      %dma_start3A_258 = tpu.memref_squeeze %dma_start3A_257 : memref<1x2x128xi32, #tpu.memory_space<hbm>> -> memref<2x128xi32, #tpu.memory_space<hbm>>
      tpu.enqueue_dma source(%dma_start3A_258 : memref<2x128xi32, #tpu.memory_space<hbm>>) target(%arg8 : memref<2x128xi32, #tpu.memory_space<vmem>>) target_semaphore(%arg16 : memref<!tpu.dma_semaphore, #tpu.memory_space<semaphore_mem>>)
      %add3A_259 = arith.constant 1 : i32
      %add3A_260 = arith.addi %add3A_210, %add3A_259 : i32
      %dma_wait3A_261 = arith.constant 0 : i32
      %dma_wait3A_262 = arith.constant 0 : i32
      %dma_wait3A_263 = tpu.memref_slice %arg2[%dma_wait3A_261, %dma_wait3A_262] : memref<10000x128xf32, #tpu.memory_space<hbm>> -> memref<128x128xf32, #tpu.memory_space<hbm>>
      %dma_wait3A_264 = arith.constant 0 : i32
      %dma_wait3A_265 = arith.constant 0 : i32
      %dma_wait3A_266 = tpu.memref_slice %arg2[%dma_wait3A_264, %dma_wait3A_265] : memref<10000x128xf32, #tpu.memory_space<hbm>> -> memref<128x128xf32, #tpu.memory_space<hbm>>
      tpu.wait_dma2 semaphore(%arg13 : memref<!tpu.dma_semaphore, #tpu.memory_space<semaphore_mem>>) src(%dma_wait3A_266 : memref<128x128xf32, #tpu.memory_space<hbm>>) dst(%arg7 : memref<128x128xf32, #tpu.memory_space<vmem>>)
      %dma_wait3A_267 = arith.constant 0 : i32
      %dma_wait3A_268 = arith.constant 0 : i32
      %dma_wait3A_269 = tpu.memref_slice %arg2[%dma_wait3A_267, %dma_wait3A_268] : memref<10000x128xf32, #tpu.memory_space<hbm>> -> memref<128x128xf32, #tpu.memory_space<hbm>>
      %dma_wait3A_270 = arith.constant 0 : i32
      %dma_wait3A_271 = arith.constant 0 : i32
      %dma_wait3A_272 = tpu.memref_slice %arg2[%dma_wait3A_270, %dma_wait3A_271] : memref<10000x128xf32, #tpu.memory_space<hbm>> -> memref<128x128xf32, #tpu.memory_space<hbm>>
      tpu.wait_dma2 semaphore(%arg14 : memref<!tpu.dma_semaphore, #tpu.memory_space<semaphore_mem>>) src(%dma_wait3A_272 : memref<128x128xf32, #tpu.memory_space<hbm>>) dst(%arg6 : memref<128x128xf32, #tpu.memory_space<vmem>>)
      %dma_start3A_273 = arith.constant 1 : i32
      %dma_start3A_274 = arith.constant 0 : i32
      %dma_start3A_275 = tpu.memref_slice %arg11[%dma_start3A_273, %dma_start3A_274] : memref<2x128xi32, #tpu.memory_space<vmem>> -> memref<1x128xi32, #tpu.memory_space<vmem>>
      %dma_start3A_276 = tpu.memref_squeeze %dma_start3A_275 : memref<1x128xi32, #tpu.memory_space<vmem>> -> memref<128xi32, #tpu.memory_space<vmem>>
      %dma_start3A_277 = arith.constant 0 : i32
      %dma_start3A_278 = arith.constant 0 : i32
      %dma_start3A_279 = tpu.memref_slice %arg5[%dma_start3A_277, %dma_start3A_278] : memref<10240x128xf32, #tpu.memory_space<vmem_shared>> -> memref<10240x128xf32, #tpu.memory_space<vmem_shared>>
      tpu.enqueue_indirect_dma source(%arg7 : memref<128x128xf32, #tpu.memory_space<vmem>>) target(%dma_start3A_279 : memref<10240x128xf32, #tpu.memory_space<vmem_shared>>) offsets(%dma_start3A_276 : memref<128xi32, #tpu.memory_space<vmem>>) semaphore(%arg15 : memref<!tpu.dma_semaphore, #tpu.memory_space<semaphore_mem>>) {add = true}
      %dma_wait3A_280 = arith.constant 0 : i32
      %dma_wait3A_281 = arith.constant 0 : i32
      %dma_wait3A_282 = arith.constant 0 : i32
      %dma_wait3A_283 = tpu.memref_slice %arg3[%dma_wait3A_280, %dma_wait3A_281, %dma_wait3A_282] : memref<2560x2x128xi32, #tpu.memory_space<hbm>> -> memref<1x2x128xi32, #tpu.memory_space<hbm>>
      %dma_wait3A_284 = tpu.memref_squeeze %dma_wait3A_283 : memref<1x2x128xi32, #tpu.memory_space<hbm>> -> memref<2x128xi32, #tpu.memory_space<hbm>>
      %dma_wait3A_285 = arith.constant 0 : i32
      %dma_wait3A_286 = arith.constant 0 : i32
      %dma_wait3A_287 = tpu.memref_slice %arg3[%dma_wait3A_280, %dma_wait3A_285, %dma_wait3A_286] : memref<2560x2x128xi32, #tpu.memory_space<hbm>> -> memref<1x2x128xi32, #tpu.memory_space<hbm>>
      %dma_wait3A_288 = tpu.memref_squeeze %dma_wait3A_287 : memref<1x2x128xi32, #tpu.memory_space<hbm>> -> memref<2x128xi32, #tpu.memory_space<hbm>>
      tpu.wait_dma2 semaphore(%arg16 : memref<!tpu.dma_semaphore, #tpu.memory_space<semaphore_mem>>) src(%dma_wait3A_288 : memref<2x128xi32, #tpu.memory_space<hbm>>) dst(%arg8 : memref<2x128xi32, #tpu.memory_space<vmem>>)
      %dma_start3A_289 = arith.constant 0 : i32
      %dma_start3A_290 = arith.constant 0 : i32
      %dma_start3A_291 = tpu.memref_slice %arg8[%dma_start3A_289, %dma_start3A_290] : memref<2x128xi32, #tpu.memory_space<vmem>> -> memref<1x128xi32, #tpu.memory_space<vmem>>
      %dma_start3A_292 = tpu.memref_squeeze %dma_start3A_291 : memref<1x128xi32, #tpu.memory_space<vmem>> -> memref<128xi32, #tpu.memory_space<vmem>>
      %dma_start3A_293 = arith.constant 0 : i32
      %dma_start3A_294 = arith.constant 0 : i32
      %dma_start3A_295 = tpu.memref_slice %arg2[%dma_start3A_293, %dma_start3A_294] : memref<10000x128xf32, #tpu.memory_space<hbm>> -> memref<10000x128xf32, #tpu.memory_space<hbm>>
      tpu.enqueue_indirect_dma source(%dma_start3A_295 : memref<10000x128xf32, #tpu.memory_space<hbm>>) target(%arg6 : memref<128x128xf32, #tpu.memory_space<vmem>>) offsets(%dma_start3A_292 : memref<128xi32, #tpu.memory_space<vmem>>) semaphore(%arg12 : memref<!tpu.dma_semaphore, #tpu.memory_space<semaphore_mem>>)
      %add3A_296 = arith.addi %mul3A_2, %add3A_260 : i32
      %add3A_297 = arith.constant 2 : i32
      %add3A_298 = arith.addi %add3A_296, %add3A_297 : i32
      %dma_start3A_299 = arith.constant 0 : i32
      %dma_start3A_300 = arith.constant 0 : i32
      %dma_start3A_301 = tpu.memref_slice %arg3[%add3A_298, %dma_start3A_299, %dma_start3A_300] : memref<2560x2x128xi32, #tpu.memory_space<hbm>> -> memref<1x2x128xi32, #tpu.memory_space<hbm>>
      %dma_start3A_302 = tpu.memref_squeeze %dma_start3A_301 : memref<1x2x128xi32, #tpu.memory_space<hbm>> -> memref<2x128xi32, #tpu.memory_space<hbm>>
      %dma_start3A_303 = arith.constant 0 : i32
      %dma_start3A_304 = arith.constant 0 : i32
      %dma_start3A_305 = tpu.memref_slice %arg3[%add3A_298, %dma_start3A_303, %dma_start3A_304] : memref<2560x2x128xi32, #tpu.memory_space<hbm>> -> memref<1x2x128xi32, #tpu.memory_space<hbm>>
      %dma_start3A_306 = tpu.memref_squeeze %dma_start3A_305 : memref<1x2x128xi32, #tpu.memory_space<hbm>> -> memref<2x128xi32, #tpu.memory_space<hbm>>
      tpu.enqueue_dma source(%dma_start3A_306 : memref<2x128xi32, #tpu.memory_space<hbm>>) target(%arg9 : memref<2x128xi32, #tpu.memory_space<vmem>>) target_semaphore(%arg17 : memref<!tpu.dma_semaphore, #tpu.memory_space<semaphore_mem>>)
      %add3A_307 = arith.constant 2 : i32
      %add3A_308 = arith.addi %add3A_210, %add3A_307 : i32
      %dma_wait3A_309 = arith.constant 0 : i32
      %dma_wait3A_310 = arith.constant 0 : i32
      %dma_wait3A_311 = tpu.memref_slice %arg2[%dma_wait3A_309, %dma_wait3A_310] : memref<10000x128xf32, #tpu.memory_space<hbm>> -> memref<128x128xf32, #tpu.memory_space<hbm>>
      %dma_wait3A_312 = arith.constant 0 : i32
      %dma_wait3A_313 = arith.constant 0 : i32
      %dma_wait3A_314 = tpu.memref_slice %arg2[%dma_wait3A_312, %dma_wait3A_313] : memref<10000x128xf32, #tpu.memory_space<hbm>> -> memref<128x128xf32, #tpu.memory_space<hbm>>
      tpu.wait_dma2 semaphore(%arg12 : memref<!tpu.dma_semaphore, #tpu.memory_space<semaphore_mem>>) src(%dma_wait3A_314 : memref<128x128xf32, #tpu.memory_space<hbm>>) dst(%arg6 : memref<128x128xf32, #tpu.memory_space<vmem>>)
      %dma_wait3A_315 = arith.constant 0 : i32
      %dma_wait3A_316 = arith.constant 0 : i32
      %dma_wait3A_317 = tpu.memref_slice %arg2[%dma_wait3A_315, %dma_wait3A_316] : memref<10000x128xf32, #tpu.memory_space<hbm>> -> memref<128x128xf32, #tpu.memory_space<hbm>>
      %dma_wait3A_318 = arith.constant 0 : i32
      %dma_wait3A_319 = arith.constant 0 : i32
      %dma_wait3A_320 = tpu.memref_slice %arg2[%dma_wait3A_318, %dma_wait3A_319] : memref<10000x128xf32, #tpu.memory_space<hbm>> -> memref<128x128xf32, #tpu.memory_space<hbm>>
      tpu.wait_dma2 semaphore(%arg15 : memref<!tpu.dma_semaphore, #tpu.memory_space<semaphore_mem>>) src(%dma_wait3A_320 : memref<128x128xf32, #tpu.memory_space<hbm>>) dst(%arg7 : memref<128x128xf32, #tpu.memory_space<vmem>>)
      %dma_start3A_321 = arith.constant 1 : i32
      %dma_start3A_322 = arith.constant 0 : i32
      %dma_start3A_323 = tpu.memref_slice %arg8[%dma_start3A_321, %dma_start3A_322] : memref<2x128xi32, #tpu.memory_space<vmem>> -> memref<1x128xi32, #tpu.memory_space<vmem>>
      %dma_start3A_324 = tpu.memref_squeeze %dma_start3A_323 : memref<1x128xi32, #tpu.memory_space<vmem>> -> memref<128xi32, #tpu.memory_space<vmem>>
      %dma_start3A_325 = arith.constant 0 : i32
      %dma_start3A_326 = arith.constant 0 : i32
      %dma_start3A_327 = tpu.memref_slice %arg5[%dma_start3A_325, %dma_start3A_326] : memref<10240x128xf32, #tpu.memory_space<vmem_shared>> -> memref<10240x128xf32, #tpu.memory_space<vmem_shared>>
      tpu.enqueue_indirect_dma source(%arg6 : memref<128x128xf32, #tpu.memory_space<vmem>>) target(%dma_start3A_327 : memref<10240x128xf32, #tpu.memory_space<vmem_shared>>) offsets(%dma_start3A_324 : memref<128xi32, #tpu.memory_space<vmem>>) semaphore(%arg14 : memref<!tpu.dma_semaphore, #tpu.memory_space<semaphore_mem>>) {add = true}
      %dma_wait3A_328 = arith.constant 0 : i32
      %dma_wait3A_329 = arith.constant 0 : i32
      %dma_wait3A_330 = arith.constant 0 : i32
      %dma_wait3A_331 = tpu.memref_slice %arg3[%dma_wait3A_328, %dma_wait3A_329, %dma_wait3A_330] : memref<2560x2x128xi32, #tpu.memory_space<hbm>> -> memref<1x2x128xi32, #tpu.memory_space<hbm>>
      %dma_wait3A_332 = tpu.memref_squeeze %dma_wait3A_331 : memref<1x2x128xi32, #tpu.memory_space<hbm>> -> memref<2x128xi32, #tpu.memory_space<hbm>>
      %dma_wait3A_333 = arith.constant 0 : i32
      %dma_wait3A_334 = arith.constant 0 : i32
      %dma_wait3A_335 = tpu.memref_slice %arg3[%dma_wait3A_328, %dma_wait3A_333, %dma_wait3A_334] : memref<2560x2x128xi32, #tpu.memory_space<hbm>> -> memref<1x2x128xi32, #tpu.memory_space<hbm>>
      %dma_wait3A_336 = tpu.memref_squeeze %dma_wait3A_335 : memref<1x2x128xi32, #tpu.memory_space<hbm>> -> memref<2x128xi32, #tpu.memory_space<hbm>>
      tpu.wait_dma2 semaphore(%arg17 : memref<!tpu.dma_semaphore, #tpu.memory_space<semaphore_mem>>) src(%dma_wait3A_336 : memref<2x128xi32, #tpu.memory_space<hbm>>) dst(%arg9 : memref<2x128xi32, #tpu.memory_space<vmem>>)
      %dma_start3A_337 = arith.constant 0 : i32
      %dma_start3A_338 = arith.constant 0 : i32
      %dma_start3A_339 = tpu.memref_slice %arg9[%dma_start3A_337, %dma_start3A_338] : memref<2x128xi32, #tpu.memory_space<vmem>> -> memref<1x128xi32, #tpu.memory_space<vmem>>
      %dma_start3A_340 = tpu.memref_squeeze %dma_start3A_339 : memref<1x128xi32, #tpu.memory_space<vmem>> -> memref<128xi32, #tpu.memory_space<vmem>>
      %dma_start3A_341 = arith.constant 0 : i32
      %dma_start3A_342 = arith.constant 0 : i32
      %dma_start3A_343 = tpu.memref_slice %arg2[%dma_start3A_341, %dma_start3A_342] : memref<10000x128xf32, #tpu.memory_space<hbm>> -> memref<10000x128xf32, #tpu.memory_space<hbm>>
      tpu.enqueue_indirect_dma source(%dma_start3A_343 : memref<10000x128xf32, #tpu.memory_space<hbm>>) target(%arg7 : memref<128x128xf32, #tpu.memory_space<vmem>>) offsets(%dma_start3A_340 : memref<128xi32, #tpu.memory_space<vmem>>) semaphore(%arg13 : memref<!tpu.dma_semaphore, #tpu.memory_space<semaphore_mem>>)
      %add3A_344 = arith.addi %mul3A_2, %add3A_308 : i32
      %add3A_345 = arith.constant 2 : i32
      %add3A_346 = arith.addi %add3A_344, %add3A_345 : i32
      %dma_start3A_347 = arith.constant 0 : i32
      %dma_start3A_348 = arith.constant 0 : i32
      %dma_start3A_349 = tpu.memref_slice %arg3[%add3A_346, %dma_start3A_347, %dma_start3A_348] : memref<2560x2x128xi32, #tpu.memory_space<hbm>> -> memref<1x2x128xi32, #tpu.memory_space<hbm>>
      %dma_start3A_350 = tpu.memref_squeeze %dma_start3A_349 : memref<1x2x128xi32, #tpu.memory_space<hbm>> -> memref<2x128xi32, #tpu.memory_space<hbm>>
      %dma_start3A_351 = arith.constant 0 : i32
      %dma_start3A_352 = arith.constant 0 : i32
      %dma_start3A_353 = tpu.memref_slice %arg3[%add3A_346, %dma_start3A_351, %dma_start3A_352] : memref<2560x2x128xi32, #tpu.memory_space<hbm>> -> memref<1x2x128xi32, #tpu.memory_space<hbm>>
      %dma_start3A_354 = tpu.memref_squeeze %dma_start3A_353 : memref<1x2x128xi32, #tpu.memory_space<hbm>> -> memref<2x128xi32, #tpu.memory_space<hbm>>
      tpu.enqueue_dma source(%dma_start3A_354 : memref<2x128xi32, #tpu.memory_space<hbm>>) target(%arg10 : memref<2x128xi32, #tpu.memory_space<vmem>>) target_semaphore(%arg18 : memref<!tpu.dma_semaphore, #tpu.memory_space<semaphore_mem>>)
      %add3A_355 = arith.constant 3 : i32
      %add3A_356 = arith.addi %add3A_210, %add3A_355 : i32
      %dma_wait3A_357 = arith.constant 0 : i32
      %dma_wait3A_358 = arith.constant 0 : i32
      %dma_wait3A_359 = tpu.memref_slice %arg2[%dma_wait3A_357, %dma_wait3A_358] : memref<10000x128xf32, #tpu.memory_space<hbm>> -> memref<128x128xf32, #tpu.memory_space<hbm>>
      %dma_wait3A_360 = arith.constant 0 : i32
      %dma_wait3A_361 = arith.constant 0 : i32
      %dma_wait3A_362 = tpu.memref_slice %arg2[%dma_wait3A_360, %dma_wait3A_361] : memref<10000x128xf32, #tpu.memory_space<hbm>> -> memref<128x128xf32, #tpu.memory_space<hbm>>
      tpu.wait_dma2 semaphore(%arg13 : memref<!tpu.dma_semaphore, #tpu.memory_space<semaphore_mem>>) src(%dma_wait3A_362 : memref<128x128xf32, #tpu.memory_space<hbm>>) dst(%arg7 : memref<128x128xf32, #tpu.memory_space<vmem>>)
      %dma_wait3A_363 = arith.constant 0 : i32
      %dma_wait3A_364 = arith.constant 0 : i32
      %dma_wait3A_365 = tpu.memref_slice %arg2[%dma_wait3A_363, %dma_wait3A_364] : memref<10000x128xf32, #tpu.memory_space<hbm>> -> memref<128x128xf32, #tpu.memory_space<hbm>>
      %dma_wait3A_366 = arith.constant 0 : i32
      %dma_wait3A_367 = arith.constant 0 : i32
      %dma_wait3A_368 = tpu.memref_slice %arg2[%dma_wait3A_366, %dma_wait3A_367] : memref<10000x128xf32, #tpu.memory_space<hbm>> -> memref<128x128xf32, #tpu.memory_space<hbm>>
      tpu.wait_dma2 semaphore(%arg14 : memref<!tpu.dma_semaphore, #tpu.memory_space<semaphore_mem>>) src(%dma_wait3A_368 : memref<128x128xf32, #tpu.memory_space<hbm>>) dst(%arg6 : memref<128x128xf32, #tpu.memory_space<vmem>>)
      %dma_start3A_369 = arith.constant 1 : i32
      %dma_start3A_370 = arith.constant 0 : i32
      %dma_start3A_371 = tpu.memref_slice %arg9[%dma_start3A_369, %dma_start3A_370] : memref<2x128xi32, #tpu.memory_space<vmem>> -> memref<1x128xi32, #tpu.memory_space<vmem>>
      %dma_start3A_372 = tpu.memref_squeeze %dma_start3A_371 : memref<1x128xi32, #tpu.memory_space<vmem>> -> memref<128xi32, #tpu.memory_space<vmem>>
      %dma_start3A_373 = arith.constant 0 : i32
      %dma_start3A_374 = arith.constant 0 : i32
      %dma_start3A_375 = tpu.memref_slice %arg5[%dma_start3A_373, %dma_start3A_374] : memref<10240x128xf32, #tpu.memory_space<vmem_shared>> -> memref<10240x128xf32, #tpu.memory_space<vmem_shared>>
      tpu.enqueue_indirect_dma source(%arg7 : memref<128x128xf32, #tpu.memory_space<vmem>>) target(%dma_start3A_375 : memref<10240x128xf32, #tpu.memory_space<vmem_shared>>) offsets(%dma_start3A_372 : memref<128xi32, #tpu.memory_space<vmem>>) semaphore(%arg15 : memref<!tpu.dma_semaphore, #tpu.memory_space<semaphore_mem>>) {add = true}
      %dma_wait3A_376 = arith.constant 0 : i32
      %dma_wait3A_377 = arith.constant 0 : i32
      %dma_wait3A_378 = arith.constant 0 : i32
      %dma_wait3A_379 = tpu.memref_slice %arg3[%dma_wait3A_376, %dma_wait3A_377, %dma_wait3A_378] : memref<2560x2x128xi32, #tpu.memory_space<hbm>> -> memref<1x2x128xi32, #tpu.memory_space<hbm>>
      %dma_wait3A_380 = tpu.memref_squeeze %dma_wait3A_379 : memref<1x2x128xi32, #tpu.memory_space<hbm>> -> memref<2x128xi32, #tpu.memory_space<hbm>>
      %dma_wait3A_381 = arith.constant 0 : i32
      %dma_wait3A_382 = arith.constant 0 : i32
      %dma_wait3A_383 = tpu.memref_slice %arg3[%dma_wait3A_376, %dma_wait3A_381, %dma_wait3A_382] : memref<2560x2x128xi32, #tpu.memory_space<hbm>> -> memref<1x2x128xi32, #tpu.memory_space<hbm>>
      %dma_wait3A_384 = tpu.memref_squeeze %dma_wait3A_383 : memref<1x2x128xi32, #tpu.memory_space<hbm>> -> memref<2x128xi32, #tpu.memory_space<hbm>>
      tpu.wait_dma2 semaphore(%arg18 : memref<!tpu.dma_semaphore, #tpu.memory_space<semaphore_mem>>) src(%dma_wait3A_384 : memref<2x128xi32, #tpu.memory_space<hbm>>) dst(%arg10 : memref<2x128xi32, #tpu.memory_space<vmem>>)
      %dma_start3A_385 = arith.constant 0 : i32
      %dma_start3A_386 = arith.constant 0 : i32
      %dma_start3A_387 = tpu.memref_slice %arg10[%dma_start3A_385, %dma_start3A_386] : memref<2x128xi32, #tpu.memory_space<vmem>> -> memref<1x128xi32, #tpu.memory_space<vmem>>
      %dma_start3A_388 = tpu.memref_squeeze %dma_start3A_387 : memref<1x128xi32, #tpu.memory_space<vmem>> -> memref<128xi32, #tpu.memory_space<vmem>>
      %dma_start3A_389 = arith.constant 0 : i32
      %dma_start3A_390 = arith.constant 0 : i32
      %dma_start3A_391 = tpu.memref_slice %arg2[%dma_start3A_389, %dma_start3A_390] : memref<10000x128xf32, #tpu.memory_space<hbm>> -> memref<10000x128xf32, #tpu.memory_space<hbm>>
      tpu.enqueue_indirect_dma source(%dma_start3A_391 : memref<10000x128xf32, #tpu.memory_space<hbm>>) target(%arg6 : memref<128x128xf32, #tpu.memory_space<vmem>>) offsets(%dma_start3A_388 : memref<128xi32, #tpu.memory_space<vmem>>) semaphore(%arg12 : memref<!tpu.dma_semaphore, #tpu.memory_space<semaphore_mem>>)
      %add3A_392 = arith.addi %mul3A_2, %add3A_356 : i32
      %add3A_393 = arith.constant 2 : i32
      %add3A_394 = arith.addi %add3A_392, %add3A_393 : i32
      %dma_start3A_395 = arith.constant 0 : i32
      %dma_start3A_396 = arith.constant 0 : i32
      %dma_start3A_397 = tpu.memref_slice %arg3[%add3A_394, %dma_start3A_395, %dma_start3A_396] : memref<2560x2x128xi32, #tpu.memory_space<hbm>> -> memref<1x2x128xi32, #tpu.memory_space<hbm>>
      %dma_start3A_398 = tpu.memref_squeeze %dma_start3A_397 : memref<1x2x128xi32, #tpu.memory_space<hbm>> -> memref<2x128xi32, #tpu.memory_space<hbm>>
      %dma_start3A_399 = arith.constant 0 : i32
      %dma_start3A_400 = arith.constant 0 : i32
      %dma_start3A_401 = tpu.memref_slice %arg3[%add3A_394, %dma_start3A_399, %dma_start3A_400] : memref<2560x2x128xi32, #tpu.memory_space<hbm>> -> memref<1x2x128xi32, #tpu.memory_space<hbm>>
      %dma_start3A_402 = tpu.memref_squeeze %dma_start3A_401 : memref<1x2x128xi32, #tpu.memory_space<hbm>> -> memref<2x128xi32, #tpu.memory_space<hbm>>
      tpu.enqueue_dma source(%dma_start3A_402 : memref<2x128xi32, #tpu.memory_space<hbm>>) target(%arg11 : memref<2x128xi32, #tpu.memory_space<vmem>>) target_semaphore(%arg19 : memref<!tpu.dma_semaphore, #tpu.memory_space<semaphore_mem>>)
    }
    %scan3A_140 = arith.constant 19 : i32
    %dma_wait3A_141 = arith.constant 0 : i32
    %dma_wait3A_142 = arith.constant 0 : i32
    %dma_wait3A_143 = tpu.memref_slice %arg2[%dma_wait3A_141, %dma_wait3A_142] : memref<10000x128xf32, #tpu.memory_space<hbm>> -> memref<128x128xf32, #tpu.memory_space<hbm>>
    %dma_wait3A_144 = arith.constant 0 : i32
    %dma_wait3A_145 = arith.constant 0 : i32
    %dma_wait3A_146 = tpu.memref_slice %arg2[%dma_wait3A_144, %dma_wait3A_145] : memref<10000x128xf32, #tpu.memory_space<hbm>> -> memref<128x128xf32, #tpu.memory_space<hbm>>
    tpu.wait_dma2 semaphore(%arg12 : memref<!tpu.dma_semaphore, #tpu.memory_space<semaphore_mem>>) src(%dma_wait3A_146 : memref<128x128xf32, #tpu.memory_space<hbm>>) dst(%arg6 : memref<128x128xf32, #tpu.memory_space<vmem>>)
    %dma_wait3A_147 = arith.constant 0 : i32
    %dma_wait3A_148 = arith.constant 0 : i32
    %dma_wait3A_149 = tpu.memref_slice %arg2[%dma_wait3A_147, %dma_wait3A_148] : memref<10000x128xf32, #tpu.memory_space<hbm>> -> memref<128x128xf32, #tpu.memory_space<hbm>>
    %dma_wait3A_150 = arith.constant 0 : i32
    %dma_wait3A_151 = arith.constant 0 : i32
    %dma_wait3A_152 = tpu.memref_slice %arg2[%dma_wait3A_150, %dma_wait3A_151] : memref<10000x128xf32, #tpu.memory_space<hbm>> -> memref<128x128xf32, #tpu.memory_space<hbm>>
    tpu.wait_dma2 semaphore(%arg15 : memref<!tpu.dma_semaphore, #tpu.memory_space<semaphore_mem>>) src(%dma_wait3A_152 : memref<128x128xf32, #tpu.memory_space<hbm>>) dst(%arg7 : memref<128x128xf32, #tpu.memory_space<vmem>>)
    %dma_start3A_153 = arith.constant 1 : i32
    %dma_start3A_154 = arith.constant 0 : i32
    %dma_start3A_155 = tpu.memref_slice %arg10[%dma_start3A_153, %dma_start3A_154] : memref<2x128xi32, #tpu.memory_space<vmem>> -> memref<1x128xi32, #tpu.memory_space<vmem>>
    %dma_start3A_156 = tpu.memref_squeeze %dma_start3A_155 : memref<1x128xi32, #tpu.memory_space<vmem>> -> memref<128xi32, #tpu.memory_space<vmem>>
    %dma_start3A_157 = arith.constant 0 : i32
    %dma_start3A_158 = arith.constant 0 : i32
    %dma_start3A_159 = tpu.memref_slice %arg5[%dma_start3A_157, %dma_start3A_158] : memref<10240x128xf32, #tpu.memory_space<vmem_shared>> -> memref<10240x128xf32, #tpu.memory_space<vmem_shared>>
    tpu.enqueue_indirect_dma source(%arg6 : memref<128x128xf32, #tpu.memory_space<vmem>>) target(%dma_start3A_159 : memref<10240x128xf32, #tpu.memory_space<vmem_shared>>) offsets(%dma_start3A_156 : memref<128xi32, #tpu.memory_space<vmem>>) semaphore(%arg14 : memref<!tpu.dma_semaphore, #tpu.memory_space<semaphore_mem>>) {add = true}
    %dma_wait3A_160 = arith.constant 0 : i32
    %dma_wait3A_161 = arith.constant 0 : i32
    %dma_wait3A_162 = arith.constant 0 : i32
    %dma_wait3A_163 = tpu.memref_slice %arg3[%dma_wait3A_160, %dma_wait3A_161, %dma_wait3A_162] : memref<2560x2x128xi32, #tpu.memory_space<hbm>> -> memref<1x2x128xi32, #tpu.memory_space<hbm>>
    %dma_wait3A_164 = tpu.memref_squeeze %dma_wait3A_163 : memref<1x2x128xi32, #tpu.memory_space<hbm>> -> memref<2x128xi32, #tpu.memory_space<hbm>>
    %dma_wait3A_165 = arith.constant 0 : i32
    %dma_wait3A_166 = arith.constant 0 : i32
    %dma_wait3A_167 = tpu.memref_slice %arg3[%dma_wait3A_160, %dma_wait3A_165, %dma_wait3A_166] : memref<2560x2x128xi32, #tpu.memory_space<hbm>> -> memref<1x2x128xi32, #tpu.memory_space<hbm>>
    %dma_wait3A_168 = tpu.memref_squeeze %dma_wait3A_167 : memref<1x2x128xi32, #tpu.memory_space<hbm>> -> memref<2x128xi32, #tpu.memory_space<hbm>>
    tpu.wait_dma2 semaphore(%arg19 : memref<!tpu.dma_semaphore, #tpu.memory_space<semaphore_mem>>) src(%dma_wait3A_168 : memref<2x128xi32, #tpu.memory_space<hbm>>) dst(%arg11 : memref<2x128xi32, #tpu.memory_space<vmem>>)
    %dma_start3A_169 = arith.constant 0 : i32
    %dma_start3A_170 = arith.constant 0 : i32
    %dma_start3A_171 = tpu.memref_slice %arg11[%dma_start3A_169, %dma_start3A_170] : memref<2x128xi32, #tpu.memory_space<vmem>> -> memref<1x128xi32, #tpu.memory_space<vmem>>
    %dma_start3A_172 = tpu.memref_squeeze %dma_start3A_171 : memref<1x128xi32, #tpu.memory_space<vmem>> -> memref<128xi32, #tpu.memory_space<vmem>>
    %dma_start3A_173 = arith.constant 0 : i32
    %dma_start3A_174 = arith.constant 0 : i32
    %dma_start3A_175 = tpu.memref_slice %arg2[%dma_start3A_173, %dma_start3A_174] : memref<10000x128xf32, #tpu.memory_space<hbm>> -> memref<10000x128xf32, #tpu.memory_space<hbm>>
    tpu.enqueue_indirect_dma source(%dma_start3A_175 : memref<10000x128xf32, #tpu.memory_space<hbm>>) target(%arg7 : memref<128x128xf32, #tpu.memory_space<vmem>>) offsets(%dma_start3A_172 : memref<128xi32, #tpu.memory_space<vmem>>) semaphore(%arg13 : memref<!tpu.dma_semaphore, #tpu.memory_space<semaphore_mem>>)
    %dma_wait3A_176 = arith.constant 0 : i32
    %dma_wait3A_177 = arith.constant 0 : i32
    %dma_wait3A_178 = tpu.memref_slice %arg2[%dma_wait3A_176, %dma_wait3A_177] : memref<10000x128xf32, #tpu.memory_space<hbm>> -> memref<128x128xf32, #tpu.memory_space<hbm>>
    %dma_wait3A_179 = arith.constant 0 : i32
    %dma_wait3A_180 = arith.constant 0 : i32
    %dma_wait3A_181 = tpu.memref_slice %arg2[%dma_wait3A_179, %dma_wait3A_180] : memref<10000x128xf32, #tpu.memory_space<hbm>> -> memref<128x128xf32, #tpu.memory_space<hbm>>
    tpu.wait_dma2 semaphore(%arg13 : memref<!tpu.dma_semaphore, #tpu.memory_space<semaphore_mem>>) src(%dma_wait3A_181 : memref<128x128xf32, #tpu.memory_space<hbm>>) dst(%arg7 : memref<128x128xf32, #tpu.memory_space<vmem>>)
    %dma_wait3A_182 = arith.constant 0 : i32
    %dma_wait3A_183 = arith.constant 0 : i32
    %dma_wait3A_184 = tpu.memref_slice %arg2[%dma_wait3A_182, %dma_wait3A_183] : memref<10000x128xf32, #tpu.memory_space<hbm>> -> memref<128x128xf32, #tpu.memory_space<hbm>>
    %dma_wait3A_185 = arith.constant 0 : i32
    %dma_wait3A_186 = arith.constant 0 : i32
    %dma_wait3A_187 = tpu.memref_slice %arg2[%dma_wait3A_185, %dma_wait3A_186] : memref<10000x128xf32, #tpu.memory_space<hbm>> -> memref<128x128xf32, #tpu.memory_space<hbm>>
    tpu.wait_dma2 semaphore(%arg14 : memref<!tpu.dma_semaphore, #tpu.memory_space<semaphore_mem>>) src(%dma_wait3A_187 : memref<128x128xf32, #tpu.memory_space<hbm>>) dst(%arg6 : memref<128x128xf32, #tpu.memory_space<vmem>>)
    %dma_start3A_188 = arith.constant 1 : i32
    %dma_start3A_189 = arith.constant 0 : i32
    %dma_start3A_190 = tpu.memref_slice %arg11[%dma_start3A_188, %dma_start3A_189] : memref<2x128xi32, #tpu.memory_space<vmem>> -> memref<1x128xi32, #tpu.memory_space<vmem>>
    %dma_start3A_191 = tpu.memref_squeeze %dma_start3A_190 : memref<1x128xi32, #tpu.memory_space<vmem>> -> memref<128xi32, #tpu.memory_space<vmem>>
    %dma_start3A_192 = arith.constant 0 : i32
    %dma_start3A_193 = arith.constant 0 : i32
    %dma_start3A_194 = tpu.memref_slice %arg5[%dma_start3A_192, %dma_start3A_193] : memref<10240x128xf32, #tpu.memory_space<vmem_shared>> -> memref<10240x128xf32, #tpu.memory_space<vmem_shared>>
    tpu.enqueue_indirect_dma source(%arg7 : memref<128x128xf32, #tpu.memory_space<vmem>>) target(%dma_start3A_194 : memref<10240x128xf32, #tpu.memory_space<vmem_shared>>) offsets(%dma_start3A_191 : memref<128xi32, #tpu.memory_space<vmem>>) semaphore(%arg15 : memref<!tpu.dma_semaphore, #tpu.memory_space<semaphore_mem>>) {add = true}
    %dma_wait3A_195 = arith.constant 0 : i32
    %dma_wait3A_196 = arith.constant 0 : i32
    %dma_wait3A_197 = tpu.memref_slice %arg2[%dma_wait3A_195, %dma_wait3A_196] : memref<10000x128xf32, #tpu.memory_space<hbm>> -> memref<128x128xf32, #tpu.memory_space<hbm>>
    %dma_wait3A_198 = arith.constant 0 : i32
    %dma_wait3A_199 = arith.constant 0 : i32
    %dma_wait3A_200 = tpu.memref_slice %arg2[%dma_wait3A_198, %dma_wait3A_199] : memref<10000x128xf32, #tpu.memory_space<hbm>> -> memref<128x128xf32, #tpu.memory_space<hbm>>
    tpu.wait_dma2 semaphore(%arg15 : memref<!tpu.dma_semaphore, #tpu.memory_space<semaphore_mem>>) src(%dma_wait3A_200 : memref<128x128xf32, #tpu.memory_space<hbm>>) dst(%arg7 : memref<128x128xf32, #tpu.memory_space<vmem>>)
    %barrier3A_201 = arith.constant 0 : index
    tpu.barrier barrier_id(%barrier3A_201)
    %mul3A_202 = arith.constant 640 : i32
    %mul3A_203 = arith.muli %arg1, %mul3A_202 : i32
    %mul3A_204 = arith.constant 640 : i32
    %mul3A_205 = arith.muli %arg1, %mul3A_204 : i32
    "tpu.region"() ({
      %run_scoped3A = tpu.sem_alloc : memref<!tpu.dma_semaphore, #tpu.memory_space<semaphore_mem>>
      %dma_start3A_206 = arith.constant 0 : i32
      %dma_start3A_207 = tpu.memref_slice %arg4[%arg0, %mul3A_205, %dma_start3A_206] : memref<2x10240x128xf32, #tpu.memory_space<hbm>> -> memref<1x640x128xf32, #tpu.memory_space<hbm>>
      %dma_start3A_208 = tpu.memref_squeeze %dma_start3A_207 : memref<1x640x128xf32, #tpu.memory_space<hbm>> -> memref<640x128xf32, #tpu.memory_space<hbm>>
      %dma_start3A_209 = arith.constant 0 : i32
      %dma_start3A_210 = tpu.memref_slice %arg5[%mul3A_203, %dma_start3A_209] : memref<10240x128xf32, #tpu.memory_space<vmem_shared>> -> memref<640x128xf32, #tpu.memory_space<vmem_shared>>
      tpu.enqueue_dma source(%dma_start3A_210 : memref<640x128xf32, #tpu.memory_space<vmem_shared>>) target(%dma_start3A_208 : memref<640x128xf32, #tpu.memory_space<hbm>>) target_semaphore(%run_scoped3A : memref<!tpu.dma_semaphore, #tpu.memory_space<semaphore_mem>>)
      %dma_wait3A_211 = arith.constant 0 : i32
      %dma_wait3A_212 = tpu.memref_slice %arg4[%arg0, %mul3A_205, %dma_wait3A_211] : memref<2x10240x128xf32, #tpu.memory_space<hbm>> -> memref<1x640x128xf32, #tpu.memory_space<hbm>>
      %dma_wait3A_213 = tpu.memref_squeeze %dma_wait3A_212 : memref<1x640x128xf32, #tpu.memory_space<hbm>> -> memref<640x128xf32, #tpu.memory_space<hbm>>
      %dma_wait3A_214 = arith.constant 0 : i32
      %dma_wait3A_215 = tpu.memref_slice %arg5[%mul3A_203, %dma_wait3A_214] : memref<10240x128xf32, #tpu.memory_space<vmem_shared>> -> memref<640x128xf32, #tpu.memory_space<vmem_shared>>
      tpu.wait_dma2 semaphore(%run_scoped3A : memref<!tpu.dma_semaphore, #tpu.memory_space<semaphore_mem>>) src(%dma_wait3A_215 : memref<640x128xf32, #tpu.memory_space<vmem_shared>>) dst(%dma_wait3A_213 : memref<640x128xf32, #tpu.memory_space<hbm>>)
      tpu.yield
    }) : () -> ()
    return
  }
}

#map = affine_map<(d0, d1) -> (0, 0)>
#map1 = affine_map<(d0, d1) -> (0, 0, 0)>
module attributes {stable_mosaic.version = 14 : i64} {
  func.func @_segment_sum_body(%arg0: i32, %arg1: i32, %arg2: memref<10000x128xf32, #tpu.memory_space<hbm>>, %arg3: memref<2560x2x128xi32, #tpu.memory_space<hbm>>, %arg4: memref<2x10240x128xf32, #tpu.memory_space<hbm>>, %arg5: memref<10240x128xf32, #tpu.memory_space<vmem_shared>>, %arg6: memref<128x128xf32, #tpu.memory_space<vmem>>, %arg7: memref<128x128xf32, #tpu.memory_space<vmem>>, %arg8: memref<2x128xi32, #tpu.memory_space<vmem>>, %arg9: memref<2x128xi32, #tpu.memory_space<vmem>>, %arg10: memref<2x128xi32, #tpu.memory_space<vmem>>, %arg11: memref<2x128xi32, #tpu.memory_space<vmem>>, %arg12: memref<!tpu.dma_semaphore, #tpu.memory_space<semaphore_mem>>, %arg13: memref<!tpu.dma_semaphore, #tpu.memory_space<semaphore_mem>>, %arg14: memref<!tpu.dma_semaphore, #tpu.memory_space<semaphore_mem>>, %arg15: memref<!tpu.dma_semaphore, #tpu.memory_space<semaphore_mem>>, %arg16: memref<!tpu.dma_semaphore, #tpu.memory_space<semaphore_mem>>, %arg17: memref<!tpu.dma_semaphore, #tpu.memory_space<semaphore_mem>>, %arg18: memref<!tpu.dma_semaphore, #tpu.memory_space<semaphore_mem>>, %arg19: memref<!tpu.dma_semaphore, #tpu.memory_space<semaphore_mem>>) attributes {dimension_semantics = [#tpu.dimension_semantics<core_parallel>, #tpu.dimension_semantics<subcore_parallel>], iteration_bounds = array<i64: 2, 16>, scalar_prefetch = 0 : i64, scratch_operands = 15 : i64, tpu.core_type = #tpu.core_type<sc_vector_subcore>, window_params = [{transform_indices = #map}, {transform_indices = #map1}, {transform_indices = #map1}]} {
    %mul3A = arith.constant 2 : i32
    %mul3A_0 = arith.muli %arg1, %mul3A : i32
    %add3A = arith.addi %mul3A_0, %arg0 : i32
    %mul3A_1 = arith.constant 80 : i32
    %mul3A_2 = arith.muli %add3A, %mul3A_1 : i32
    %dma_start3A = arith.constant 0 : i32
    %dma_start3A_3 = arith.constant 0 : i32
    %dma_start3A_4 = tpu.memref_slice %arg3[%mul3A_2, %dma_start3A, %dma_start3A_3] : memref<2560x2x128xi32, #tpu.memory_space<hbm>> -> memref<1x2x128xi32, #tpu.memory_space<hbm>>
    %dma_start3A_5 = tpu.memref_squeeze %dma_start3A_4 : memref<1x2x128xi32, #tpu.memory_space<hbm>> -> memref<2x128xi32, #tpu.memory_space<hbm>>
    %dma_start3A_6 = arith.constant 0 : i32
    %dma_start3A_7 = arith.constant 0 : i32
    %dma_start3A_8 = tpu.memref_slice %arg3[%mul3A_2, %dma_start3A_6, %dma_start3A_7] : memref<2560x2x128xi32, #tpu.memory_space<hbm>> -> memref<1x2x128xi32, #tpu.memory_space<hbm>>
    %dma_start3A_9 = tpu.memref_squeeze %dma_start3A_8 : memref<1x2x128xi32, #tpu.memory_space<hbm>> -> memref<2x128xi32, #tpu.memory_space<hbm>>
    tpu.enqueue_dma source(%dma_start3A_9 : memref<2x128xi32, #tpu.memory_space<hbm>>) target(%arg8 : memref<2x128xi32, #tpu.memory_space<vmem>>) target_semaphore(%arg16 : memref<!tpu.dma_semaphore, #tpu.memory_space<semaphore_mem>>)
    %add3A_10 = arith.constant 1 : i32
    %add3A_11 = arith.addi %mul3A_2, %add3A_10 : i32
    %dma_start3A_12 = arith.constant 0 : i32
    %dma_start3A_13 = arith.constant 0 : i32
    %dma_start3A_14 = tpu.memref_slice %arg3[%add3A_11, %dma_start3A_12, %dma_start3A_13] : memref<2560x2x128xi32, #tpu.memory_space<hbm>> -> memref<1x2x128xi32, #tpu.memory_space<hbm>>
    %dma_start3A_15 = tpu.memref_squeeze %dma_start3A_14 : memref<1x2x128xi32, #tpu.memory_space<hbm>> -> memref<2x128xi32, #tpu.memory_space<hbm>>
    %dma_start3A_16 = arith.constant 0 : i32
    %dma_start3A_17 = arith.constant 0 : i32
    %dma_start3A_18 = tpu.memref_slice %arg3[%add3A_11, %dma_start3A_16, %dma_start3A_17] : memref<2560x2x128xi32, #tpu.memory_space<hbm>> -> memref<1x2x128xi32, #tpu.memory_space<hbm>>
    %dma_start3A_19 = tpu.memref_squeeze %dma_start3A_18 : memref<1x2x128xi32, #tpu.memory_space<hbm>> -> memref<2x128xi32, #tpu.memory_space<hbm>>
    tpu.enqueue_dma source(%dma_start3A_19 : memref<2x128xi32, #tpu.memory_space<hbm>>) target(%arg9 : memref<2x128xi32, #tpu.memory_space<vmem>>) target_semaphore(%arg17 : memref<!tpu.dma_semaphore, #tpu.memory_space<semaphore_mem>>)
    %broadcast_in_dim3A = arith.constant 0.000000e+00 : f32
    %broadcast_in_dim3A_20 = vector.broadcast %broadcast_in_dim3A : f32 to vector<16xf32>
    %scan3A = arith.constant 0 : i32
    %scan3A_21 = arith.constant 0 : i32
    %scan3A_22 = arith.constant 128 : i32
    %scan3A_23 = arith.addi %scan3A_21, %scan3A_22 : i32
    %scan3A_24 = arith.constant 1 : i32
    scf.for %scan3A_206 = %scan3A_21 to %scan3A_23 step %scan3A_24  : i32 {
      %swap3A = arith.index_cast %scan3A_206 : i32 to index
      %swap3A_207 = arith.constant 0 : index
      %swap3A_208 = tpu.vector_load %arg6[%swap3A, %swap3A_207] {strides = array<i32>} : memref<128x128xf32, #tpu.memory_space<vmem>>, vector<1x16xf32>,
      %swap3A_209 = vector.shape_cast %swap3A_208 : vector<1x16xf32> to vector<16xf32>
      %swap3A_210 = vector.shape_cast %broadcast_in_dim3A_20 : vector<16xf32> to vector<1x16xf32>
      tpu.vector_store %arg6[%swap3A, %swap3A_207], %swap3A_210 {strides = array<i32>} : memref<128x128xf32, #tpu.memory_space<vmem>>, vector<1x16xf32>,
      %swap3A_211 = arith.index_cast %scan3A_206 : i32 to index
      %swap3A_212 = arith.constant 16 : index
      %swap3A_213 = tpu.vector_load %arg6[%swap3A_211, %swap3A_212] {strides = array<i32>} : memref<128x128xf32, #tpu.memory_space<vmem>>, vector<1x16xf32>,
      %swap3A_214 = vector.shape_cast %swap3A_213 : vector<1x16xf32> to vector<16xf32>
      %swap3A_215 = vector.shape_cast %broadcast_in_dim3A_20 : vector<16xf32> to vector<1x16xf32>
      tpu.vector_store %arg6[%swap3A_211, %swap3A_212], %swap3A_215 {strides = array<i32>} : memref<128x128xf32, #tpu.memory_space<vmem>>, vector<1x16xf32>,
      %swap3A_216 = arith.index_cast %scan3A_206 : i32 to index
      %swap3A_217 = arith.constant 32 : index
      %swap3A_218 = tpu.vector_load %arg6[%swap3A_216, %swap3A_217] {strides = array<i32>} : memref<128x128xf32, #tpu.memory_space<vmem>>, vector<1x16xf32>,
      %swap3A_219 = vector.shape_cast %swap3A_218 : vector<1x16xf32> to vector<16xf32>
      %swap3A_220 = vector.shape_cast %broadcast_in_dim3A_20 : vector<16xf32> to vector<1x16xf32>
      tpu.vector_store %arg6[%swap3A_216, %swap3A_217], %swap3A_220 {strides = array<i32>} : memref<128x128xf32, #tpu.memory_space<vmem>>, vector<1x16xf32>,
      %swap3A_221 = arith.index_cast %scan3A_206 : i32 to index
      %swap3A_222 = arith.constant 48 : index
      %swap3A_223 = tpu.vector_load %arg6[%swap3A_221, %swap3A_222] {strides = array<i32>} : memref<128x128xf32, #tpu.memory_space<vmem>>, vector<1x16xf32>,
      %swap3A_224 = vector.shape_cast %swap3A_223 : vector<1x16xf32> to vector<16xf32>
      %swap3A_225 = vector.shape_cast %broadcast_in_dim3A_20 : vector<16xf32> to vector<1x16xf32>
      tpu.vector_store %arg6[%swap3A_221, %swap3A_222], %swap3A_225 {strides = array<i32>} : memref<128x128xf32, #tpu.memory_space<vmem>>, vector<1x16xf32>,
      %swap3A_226 = arith.index_cast %scan3A_206 : i32 to index
      %swap3A_227 = arith.constant 64 : index
      %swap3A_228 = tpu.vector_load %arg6[%swap3A_226, %swap3A_227] {strides = array<i32>} : memref<128x128xf32, #tpu.memory_space<vmem>>, vector<1x16xf32>,
      %swap3A_229 = vector.shape_cast %swap3A_228 : vector<1x16xf32> to vector<16xf32>
      %swap3A_230 = vector.shape_cast %broadcast_in_dim3A_20 : vector<16xf32> to vector<1x16xf32>
      tpu.vector_store %arg6[%swap3A_226, %swap3A_227], %swap3A_230 {strides = array<i32>} : memref<128x128xf32, #tpu.memory_space<vmem>>, vector<1x16xf32>,
      %swap3A_231 = arith.index_cast %scan3A_206 : i32 to index
      %swap3A_232 = arith.constant 80 : index
      %swap3A_233 = tpu.vector_load %arg6[%swap3A_231, %swap3A_232] {strides = array<i32>} : memref<128x128xf32, #tpu.memory_space<vmem>>, vector<1x16xf32>,
      %swap3A_234 = vector.shape_cast %swap3A_233 : vector<1x16xf32> to vector<16xf32>
      %swap3A_235 = vector.shape_cast %broadcast_in_dim3A_20 : vector<16xf32> to vector<1x16xf32>
      tpu.vector_store %arg6[%swap3A_231, %swap3A_232], %swap3A_235 {strides = array<i32>} : memref<128x128xf32, #tpu.memory_space<vmem>>, vector<1x16xf32>,
      %swap3A_236 = arith.index_cast %scan3A_206 : i32 to index
      %swap3A_237 = arith.constant 96 : index
      %swap3A_238 = tpu.vector_load %arg6[%swap3A_236, %swap3A_237] {strides = array<i32>} : memref<128x128xf32, #tpu.memory_space<vmem>>, vector<1x16xf32>,
      %swap3A_239 = vector.shape_cast %swap3A_238 : vector<1x16xf32> to vector<16xf32>
      %swap3A_240 = vector.shape_cast %broadcast_in_dim3A_20 : vector<16xf32> to vector<1x16xf32>
      tpu.vector_store %arg6[%swap3A_236, %swap3A_237], %swap3A_240 {strides = array<i32>} : memref<128x128xf32, #tpu.memory_space<vmem>>, vector<1x16xf32>,
      %swap3A_241 = arith.index_cast %scan3A_206 : i32 to index
      %swap3A_242 = arith.constant 112 : index
      %swap3A_243 = tpu.vector_load %arg6[%swap3A_241, %swap3A_242] {strides = array<i32>} : memref<128x128xf32, #tpu.memory_space<vmem>>, vector<1x16xf32>,
      %swap3A_244 = vector.shape_cast %swap3A_243 : vector<1x16xf32> to vector<16xf32>
      %swap3A_245 = vector.shape_cast %broadcast_in_dim3A_20 : vector<16xf32> to vector<1x16xf32>
      tpu.vector_store %arg6[%swap3A_241, %swap3A_242], %swap3A_245 {strides = array<i32>} : memref<128x128xf32, #tpu.memory_space<vmem>>, vector<1x16xf32>,
    }
    %scan3A_25 = arith.constant 128 : i32
    %scan3A_26 = arith.constant 0 : i32
    %scan3A_27 = arith.constant 0 : i32
    %scan3A_28 = arith.constant 5 : i32
    %scan3A_29 = arith.addi %scan3A_27, %scan3A_28 : i32
    %scan3A_30 = arith.constant 1 : i32
    scf.for %scan3A_206 = %scan3A_27 to %scan3A_29 step %scan3A_30  : i32 {
      %mul3A_207 = arith.constant 640 : i32
      %mul3A_208 = arith.muli %arg1, %mul3A_207 : i32
      %mul3A_209 = arith.constant 128 : i32
      %mul3A_210 = arith.muli %scan3A_206, %mul3A_209 : i32
      %add3A_211 = arith.addi %mul3A_208, %mul3A_210 : i32
      "tpu.region"() ({
        %run_scoped3A = tpu.sem_alloc : memref<!tpu.dma_semaphore, #tpu.memory_space<semaphore_mem>>
        %dma_start3A_212 = arith.constant 0 : i32
        %dma_start3A_213 = tpu.memref_slice %arg5[%add3A_211, %dma_start3A_212] : memref<10240x128xf32, #tpu.memory_space<vmem_shared>> -> memref<128x128xf32, #tpu.memory_space<vmem_shared>>
        %dma_start3A_214 = arith.constant 0 : i32
        %dma_start3A_215 = tpu.memref_slice %arg5[%add3A_211, %dma_start3A_214] : memref<10240x128xf32, #tpu.memory_space<vmem_shared>> -> memref<128x128xf32, #tpu.memory_space<vmem_shared>>
        tpu.enqueue_dma source(%arg6 : memref<128x128xf32, #tpu.memory_space<vmem>>) target(%dma_start3A_215 : memref<128x128xf32, #tpu.memory_space<vmem_shared>>) target_semaphore(%run_scoped3A : memref<!tpu.dma_semaphore, #tpu.memory_space<semaphore_mem>>)
        %dma_wait3A_216 = arith.constant 0 : i32
        %dma_wait3A_217 = tpu.memref_slice %arg5[%add3A_211, %dma_wait3A_216] : memref<10240x128xf32, #tpu.memory_space<vmem_shared>> -> memref<128x128xf32, #tpu.memory_space<vmem_shared>>
        %dma_wait3A_218 = arith.constant 0 : i32
        %dma_wait3A_219 = tpu.memref_slice %arg5[%add3A_211, %dma_wait3A_218] : memref<10240x128xf32, #tpu.memory_space<vmem_shared>> -> memref<128x128xf32, #tpu.memory_space<vmem_shared>>
        tpu.wait_dma2 semaphore(%run_scoped3A : memref<!tpu.dma_semaphore, #tpu.memory_space<semaphore_mem>>) src(%arg6 : memref<128x128xf32, #tpu.memory_space<vmem>>) dst(%dma_wait3A_219 : memref<128x128xf32, #tpu.memory_space<vmem_shared>>)
        tpu.yield
      }) : () -> ()
    }
    %scan3A_31 = arith.constant 5 : i32
    %dma_wait3A = arith.constant 0 : i32
    %dma_wait3A_32 = arith.constant 0 : i32
    %dma_wait3A_33 = arith.constant 0 : i32
    %dma_wait3A_34 = tpu.memref_slice %arg3[%dma_wait3A, %dma_wait3A_32, %dma_wait3A_33] : memref<2560x2x128xi32, #tpu.memory_space<hbm>> -> memref<1x2x128xi32, #tpu.memory_space<hbm>>
    %dma_wait3A_35 = tpu.memref_squeeze %dma_wait3A_34 : memref<1x2x128xi32, #tpu.memory_space<hbm>> -> memref<2x128xi32, #tpu.memory_space<hbm>>
    %dma_wait3A_36 = arith.constant 0 : i32
    %dma_wait3A_37 = arith.constant 0 : i32
    %dma_wait3A_38 = tpu.memref_slice %arg3[%dma_wait3A, %dma_wait3A_36, %dma_wait3A_37] : memref<2560x2x128xi32, #tpu.memory_space<hbm>> -> memref<1x2x128xi32, #tpu.memory_space<hbm>>
    %dma_wait3A_39 = tpu.memref_squeeze %dma_wait3A_38 : memref<1x2x128xi32, #tpu.memory_space<hbm>> -> memref<2x128xi32, #tpu.memory_space<hbm>>
    tpu.wait_dma2 semaphore(%arg16 : memref<!tpu.dma_semaphore, #tpu.memory_space<semaphore_mem>>) src(%dma_wait3A_39 : memref<2x128xi32, #tpu.memory_space<hbm>>) dst(%arg8 : memref<2x128xi32, #tpu.memory_space<vmem>>)
    %dma_start3A_40 = arith.constant 0 : i32
    %dma_start3A_41 = arith.constant 0 : i32
    %dma_start3A_42 = tpu.memref_slice %arg8[%dma_start3A_40, %dma_start3A_41] : memref<2x128xi32, #tpu.memory_space<vmem>> -> memref<1x128xi32, #tpu.memory_space<vmem>>
    %dma_start3A_43 = tpu.memref_squeeze %dma_start3A_42 : memref<1x128xi32, #tpu.memory_space<vmem>> -> memref<128xi32, #tpu.memory_space<vmem>>
    %dma_start3A_44 = arith.constant 0 : i32
    %dma_start3A_45 = arith.constant 0 : i32
    %dma_start3A_46 = tpu.memref_slice %arg2[%dma_start3A_44, %dma_start3A_45] : memref<10000x128xf32, #tpu.memory_space<hbm>> -> memref<10000x128xf32, #tpu.memory_space<hbm>>
    tpu.enqueue_indirect_dma source(%dma_start3A_46 : memref<10000x128xf32, #tpu.memory_space<hbm>>) target(%arg6 : memref<128x128xf32, #tpu.memory_space<vmem>>) offsets(%dma_start3A_43 : memref<128xi32, #tpu.memory_space<vmem>>) semaphore(%arg12 : memref<!tpu.dma_semaphore, #tpu.memory_space<semaphore_mem>>)
    %barrier3A = arith.constant 0 : index
    tpu.barrier barrier_id(%barrier3A)
    %dma_wait3A_47 = arith.constant 0 : i32
    %dma_wait3A_48 = arith.constant 0 : i32
    %dma_wait3A_49 = tpu.memref_slice %arg2[%dma_wait3A_47, %dma_wait3A_48] : memref<10000x128xf32, #tpu.memory_space<hbm>> -> memref<128x128xf32, #tpu.memory_space<hbm>>
    %dma_wait3A_50 = arith.constant 0 : i32
    %dma_wait3A_51 = arith.constant 0 : i32
    %dma_wait3A_52 = tpu.memref_slice %arg2[%dma_wait3A_50, %dma_wait3A_51] : memref<10000x128xf32, #tpu.memory_space<hbm>> -> memref<128x128xf32, #tpu.memory_space<hbm>>
    tpu.wait_dma2 semaphore(%arg12 : memref<!tpu.dma_semaphore, #tpu.memory_space<semaphore_mem>>) src(%dma_wait3A_52 : memref<128x128xf32, #tpu.memory_space<hbm>>) dst(%arg6 : memref<128x128xf32, #tpu.memory_space<vmem>>)
    %dma_start3A_53 = arith.constant 1 : i32
    %dma_start3A_54 = arith.constant 0 : i32
    %dma_start3A_55 = tpu.memref_slice %arg8[%dma_start3A_53, %dma_start3A_54] : memref<2x128xi32, #tpu.memory_space<vmem>> -> memref<1x128xi32, #tpu.memory_space<vmem>>
    %dma_start3A_56 = tpu.memref_squeeze %dma_start3A_55 : memref<1x128xi32, #tpu.memory_space<vmem>> -> memref<128xi32, #tpu.memory_space<vmem>>
    %dma_start3A_57 = arith.constant 0 : i32
    %dma_start3A_58 = arith.constant 0 : i32
    %dma_start3A_59 = tpu.memref_slice %arg5[%dma_start3A_57, %dma_start3A_58] : memref<10240x128xf32, #tpu.memory_space<vmem_shared>> -> memref<10240x128xf32, #tpu.memory_space<vmem_shared>>
    tpu.enqueue_indirect_dma source(%arg6 : memref<128x128xf32, #tpu.memory_space<vmem>>) target(%dma_start3A_59 : memref<10240x128xf32, #tpu.memory_space<vmem_shared>>) offsets(%dma_start3A_56 : memref<128xi32, #tpu.memory_space<vmem>>) semaphore(%arg14 : memref<!tpu.dma_semaphore, #tpu.memory_space<semaphore_mem>>) {add = true}
    %dma_wait3A_60 = arith.constant 0 : i32
    %dma_wait3A_61 = arith.constant 0 : i32
    %dma_wait3A_62 = arith.constant 0 : i32
    %dma_wait3A_63 = tpu.memref_slice %arg3[%dma_wait3A_60, %dma_wait3A_61, %dma_wait3A_62] : memref<2560x2x128xi32, #tpu.memory_space<hbm>> -> memref<1x2x128xi32, #tpu.memory_space<hbm>>
    %dma_wait3A_64 = tpu.memref_squeeze %dma_wait3A_63 : memref<1x2x128xi32, #tpu.memory_space<hbm>> -> memref<2x128xi32, #tpu.memory_space<hbm>>
    %dma_wait3A_65 = arith.constant 0 : i32
    %dma_wait3A_66 = arith.constant 0 : i32
    %dma_wait3A_67 = tpu.memref_slice %arg3[%dma_wait3A_60, %dma_wait3A_65, %dma_wait3A_66] : memref<2560x2x128xi32, #tpu.memory_space<hbm>> -> memref<1x2x128xi32, #tpu.memory_space<hbm>>
    %dma_wait3A_68 = tpu.memref_squeeze %dma_wait3A_67 : memref<1x2x128xi32, #tpu.memory_space<hbm>> -> memref<2x128xi32, #tpu.memory_space<hbm>>
    tpu.wait_dma2 semaphore(%arg17 : memref<!tpu.dma_semaphore, #tpu.memory_space<semaphore_mem>>) src(%dma_wait3A_68 : memref<2x128xi32, #tpu.memory_space<hbm>>) dst(%arg9 : memref<2x128xi32, #tpu.memory_space<vmem>>)
    %dma_start3A_69 = arith.constant 0 : i32
    %dma_start3A_70 = arith.constant 0 : i32
    %dma_start3A_71 = tpu.memref_slice %arg9[%dma_start3A_69, %dma_start3A_70] : memref<2x128xi32, #tpu.memory_space<vmem>> -> memref<1x128xi32, #tpu.memory_space<vmem>>
    %dma_start3A_72 = tpu.memref_squeeze %dma_start3A_71 : memref<1x128xi32, #tpu.memory_space<vmem>> -> memref<128xi32, #tpu.memory_space<vmem>>
    %dma_start3A_73 = arith.constant 0 : i32
    %dma_start3A_74 = arith.constant 0 : i32
    %dma_start3A_75 = tpu.memref_slice %arg2[%dma_start3A_73, %dma_start3A_74] : memref<10000x128xf32, #tpu.memory_space<hbm>> -> memref<10000x128xf32, #tpu.memory_space<hbm>>
    tpu.enqueue_indirect_dma source(%dma_start3A_75 : memref<10000x128xf32, #tpu.memory_space<hbm>>) target(%arg7 : memref<128x128xf32, #tpu.memory_space<vmem>>) offsets(%dma_start3A_72 : memref<128xi32, #tpu.memory_space<vmem>>) semaphore(%arg13 : memref<!tpu.dma_semaphore, #tpu.memory_space<semaphore_mem>>)
    %add3A_76 = arith.constant 0 : i32
    %add3A_77 = arith.addi %mul3A_2, %add3A_76 : i32
    %add3A_78 = arith.constant 2 : i32
    %add3A_79 = arith.addi %add3A_77, %add3A_78 : i32
    %dma_start3A_80 = arith.constant 0 : i32
    %dma_start3A_81 = arith.constant 0 : i32
    %dma_start3A_82 = tpu.memref_slice %arg3[%add3A_79, %dma_start3A_80, %dma_start3A_81] : memref<2560x2x128xi32, #tpu.memory_space<hbm>> -> memref<1x2x128xi32, #tpu.memory_space<hbm>>
    %dma_start3A_83 = tpu.memref_squeeze %dma_start3A_82 : memref<1x2x128xi32, #tpu.memory_space<hbm>> -> memref<2x128xi32, #tpu.memory_space<hbm>>
    %dma_start3A_84 = arith.constant 0 : i32
    %dma_start3A_85 = arith.constant 0 : i32
    %dma_start3A_86 = tpu.memref_slice %arg3[%add3A_79, %dma_start3A_84, %dma_start3A_85] : memref<2560x2x128xi32, #tpu.memory_space<hbm>> -> memref<1x2x128xi32, #tpu.memory_space<hbm>>
    %dma_start3A_87 = tpu.memref_squeeze %dma_start3A_86 : memref<1x2x128xi32, #tpu.memory_space<hbm>> -> memref<2x128xi32, #tpu.memory_space<hbm>>
    tpu.enqueue_dma source(%dma_start3A_87 : memref<2x128xi32, #tpu.memory_space<hbm>>) target(%arg10 : memref<2x128xi32, #tpu.memory_space<vmem>>) target_semaphore(%arg18 : memref<!tpu.dma_semaphore, #tpu.memory_space<semaphore_mem>>)
    %dma_wait3A_88 = arith.constant 0 : i32
    %dma_wait3A_89 = arith.constant 0 : i32
    %dma_wait3A_90 = tpu.memref_slice %arg2[%dma_wait3A_88, %dma_wait3A_89] : memref<10000x128xf32, #tpu.memory_space<hbm>> -> memref<128x128xf32, #tpu.memory_space<hbm>>
    %dma_wait3A_91 = arith.constant 0 : i32
    %dma_wait3A_92 = arith.constant 0 : i32
    %dma_wait3A_93 = tpu.memref_slice %arg2[%dma_wait3A_91, %dma_wait3A_92] : memref<10000x128xf32, #tpu.memory_space<hbm>> -> memref<128x128xf32, #tpu.memory_space<hbm>>
    tpu.wait_dma2 semaphore(%arg13 : memref<!tpu.dma_semaphore, #tpu.memory_space<semaphore_mem>>) src(%dma_wait3A_93 : memref<128x128xf32, #tpu.memory_space<hbm>>) dst(%arg7 : memref<128x128xf32, #tpu.memory_space<vmem>>)
    %dma_wait3A_94 = arith.constant 0 : i32
    %dma_wait3A_95 = arith.constant 0 : i32
    %dma_wait3A_96 = tpu.memref_slice %arg2[%dma_wait3A_94, %dma_wait3A_95] : memref<10000x128xf32, #tpu.memory_space<hbm>> -> memref<128x128xf32, #tpu.memory_space<hbm>>
    %dma_wait3A_97 = arith.constant 0 : i32
    %dma_wait3A_98 = arith.constant 0 : i32
    %dma_wait3A_99 = tpu.memref_slice %arg2[%dma_wait3A_97, %dma_wait3A_98] : memref<10000x128xf32, #tpu.memory_space<hbm>> -> memref<128x128xf32, #tpu.memory_space<hbm>>
    tpu.wait_dma2 semaphore(%arg14 : memref<!tpu.dma_semaphore, #tpu.memory_space<semaphore_mem>>) src(%dma_wait3A_99 : memref<128x128xf32, #tpu.memory_space<hbm>>) dst(%arg6 : memref<128x128xf32, #tpu.memory_space<vmem>>)
    %dma_start3A_100 = arith.constant 1 : i32
    %dma_start3A_101 = arith.constant 0 : i32
    %dma_start3A_102 = tpu.memref_slice %arg9[%dma_start3A_100, %dma_start3A_101] : memref<2x128xi32, #tpu.memory_space<vmem>> -> memref<1x128xi32, #tpu.memory_space<vmem>>
    %dma_start3A_103 = tpu.memref_squeeze %dma_start3A_102 : memref<1x128xi32, #tpu.memory_space<vmem>> -> memref<128xi32, #tpu.memory_space<vmem>>
    %dma_start3A_104 = arith.constant 0 : i32
    %dma_start3A_105 = arith.constant 0 : i32
    %dma_start3A_106 = tpu.memref_slice %arg5[%dma_start3A_104, %dma_start3A_105] : memref<10240x128xf32, #tpu.memory_space<vmem_shared>> -> memref<10240x128xf32, #tpu.memory_space<vmem_shared>>
    tpu.enqueue_indirect_dma source(%arg7 : memref<128x128xf32, #tpu.memory_space<vmem>>) target(%dma_start3A_106 : memref<10240x128xf32, #tpu.memory_space<vmem_shared>>) offsets(%dma_start3A_103 : memref<128xi32, #tpu.memory_space<vmem>>) semaphore(%arg15 : memref<!tpu.dma_semaphore, #tpu.memory_space<semaphore_mem>>) {add = true}
    %dma_wait3A_107 = arith.constant 0 : i32
    %dma_wait3A_108 = arith.constant 0 : i32
    %dma_wait3A_109 = arith.constant 0 : i32
    %dma_wait3A_110 = tpu.memref_slice %arg3[%dma_wait3A_107, %dma_wait3A_108, %dma_wait3A_109] : memref<2560x2x128xi32, #tpu.memory_space<hbm>> -> memref<1x2x128xi32, #tpu.memory_space<hbm>>
    %dma_wait3A_111 = tpu.memref_squeeze %dma_wait3A_110 : memref<1x2x128xi32, #tpu.memory_space<hbm>> -> memref<2x128xi32, #tpu.memory_space<hbm>>
    %dma_wait3A_112 = arith.constant 0 : i32
    %dma_wait3A_113 = arith.constant 0 : i32
    %dma_wait3A_114 = tpu.memref_slice %arg3[%dma_wait3A_107, %dma_wait3A_112, %dma_wait3A_113] : memref<2560x2x128xi32, #tpu.memory_space<hbm>> -> memref<1x2x128xi32, #tpu.memory_space<hbm>>
    %dma_wait3A_115 = tpu.memref_squeeze %dma_wait3A_114 : memref<1x2x128xi32, #tpu.memory_space<hbm>> -> memref<2x128xi32, #tpu.memory_space<hbm>>
    tpu.wait_dma2 semaphore(%arg18 : memref<!tpu.dma_semaphore, #tpu.memory_space<semaphore_mem>>) src(%dma_wait3A_115 : memref<2x128xi32, #tpu.memory_space<hbm>>) dst(%arg10 : memref<2x128xi32, #tpu.memory_space<vmem>>)
    %dma_start3A_116 = arith.constant 0 : i32
    %dma_start3A_117 = arith.constant 0 : i32
    %dma_start3A_118 = tpu.memref_slice %arg10[%dma_start3A_116, %dma_start3A_117] : memref<2x128xi32, #tpu.memory_space<vmem>> -> memref<1x128xi32, #tpu.memory_space<vmem>>
    %dma_start3A_119 = tpu.memref_squeeze %dma_start3A_118 : memref<1x128xi32, #tpu.memory_space<vmem>> -> memref<128xi32, #tpu.memory_space<vmem>>
    %dma_start3A_120 = arith.constant 0 : i32
    %dma_start3A_121 = arith.constant 0 : i32
    %dma_start3A_122 = tpu.memref_slice %arg2[%dma_start3A_120, %dma_start3A_121] : memref<10000x128xf32, #tpu.memory_space<hbm>> -> memref<10000x128xf32, #tpu.memory_space<hbm>>
    tpu.enqueue_indirect_dma source(%dma_start3A_122 : memref<10000x128xf32, #tpu.memory_space<hbm>>) target(%arg6 : memref<128x128xf32, #tpu.memory_space<vmem>>) offsets(%dma_start3A_119 : memref<128xi32, #tpu.memory_space<vmem>>) semaphore(%arg12 : memref<!tpu.dma_semaphore, #tpu.memory_space<semaphore_mem>>)
    %add3A_123 = arith.constant 1 : i32
    %add3A_124 = arith.addi %mul3A_2, %add3A_123 : i32
    %add3A_125 = arith.constant 2 : i32
    %add3A_126 = arith.addi %add3A_124, %add3A_125 : i32
    %dma_start3A_127 = arith.constant 0 : i32
    %dma_start3A_128 = arith.constant 0 : i32
    %dma_start3A_129 = tpu.memref_slice %arg3[%add3A_126, %dma_start3A_127, %dma_start3A_128] : memref<2560x2x128xi32, #tpu.memory_space<hbm>> -> memref<1x2x128xi32, #tpu.memory_space<hbm>>
    %dma_start3A_130 = tpu.memref_squeeze %dma_start3A_129 : memref<1x2x128xi32, #tpu.memory_space<hbm>> -> memref<2x128xi32, #tpu.memory_space<hbm>>
    %dma_start3A_131 = arith.constant 0 : i32
    %dma_start3A_132 = arith.constant 0 : i32
    %dma_start3A_133 = tpu.memref_slice %arg3[%add3A_126, %dma_start3A_131, %dma_start3A_132] : memref<2560x2x128xi32, #tpu.memory_space<hbm>> -> memref<1x2x128xi32, #tpu.memory_space<hbm>>
    %dma_start3A_134 = tpu.memref_squeeze %dma_start3A_133 : memref<1x2x128xi32, #tpu.memory_space<hbm>> -> memref<2x128xi32, #tpu.memory_space<hbm>>
    tpu.enqueue_dma source(%dma_start3A_134 : memref<2x128xi32, #tpu.memory_space<hbm>>) target(%arg11 : memref<2x128xi32, #tpu.memory_space<vmem>>) target_semaphore(%arg19 : memref<!tpu.dma_semaphore, #tpu.memory_space<semaphore_mem>>)
    %scan3A_135 = arith.constant 0 : i32
    %scan3A_136 = arith.constant 0 : i32
    %scan3A_137 = arith.constant 19 : i32
    %scan3A_138 = arith.addi %scan3A_136, %scan3A_137 : i32
    %scan3A_139 = arith.constant 1 : i32
    scf.for %scan3A_206 = %scan3A_136 to %scan3A_138 step %scan3A_139  : i32 {
      %mul3A_207 = arith.constant 4 : i32
      %mul3A_208 = arith.muli %mul3A_207, %scan3A_206 : i32
      %add3A_209 = arith.constant 2 : i32
      %add3A_210 = arith.addi %add3A_209, %mul3A_208 : i32
      %add3A_211 = arith.constant 0 : i32
      %add3A_212 = arith.addi %add3A_210, %add3A_211 : i32
      %dma_wait3A_213 = arith.constant 0 : i32
      %dma_wait3A_214 = arith.constant 0 : i32
      %dma_wait3A_215 = tpu.memref_slice %arg2[%dma_wait3A_213, %dma_wait3A_214] : memref<10000x128xf32, #tpu.memory_space<hbm>> -> memref<128x128xf32, #tpu.memory_space<hbm>>
      %dma_wait3A_216 = arith.constant 0 : i32
      %dma_wait3A_217 = arith.constant 0 : i32
      %dma_wait3A_218 = tpu.memref_slice %arg2[%dma_wait3A_216, %dma_wait3A_217] : memref<10000x128xf32, #tpu.memory_space<hbm>> -> memref<128x128xf32, #tpu.memory_space<hbm>>
      tpu.wait_dma2 semaphore(%arg12 : memref<!tpu.dma_semaphore, #tpu.memory_space<semaphore_mem>>) src(%dma_wait3A_218 : memref<128x128xf32, #tpu.memory_space<hbm>>) dst(%arg6 : memref<128x128xf32, #tpu.memory_space<vmem>>)
      %dma_wait3A_219 = arith.constant 0 : i32
      %dma_wait3A_220 = arith.constant 0 : i32
      %dma_wait3A_221 = tpu.memref_slice %arg2[%dma_wait3A_219, %dma_wait3A_220] : memref<10000x128xf32, #tpu.memory_space<hbm>> -> memref<128x128xf32, #tpu.memory_space<hbm>>
      %dma_wait3A_222 = arith.constant 0 : i32
      %dma_wait3A_223 = arith.constant 0 : i32
      %dma_wait3A_224 = tpu.memref_slice %arg2[%dma_wait3A_222, %dma_wait3A_223] : memref<10000x128xf32, #tpu.memory_space<hbm>> -> memref<128x128xf32, #tpu.memory_space<hbm>>
      tpu.wait_dma2 semaphore(%arg15 : memref<!tpu.dma_semaphore, #tpu.memory_space<semaphore_mem>>) src(%dma_wait3A_224 : memref<128x128xf32, #tpu.memory_space<hbm>>) dst(%arg7 : memref<128x128xf32, #tpu.memory_space<vmem>>)
      %dma_start3A_225 = arith.constant 1 : i32
      %dma_start3A_226 = arith.constant 0 : i32
      %dma_start3A_227 = tpu.memref_slice %arg10[%dma_start3A_225, %dma_start3A_226] : memref<2x128xi32, #tpu.memory_space<vmem>> -> memref<1x128xi32, #tpu.memory_space<vmem>>
      %dma_start3A_228 = tpu.memref_squeeze %dma_start3A_227 : memref<1x128xi32, #tpu.memory_space<vmem>> -> memref<128xi32, #tpu.memory_space<vmem>>
      %dma_start3A_229 = arith.constant 0 : i32
      %dma_start3A_230 = arith.constant 0 : i32
      %dma_start3A_231 = tpu.memref_slice %arg5[%dma_start3A_229, %dma_start3A_230] : memref<10240x128xf32, #tpu.memory_space<vmem_shared>> -> memref<10240x128xf32, #tpu.memory_space<vmem_shared>>
      tpu.enqueue_indirect_dma source(%arg6 : memref<128x128xf32, #tpu.memory_space<vmem>>) target(%dma_start3A_231 : memref<10240x128xf32, #tpu.memory_space<vmem_shared>>) offsets(%dma_start3A_228 : memref<128xi32, #tpu.memory_space<vmem>>) semaphore(%arg14 : memref<!tpu.dma_semaphore, #tpu.memory_space<semaphore_mem>>) {add = true}
      %dma_wait3A_232 = arith.constant 0 : i32
      %dma_wait3A_233 = arith.constant 0 : i32
      %dma_wait3A_234 = arith.constant 0 : i32
      %dma_wait3A_235 = tpu.memref_slice %arg3[%dma_wait3A_232, %dma_wait3A_233, %dma_wait3A_234] : memref<2560x2x128xi32, #tpu.memory_space<hbm>> -> memref<1x2x128xi32, #tpu.memory_space<hbm>>
      %dma_wait3A_236 = tpu.memref_squeeze %dma_wait3A_235 : memref<1x2x128xi32, #tpu.memory_space<hbm>> -> memref<2x128xi32, #tpu.memory_space<hbm>>
      %dma_wait3A_237 = arith.constant 0 : i32
      %dma_wait3A_238 = arith.constant 0 : i32
      %dma_wait3A_239 = tpu.memref_slice %arg3[%dma_wait3A_232, %dma_wait3A_237, %dma_wait3A_238] : memref<2560x2x128xi32, #tpu.memory_space<hbm>> -> memref<1x2x128xi32, #tpu.memory_space<hbm>>
      %dma_wait3A_240 = tpu.memref_squeeze %dma_wait3A_239 : memref<1x2x128xi32, #tpu.memory_space<hbm>> -> memref<2x128xi32, #tpu.memory_space<hbm>>
      tpu.wait_dma2 semaphore(%arg19 : memref<!tpu.dma_semaphore, #tpu.memory_space<semaphore_mem>>) src(%dma_wait3A_240 : memref<2x128xi32, #tpu.memory_space<hbm>>) dst(%arg11 : memref<2x128xi32, #tpu.memory_space<vmem>>)
      %dma_start3A_241 = arith.constant 0 : i32
      %dma_start3A_242 = arith.constant 0 : i32
      %dma_start3A_243 = tpu.memref_slice %arg11[%dma_start3A_241, %dma_start3A_242] : memref<2x128xi32, #tpu.memory_space<vmem>> -> memref<1x128xi32, #tpu.memory_space<vmem>>
      %dma_start3A_244 = tpu.memref_squeeze %dma_start3A_243 : memref<1x128xi32, #tpu.memory_space<vmem>> -> memref<128xi32, #tpu.memory_space<vmem>>
      %dma_start3A_245 = arith.constant 0 : i32
      %dma_start3A_246 = arith.constant 0 : i32
      %dma_start3A_247 = tpu.memref_slice %arg2[%dma_start3A_245, %dma_start3A_246] : memref<10000x128xf32, #tpu.memory_space<hbm>> -> memref<10000x128xf32, #tpu.memory_space<hbm>>
      tpu.enqueue_indirect_dma source(%dma_start3A_247 : memref<10000x128xf32, #tpu.memory_space<hbm>>) target(%arg7 : memref<128x128xf32, #tpu.memory_space<vmem>>) offsets(%dma_start3A_244 : memref<128xi32, #tpu.memory_space<vmem>>) semaphore(%arg13 : memref<!tpu.dma_semaphore, #tpu.memory_space<semaphore_mem>>)
      %add3A_248 = arith.addi %mul3A_2, %add3A_212 : i32
      %add3A_249 = arith.constant 2 : i32
      %add3A_250 = arith.addi %add3A_248, %add3A_249 : i32
      %dma_start3A_251 = arith.constant 0 : i32
      %dma_start3A_252 = arith.constant 0 : i32
      %dma_start3A_253 = tpu.memref_slice %arg3[%add3A_250, %dma_start3A_251, %dma_start3A_252] : memref<2560x2x128xi32, #tpu.memory_space<hbm>> -> memref<1x2x128xi32, #tpu.memory_space<hbm>>
      %dma_start3A_254 = tpu.memref_squeeze %dma_start3A_253 : memref<1x2x128xi32, #tpu.memory_space<hbm>> -> memref<2x128xi32, #tpu.memory_space<hbm>>
      %dma_start3A_255 = arith.constant 0 : i32
      %dma_start3A_256 = arith.constant 0 : i32
      %dma_start3A_257 = tpu.memref_slice %arg3[%add3A_250, %dma_start3A_255, %dma_start3A_256] : memref<2560x2x128xi32, #tpu.memory_space<hbm>> -> memref<1x2x128xi32, #tpu.memory_space<hbm>>
      %dma_start3A_258 = tpu.memref_squeeze %dma_start3A_257 : memref<1x2x128xi32, #tpu.memory_space<hbm>> -> memref<2x128xi32, #tpu.memory_space<hbm>>
      tpu.enqueue_dma source(%dma_start3A_258 : memref<2x128xi32, #tpu.memory_space<hbm>>) target(%arg8 : memref<2x128xi32, #tpu.memory_space<vmem>>) target_semaphore(%arg16 : memref<!tpu.dma_semaphore, #tpu.memory_space<semaphore_mem>>)
      %add3A_259 = arith.constant 1 : i32
      %add3A_260 = arith.addi %add3A_210, %add3A_259 : i32
      %dma_wait3A_261 = arith.constant 0 : i32
      %dma_wait3A_262 = arith.constant 0 : i32
      %dma_wait3A_263 = tpu.memref_slice %arg2[%dma_wait3A_261, %dma_wait3A_262] : memref<10000x128xf32, #tpu.memory_space<hbm>> -> memref<128x128xf32, #tpu.memory_space<hbm>>
      %dma_wait3A_264 = arith.constant 0 : i32
      %dma_wait3A_265 = arith.constant 0 : i32
      %dma_wait3A_266 = tpu.memref_slice %arg2[%dma_wait3A_264, %dma_wait3A_265] : memref<10000x128xf32, #tpu.memory_space<hbm>> -> memref<128x128xf32, #tpu.memory_space<hbm>>
      tpu.wait_dma2 semaphore(%arg13 : memref<!tpu.dma_semaphore, #tpu.memory_space<semaphore_mem>>) src(%dma_wait3A_266 : memref<128x128xf32, #tpu.memory_space<hbm>>) dst(%arg7 : memref<128x128xf32, #tpu.memory_space<vmem>>)
      %dma_wait3A_267 = arith.constant 0 : i32
      %dma_wait3A_268 = arith.constant 0 : i32
      %dma_wait3A_269 = tpu.memref_slice %arg2[%dma_wait3A_267, %dma_wait3A_268] : memref<10000x128xf32, #tpu.memory_space<hbm>> -> memref<128x128xf32, #tpu.memory_space<hbm>>
      %dma_wait3A_270 = arith.constant 0 : i32
      %dma_wait3A_271 = arith.constant 0 : i32
      %dma_wait3A_272 = tpu.memref_slice %arg2[%dma_wait3A_270, %dma_wait3A_271] : memref<10000x128xf32, #tpu.memory_space<hbm>> -> memref<128x128xf32, #tpu.memory_space<hbm>>
      tpu.wait_dma2 semaphore(%arg14 : memref<!tpu.dma_semaphore, #tpu.memory_space<semaphore_mem>>) src(%dma_wait3A_272 : memref<128x128xf32, #tpu.memory_space<hbm>>) dst(%arg6 : memref<128x128xf32, #tpu.memory_space<vmem>>)
      %dma_start3A_273 = arith.constant 1 : i32
      %dma_start3A_274 = arith.constant 0 : i32
      %dma_start3A_275 = tpu.memref_slice %arg11[%dma_start3A_273, %dma_start3A_274] : memref<2x128xi32, #tpu.memory_space<vmem>> -> memref<1x128xi32, #tpu.memory_space<vmem>>
      %dma_start3A_276 = tpu.memref_squeeze %dma_start3A_275 : memref<1x128xi32, #tpu.memory_space<vmem>> -> memref<128xi32, #tpu.memory_space<vmem>>
      %dma_start3A_277 = arith.constant 0 : i32
      %dma_start3A_278 = arith.constant 0 : i32
      %dma_start3A_279 = tpu.memref_slice %arg5[%dma_start3A_277, %dma_start3A_278] : memref<10240x128xf32, #tpu.memory_space<vmem_shared>> -> memref<10240x128xf32, #tpu.memory_space<vmem_shared>>
      tpu.enqueue_indirect_dma source(%arg7 : memref<128x128xf32, #tpu.memory_space<vmem>>) target(%dma_start3A_279 : memref<10240x128xf32, #tpu.memory_space<vmem_shared>>) offsets(%dma_start3A_276 : memref<128xi32, #tpu.memory_space<vmem>>) semaphore(%arg15 : memref<!tpu.dma_semaphore, #tpu.memory_space<semaphore_mem>>) {add = true}
      %dma_wait3A_280 = arith.constant 0 : i32
      %dma_wait3A_281 = arith.constant 0 : i32
      %dma_wait3A_282 = arith.constant 0 : i32
      %dma_wait3A_283 = tpu.memref_slice %arg3[%dma_wait3A_280, %dma_wait3A_281, %dma_wait3A_282] : memref<2560x2x128xi32, #tpu.memory_space<hbm>> -> memref<1x2x128xi32, #tpu.memory_space<hbm>>
      %dma_wait3A_284 = tpu.memref_squeeze %dma_wait3A_283 : memref<1x2x128xi32, #tpu.memory_space<hbm>> -> memref<2x128xi32, #tpu.memory_space<hbm>>
      %dma_wait3A_285 = arith.constant 0 : i32
      %dma_wait3A_286 = arith.constant 0 : i32
      %dma_wait3A_287 = tpu.memref_slice %arg3[%dma_wait3A_280, %dma_wait3A_285, %dma_wait3A_286] : memref<2560x2x128xi32, #tpu.memory_space<hbm>> -> memref<1x2x128xi32, #tpu.memory_space<hbm>>
      %dma_wait3A_288 = tpu.memref_squeeze %dma_wait3A_287 : memref<1x2x128xi32, #tpu.memory_space<hbm>> -> memref<2x128xi32, #tpu.memory_space<hbm>>
      tpu.wait_dma2 semaphore(%arg16 : memref<!tpu.dma_semaphore, #tpu.memory_space<semaphore_mem>>) src(%dma_wait3A_288 : memref<2x128xi32, #tpu.memory_space<hbm>>) dst(%arg8 : memref<2x128xi32, #tpu.memory_space<vmem>>)
      %dma_start3A_289 = arith.constant 0 : i32
      %dma_start3A_290 = arith.constant 0 : i32
      %dma_start3A_291 = tpu.memref_slice %arg8[%dma_start3A_289, %dma_start3A_290] : memref<2x128xi32, #tpu.memory_space<vmem>> -> memref<1x128xi32, #tpu.memory_space<vmem>>
      %dma_start3A_292 = tpu.memref_squeeze %dma_start3A_291 : memref<1x128xi32, #tpu.memory_space<vmem>> -> memref<128xi32, #tpu.memory_space<vmem>>
      %dma_start3A_293 = arith.constant 0 : i32
      %dma_start3A_294 = arith.constant 0 : i32
      %dma_start3A_295 = tpu.memref_slice %arg2[%dma_start3A_293, %dma_start3A_294] : memref<10000x128xf32, #tpu.memory_space<hbm>> -> memref<10000x128xf32, #tpu.memory_space<hbm>>
      tpu.enqueue_indirect_dma source(%dma_start3A_295 : memref<10000x128xf32, #tpu.memory_space<hbm>>) target(%arg6 : memref<128x128xf32, #tpu.memory_space<vmem>>) offsets(%dma_start3A_292 : memref<128xi32, #tpu.memory_space<vmem>>) semaphore(%arg12 : memref<!tpu.dma_semaphore, #tpu.memory_space<semaphore_mem>>)
      %add3A_296 = arith.addi %mul3A_2, %add3A_260 : i32
      %add3A_297 = arith.constant 2 : i32
      %add3A_298 = arith.addi %add3A_296, %add3A_297 : i32
      %dma_start3A_299 = arith.constant 0 : i32
      %dma_start3A_300 = arith.constant 0 : i32
      %dma_start3A_301 = tpu.memref_slice %arg3[%add3A_298, %dma_start3A_299, %dma_start3A_300] : memref<2560x2x128xi32, #tpu.memory_space<hbm>> -> memref<1x2x128xi32, #tpu.memory_space<hbm>>
      %dma_start3A_302 = tpu.memref_squeeze %dma_start3A_301 : memref<1x2x128xi32, #tpu.memory_space<hbm>> -> memref<2x128xi32, #tpu.memory_space<hbm>>
      %dma_start3A_303 = arith.constant 0 : i32
      %dma_start3A_304 = arith.constant 0 : i32
      %dma_start3A_305 = tpu.memref_slice %arg3[%add3A_298, %dma_start3A_303, %dma_start3A_304] : memref<2560x2x128xi32, #tpu.memory_space<hbm>> -> memref<1x2x128xi32, #tpu.memory_space<hbm>>
      %dma_start3A_306 = tpu.memref_squeeze %dma_start3A_305 : memref<1x2x128xi32, #tpu.memory_space<hbm>> -> memref<2x128xi32, #tpu.memory_space<hbm>>
      tpu.enqueue_dma source(%dma_start3A_306 : memref<2x128xi32, #tpu.memory_space<hbm>>) target(%arg9 : memref<2x128xi32, #tpu.memory_space<vmem>>) target_semaphore(%arg17 : memref<!tpu.dma_semaphore, #tpu.memory_space<semaphore_mem>>)
      %add3A_307 = arith.constant 2 : i32
      %add3A_308 = arith.addi %add3A_210, %add3A_307 : i32
      %dma_wait3A_309 = arith.constant 0 : i32
      %dma_wait3A_310 = arith.constant 0 : i32
      %dma_wait3A_311 = tpu.memref_slice %arg2[%dma_wait3A_309, %dma_wait3A_310] : memref<10000x128xf32, #tpu.memory_space<hbm>> -> memref<128x128xf32, #tpu.memory_space<hbm>>
      %dma_wait3A_312 = arith.constant 0 : i32
      %dma_wait3A_313 = arith.constant 0 : i32
      %dma_wait3A_314 = tpu.memref_slice %arg2[%dma_wait3A_312, %dma_wait3A_313] : memref<10000x128xf32, #tpu.memory_space<hbm>> -> memref<128x128xf32, #tpu.memory_space<hbm>>
      tpu.wait_dma2 semaphore(%arg12 : memref<!tpu.dma_semaphore, #tpu.memory_space<semaphore_mem>>) src(%dma_wait3A_314 : memref<128x128xf32, #tpu.memory_space<hbm>>) dst(%arg6 : memref<128x128xf32, #tpu.memory_space<vmem>>)
      %dma_wait3A_315 = arith.constant 0 : i32
      %dma_wait3A_316 = arith.constant 0 : i32
      %dma_wait3A_317 = tpu.memref_slice %arg2[%dma_wait3A_315, %dma_wait3A_316] : memref<10000x128xf32, #tpu.memory_space<hbm>> -> memref<128x128xf32, #tpu.memory_space<hbm>>
      %dma_wait3A_318 = arith.constant 0 : i32
      %dma_wait3A_319 = arith.constant 0 : i32
      %dma_wait3A_320 = tpu.memref_slice %arg2[%dma_wait3A_318, %dma_wait3A_319] : memref<10000x128xf32, #tpu.memory_space<hbm>> -> memref<128x128xf32, #tpu.memory_space<hbm>>
      tpu.wait_dma2 semaphore(%arg15 : memref<!tpu.dma_semaphore, #tpu.memory_space<semaphore_mem>>) src(%dma_wait3A_320 : memref<128x128xf32, #tpu.memory_space<hbm>>) dst(%arg7 : memref<128x128xf32, #tpu.memory_space<vmem>>)
      %dma_start3A_321 = arith.constant 1 : i32
      %dma_start3A_322 = arith.constant 0 : i32
      %dma_start3A_323 = tpu.memref_slice %arg8[%dma_start3A_321, %dma_start3A_322] : memref<2x128xi32, #tpu.memory_space<vmem>> -> memref<1x128xi32, #tpu.memory_space<vmem>>
      %dma_start3A_324 = tpu.memref_squeeze %dma_start3A_323 : memref<1x128xi32, #tpu.memory_space<vmem>> -> memref<128xi32, #tpu.memory_space<vmem>>
      %dma_start3A_325 = arith.constant 0 : i32
      %dma_start3A_326 = arith.constant 0 : i32
      %dma_start3A_327 = tpu.memref_slice %arg5[%dma_start3A_325, %dma_start3A_326] : memref<10240x128xf32, #tpu.memory_space<vmem_shared>> -> memref<10240x128xf32, #tpu.memory_space<vmem_shared>>
      tpu.enqueue_indirect_dma source(%arg6 : memref<128x128xf32, #tpu.memory_space<vmem>>) target(%dma_start3A_327 : memref<10240x128xf32, #tpu.memory_space<vmem_shared>>) offsets(%dma_start3A_324 : memref<128xi32, #tpu.memory_space<vmem>>) semaphore(%arg14 : memref<!tpu.dma_semaphore, #tpu.memory_space<semaphore_mem>>) {add = true}
      %dma_wait3A_328 = arith.constant 0 : i32
      %dma_wait3A_329 = arith.constant 0 : i32
      %dma_wait3A_330 = arith.constant 0 : i32
      %dma_wait3A_331 = tpu.memref_slice %arg3[%dma_wait3A_328, %dma_wait3A_329, %dma_wait3A_330] : memref<2560x2x128xi32, #tpu.memory_space<hbm>> -> memref<1x2x128xi32, #tpu.memory_space<hbm>>
      %dma_wait3A_332 = tpu.memref_squeeze %dma_wait3A_331 : memref<1x2x128xi32, #tpu.memory_space<hbm>> -> memref<2x128xi32, #tpu.memory_space<hbm>>
      %dma_wait3A_333 = arith.constant 0 : i32
      %dma_wait3A_334 = arith.constant 0 : i32
      %dma_wait3A_335 = tpu.memref_slice %arg3[%dma_wait3A_328, %dma_wait3A_333, %dma_wait3A_334] : memref<2560x2x128xi32, #tpu.memory_space<hbm>> -> memref<1x2x128xi32, #tpu.memory_space<hbm>>
      %dma_wait3A_336 = tpu.memref_squeeze %dma_wait3A_335 : memref<1x2x128xi32, #tpu.memory_space<hbm>> -> memref<2x128xi32, #tpu.memory_space<hbm>>
      tpu.wait_dma2 semaphore(%arg17 : memref<!tpu.dma_semaphore, #tpu.memory_space<semaphore_mem>>) src(%dma_wait3A_336 : memref<2x128xi32, #tpu.memory_space<hbm>>) dst(%arg9 : memref<2x128xi32, #tpu.memory_space<vmem>>)
      %dma_start3A_337 = arith.constant 0 : i32
      %dma_start3A_338 = arith.constant 0 : i32
      %dma_start3A_339 = tpu.memref_slice %arg9[%dma_start3A_337, %dma_start3A_338] : memref<2x128xi32, #tpu.memory_space<vmem>> -> memref<1x128xi32, #tpu.memory_space<vmem>>
      %dma_start3A_340 = tpu.memref_squeeze %dma_start3A_339 : memref<1x128xi32, #tpu.memory_space<vmem>> -> memref<128xi32, #tpu.memory_space<vmem>>
      %dma_start3A_341 = arith.constant 0 : i32
      %dma_start3A_342 = arith.constant 0 : i32
      %dma_start3A_343 = tpu.memref_slice %arg2[%dma_start3A_341, %dma_start3A_342] : memref<10000x128xf32, #tpu.memory_space<hbm>> -> memref<10000x128xf32, #tpu.memory_space<hbm>>
      tpu.enqueue_indirect_dma source(%dma_start3A_343 : memref<10000x128xf32, #tpu.memory_space<hbm>>) target(%arg7 : memref<128x128xf32, #tpu.memory_space<vmem>>) offsets(%dma_start3A_340 : memref<128xi32, #tpu.memory_space<vmem>>) semaphore(%arg13 : memref<!tpu.dma_semaphore, #tpu.memory_space<semaphore_mem>>)
      %add3A_344 = arith.addi %mul3A_2, %add3A_308 : i32
      %add3A_345 = arith.constant 2 : i32
      %add3A_346 = arith.addi %add3A_344, %add3A_345 : i32
      %dma_start3A_347 = arith.constant 0 : i32
      %dma_start3A_348 = arith.constant 0 : i32
      %dma_start3A_349 = tpu.memref_slice %arg3[%add3A_346, %dma_start3A_347, %dma_start3A_348] : memref<2560x2x128xi32, #tpu.memory_space<hbm>> -> memref<1x2x128xi32, #tpu.memory_space<hbm>>
      %dma_start3A_350 = tpu.memref_squeeze %dma_start3A_349 : memref<1x2x128xi32, #tpu.memory_space<hbm>> -> memref<2x128xi32, #tpu.memory_space<hbm>>
      %dma_start3A_351 = arith.constant 0 : i32
      %dma_start3A_352 = arith.constant 0 : i32
      %dma_start3A_353 = tpu.memref_slice %arg3[%add3A_346, %dma_start3A_351, %dma_start3A_352] : memref<2560x2x128xi32, #tpu.memory_space<hbm>> -> memref<1x2x128xi32, #tpu.memory_space<hbm>>
      %dma_start3A_354 = tpu.memref_squeeze %dma_start3A_353 : memref<1x2x128xi32, #tpu.memory_space<hbm>> -> memref<2x128xi32, #tpu.memory_space<hbm>>
      tpu.enqueue_dma source(%dma_start3A_354 : memref<2x128xi32, #tpu.memory_space<hbm>>) target(%arg10 : memref<2x128xi32, #tpu.memory_space<vmem>>) target_semaphore(%arg18 : memref<!tpu.dma_semaphore, #tpu.memory_space<semaphore_mem>>)
      %add3A_355 = arith.constant 3 : i32
      %add3A_356 = arith.addi %add3A_210, %add3A_355 : i32
      %dma_wait3A_357 = arith.constant 0 : i32
      %dma_wait3A_358 = arith.constant 0 : i32
      %dma_wait3A_359 = tpu.memref_slice %arg2[%dma_wait3A_357, %dma_wait3A_358] : memref<10000x128xf32, #tpu.memory_space<hbm>> -> memref<128x128xf32, #tpu.memory_space<hbm>>
      %dma_wait3A_360 = arith.constant 0 : i32
      %dma_wait3A_361 = arith.constant 0 : i32
      %dma_wait3A_362 = tpu.memref_slice %arg2[%dma_wait3A_360, %dma_wait3A_361] : memref<10000x128xf32, #tpu.memory_space<hbm>> -> memref<128x128xf32, #tpu.memory_space<hbm>>
      tpu.wait_dma2 semaphore(%arg13 : memref<!tpu.dma_semaphore, #tpu.memory_space<semaphore_mem>>) src(%dma_wait3A_362 : memref<128x128xf32, #tpu.memory_space<hbm>>) dst(%arg7 : memref<128x128xf32, #tpu.memory_space<vmem>>)
      %dma_wait3A_363 = arith.constant 0 : i32
      %dma_wait3A_364 = arith.constant 0 : i32
      %dma_wait3A_365 = tpu.memref_slice %arg2[%dma_wait3A_363, %dma_wait3A_364] : memref<10000x128xf32, #tpu.memory_space<hbm>> -> memref<128x128xf32, #tpu.memory_space<hbm>>
      %dma_wait3A_366 = arith.constant 0 : i32
      %dma_wait3A_367 = arith.constant 0 : i32
      %dma_wait3A_368 = tpu.memref_slice %arg2[%dma_wait3A_366, %dma_wait3A_367] : memref<10000x128xf32, #tpu.memory_space<hbm>> -> memref<128x128xf32, #tpu.memory_space<hbm>>
      tpu.wait_dma2 semaphore(%arg14 : memref<!tpu.dma_semaphore, #tpu.memory_space<semaphore_mem>>) src(%dma_wait3A_368 : memref<128x128xf32, #tpu.memory_space<hbm>>) dst(%arg6 : memref<128x128xf32, #tpu.memory_space<vmem>>)
      %dma_start3A_369 = arith.constant 1 : i32
      %dma_start3A_370 = arith.constant 0 : i32
      %dma_start3A_371 = tpu.memref_slice %arg9[%dma_start3A_369, %dma_start3A_370] : memref<2x128xi32, #tpu.memory_space<vmem>> -> memref<1x128xi32, #tpu.memory_space<vmem>>
      %dma_start3A_372 = tpu.memref_squeeze %dma_start3A_371 : memref<1x128xi32, #tpu.memory_space<vmem>> -> memref<128xi32, #tpu.memory_space<vmem>>
      %dma_start3A_373 = arith.constant 0 : i32
      %dma_start3A_374 = arith.constant 0 : i32
      %dma_start3A_375 = tpu.memref_slice %arg5[%dma_start3A_373, %dma_start3A_374] : memref<10240x128xf32, #tpu.memory_space<vmem_shared>> -> memref<10240x128xf32, #tpu.memory_space<vmem_shared>>
      tpu.enqueue_indirect_dma source(%arg7 : memref<128x128xf32, #tpu.memory_space<vmem>>) target(%dma_start3A_375 : memref<10240x128xf32, #tpu.memory_space<vmem_shared>>) offsets(%dma_start3A_372 : memref<128xi32, #tpu.memory_space<vmem>>) semaphore(%arg15 : memref<!tpu.dma_semaphore, #tpu.memory_space<semaphore_mem>>) {add = true}
      %dma_wait3A_376 = arith.constant 0 : i32
      %dma_wait3A_377 = arith.constant 0 : i32
      %dma_wait3A_378 = arith.constant 0 : i32
      %dma_wait3A_379 = tpu.memref_slice %arg3[%dma_wait3A_376, %dma_wait3A_377, %dma_wait3A_378] : memref<2560x2x128xi32, #tpu.memory_space<hbm>> -> memref<1x2x128xi32, #tpu.memory_space<hbm>>
      %dma_wait3A_380 = tpu.memref_squeeze %dma_wait3A_379 : memref<1x2x128xi32, #tpu.memory_space<hbm>> -> memref<2x128xi32, #tpu.memory_space<hbm>>
      %dma_wait3A_381 = arith.constant 0 : i32
      %dma_wait3A_382 = arith.constant 0 : i32
      %dma_wait3A_383 = tpu.memref_slice %arg3[%dma_wait3A_376, %dma_wait3A_381, %dma_wait3A_382] : memref<2560x2x128xi32, #tpu.memory_space<hbm>> -> memref<1x2x128xi32, #tpu.memory_space<hbm>>
      %dma_wait3A_384 = tpu.memref_squeeze %dma_wait3A_383 : memref<1x2x128xi32, #tpu.memory_space<hbm>> -> memref<2x128xi32, #tpu.memory_space<hbm>>
      tpu.wait_dma2 semaphore(%arg18 : memref<!tpu.dma_semaphore, #tpu.memory_space<semaphore_mem>>) src(%dma_wait3A_384 : memref<2x128xi32, #tpu.memory_space<hbm>>) dst(%arg10 : memref<2x128xi32, #tpu.memory_space<vmem>>)
      %dma_start3A_385 = arith.constant 0 : i32
      %dma_start3A_386 = arith.constant 0 : i32
      %dma_start3A_387 = tpu.memref_slice %arg10[%dma_start3A_385, %dma_start3A_386] : memref<2x128xi32, #tpu.memory_space<vmem>> -> memref<1x128xi32, #tpu.memory_space<vmem>>
      %dma_start3A_388 = tpu.memref_squeeze %dma_start3A_387 : memref<1x128xi32, #tpu.memory_space<vmem>> -> memref<128xi32, #tpu.memory_space<vmem>>
      %dma_start3A_389 = arith.constant 0 : i32
      %dma_start3A_390 = arith.constant 0 : i32
      %dma_start3A_391 = tpu.memref_slice %arg2[%dma_start3A_389, %dma_start3A_390] : memref<10000x128xf32, #tpu.memory_space<hbm>> -> memref<10000x128xf32, #tpu.memory_space<hbm>>
      tpu.enqueue_indirect_dma source(%dma_start3A_391 : memref<10000x128xf32, #tpu.memory_space<hbm>>) target(%arg6 : memref<128x128xf32, #tpu.memory_space<vmem>>) offsets(%dma_start3A_388 : memref<128xi32, #tpu.memory_space<vmem>>) semaphore(%arg12 : memref<!tpu.dma_semaphore, #tpu.memory_space<semaphore_mem>>)
      %add3A_392 = arith.addi %mul3A_2, %add3A_356 : i32
      %add3A_393 = arith.constant 2 : i32
      %add3A_394 = arith.addi %add3A_392, %add3A_393 : i32
      %dma_start3A_395 = arith.constant 0 : i32
      %dma_start3A_396 = arith.constant 0 : i32
      %dma_start3A_397 = tpu.memref_slice %arg3[%add3A_394, %dma_start3A_395, %dma_start3A_396] : memref<2560x2x128xi32, #tpu.memory_space<hbm>> -> memref<1x2x128xi32, #tpu.memory_space<hbm>>
      %dma_start3A_398 = tpu.memref_squeeze %dma_start3A_397 : memref<1x2x128xi32, #tpu.memory_space<hbm>> -> memref<2x128xi32, #tpu.memory_space<hbm>>
      %dma_start3A_399 = arith.constant 0 : i32
      %dma_start3A_400 = arith.constant 0 : i32
      %dma_start3A_401 = tpu.memref_slice %arg3[%add3A_394, %dma_start3A_399, %dma_start3A_400] : memref<2560x2x128xi32, #tpu.memory_space<hbm>> -> memref<1x2x128xi32, #tpu.memory_space<hbm>>
      %dma_start3A_402 = tpu.memref_squeeze %dma_start3A_401 : memref<1x2x128xi32, #tpu.memory_space<hbm>> -> memref<2x128xi32, #tpu.memory_space<hbm>>
      tpu.enqueue_dma source(%dma_start3A_402 : memref<2x128xi32, #tpu.memory_space<hbm>>) target(%arg11 : memref<2x128xi32, #tpu.memory_space<vmem>>) target_semaphore(%arg19 : memref<!tpu.dma_semaphore, #tpu.memory_space<semaphore_mem>>)
    }
    %scan3A_140 = arith.constant 19 : i32
    %dma_wait3A_141 = arith.constant 0 : i32
    %dma_wait3A_142 = arith.constant 0 : i32
    %dma_wait3A_143 = tpu.memref_slice %arg2[%dma_wait3A_141, %dma_wait3A_142] : memref<10000x128xf32, #tpu.memory_space<hbm>> -> memref<128x128xf32, #tpu.memory_space<hbm>>
    %dma_wait3A_144 = arith.constant 0 : i32
    %dma_wait3A_145 = arith.constant 0 : i32
    %dma_wait3A_146 = tpu.memref_slice %arg2[%dma_wait3A_144, %dma_wait3A_145] : memref<10000x128xf32, #tpu.memory_space<hbm>> -> memref<128x128xf32, #tpu.memory_space<hbm>>
    tpu.wait_dma2 semaphore(%arg12 : memref<!tpu.dma_semaphore, #tpu.memory_space<semaphore_mem>>) src(%dma_wait3A_146 : memref<128x128xf32, #tpu.memory_space<hbm>>) dst(%arg6 : memref<128x128xf32, #tpu.memory_space<vmem>>)
    %dma_wait3A_147 = arith.constant 0 : i32
    %dma_wait3A_148 = arith.constant 0 : i32
    %dma_wait3A_149 = tpu.memref_slice %arg2[%dma_wait3A_147, %dma_wait3A_148] : memref<10000x128xf32, #tpu.memory_space<hbm>> -> memref<128x128xf32, #tpu.memory_space<hbm>>
    %dma_wait3A_150 = arith.constant 0 : i32
    %dma_wait3A_151 = arith.constant 0 : i32
    %dma_wait3A_152 = tpu.memref_slice %arg2[%dma_wait3A_150, %dma_wait3A_151] : memref<10000x128xf32, #tpu.memory_space<hbm>> -> memref<128x128xf32, #tpu.memory_space<hbm>>
    tpu.wait_dma2 semaphore(%arg15 : memref<!tpu.dma_semaphore, #tpu.memory_space<semaphore_mem>>) src(%dma_wait3A_152 : memref<128x128xf32, #tpu.memory_space<hbm>>) dst(%arg7 : memref<128x128xf32, #tpu.memory_space<vmem>>)
    %dma_start3A_153 = arith.constant 1 : i32
    %dma_start3A_154 = arith.constant 0 : i32
    %dma_start3A_155 = tpu.memref_slice %arg10[%dma_start3A_153, %dma_start3A_154] : memref<2x128xi32, #tpu.memory_space<vmem>> -> memref<1x128xi32, #tpu.memory_space<vmem>>
    %dma_start3A_156 = tpu.memref_squeeze %dma_start3A_155 : memref<1x128xi32, #tpu.memory_space<vmem>> -> memref<128xi32, #tpu.memory_space<vmem>>
    %dma_start3A_157 = arith.constant 0 : i32
    %dma_start3A_158 = arith.constant 0 : i32
    %dma_start3A_159 = tpu.memref_slice %arg5[%dma_start3A_157, %dma_start3A_158] : memref<10240x128xf32, #tpu.memory_space<vmem_shared>> -> memref<10240x128xf32, #tpu.memory_space<vmem_shared>>
    tpu.enqueue_indirect_dma source(%arg6 : memref<128x128xf32, #tpu.memory_space<vmem>>) target(%dma_start3A_159 : memref<10240x128xf32, #tpu.memory_space<vmem_shared>>) offsets(%dma_start3A_156 : memref<128xi32, #tpu.memory_space<vmem>>) semaphore(%arg14 : memref<!tpu.dma_semaphore, #tpu.memory_space<semaphore_mem>>) {add = true}
    %dma_wait3A_160 = arith.constant 0 : i32
    %dma_wait3A_161 = arith.constant 0 : i32
    %dma_wait3A_162 = arith.constant 0 : i32
    %dma_wait3A_163 = tpu.memref_slice %arg3[%dma_wait3A_160, %dma_wait3A_161, %dma_wait3A_162] : memref<2560x2x128xi32, #tpu.memory_space<hbm>> -> memref<1x2x128xi32, #tpu.memory_space<hbm>>
    %dma_wait3A_164 = tpu.memref_squeeze %dma_wait3A_163 : memref<1x2x128xi32, #tpu.memory_space<hbm>> -> memref<2x128xi32, #tpu.memory_space<hbm>>
    %dma_wait3A_165 = arith.constant 0 : i32
    %dma_wait3A_166 = arith.constant 0 : i32
    %dma_wait3A_167 = tpu.memref_slice %arg3[%dma_wait3A_160, %dma_wait3A_165, %dma_wait3A_166] : memref<2560x2x128xi32, #tpu.memory_space<hbm>> -> memref<1x2x128xi32, #tpu.memory_space<hbm>>
    %dma_wait3A_168 = tpu.memref_squeeze %dma_wait3A_167 : memref<1x2x128xi32, #tpu.memory_space<hbm>> -> memref<2x128xi32, #tpu.memory_space<hbm>>
    tpu.wait_dma2 semaphore(%arg19 : memref<!tpu.dma_semaphore, #tpu.memory_space<semaphore_mem>>) src(%dma_wait3A_168 : memref<2x128xi32, #tpu.memory_space<hbm>>) dst(%arg11 : memref<2x128xi32, #tpu.memory_space<vmem>>)
    %dma_start3A_169 = arith.constant 0 : i32
    %dma_start3A_170 = arith.constant 0 : i32
    %dma_start3A_171 = tpu.memref_slice %arg11[%dma_start3A_169, %dma_start3A_170] : memref<2x128xi32, #tpu.memory_space<vmem>> -> memref<1x128xi32, #tpu.memory_space<vmem>>
    %dma_start3A_172 = tpu.memref_squeeze %dma_start3A_171 : memref<1x128xi32, #tpu.memory_space<vmem>> -> memref<128xi32, #tpu.memory_space<vmem>>
    %dma_start3A_173 = arith.constant 0 : i32
    %dma_start3A_174 = arith.constant 0 : i32
    %dma_start3A_175 = tpu.memref_slice %arg2[%dma_start3A_173, %dma_start3A_174] : memref<10000x128xf32, #tpu.memory_space<hbm>> -> memref<10000x128xf32, #tpu.memory_space<hbm>>
    tpu.enqueue_indirect_dma source(%dma_start3A_175 : memref<10000x128xf32, #tpu.memory_space<hbm>>) target(%arg7 : memref<128x128xf32, #tpu.memory_space<vmem>>) offsets(%dma_start3A_172 : memref<128xi32, #tpu.memory_space<vmem>>) semaphore(%arg13 : memref<!tpu.dma_semaphore, #tpu.memory_space<semaphore_mem>>)
    %dma_wait3A_176 = arith.constant 0 : i32
    %dma_wait3A_177 = arith.constant 0 : i32
    %dma_wait3A_178 = tpu.memref_slice %arg2[%dma_wait3A_176, %dma_wait3A_177] : memref<10000x128xf32, #tpu.memory_space<hbm>> -> memref<128x128xf32, #tpu.memory_space<hbm>>
    %dma_wait3A_179 = arith.constant 0 : i32
    %dma_wait3A_180 = arith.constant 0 : i32
    %dma_wait3A_181 = tpu.memref_slice %arg2[%dma_wait3A_179, %dma_wait3A_180] : memref<10000x128xf32, #tpu.memory_space<hbm>> -> memref<128x128xf32, #tpu.memory_space<hbm>>
    tpu.wait_dma2 semaphore(%arg13 : memref<!tpu.dma_semaphore, #tpu.memory_space<semaphore_mem>>) src(%dma_wait3A_181 : memref<128x128xf32, #tpu.memory_space<hbm>>) dst(%arg7 : memref<128x128xf32, #tpu.memory_space<vmem>>)
    %dma_wait3A_182 = arith.constant 0 : i32
    %dma_wait3A_183 = arith.constant 0 : i32
    %dma_wait3A_184 = tpu.memref_slice %arg2[%dma_wait3A_182, %dma_wait3A_183] : memref<10000x128xf32, #tpu.memory_space<hbm>> -> memref<128x128xf32, #tpu.memory_space<hbm>>
    %dma_wait3A_185 = arith.constant 0 : i32
    %dma_wait3A_186 = arith.constant 0 : i32
    %dma_wait3A_187 = tpu.memref_slice %arg2[%dma_wait3A_185, %dma_wait3A_186] : memref<10000x128xf32, #tpu.memory_space<hbm>> -> memref<128x128xf32, #tpu.memory_space<hbm>>
    tpu.wait_dma2 semaphore(%arg14 : memref<!tpu.dma_semaphore, #tpu.memory_space<semaphore_mem>>) src(%dma_wait3A_187 : memref<128x128xf32, #tpu.memory_space<hbm>>) dst(%arg6 : memref<128x128xf32, #tpu.memory_space<vmem>>)
    %dma_start3A_188 = arith.constant 1 : i32
    %dma_start3A_189 = arith.constant 0 : i32
    %dma_start3A_190 = tpu.memref_slice %arg11[%dma_start3A_188, %dma_start3A_189] : memref<2x128xi32, #tpu.memory_space<vmem>> -> memref<1x128xi32, #tpu.memory_space<vmem>>
    %dma_start3A_191 = tpu.memref_squeeze %dma_start3A_190 : memref<1x128xi32, #tpu.memory_space<vmem>> -> memref<128xi32, #tpu.memory_space<vmem>>
    %dma_start3A_192 = arith.constant 0 : i32
    %dma_start3A_193 = arith.constant 0 : i32
    %dma_start3A_194 = tpu.memref_slice %arg5[%dma_start3A_192, %dma_start3A_193] : memref<10240x128xf32, #tpu.memory_space<vmem_shared>> -> memref<10240x128xf32, #tpu.memory_space<vmem_shared>>
    tpu.enqueue_indirect_dma source(%arg7 : memref<128x128xf32, #tpu.memory_space<vmem>>) target(%dma_start3A_194 : memref<10240x128xf32, #tpu.memory_space<vmem_shared>>) offsets(%dma_start3A_191 : memref<128xi32, #tpu.memory_space<vmem>>) semaphore(%arg15 : memref<!tpu.dma_semaphore, #tpu.memory_space<semaphore_mem>>) {add = true}
    %dma_wait3A_195 = arith.constant 0 : i32
    %dma_wait3A_196 = arith.constant 0 : i32
    %dma_wait3A_197 = tpu.memref_slice %arg2[%dma_wait3A_195, %dma_wait3A_196] : memref<10000x128xf32, #tpu.memory_space<hbm>> -> memref<128x128xf32, #tpu.memory_space<hbm>>
    %dma_wait3A_198 = arith.constant 0 : i32
    %dma_wait3A_199 = arith.constant 0 : i32
    %dma_wait3A_200 = tpu.memref_slice %arg2[%dma_wait3A_198, %dma_wait3A_199] : memref<10000x128xf32, #tpu.memory_space<hbm>> -> memref<128x128xf32, #tpu.memory_space<hbm>>
    tpu.wait_dma2 semaphore(%arg15 : memref<!tpu.dma_semaphore, #tpu.memory_space<semaphore_mem>>) src(%dma_wait3A_200 : memref<128x128xf32, #tpu.memory_space<hbm>>) dst(%arg7 : memref<128x128xf32, #tpu.memory_space<vmem>>)
    %barrier3A_201 = arith.constant 0 : index
    tpu.barrier barrier_id(%barrier3A_201)
    %mul3A_202 = arith.constant 640 : i32
    %mul3A_203 = arith.muli %arg1, %mul3A_202 : i32
    %mul3A_204 = arith.constant 640 : i32
    %mul3A_205 = arith.muli %arg1, %mul3A_204 : i32
    "tpu.region"() ({
      %run_scoped3A = tpu.sem_alloc : memref<!tpu.dma_semaphore, #tpu.memory_space<semaphore_mem>>
      %dma_start3A_206 = arith.constant 0 : i32
      %dma_start3A_207 = tpu.memref_slice %arg4[%arg0, %mul3A_205, %dma_start3A_206] : memref<2x10240x128xf32, #tpu.memory_space<hbm>> -> memref<1x640x128xf32, #tpu.memory_space<hbm>>
      %dma_start3A_208 = tpu.memref_squeeze %dma_start3A_207 : memref<1x640x128xf32, #tpu.memory_space<hbm>> -> memref<640x128xf32, #tpu.memory_space<hbm>>
      %dma_start3A_209 = arith.constant 0 : i32
      %dma_start3A_210 = tpu.memref_slice %arg5[%mul3A_203, %dma_start3A_209] : memref<10240x128xf32, #tpu.memory_space<vmem_shared>> -> memref<640x128xf32, #tpu.memory_space<vmem_shared>>
      tpu.enqueue_dma source(%dma_start3A_210 : memref<640x128xf32, #tpu.memory_space<vmem_shared>>) target(%dma_start3A_208 : memref<640x128xf32, #tpu.memory_space<hbm>>) target_semaphore(%run_scoped3A : memref<!tpu.dma_semaphore, #tpu.memory_space<semaphore_mem>>)
      %dma_wait3A_211 = arith.constant 0 : i32
      %dma_wait3A_212 = tpu.memref_slice %arg4[%arg0, %mul3A_205, %dma_wait3A_211] : memref<2x10240x128xf32, #tpu.memory_space<hbm>> -> memref<1x640x128xf32, #tpu.memory_space<hbm>>
      %dma_wait3A_213 = tpu.memref_squeeze %dma_wait3A_212 : memref<1x640x128xf32, #tpu.memory_space<hbm>> -> memref<640x128xf32, #tpu.memory_space<hbm>>
      %dma_wait3A_214 = arith.constant 0 : i32
      %dma_wait3A_215 = tpu.memref_slice %arg5[%mul3A_203, %dma_wait3A_214] : memref<10240x128xf32, #tpu.memory_space<vmem_shared>> -> memref<640x128xf32, #tpu.memory_space<vmem_shared>>
      tpu.wait_dma2 semaphore(%run_scoped3A : memref<!tpu.dma_semaphore, #tpu.memory_space<semaphore_mem>>) src(%dma_wait3A_215 : memref<640x128xf32, #tpu.memory_space<vmem_shared>>) dst(%dma_wait3A_213 : memref<640x128xf32, #tpu.memory_space<hbm>>)
      tpu.yield
    }) : () -> ()
    return
  }
}

module attributes {stable_mosaic.version = 14 : i64} {
  func.func @_mlp_body_stats(%arg0: i32, %arg1: memref<2000x128xf32, #tpu.memory_space<vmem>>, %arg2: memref<1x2000x128xf32, #tpu.memory_space<vmem>>, %arg3: memref<1x2000x128xf32, #tpu.memory_space<vmem>>, %arg4: memref<128x128xf32, #tpu.memory_space<vmem>>, %arg5: memref<1x128xf32, #tpu.memory_space<vmem>>, %arg6: memref<128x128xf32, #tpu.memory_space<vmem>>, %arg7: memref<1x128xf32, #tpu.memory_space<vmem>>, %arg8: memref<2000x128xf32, #tpu.memory_space<vmem>>, %arg9: memref<8x128xf32, #tpu.memory_space<vmem>>) attributes {dimension_semantics = [#tpu.dimension_semantics<arbitrary>], iteration_bounds = array<i64: 5>, scalar_prefetch = 0 : i64, scratch_operands = 0 : i64, tpu.core_type = #tpu.core_type<tc>, window_params = [{transform_indices = @transform_0, window_bounds = array<i64: 2000, 128>}, {transform_indices = @transform_1, window_bounds = array<i64: 1, 2000, 128>}, {transform_indices = @transform_2, window_bounds = array<i64: 1, 2000, 128>}, {pipeline_mode = #tpu.pipeline_mode<synchronous>, transform_indices = @transform_3, window_bounds = array<i64: 128, 128>}, {pipeline_mode = #tpu.pipeline_mode<synchronous>, transform_indices = @transform_4, window_bounds = array<i64: 1, 128>}, {pipeline_mode = #tpu.pipeline_mode<synchronous>, transform_indices = @transform_5, window_bounds = array<i64: 128, 128>}, {pipeline_mode = #tpu.pipeline_mode<synchronous>, transform_indices = @transform_6, window_bounds = array<i64: 1, 128>}, {transform_indices = @transform_7, window_bounds = array<i64: 2000, 128>}, {pipeline_mode = #tpu.pipeline_mode<synchronous>, transform_indices = @transform_8, window_bounds = array<i64: 8, 128>}]} {
    %get3A = arith.constant 0 : index
    %get3A_0 = arith.constant 0 : index
    %get3A_1 = vector.load %arg1[%get3A, %get3A_0] : memref<2000x128xf32, #tpu.memory_space<vmem>>, vector<2000x128xf32>
    %get3A_2 = arith.constant 0 : index
    %get3A_3 = arith.constant 0 : index
    %get3A_4 = arith.constant 0 : index
    %get3A_5 = vector.load %arg2[%get3A_2, %get3A_3, %get3A_4] : memref<1x2000x128xf32, #tpu.memory_space<vmem>>, vector<1x2000x128xf32>
    %get3A_6 = vector.shape_cast %get3A_5 : vector<1x2000x128xf32> to vector<2000x128xf32>
    %add3A = arith.addf %get3A_1, %get3A_6 : vector<2000x128xf32>
    %get3A_7 = arith.constant 0 : index
    %get3A_8 = arith.constant 0 : index
    %get3A_9 = arith.constant 0 : index
    %get3A_10 = vector.load %arg3[%get3A_7, %get3A_8, %get3A_9] : memref<1x2000x128xf32, #tpu.memory_space<vmem>>, vector<1x2000x128xf32>
    %get3A_11 = vector.shape_cast %get3A_10 : vector<1x2000x128xf32> to vector<2000x128xf32>
    %add3A_12 = arith.addf %add3A, %get3A_11 : vector<2000x128xf32>
    %get3A_13 = arith.constant 0 : index
    %get3A_14 = arith.constant 0 : index
    %get3A_15 = vector.load %arg4[%get3A_13, %get3A_14] : memref<128x128xf32, #tpu.memory_space<vmem>>, vector<128x128xf32>
    %dot_general3A = arith.constant dense<0.000000e+00> : vector<2000x128xf32>
    %dot_general3A_16 = tpu.matmul %add3A_12, %get3A_15, %dot_general3A {dimension_numbers = #tpu.dot_dimension_numbers<[1], [0], [0], [1], [0, 0, 1, 1], [], []>, transpose_lhs_hint = false} : vector<2000x128xf32>, vector<128x128xf32>, vector<2000x128xf32> -> vector<2000x128xf32>
    %get3A_17 = arith.constant 0 : index
    %get3A_18 = arith.constant 0 : index
    %get3A_19 = vector.load %arg5[%get3A_17, %get3A_18] : memref<1x128xf32, #tpu.memory_space<vmem>>, vector<1x128xf32>
    %add3A_20 = vector.broadcast %get3A_19 : vector<1x128xf32> to vector<2000x128xf32>
    %add3A_21 = arith.addf %dot_general3A_16, %add3A_20 : vector<2000x128xf32>
    %max3A = arith.constant 0.000000e+00 : f32
    %max3A_22 = vector.broadcast %max3A : f32 to vector<2000x128xf32>
    %max3A_23 = arith.maximumf %add3A_21, %max3A_22 : vector<2000x128xf32>
    %get3A_24 = arith.constant 0 : index
    %get3A_25 = arith.constant 0 : index
    %get3A_26 = vector.load %arg6[%get3A_24, %get3A_25] : memref<128x128xf32, #tpu.memory_space<vmem>>, vector<128x128xf32>
    %dot_general3A_27 = arith.constant dense<0.000000e+00> : vector<2000x128xf32>
    %dot_general3A_28 = tpu.matmul %max3A_23, %get3A_26, %dot_general3A_27 {dimension_numbers = #tpu.dot_dimension_numbers<[1], [0], [0], [1], [0, 0, 1, 1], [], []>, transpose_lhs_hint = false} : vector<2000x128xf32>, vector<128x128xf32>, vector<2000x128xf32> -> vector<2000x128xf32>
    %get3A_29 = arith.constant 0 : index
    %get3A_30 = arith.constant 0 : index
    %get3A_31 = vector.load %arg7[%get3A_29, %get3A_30] : memref<1x128xf32, #tpu.memory_space<vmem>>, vector<1x128xf32>
    %add3A_32 = vector.broadcast %get3A_31 : vector<1x128xf32> to vector<2000x128xf32>
    %add3A_33 = arith.addf %dot_general3A_28, %add3A_32 : vector<2000x128xf32>
    %swap3A = arith.constant 0 : index
    %swap3A_34 = arith.constant 0 : index
    %swap3A_35 = vector.load %arg8[%swap3A, %swap3A_34] : memref<2000x128xf32, #tpu.memory_space<vmem>>, vector<2000x128xf32>
    tpu.vector_store %arg8[%swap3A, %swap3A_34], %add3A_33 {strides = array<i32>} : memref<2000x128xf32, #tpu.memory_space<vmem>>, vector<2000x128xf32>,
    %eq3A = arith.constant 0 : i32
    %eq3A_36 = arith.cmpi eq, %arg0, %eq3A : i32
    %convert_element_type3A = arith.extui %eq3A_36 : i1 to i32
    %cond3A = arith.constant 0 : i32
    %cond3A_37 = arith.cmpi ne, %convert_element_type3A, %cond3A : i32
    scf.if %cond3A_37 {
      %broadcast_in_dim3A_56 = arith.constant 0.000000e+00 : f32
      %broadcast_in_dim3A_57 = vector.broadcast %broadcast_in_dim3A_56 : f32 to vector<8x128xf32>
      %swap3A_58 = arith.constant 0 : index
      %swap3A_59 = arith.constant 0 : index
      %swap3A_60 = vector.load %arg9[%swap3A_58, %swap3A_59] : memref<8x128xf32, #tpu.memory_space<vmem>>, vector<8x128xf32>
      tpu.vector_store %arg9[%swap3A_58, %swap3A_59], %broadcast_in_dim3A_57 {strides = array<i32>} : memref<8x128xf32, #tpu.memory_space<vmem>>, vector<8x128xf32>,
    } else {
    }
    %get3A_38 = arith.constant 0 : index
    %get3A_39 = arith.constant 0 : index
    %get3A_40 = vector.load %arg9[%get3A_38, %get3A_39] : memref<8x128xf32, #tpu.memory_space<vmem>>, vector<1x128xf32>
    %reduce_sum3A = arith.constant dense<0.000000e+00> : vector<128xf32>
    %reduce_sum3A_41 = vector.multi_reduction <add>, %add3A_33, %reduce_sum3A [0] : vector<2000x128xf32> to vector<128xf32>
    %broadcast_in_dim3A = vector.shape_cast %reduce_sum3A_41 : vector<128xf32> to vector<1x128xf32>
    %add3A_42 = arith.addf %get3A_40, %broadcast_in_dim3A : vector<1x128xf32>
    %swap3A_43 = arith.constant 0 : index
    %swap3A_44 = arith.constant 0 : index
    %swap3A_45 = vector.load %arg9[%swap3A_43, %swap3A_44] : memref<8x128xf32, #tpu.memory_space<vmem>>, vector<1x128xf32>
    tpu.vector_store %arg9[%swap3A_43, %swap3A_44], %add3A_42 {strides = array<i32>} : memref<8x128xf32, #tpu.memory_space<vmem>>, vector<1x128xf32>,
    %get3A_46 = arith.constant 1 : index
    %get3A_47 = arith.constant 0 : index
    %get3A_48 = vector.load %arg9[%get3A_46, %get3A_47] : memref<8x128xf32, #tpu.memory_space<vmem>>, vector<1x128xf32>
    %mul3A = arith.mulf %add3A_33, %add3A_33 : vector<2000x128xf32>
    %reduce_sum3A_49 = arith.constant dense<0.000000e+00> : vector<128xf32>
    %reduce_sum3A_50 = vector.multi_reduction <add>, %mul3A, %reduce_sum3A_49 [0] : vector<2000x128xf32> to vector<128xf32>
    %broadcast_in_dim3A_51 = vector.shape_cast %reduce_sum3A_50 : vector<128xf32> to vector<1x128xf32>
    %add3A_52 = arith.addf %get3A_48, %broadcast_in_dim3A_51 : vector<1x128xf32>
    %swap3A_53 = arith.constant 1 : index
    %swap3A_54 = arith.constant 0 : index
    %swap3A_55 = vector.load %arg9[%swap3A_53, %swap3A_54] : memref<8x128xf32, #tpu.memory_space<vmem>>, vector<1x128xf32>
    tpu.vector_store %arg9[%swap3A_53, %swap3A_54], %add3A_52 {strides = array<i32>} : memref<8x128xf32, #tpu.memory_space<vmem>>, vector<1x128xf32>,
    return
  }
  func.func @transform_0(%arg0: i32) -> (i32, i32) {
    %c0_i32 = arith.constant 0 : i32
    %c0_i32_0 = arith.constant 0 : i32
    return %arg0, %c0_i32 : i32, i32
  }
  func.func @transform_1(%arg0: i32) -> (i32, i32, i32) {
    %c0_i32 = arith.constant 0 : i32
    %c0_i32_0 = arith.constant 0 : i32
    %c0_i32_1 = arith.constant 0 : i32
    return %c0_i32, %arg0, %c0_i32_0 : i32, i32, i32
  }
  func.func @transform_2(%arg0: i32) -> (i32, i32, i32) {
    %c1_i32 = arith.constant 1 : i32
    %c0_i32 = arith.constant 0 : i32
    %c0_i32_0 = arith.constant 0 : i32
    return %c1_i32, %arg0, %c0_i32 : i32, i32, i32
  }
  func.func @transform_3(%arg0: i32) -> (i32, i32) {
    %c0_i32 = arith.constant 0 : i32
    %c0_i32_0 = arith.constant 0 : i32
    %c0_i32_1 = arith.constant 0 : i32
    return %c0_i32, %c0_i32_0 : i32, i32
  }
  func.func @transform_4(%arg0: i32) -> (i32, i32) {
    %c0_i32 = arith.constant 0 : i32
    %c0_i32_0 = arith.constant 0 : i32
    %c0_i32_1 = arith.constant 0 : i32
    return %c0_i32, %c0_i32_0 : i32, i32
  }
  func.func @transform_5(%arg0: i32) -> (i32, i32) {
    %c0_i32 = arith.constant 0 : i32
    %c0_i32_0 = arith.constant 0 : i32
    %c0_i32_1 = arith.constant 0 : i32
    return %c0_i32, %c0_i32_0 : i32, i32
  }
  func.func @transform_6(%arg0: i32) -> (i32, i32) {
    %c0_i32 = arith.constant 0 : i32
    %c0_i32_0 = arith.constant 0 : i32
    %c0_i32_1 = arith.constant 0 : i32
    return %c0_i32, %c0_i32_0 : i32, i32
  }
  func.func @transform_7(%arg0: i32) -> (i32, i32) {
    %c0_i32 = arith.constant 0 : i32
    %c0_i32_0 = arith.constant 0 : i32
    return %arg0, %c0_i32 : i32, i32
  }
  func.func @transform_8(%arg0: i32) -> (i32, i32) {
    %c0_i32 = arith.constant 0 : i32
    %c0_i32_0 = arith.constant 0 : i32
    %c0_i32_1 = arith.constant 0 : i32
    return %c0_i32, %c0_i32_0 : i32, i32
  }
}

module attributes {stable_mosaic.version = 14 : i64} {
  func.func @_var_body(%arg0: i32, %arg1: memref<2000x128xf32, #tpu.memory_space<vmem>>, %arg2: memref<8x128xf32, #tpu.memory_space<vmem>>, %arg3: memref<8x128xf32, #tpu.memory_space<vmem>>) attributes {dimension_semantics = [#tpu.dimension_semantics<arbitrary>], iteration_bounds = array<i64: 5>, scalar_prefetch = 0 : i64, scratch_operands = 0 : i64, tpu.core_type = #tpu.core_type<tc>, window_params = [{transform_indices = @transform_0, window_bounds = array<i64: 2000, 128>}, {pipeline_mode = #tpu.pipeline_mode<synchronous>, transform_indices = @transform_1, window_bounds = array<i64: 8, 128>}, {pipeline_mode = #tpu.pipeline_mode<synchronous>, transform_indices = @transform_2, window_bounds = array<i64: 8, 128>}]} {
    %eq3A = arith.constant 0 : i32
    %eq3A_0 = arith.cmpi eq, %arg0, %eq3A : i32
    %convert_element_type3A = arith.extui %eq3A_0 : i1 to i32
    %cond3A = arith.constant 0 : i32
    %cond3A_1 = arith.cmpi ne, %convert_element_type3A, %cond3A : i32
    scf.if %cond3A_1 {
      %broadcast_in_dim3A_17 = arith.constant 0.000000e+00 : f32
      %broadcast_in_dim3A_18 = vector.broadcast %broadcast_in_dim3A_17 : f32 to vector<8x128xf32>
      %swap3A_19 = arith.constant 0 : index
      %swap3A_20 = arith.constant 0 : index
      %swap3A_21 = vector.load %arg3[%swap3A_19, %swap3A_20] : memref<8x128xf32, #tpu.memory_space<vmem>>, vector<8x128xf32>
      tpu.vector_store %arg3[%swap3A_19, %swap3A_20], %broadcast_in_dim3A_18 {strides = array<i32>} : memref<8x128xf32, #tpu.memory_space<vmem>>, vector<8x128xf32>,
    } else {
    }
    %get3A = arith.constant 0 : index
    %get3A_2 = arith.constant 0 : index
    %get3A_3 = vector.load %arg2[%get3A, %get3A_2] : memref<8x128xf32, #tpu.memory_space<vmem>>, vector<1x128xf32>
    %mul3A = arith.constant 9.99999974E-5 : f32
    %mul3A_4 = vector.broadcast %mul3A : f32 to vector<1x128xf32>
    %mul3A_5 = arith.mulf %get3A_3, %mul3A_4 : vector<1x128xf32>
    %get3A_6 = arith.constant 0 : index
    %get3A_7 = arith.constant 0 : index
    %get3A_8 = vector.load %arg1[%get3A_6, %get3A_7] : memref<2000x128xf32, #tpu.memory_space<vmem>>, vector<2000x128xf32>
    %sub3A = vector.broadcast %mul3A_5 : vector<1x128xf32> to vector<2000x128xf32>
    %sub3A_9 = arith.subf %get3A_8, %sub3A : vector<2000x128xf32>
    %get3A_10 = arith.constant 0 : index
    %get3A_11 = arith.constant 0 : index
    %get3A_12 = vector.load %arg3[%get3A_10, %get3A_11] : memref<8x128xf32, #tpu.memory_space<vmem>>, vector<1x128xf32>
    %mul3A_13 = arith.mulf %sub3A_9, %sub3A_9 : vector<2000x128xf32>
    %reduce_sum3A = arith.constant dense<0.000000e+00> : vector<128xf32>
    %reduce_sum3A_14 = vector.multi_reduction <add>, %mul3A_13, %reduce_sum3A [0] : vector<2000x128xf32> to vector<128xf32>
    %broadcast_in_dim3A = vector.shape_cast %reduce_sum3A_14 : vector<128xf32> to vector<1x128xf32>
    %add3A = arith.addf %get3A_12, %broadcast_in_dim3A : vector<1x128xf32>
    %swap3A = arith.constant 0 : index
    %swap3A_15 = arith.constant 0 : index
    %swap3A_16 = vector.load %arg3[%swap3A, %swap3A_15] : memref<8x128xf32, #tpu.memory_space<vmem>>, vector<1x128xf32>
    tpu.vector_store %arg3[%swap3A, %swap3A_15], %add3A {strides = array<i32>} : memref<8x128xf32, #tpu.memory_space<vmem>>, vector<1x128xf32>,
    return
  }
  func.func @transform_0(%arg0: i32) -> (i32, i32) {
    %c0_i32 = arith.constant 0 : i32
    %c0_i32_0 = arith.constant 0 : i32
    return %arg0, %c0_i32 : i32, i32
  }
  func.func @transform_1(%arg0: i32) -> (i32, i32) {
    %c0_i32 = arith.constant 0 : i32
    %c0_i32_0 = arith.constant 0 : i32
    %c0_i32_1 = arith.constant 0 : i32
    return %c0_i32, %c0_i32_0 : i32, i32
  }
  func.func @transform_2(%arg0: i32) -> (i32, i32) {
    %c0_i32 = arith.constant 0 : i32
    %c0_i32_0 = arith.constant 0 : i32
    %c0_i32_1 = arith.constant 0 : i32
    return %c0_i32, %c0_i32_0 : i32, i32
  }
}

module attributes {stable_mosaic.version = 14 : i64} {
  func.func @_bn_body(%arg0: i32, %arg1: memref<2000x128xf32, #tpu.memory_space<vmem>>, %arg2: memref<8x128xf32, #tpu.memory_space<vmem>>, %arg3: memref<8x128xf32, #tpu.memory_space<vmem>>, %arg4: memref<1x128xf32, #tpu.memory_space<vmem>>, %arg5: memref<1x128xf32, #tpu.memory_space<vmem>>, %arg6: memref<2000x128xf32, #tpu.memory_space<vmem>>) attributes {dimension_semantics = [#tpu.dimension_semantics<arbitrary>], iteration_bounds = array<i64: 5>, scalar_prefetch = 0 : i64, scratch_operands = 0 : i64, tpu.core_type = #tpu.core_type<tc>, window_params = [{transform_indices = @transform_0, window_bounds = array<i64: 2000, 128>}, {pipeline_mode = #tpu.pipeline_mode<synchronous>, transform_indices = @transform_1, window_bounds = array<i64: 8, 128>}, {pipeline_mode = #tpu.pipeline_mode<synchronous>, transform_indices = @transform_2, window_bounds = array<i64: 8, 128>}, {pipeline_mode = #tpu.pipeline_mode<synchronous>, transform_indices = @transform_3, window_bounds = array<i64: 1, 128>}, {pipeline_mode = #tpu.pipeline_mode<synchronous>, transform_indices = @transform_4, window_bounds = array<i64: 1, 128>}, {transform_indices = @transform_5, window_bounds = array<i64: 2000, 128>}]} {
    %get3A = arith.constant 0 : index
    %get3A_0 = arith.constant 0 : index
    %get3A_1 = vector.load %arg2[%get3A, %get3A_0] : memref<8x128xf32, #tpu.memory_space<vmem>>, vector<1x128xf32>
    %mul3A = arith.constant 9.99999974E-5 : f32
    %mul3A_2 = vector.broadcast %mul3A : f32 to vector<1x128xf32>
    %mul3A_3 = arith.mulf %get3A_1, %mul3A_2 : vector<1x128xf32>
    %get3A_4 = arith.constant 0 : index
    %get3A_5 = arith.constant 0 : index
    %get3A_6 = vector.load %arg3[%get3A_4, %get3A_5] : memref<8x128xf32, #tpu.memory_space<vmem>>, vector<1x128xf32>
    %mul3A_7 = arith.constant 9.99999974E-5 : f32
    %mul3A_8 = vector.broadcast %mul3A_7 : f32 to vector<1x128xf32>
    %mul3A_9 = arith.mulf %get3A_6, %mul3A_8 : vector<1x128xf32>
    %add3A = arith.constant 9.99999974E-6 : f32
    %add3A_10 = vector.broadcast %add3A : f32 to vector<1x128xf32>
    %add3A_11 = arith.addf %mul3A_9, %add3A_10 : vector<1x128xf32>
    %sqrt3A = math.sqrt %add3A_11 : vector<1x128xf32>
    %get3A_12 = arith.constant 0 : index
    %get3A_13 = arith.constant 0 : index
    %get3A_14 = vector.load %arg4[%get3A_12, %get3A_13] : memref<1x128xf32, #tpu.memory_space<vmem>>, vector<1x128xf32>
    %get3A_15 = arith.constant 0 : index
    %get3A_16 = arith.constant 0 : index
    %get3A_17 = vector.load %arg1[%get3A_15, %get3A_16] : memref<2000x128xf32, #tpu.memory_space<vmem>>, vector<2000x128xf32>
    %sub3A = vector.broadcast %mul3A_3 : vector<1x128xf32> to vector<2000x128xf32>
    %sub3A_18 = arith.subf %get3A_17, %sub3A : vector<2000x128xf32>
    %mul3A_19 = vector.broadcast %get3A_14 : vector<1x128xf32> to vector<2000x128xf32>
    %mul3A_20 = arith.mulf %mul3A_19, %sub3A_18 : vector<2000x128xf32>
    %div3A = vector.broadcast %sqrt3A : vector<1x128xf32> to vector<2000x128xf32>
    %div3A_21 = arith.divf %mul3A_20, %div3A : vector<2000x128xf32>
    %get3A_22 = arith.constant 0 : index
    %get3A_23 = arith.constant 0 : index
    %get3A_24 = vector.load %arg5[%get3A_22, %get3A_23] : memref<1x128xf32, #tpu.memory_space<vmem>>, vector<1x128xf32>
    %add3A_25 = vector.broadcast %get3A_24 : vector<1x128xf32> to vector<2000x128xf32>
    %add3A_26 = arith.addf %div3A_21, %add3A_25 : vector<2000x128xf32>
    %max3A = arith.constant 0.000000e+00 : f32
    %max3A_27 = vector.broadcast %max3A : f32 to vector<2000x128xf32>
    %max3A_28 = arith.maximumf %add3A_26, %max3A_27 : vector<2000x128xf32>
    %swap3A = arith.constant 0 : index
    %swap3A_29 = arith.constant 0 : index
    %swap3A_30 = vector.load %arg6[%swap3A, %swap3A_29] : memref<2000x128xf32, #tpu.memory_space<vmem>>, vector<2000x128xf32>
    tpu.vector_store %arg6[%swap3A, %swap3A_29], %max3A_28 {strides = array<i32>} : memref<2000x128xf32, #tpu.memory_space<vmem>>, vector<2000x128xf32>,
    return
  }
  func.func @transform_0(%arg0: i32) -> (i32, i32) {
    %c0_i32 = arith.constant 0 : i32
    %c0_i32_0 = arith.constant 0 : i32
    return %arg0, %c0_i32 : i32, i32
  }
  func.func @transform_1(%arg0: i32) -> (i32, i32) {
    %c0_i32 = arith.constant 0 : i32
    %c0_i32_0 = arith.constant 0 : i32
    %c0_i32_1 = arith.constant 0 : i32
    return %c0_i32, %c0_i32_0 : i32, i32
  }
  func.func @transform_2(%arg0: i32) -> (i32, i32) {
    %c0_i32 = arith.constant 0 : i32
    %c0_i32_0 = arith.constant 0 : i32
    %c0_i32_1 = arith.constant 0 : i32
    return %c0_i32, %c0_i32_0 : i32, i32
  }
  func.func @transform_3(%arg0: i32) -> (i32, i32) {
    %c0_i32 = arith.constant 0 : i32
    %c0_i32_0 = arith.constant 0 : i32
    %c0_i32_1 = arith.constant 0 : i32
    return %c0_i32, %c0_i32_0 : i32, i32
  }
  func.func @transform_4(%arg0: i32) -> (i32, i32) {
    %c0_i32 = arith.constant 0 : i32
    %c0_i32_0 = arith.constant 0 : i32
    %c0_i32_1 = arith.constant 0 : i32
    return %c0_i32, %c0_i32_0 : i32, i32
  }
  func.func @transform_5(%arg0: i32) -> (i32, i32) {
    %c0_i32 = arith.constant 0 : i32
    %c0_i32_0 = arith.constant 0 : i32
    return %arg0, %c0_i32 : i32, i32
  }
}

module attributes {stable_mosaic.version = 14 : i64} {
  func.func @_mlp_body_relu(%arg0: i32, %arg1: memref<2000x128xf32, #tpu.memory_space<vmem>>, %arg2: memref<1x2000x128xf32, #tpu.memory_space<vmem>>, %arg3: memref<1x2000x128xf32, #tpu.memory_space<vmem>>, %arg4: memref<128x128xf32, #tpu.memory_space<vmem>>, %arg5: memref<1x128xf32, #tpu.memory_space<vmem>>, %arg6: memref<128x128xf32, #tpu.memory_space<vmem>>, %arg7: memref<1x128xf32, #tpu.memory_space<vmem>>, %arg8: memref<2000x128xf32, #tpu.memory_space<vmem>>) attributes {dimension_semantics = [#tpu.dimension_semantics<arbitrary>], iteration_bounds = array<i64: 5>, scalar_prefetch = 0 : i64, scratch_operands = 0 : i64, tpu.core_type = #tpu.core_type<tc>, window_params = [{transform_indices = @transform_0, window_bounds = array<i64: 2000, 128>}, {transform_indices = @transform_1, window_bounds = array<i64: 1, 2000, 128>}, {transform_indices = @transform_2, window_bounds = array<i64: 1, 2000, 128>}, {pipeline_mode = #tpu.pipeline_mode<synchronous>, transform_indices = @transform_3, window_bounds = array<i64: 128, 128>}, {pipeline_mode = #tpu.pipeline_mode<synchronous>, transform_indices = @transform_4, window_bounds = array<i64: 1, 128>}, {pipeline_mode = #tpu.pipeline_mode<synchronous>, transform_indices = @transform_5, window_bounds = array<i64: 128, 128>}, {pipeline_mode = #tpu.pipeline_mode<synchronous>, transform_indices = @transform_6, window_bounds = array<i64: 1, 128>}, {transform_indices = @transform_7, window_bounds = array<i64: 2000, 128>}]} {
    %get3A = arith.constant 0 : index
    %get3A_0 = arith.constant 0 : index
    %get3A_1 = vector.load %arg1[%get3A, %get3A_0] : memref<2000x128xf32, #tpu.memory_space<vmem>>, vector<2000x128xf32>
    %get3A_2 = arith.constant 0 : index
    %get3A_3 = arith.constant 0 : index
    %get3A_4 = arith.constant 0 : index
    %get3A_5 = vector.load %arg2[%get3A_2, %get3A_3, %get3A_4] : memref<1x2000x128xf32, #tpu.memory_space<vmem>>, vector<1x2000x128xf32>
    %get3A_6 = vector.shape_cast %get3A_5 : vector<1x2000x128xf32> to vector<2000x128xf32>
    %add3A = arith.addf %get3A_1, %get3A_6 : vector<2000x128xf32>
    %get3A_7 = arith.constant 0 : index
    %get3A_8 = arith.constant 0 : index
    %get3A_9 = arith.constant 0 : index
    %get3A_10 = vector.load %arg3[%get3A_7, %get3A_8, %get3A_9] : memref<1x2000x128xf32, #tpu.memory_space<vmem>>, vector<1x2000x128xf32>
    %get3A_11 = vector.shape_cast %get3A_10 : vector<1x2000x128xf32> to vector<2000x128xf32>
    %add3A_12 = arith.addf %add3A, %get3A_11 : vector<2000x128xf32>
    %get3A_13 = arith.constant 0 : index
    %get3A_14 = arith.constant 0 : index
    %get3A_15 = vector.load %arg4[%get3A_13, %get3A_14] : memref<128x128xf32, #tpu.memory_space<vmem>>, vector<128x128xf32>
    %dot_general3A = arith.constant dense<0.000000e+00> : vector<2000x128xf32>
    %dot_general3A_16 = tpu.matmul %add3A_12, %get3A_15, %dot_general3A {dimension_numbers = #tpu.dot_dimension_numbers<[1], [0], [0], [1], [0, 0, 1, 1], [], []>, transpose_lhs_hint = false} : vector<2000x128xf32>, vector<128x128xf32>, vector<2000x128xf32> -> vector<2000x128xf32>
    %get3A_17 = arith.constant 0 : index
    %get3A_18 = arith.constant 0 : index
    %get3A_19 = vector.load %arg5[%get3A_17, %get3A_18] : memref<1x128xf32, #tpu.memory_space<vmem>>, vector<1x128xf32>
    %add3A_20 = vector.broadcast %get3A_19 : vector<1x128xf32> to vector<2000x128xf32>
    %add3A_21 = arith.addf %dot_general3A_16, %add3A_20 : vector<2000x128xf32>
    %max3A = arith.constant 0.000000e+00 : f32
    %max3A_22 = vector.broadcast %max3A : f32 to vector<2000x128xf32>
    %max3A_23 = arith.maximumf %add3A_21, %max3A_22 : vector<2000x128xf32>
    %get3A_24 = arith.constant 0 : index
    %get3A_25 = arith.constant 0 : index
    %get3A_26 = vector.load %arg6[%get3A_24, %get3A_25] : memref<128x128xf32, #tpu.memory_space<vmem>>, vector<128x128xf32>
    %dot_general3A_27 = arith.constant dense<0.000000e+00> : vector<2000x128xf32>
    %dot_general3A_28 = tpu.matmul %max3A_23, %get3A_26, %dot_general3A_27 {dimension_numbers = #tpu.dot_dimension_numbers<[1], [0], [0], [1], [0, 0, 1, 1], [], []>, transpose_lhs_hint = false} : vector<2000x128xf32>, vector<128x128xf32>, vector<2000x128xf32> -> vector<2000x128xf32>
    %get3A_29 = arith.constant 0 : index
    %get3A_30 = arith.constant 0 : index
    %get3A_31 = vector.load %arg7[%get3A_29, %get3A_30] : memref<1x128xf32, #tpu.memory_space<vmem>>, vector<1x128xf32>
    %add3A_32 = vector.broadcast %get3A_31 : vector<1x128xf32> to vector<2000x128xf32>
    %add3A_33 = arith.addf %dot_general3A_28, %add3A_32 : vector<2000x128xf32>
    %max3A_34 = arith.constant 0.000000e+00 : f32
    %max3A_35 = vector.broadcast %max3A_34 : f32 to vector<2000x128xf32>
    %max3A_36 = arith.maximumf %add3A_33, %max3A_35 : vector<2000x128xf32>
    %swap3A = arith.constant 0 : index
    %swap3A_37 = arith.constant 0 : index
    %swap3A_38 = vector.load %arg8[%swap3A, %swap3A_37] : memref<2000x128xf32, #tpu.memory_space<vmem>>, vector<2000x128xf32>
    tpu.vector_store %arg8[%swap3A, %swap3A_37], %max3A_36 {strides = array<i32>} : memref<2000x128xf32, #tpu.memory_space<vmem>>, vector<2000x128xf32>,
    return
  }
  func.func @transform_0(%arg0: i32) -> (i32, i32) {
    %c0_i32 = arith.constant 0 : i32
    %c0_i32_0 = arith.constant 0 : i32
    return %arg0, %c0_i32 : i32, i32
  }
  func.func @transform_1(%arg0: i32) -> (i32, i32, i32) {
    %c0_i32 = arith.constant 0 : i32
    %c0_i32_0 = arith.constant 0 : i32
    %c0_i32_1 = arith.constant 0 : i32
    return %c0_i32, %arg0, %c0_i32_0 : i32, i32, i32
  }
  func.func @transform_2(%arg0: i32) -> (i32, i32, i32) {
    %c1_i32 = arith.constant 1 : i32
    %c0_i32 = arith.constant 0 : i32
    %c0_i32_0 = arith.constant 0 : i32
    return %c1_i32, %arg0, %c0_i32 : i32, i32, i32
  }
  func.func @transform_3(%arg0: i32) -> (i32, i32) {
    %c0_i32 = arith.constant 0 : i32
    %c0_i32_0 = arith.constant 0 : i32
    %c0_i32_1 = arith.constant 0 : i32
    return %c0_i32, %c0_i32_0 : i32, i32
  }
  func.func @transform_4(%arg0: i32) -> (i32, i32) {
    %c0_i32 = arith.constant 0 : i32
    %c0_i32_0 = arith.constant 0 : i32
    %c0_i32_1 = arith.constant 0 : i32
    return %c0_i32, %c0_i32_0 : i32, i32
  }
  func.func @transform_5(%arg0: i32) -> (i32, i32) {
    %c0_i32 = arith.constant 0 : i32
    %c0_i32_0 = arith.constant 0 : i32
    %c0_i32_1 = arith.constant 0 : i32
    return %c0_i32, %c0_i32_0 : i32, i32
  }
  func.func @transform_6(%arg0: i32) -> (i32, i32) {
    %c0_i32 = arith.constant 0 : i32
    %c0_i32_0 = arith.constant 0 : i32
    %c0_i32_1 = arith.constant 0 : i32
    return %c0_i32, %c0_i32_0 : i32, i32
  }
  func.func @transform_7(%arg0: i32) -> (i32, i32) {
    %c0_i32 = arith.constant 0 : i32
    %c0_i32_0 = arith.constant 0 : i32
    return %arg0, %c0_i32 : i32, i32
  }
}

module attributes {stable_mosaic.version = 14 : i64} {
  func.func @_pool_body(%arg0: i32, %arg1: memref<2000x128xf32, #tpu.memory_space<vmem>>, %arg2: memref<8x128xf32, #tpu.memory_space<vmem>>, %arg3: memref<8x128xf32, #tpu.memory_space<vmem>>, %arg4: memref<1x128xf32, #tpu.memory_space<vmem>>, %arg5: memref<1x128xf32, #tpu.memory_space<vmem>>, %arg6: memref<1x1x2000xi32, #tpu.memory_space<vmem>>, %arg7: memref<128x128xf32, #tpu.memory_space<vmem>>, %arg8: memref<1x128xf32, #tpu.memory_space<vmem>>, %arg9: memref<128x1xf32, #tpu.memory_space<vmem>>, %arg10: memref<1x1xf32, #tpu.memory_space<vmem>>, %arg11: memref<64x1xf32, #tpu.memory_space<vmem>>, %arg12: memref<64x128xf32, #tpu.memory_space<vmem>>, %arg13: memref<64x128xf32, #tpu.memory_space<vmem>>) attributes {dimension_semantics = [#tpu.dimension_semantics<arbitrary>], iteration_bounds = array<i64: 5>, scalar_prefetch = 0 : i64, scratch_operands = 2 : i64, tpu.core_type = #tpu.core_type<tc>, window_params = [{transform_indices = @transform_0, window_bounds = array<i64: 2000, 128>}, {pipeline_mode = #tpu.pipeline_mode<synchronous>, transform_indices = @transform_1, window_bounds = array<i64: 8, 128>}, {pipeline_mode = #tpu.pipeline_mode<synchronous>, transform_indices = @transform_2, window_bounds = array<i64: 8, 128>}, {pipeline_mode = #tpu.pipeline_mode<synchronous>, transform_indices = @transform_3, window_bounds = array<i64: 1, 128>}, {pipeline_mode = #tpu.pipeline_mode<synchronous>, transform_indices = @transform_4, window_bounds = array<i64: 1, 128>}, {transform_indices = @transform_5, window_bounds = array<i64: 1, 1, 2000>}, {pipeline_mode = #tpu.pipeline_mode<synchronous>, transform_indices = @transform_6, window_bounds = array<i64: 128, 128>}, {pipeline_mode = #tpu.pipeline_mode<synchronous>, transform_indices = @transform_7, window_bounds = array<i64: 1, 128>}, {pipeline_mode = #tpu.pipeline_mode<synchronous>, transform_indices = @transform_8, window_bounds = array<i64: 128, 1>}, {pipeline_mode = #tpu.pipeline_mode<synchronous>, transform_indices = @transform_9, window_bounds = array<i64: 1, 1>}, {pipeline_mode = #tpu.pipeline_mode<synchronous>, transform_indices = @transform_10, window_bounds = array<i64: 64, 1>}]} {
    %eq3A = arith.constant 0 : i32
    %eq3A_0 = arith.cmpi eq, %arg0, %eq3A : i32
    %convert_element_type3A = arith.extui %eq3A_0 : i1 to i32
    %cond3A = arith.constant 0 : i32
    %cond3A_1 = arith.cmpi ne, %convert_element_type3A, %cond3A : i32
    scf.if %cond3A_1 {
      %broadcast_in_dim3A_62 = arith.constant 0.000000e+00 : f32
      %broadcast_in_dim3A_63 = vector.broadcast %broadcast_in_dim3A_62 : f32 to vector<64x128xf32>
      %swap3A_64 = arith.constant 0 : index
      %swap3A_65 = arith.constant 0 : index
      %swap3A_66 = vector.load %arg12[%swap3A_64, %swap3A_65] : memref<64x128xf32, #tpu.memory_space<vmem>>, vector<64x128xf32>
      tpu.vector_store %arg12[%swap3A_64, %swap3A_65], %broadcast_in_dim3A_63 {strides = array<i32>} : memref<64x128xf32, #tpu.memory_space<vmem>>, vector<64x128xf32>,
      %broadcast_in_dim3A_67 = arith.constant 0.000000e+00 : f32
      %broadcast_in_dim3A_68 = vector.broadcast %broadcast_in_dim3A_67 : f32 to vector<64x128xf32>
      %swap3A_69 = arith.constant 0 : index
      %swap3A_70 = arith.constant 0 : index
      %swap3A_71 = vector.load %arg13[%swap3A_69, %swap3A_70] : memref<64x128xf32, #tpu.memory_space<vmem>>, vector<64x128xf32>
      tpu.vector_store %arg13[%swap3A_69, %swap3A_70], %broadcast_in_dim3A_68 {strides = array<i32>} : memref<64x128xf32, #tpu.memory_space<vmem>>, vector<64x128xf32>,
    } else {
    }
    %get3A = arith.constant 0 : index
    %get3A_2 = arith.constant 0 : index
    %get3A_3 = vector.load %arg2[%get3A, %get3A_2] : memref<8x128xf32, #tpu.memory_space<vmem>>, vector<1x128xf32>
    %mul3A = arith.constant 9.99999974E-5 : f32
    %mul3A_4 = vector.broadcast %mul3A : f32 to vector<1x128xf32>
    %mul3A_5 = arith.mulf %get3A_3, %mul3A_4 : vector<1x128xf32>
    %get3A_6 = arith.constant 0 : index
    %get3A_7 = arith.constant 0 : index
    %get3A_8 = vector.load %arg3[%get3A_6, %get3A_7] : memref<8x128xf32, #tpu.memory_space<vmem>>, vector<1x128xf32>
    %mul3A_9 = arith.constant 9.99999974E-5 : f32
    %mul3A_10 = vector.broadcast %mul3A_9 : f32 to vector<1x128xf32>
    %mul3A_11 = arith.mulf %get3A_8, %mul3A_10 : vector<1x128xf32>
    %add3A = arith.constant 9.99999974E-6 : f32
    %add3A_12 = vector.broadcast %add3A : f32 to vector<1x128xf32>
    %add3A_13 = arith.addf %mul3A_11, %add3A_12 : vector<1x128xf32>
    %sqrt3A = math.sqrt %add3A_13 : vector<1x128xf32>
    %get3A_14 = arith.constant 0 : index
    %get3A_15 = arith.constant 0 : index
    %get3A_16 = vector.load %arg4[%get3A_14, %get3A_15] : memref<1x128xf32, #tpu.memory_space<vmem>>, vector<1x128xf32>
    %get3A_17 = arith.constant 0 : index
    %get3A_18 = arith.constant 0 : index
    %get3A_19 = vector.load %arg1[%get3A_17, %get3A_18] : memref<2000x128xf32, #tpu.memory_space<vmem>>, vector<2000x128xf32>
    %sub3A = vector.broadcast %mul3A_5 : vector<1x128xf32> to vector<2000x128xf32>
    %sub3A_20 = arith.subf %get3A_19, %sub3A : vector<2000x128xf32>
    %mul3A_21 = vector.broadcast %get3A_16 : vector<1x128xf32> to vector<2000x128xf32>
    %mul3A_22 = arith.mulf %mul3A_21, %sub3A_20 : vector<2000x128xf32>
    %div3A = vector.broadcast %sqrt3A : vector<1x128xf32> to vector<2000x128xf32>
    %div3A_23 = arith.divf %mul3A_22, %div3A : vector<2000x128xf32>
    %get3A_24 = arith.constant 0 : index
    %get3A_25 = arith.constant 0 : index
    %get3A_26 = vector.load %arg5[%get3A_24, %get3A_25] : memref<1x128xf32, #tpu.memory_space<vmem>>, vector<1x128xf32>
    %add3A_27 = vector.broadcast %get3A_26 : vector<1x128xf32> to vector<2000x128xf32>
    %add3A_28 = arith.addf %div3A_23, %add3A_27 : vector<2000x128xf32>
    %max3A = arith.constant 0.000000e+00 : f32
    %max3A_29 = vector.broadcast %max3A : f32 to vector<2000x128xf32>
    %max3A_30 = arith.maximumf %add3A_28, %max3A_29 : vector<2000x128xf32>
    %get3A_31 = arith.constant 0 : index
    %get3A_32 = arith.constant 0 : index
    %get3A_33 = arith.constant 0 : index
    %get3A_34 = vector.load %arg6[%get3A_31, %get3A_32, %get3A_33] : memref<1x1x2000xi32, #tpu.memory_space<vmem>>, vector<1x1x2000xi32>
    %get3A_35 = vector.shape_cast %get3A_34 : vector<1x1x2000xi32> to vector<1x2000xi32>
    %iota3A = tpu.iota {dimensions = array<i32: 0>} : vector<64x2000xi32>
    %eq3A_36 = vector.broadcast %get3A_35 : vector<1x2000xi32> to vector<64x2000xi32>
    %eq3A_37 = arith.cmpi eq, %eq3A_36, %iota3A : vector<64x2000xi32>
    %convert_element_type3A_38 = arith.extui %eq3A_37 : vector<64x2000xi1> to vector<64x2000xi32>
    %convert_element_type3A_39 = arith.sitofp %convert_element_type3A_38 : vector<64x2000xi32> to vector<64x2000xf32>
    %get3A_40 = arith.constant 0 : index
    %get3A_41 = arith.constant 0 : index
    %get3A_42 = vector.load %arg12[%get3A_40, %get3A_41] : memref<64x128xf32, #tpu.memory_space<vmem>>, vector<64x128xf32>
    %dot_general3A = arith.constant dense<0.000000e+00> : vector<64x128xf32>
    %dot_general3A_43 = tpu.matmul %convert_element_type3A_39, %max3A_30, %dot_general3A {dimension_numbers = #tpu.dot_dimension_numbers<[1], [0], [0], [1], [0, 0, 1, 1], [], []>, precision = #tpu.contract_precision<fp32>, transpose_lhs_hint = false} : vector<64x2000xf32>, vector<2000x128xf32>, vector<64x128xf32> -> vector<64x128xf32>
    %add3A_44 = arith.addf %get3A_42, %dot_general3A_43 : vector<64x128xf32>
    %swap3A = arith.constant 0 : index
    %swap3A_45 = arith.constant 0 : index
    %swap3A_46 = vector.load %arg12[%swap3A, %swap3A_45] : memref<64x128xf32, #tpu.memory_space<vmem>>, vector<64x128xf32>
    tpu.vector_store %arg12[%swap3A, %swap3A_45], %add3A_44 {strides = array<i32>} : memref<64x128xf32, #tpu.memory_space<vmem>>, vector<64x128xf32>,
    %get3A_47 = arith.constant 0 : index
    %get3A_48 = arith.constant 0 : index
    %get3A_49 = vector.load %arg13[%get3A_47, %get3A_48] : memref<64x128xf32, #tpu.memory_space<vmem>>, vector<64x128xf32>
    %broadcast_in_dim3A = arith.constant 1.000000e+00 : f32
    %broadcast_in_dim3A_50 = vector.broadcast %broadcast_in_dim3A : f32 to vector<2000x128xf32>
    %dot_general3A_51 = arith.constant dense<0.000000e+00> : vector<64x128xf32>
    %dot_general3A_52 = tpu.matmul %convert_element_type3A_39, %broadcast_in_dim3A_50, %dot_general3A_51 {dimension_numbers = #tpu.dot_dimension_numbers<[1], [0], [0], [1], [0, 0, 1, 1], [], []>, transpose_lhs_hint = false} : vector<64x2000xf32>, vector<2000x128xf32>, vector<64x128xf32> -> vector<64x128xf32>
    %add3A_53 = arith.addf %get3A_49, %dot_general3A_52 : vector<64x128xf32>
    %swap3A_54 = arith.constant 0 : index
    %swap3A_55 = arith.constant 0 : index
    %swap3A_56 = vector.load %arg13[%swap3A_54, %swap3A_55] : memref<64x128xf32, #tpu.memory_space<vmem>>, vector<64x128xf32>
    tpu.vector_store %arg13[%swap3A_54, %swap3A_55], %add3A_53 {strides = array<i32>} : memref<64x128xf32, #tpu.memory_space<vmem>>, vector<64x128xf32>,
    %eq3A_57 = arith.constant 4 : i32
    %eq3A_58 = arith.cmpi eq, %arg0, %eq3A_57 : i32
    %convert_element_type3A_59 = arith.extui %eq3A_58 : i1 to i32
    %cond3A_60 = arith.constant 0 : i32
    %cond3A_61 = arith.cmpi ne, %convert_element_type3A_59, %cond3A_60 : i32
    scf.if %cond3A_61 {
      %get3A_62 = arith.constant 0 : index
      %get3A_63 = arith.constant 0 : index
      %get3A_64 = vector.load %arg12[%get3A_62, %get3A_63] : memref<64x128xf32, #tpu.memory_space<vmem>>, vector<64x128xf32>
      %get3A_65 = arith.constant 0 : index
      %get3A_66 = arith.constant 0 : index
      %get3A_67 = vector.load %arg13[%get3A_65, %get3A_66] : memref<64x128xf32, #tpu.memory_space<vmem>>, vector<64x128xf32>
      %max3A_68 = arith.constant 1.000000e+00 : f32
      %max3A_69 = vector.broadcast %max3A_68 : f32 to vector<64x128xf32>
      %max3A_70 = arith.maximumf %get3A_67, %max3A_69 : vector<64x128xf32>
      %div3A_71 = arith.divf %get3A_64, %max3A_70 : vector<64x128xf32>
      %get3A_72 = arith.constant 0 : index
      %get3A_73 = arith.constant 0 : index
      %get3A_74 = vector.load %arg7[%get3A_72, %get3A_73] : memref<128x128xf32, #tpu.memory_space<vmem>>, vector<128x128xf32>
      %dot_general3A_75 = arith.constant dense<0.000000e+00> : vector<64x128xf32>
      %dot_general3A_76 = tpu.matmul %div3A_71, %get3A_74, %dot_general3A_75 {dimension_numbers = #tpu.dot_dimension_numbers<[1], [0], [0], [1], [0, 0, 1, 1], [], []>, transpose_lhs_hint = false} : vector<64x128xf32>, vector<128x128xf32>, vector<64x128xf32> -> vector<64x128xf32>
      %get3A_77 = arith.constant 0 : index
      %get3A_78 = arith.constant 0 : index
      %get3A_79 = vector.load %arg8[%get3A_77, %get3A_78] : memref<1x128xf32, #tpu.memory_space<vmem>>, vector<1x128xf32>
      %add3A_80 = vector.broadcast %get3A_79 : vector<1x128xf32> to vector<64x128xf32>
      %add3A_81 = arith.addf %dot_general3A_76, %add3A_80 : vector<64x128xf32>
      %max3A_82 = arith.constant 0.000000e+00 : f32
      %max3A_83 = vector.broadcast %max3A_82 : f32 to vector<64x128xf32>
      %max3A_84 = arith.maximumf %add3A_81, %max3A_83 : vector<64x128xf32>
      %get3A_85 = arith.constant 0 : index
      %get3A_86 = arith.constant 0 : index
      %get3A_87 = vector.load %arg9[%get3A_85, %get3A_86] : memref<128x1xf32, #tpu.memory_space<vmem>>, vector<128x1xf32>
      %dot_general3A_88 = arith.constant dense<0.000000e+00> : vector<64x1xf32>
      %dot_general3A_89 = tpu.matmul %max3A_84, %get3A_87, %dot_general3A_88 {dimension_numbers = #tpu.dot_dimension_numbers<[1], [0], [0], [1], [0, 0, 1, 1], [], []>, transpose_lhs_hint = false} : vector<64x128xf32>, vector<128x1xf32>, vector<64x1xf32> -> vector<64x1xf32>
      %get3A_90 = arith.constant 0 : index
      %get3A_91 = arith.constant 0 : index
      %get3A_92 = vector.load %arg10[%get3A_90, %get3A_91] : memref<1x1xf32, #tpu.memory_space<vmem>>, vector<1x1xf32>
      %add3A_93 = vector.broadcast %get3A_92 : vector<1x1xf32> to vector<64x1xf32>
      %add3A_94 = arith.addf %dot_general3A_89, %add3A_93 : vector<64x1xf32>
      %swap3A_95 = arith.constant 0 : index
      %swap3A_96 = arith.constant 0 : index
      %swap3A_97 = vector.load %arg11[%swap3A_95, %swap3A_96] : memref<64x1xf32, #tpu.memory_space<vmem>>, vector<64x1xf32>
      tpu.vector_store %arg11[%swap3A_95, %swap3A_96], %add3A_94 {strides = array<i32>} : memref<64x1xf32, #tpu.memory_space<vmem>>, vector<64x1xf32>,
    } else {
    }
    return
  }
  func.func @transform_0(%arg0: i32) -> (i32, i32) {
    %c0_i32 = arith.constant 0 : i32
    %c0_i32_0 = arith.constant 0 : i32
    return %arg0, %c0_i32 : i32, i32
  }
  func.func @transform_1(%arg0: i32) -> (i32, i32) {
    %c0_i32 = arith.constant 0 : i32
    %c0_i32_0 = arith.constant 0 : i32
    %c0_i32_1 = arith.constant 0 : i32
    return %c0_i32, %c0_i32_0 : i32, i32
  }
  func.func @transform_2(%arg0: i32) -> (i32, i32) {
    %c0_i32 = arith.constant 0 : i32
    %c0_i32_0 = arith.constant 0 : i32
    %c0_i32_1 = arith.constant 0 : i32
    return %c0_i32, %c0_i32_0 : i32, i32
  }
  func.func @transform_3(%arg0: i32) -> (i32, i32) {
    %c0_i32 = arith.constant 0 : i32
    %c0_i32_0 = arith.constant 0 : i32
    %c0_i32_1 = arith.constant 0 : i32
    return %c0_i32, %c0_i32_0 : i32, i32
  }
  func.func @transform_4(%arg0: i32) -> (i32, i32) {
    %c0_i32 = arith.constant 0 : i32
    %c0_i32_0 = arith.constant 0 : i32
    %c0_i32_1 = arith.constant 0 : i32
    return %c0_i32, %c0_i32_0 : i32, i32
  }
  func.func @transform_5(%arg0: i32) -> (i32, i32, i32) {
    %c0_i32 = arith.constant 0 : i32
    %c0_i32_0 = arith.constant 0 : i32
    %c0_i32_1 = arith.constant 0 : i32
    return %arg0, %c0_i32, %c0_i32_0 : i32, i32, i32
  }
  func.func @transform_6(%arg0: i32) -> (i32, i32) {
    %c0_i32 = arith.constant 0 : i32
    %c0_i32_0 = arith.constant 0 : i32
    %c0_i32_1 = arith.constant 0 : i32
    return %c0_i32, %c0_i32_0 : i32, i32
  }
  func.func @transform_7(%arg0: i32) -> (i32, i32) {
    %c0_i32 = arith.constant 0 : i32
    %c0_i32_0 = arith.constant 0 : i32
    %c0_i32_1 = arith.constant 0 : i32
    return %c0_i32, %c0_i32_0 : i32, i32
  }
  func.func @transform_8(%arg0: i32) -> (i32, i32) {
    %c0_i32 = arith.constant 0 : i32
    %c0_i32_0 = arith.constant 0 : i32
    %c0_i32_1 = arith.constant 0 : i32
    return %c0_i32, %c0_i32_0 : i32, i32
  }
  func.func @transform_9(%arg0: i32) -> (i32, i32) {
    %c0_i32 = arith.constant 0 : i32
    %c0_i32_0 = arith.constant 0 : i32
    %c0_i32_1 = arith.constant 0 : i32
    return %c0_i32, %c0_i32_0 : i32, i32
  }
  func.func @transform_10(%arg0: i32) -> (i32, i32) {
    %c0_i32 = arith.constant 0 : i32
    %c0_i32_0 = arith.constant 0 : i32
    %c0_i32_1 = arith.constant 0 : i32
    return %c0_i32, %c0_i32_0 : i32, i32
  }
}

</mosaic_0001>

<sc_bundles>
// kernel: kernel.18.cloned.1.call-start
scs
__scs_entry_jumppad:
0x0: {  	(pc) =	sbr.rel $0x88, $3  }
0x1: {  	(tag) =	ssettag $0x0;
	lr =	simm.s32 $0x1  }
0x2: {  	[smem:$0x3F80] =	sst lr;
	_ =	strace $0xD0000000  }
0x3: {  	_ = 	snop  }
0x4: {  	_ = 	snop  }
0x5: {  	_ = 	snop  }
0x6: {  	_ = 	snop  }
0x7: {  	_ = 	snop  }
__scs_overlays_trampoline_lowered:
0x8: {  	[smem:$0x3F8F] =	sst s0  }
0x9: {  	[smem:$0x3F90] =	sst s1  }
0xa: {  	[smem:$0x3F91] =	sst s2  }
0xb: {  	[smem:$0x3F92] =	sst s3  }
0xc: {  	[smem:$0x3F93] =	sst s4  }
0xd: {  	[smem:$0x3F94] =	sst s5  }
0xe: {  	[smem:$0x3F95] =	sst s6  }
0xf: {  	[smem:$0x3F96] =	sst s7  }
0x10: {  	[smem:$0x3F97] =	sst s8  }
0x11: {  	[smem:$0x3F98] =	sst s9;
	s0 =	simm.s32 @!p0 $0x0  }
0x12: {  	s1 =	sld [smem:$0x3F7E];
	s0 =	simm.s32 @p0 $0x1  }
0x13: {  	[smem:$0x3F99] =	sst s0;
	s0 =	simm.s32 @!p1 $0x0  }
0x14: {  	s2 =	sld [smem:$0x3F7D];
	s0 =	simm.s32 @p1 $0x1  }
0x15: {  	[smem:$0x3F9A] =	sst s0;
	s0 =	simm.s32 @!p2 $0x0  }
0x16: {  	s3 =	sld [smem:$0x3FDB];
	s0 =	simm.s32 @p2 $0x1  }
0x17: {  	s4 =	simm.s32 $0x1BF5;
	[smem:$0x3F9C] =	sst s0  }
0x18: {  	s0 =	sld [smem:$0x3F7F];
	_ =	swait.ge [sflag:s4], $0x0  }
0x19: {  	s7 =	sld [smem:$0x3F80]  }
0x1a: {  	s8 =	sadd.s32 $0xFFFFE003, lr  }
0x1b: {  	s9 =	sadd.s32 $0xFFFFFEF7, lr;
	s5 =	simm.s32 $0xFFFFFFFF;
	p2 =	slt.u32 s8, $0xFFFFF086  }
0x1c: {  	p1 =	slt.u32 s9, $0xF7A;
	s5 =	simm.s32 @!p2 $0x0  }
0x1d: {  	s5 =	simm.s32 @p1 $0x1;
	p0 =	seq.s32 s7, s2  }
0x1e: {  	s7 =	smul.u32 @!p0 $0xF7A, s2;
	p2 =	seq.s32 @!p0 s5, $0x0  }
0x1f: {  	s9 =	smul.u32 $0xF7A, s1;
	s8 =	simm.s32 @!p0 $0x1BF5;
	p2 =	por !p2, p0  }
0x20: {  	[sflag:s8] =	ssyncset.s32 @!p0 $0xFFFFF086;
	s6 =	sadd.s32 @!p0 s3, s7;
	s7 =	simm.s32 @!p0 $0x108  }
0x21: {  	s3 =	sadd.s32 s3, s9;
	s6 =	sadd.s32 @!p0 $0x88, s6;
	s7 =	simm.s32 @p2 $0x1082  }
0x22: {  	[simem:s7], [sflag:s8] =	dma.local @!p0 [hbm:s6], $0xF7A  }
0x23: {  	s9 =	sor.u32 $0xD0000000, s2;
	s6 =	simm.s32 $0x108;
	_ =	swait.ge @!p0 [sflag:s8], $0x0  }
0x24: {  	s3 =	sadd.s32 $0x88, s3;
	s6 =	simm.s32 @!p1 $0x1082;
	[sflag:s4] =	ssyncset.s32 $0xFFFFF086  }
0x25: {  	[simem:s6], [sflag:s4] =	dma.local [hbm:s3], $0xF7A  }
0x26: {  	[smem:$0x3F80] =	sst s1;
	(tag) =	ssettag s2;
	_ =	strace s9  }
0x27: {  	s1 =	sld [smem:$0x3F90]  }
0x28: {  	s2 =	sld [smem:$0x3F91]  }
0x29: {  	s4 =	sld [smem:$0x3F93]  }
0x2a: {  	p0 =	seq.s32 s5, $0x0;
	s5 =	sld [smem:$0x3F94]  }
0x2b: {  	s6 =	sld [smem:$0x3F95]  }
0x2c: {  	s7 =	sld [smem:$0x3F96]  }
0x2d: {  	s3 =	simm.s32 $0x108;
	s8 =	sld [smem:$0x3F97]  }
0x2e: {  	s3 =	simm.s32 @!p0 $0x1082;
	s9 =	sld [smem:$0x3F98]  }
0x2f: {  	lr =	sadd.s32 s0, s3;
	s0 =	sld [smem:$0x3F8F]  }
0x30: {  	s3 =	sld [smem:$0x3F92]  }
0x31: {  	[smem:$0x3F9B] =	sst s10  }
0x32: {  	s10 =	sld [smem:$0x3F99];
	_ =	sdelay $0x3  }
0x33: {  	p0 =	seq.s32 s10, $0x1;
	s10 =	sld [smem:$0x3F9B];
	_ =	sdelay $0x3  }
0x34: {  	[smem:$0x3F9B] =	sst s10  }
0x35: {  	s10 =	sld [smem:$0x3F9A];
	_ =	sdelay $0x3  }
0x36: {  	p1 =	seq.s32 s10, $0x1;
	s10 =	sld [smem:$0x3F9B];
	_ =	sdelay $0x3  }
0x37: {  	[smem:$0x3F9B] =	sst s10  }
0x38: {  	s10 =	sld [smem:$0x3F9C]  }
0x39: {  	_ = 	snop;
	(pc) =	sbr.ind lr, $3  }
0x3a: {  	_ = 	snop  }
0x3b: {  	_ = 	snop  }
0x3c: {  	p2 =	seq.s32 s10, $0x1;
	s10 =	sld [smem:$0x3F9B]  }
0x3d: {  	_ =	shalt  }
0x3e: {  	_ =	shalt  }
0x3f: {  	_ =	shalt  }
0x40: {  	_ =	shalt  }
0x41: {  	_ =	shalt  }
0x42: {  	_ =	shalt  }
0x43: {  	_ =	shalt  }
0x44: {  	_ =	shalt  }
0x45: {  	_ =	shalt  }
0x46: {  	_ =	shalt  }
0x47: {  	_ =	shalt  }
0x48: {  	_ =	shalt  }
0x49: {  	_ =	shalt  }
0x4a: {  	_ =	shalt  }
0x4b: {  	_ =	shalt  }
0x4c: {  	_ =	shalt  }
0x4d: {  	_ =	shalt  }
0x4e: {  	_ =	shalt  }
0x4f: {  	_ =	shalt  }
0x50: {  	_ =	shalt  }
0x51: {  	_ =	shalt  }
0x52: {  	_ =	shalt  }
0x53: {  	_ =	shalt  }
0x54: {  	_ =	shalt  }
0x55: {  	_ =	shalt  }
0x56: {  	_ =	shalt  }
0x57: {  	_ =	shalt  }
0x58: {  	_ =	shalt  }
0x59: {  	_ =	shalt  }
0x5a: {  	_ =	shalt  }
0x5b: {  	_ =	shalt  }
0x5c: {  	_ =	shalt  }
0x5d: {  	_ =	shalt  }
0x5e: {  	_ =	shalt  }
0x5f: {  	_ =	shalt  }
0x60: {  	_ =	shalt  }
0x61: {  	_ =	shalt  }
0x62: {  	_ =	shalt  }
0x63: {  	_ =	shalt  }
0x64: {  	_ =	shalt  }
0x65: {  	_ =	shalt  }
0x66: {  	_ =	shalt  }
0x67: {  	_ =	shalt  }
0x68: {  	_ =	shalt  }
0x69: {  	_ =	shalt  }
0x6a: {  	_ =	shalt  }
0x6b: {  	_ =	shalt  }
0x6c: {  	_ =	shalt  }
0x6d: {  	_ =	shalt  }
0x6e: {  	_ =	shalt  }
0x6f: {  	_ =	shalt  }
0x70: {  	_ =	shalt  }
0x71: {  	_ =	shalt  }
0x72: {  	_ =	shalt  }
0x73: {  	_ =	shalt  }
0x74: {  	_ =	shalt  }
0x75: {  	_ =	shalt  }
0x76: {  	_ =	shalt  }
0x77: {  	_ =	shalt  }
0x78: {  	_ =	shalt  }
0x79: {  	_ =	shalt  }
0x7a: {  	_ =	shalt  }
0x7b: {  	_ =	shalt  }
0x7c: {  	_ =	shalt  }
0x7d: {  	_ =	shalt  }
0x7e: {  	_ =	shalt  }
0x7f: {  	_ =	shalt  }
0x80: {  	_ =	shalt  }
0x81: {  	_ =	shalt  }
0x82: {  	_ =	shalt  }
0x83: {  	_ =	shalt  }
0x84: {  	_ =	shalt  }
0x85: {  	_ =	shalt  }
0x86: {  	_ =	shalt  }
0x87: {  	_ =	shalt  }
.Lfunc_end0:
.L_simem_size_0:
called_computation_lowered:
.L_overlay_start_0:
0x88: {  	s2 =	sld [smem:$0x3FD9]  }
0x89: {  	s3 =	sld [smem:$0x3FFE];
	_ =	sdelay $0x1  }
0x8a: {  	s1 =	srdreg.scid  }
0x8b: {  	s0 =	sand.u32 $0x1, s1  }
0x8c: {  	s17 =	sshll.u32 s0, $0xA;
	s2 =	sadd.s32 s3, s2  }
0x8d: {  	s2 =	sadd.s32 s2, s17  }
0x8e: {  	[smem:$0x3FA7] =	sst s2  }
0x8f: {  	_ = 	snop  }
0x90: {  	s2 =	sld [smem:$0x3FC9];
	(tm) =	ssettm $0x1  }
0x91: {  	s18 =	sld [smem:$0x3FFB];
	_ =	sdelay $0x3  }
0x92: {  	_ =	strace s18  }
0x93: {  	s3 =	sld [smem:$0x3FFC];
	_ =	sdelay $0x3  }
0x94: {  	_ =	strace s3  }
0x95: {  	s3 =	sld [smem:$0x3FFD];
	_ =	sdelay $0x3  }
0x96: {  	_ =	strace s3  }
0x97: {  	_ =	strace $0x8FFFFFFF  }
0x98: {  	s19 =	sld [smem:$0x3FDB];
	_ =	sdelay $0x1  }
0x99: {  	s4 =	simm.s32 $_scs_section_size  }
0x9a: {  	s5 =	simm.s32 $_size__tile_overlayer_lowered;
	s6 =	simm.s32 $_tile_overlayer_lowered  }
0x9b: {  	s22 =	simm.s32 $0x1BFF;
	s21 =	sshll.u32 s6, $0x1;
	s3 =	sadd.s32 s4, s19  }
0x9c: {  	s7 =	simm.s32 $0x0;
	s20 =	sshll.u32 s5, $0x1;
	s5 =	sadd.s32 s21, s3  }
0x9d: {  	[timem:s7], [sflag:s22] =	dma.local [hbm:s5], s20  }
0x9e: {  	_ =	swait.ge [sflag:s22], s20  }
0x9f: {  	s4 =	ssub.s32 $0x0, s20;
	[sflag:s22] =	ssyncset.done $0x0  }
0xa0: {  	[sflag:s22] =	ssyncadd.s32 s4;
	_ =	sdelay $0x1  }
0xa1: {  	s23 =	simm.s32 $0x1B8B  }
0xa2: {  	_ =	swait.ge [sflag:s23], $0x1  }
0xa3: {  	[sflag:s23] =	ssyncset.done $0x0  }
0xa4: {  	s25 =	simm.s32 $0x1B8E;
	s24 =	sld [smem:$0x3FFE];
	[sflag:s23] =	ssyncadd.s32 $0xFFFFFFFF  }
0xa5: {  	s26 =	simm.s32 $execute0_lowered;
	[smem:$0x3FD2] =	sst s25  }
0xa6: {  	s5 =	sshll.u32 s26, $0x1;
	_ =	strace $0x80000046;
	[dreg:$0x1] =	wrdreg $0xFFFFFFFF  }
0xa7: {  	s28 =	simm.s32 $_size_execute0_lowered;
	s3 =	sadd.s32 s3, s5;
	[dreg:$0x0] =	wrdreg $0x0  }
0xa8: {  	s5 =	sshll.u32 s28, $0x1;
	[dreg:$0x2] =	wrdreg s3  }
0xa9: {  	[dreg:$0x3] =	wrdreg s5  }
0xaa: {  	[dreg:$0x4] =	wrdreg $0xC0  }
0xab: {  	_ =	task [dreg:s7], $0x5FFFF  }
0xac: {  	[dreg:$0x1] =	wrdreg $0xFFFFFFFF  }
0xad: {  	[dreg:$0x0] =	wrdreg $0x60  }
0xae: {  	[dreg:$0x2] =	wrdreg s2  }
0xaf: {  	[dreg:$0x3] =	wrdreg s24  }
0xb0: {  	[dreg:$0x4] =	wrdreg $0x0  }
0xb1: {  	[dreg:$0x5] =	wrdreg $0x9  }
0xb2: {  	_ =	task.clear_ibuf [dreg:s7], $0x6FFFF;
	_ =	strace $0x90000046  }
0xb3: {  	s29 =	simm.s32 $0x9;
	_ =	strace $0x80000048  }
0xb4: {  	_ =	swait.ge [sflag:s29], $0x1  }
0xb5: {  	[sflag:s29] =	ssyncadd.s32 $0xFFFFFFFF  }
0xb6: {  	_ =	strace $0x90000048  }
0xb7: {  	_ =	sfence  }
0xb8: {  	s30 =	sld [smem:$0x0];
	_ =	sdelay $0x2  }
0xb9: {  	s31 =	sshll.u32 s1, $0xD;
	s1 =	sshrl.u32 s1, $0x2  }
0xba: {  	s3 =	sand.u32 $0x4000, s31;
	s1 =	sadd.s32 s1, s30  }
0xbb: {  	s0 =	sor.u32 s3, s0;
	s1 =	sshll.u32 s1, $0x11  }
0xbc: {  	s0 =	sor.u32 s1, s0  }
0xbd: {  	s0 =	sadd.s32 $0x8F2B, s0  }
0xbe: {  	[sflag:s0] =	ssyncadd.remote.s32 $0x1  }
0xbf: {  	_ =	sfence.sel $0xFFFF  }
0xc0: {  	[dreg:$0x0] =	wrdreg $0xFFFFFFFF;
	(pc) =	sbr.abs _section_cstart, $3  }
0xc1: {  	[dreg:$0x1] =	wrdreg $0xFFFFFFFF  }
0xc2: {  	_ =	task.clear_ibuf [dreg:s7], $0x2FFFF;
	_ =	strace $0x9FFFFFFF  }
0xc3: {  	(tm) =	ssettm $0x7FFFFFFF  }
tec
execute0_lowered:
.L_overlay_start_1:
0x0: {  	(tag) =	ssettag $0x1  }
0x1: {  	s1 =	rddreg [dreg:$0x0]  }
0x2: {  	s0 =	rddreg [dreg:$0x1];
	s13 =	stileid.u32  }
0x3: {  	s3 =	rddreg [dreg:$0x2];
	s6 =	smul.u32 $0x14000, s13  }
0x4: {  	s2 =	srdreg.scid;
	s11 =	smul.u32 $0x50000, s13  }
0x5: {  	s4 =	simm.s32 $0x0;
	s28 =	simm.s32 $0x18000;
	s16 =	smul.u32 $0xA0, s13  }
0x6: {  	s29 =	simm.s32 $0x1C200;
	s2 =	sand.u32 $0x1, s2;
	s23 =	smul.u32 $0x1400, s13  }
0x7: {  	s30 =	simm.s32 $0x2;
	s31 =	simm.s32 $0x3;
	s5 =	smul.u32 $0x140000, s2  }
0x8: {  	s7 =	sshll.u32 s13, $0x1;
	[smem:$0x7FF] =	sst s4;
	s17 =	smul.u32 $0x50, s2  }
0x9: {  	s7 =	sor.u32 s2, s7;
	s9 =	ssub.s32 $0x2, s2;
	s2 =	smul.u32 $0xA00, s2  }
0xa: {  	s8 =	sadd.s32 $0x6C00, s0;
	_ =	strace $0x80000047;
	s24 =	smul.u32 $0xA00, s7  }
0xb: {  	s10 =	sshrl.u32 s9, $0x1;
	s15 =	sshrl.u32 s11, $0x2;
	s11 =	simm.s32 $0x1C380  }
0xc: {  	s5 =	sadd.s32 s6, s5;
	s9 =	ssub.s32 s9, s10;
	s7 =	sadd.s32 s15, s3  }
0xd: {  	s25 =	sshrl.u32 s5, $0x3;
	s26 =	sadd.s32 s8, s24;
	s19 =	smax.u32 s9, $0x1  }
0xe: {  	s20 =	sadd.s32 $0x4000, s7;
	s21 =	sadd.s32 $0x8000, s7;
	[dreg:$0x5] =	wrdreg s26  }
0xf: {  	s22 =	sadd.s32 $0xC000, s7;
	s9 =	simm.s32 $0x1C280;
	[dreg:$0xa] =	wrdreg s19  }
0x10: {  	s12 =	sadd.s32 s25, s0;
	s14 =	sadd.s32 $0x20, s26;
	[dreg:$0xb] =	wrdreg s20  }
0x11: {  	s0 =	sadd.s32 $0x6C40, s0;
	s5 =	sadd.s32 $0x60, s26;
	[dreg:$0xc] =	wrdreg s21  }
0x12: {  	[dreg:$0xd] =	wrdreg s22;
	s26 =	sadd.s32 s23, s8;
	s19 =	simm.s32 $0x1C100  }
0x13: {  	s20 =	simm.s32 $0x14000;
	s21 =	simm.s32 $0x9;
	[dreg:$0x6] =	wrdreg s14  }
0x14: {  	s22 =	simm.s32 $0x5;
	s6 =	sadd.s32 s24, s0;
	[dreg:$0x8] =	wrdreg s5  }
0x15: {  	s23 =	simm.s32 $0x80;
	s18 =	sadd.s32 $0x1AC00, s12;
	[dreg:$0x7] =	wrdreg s6  }
0x16: {  	s24 =	sadd.s32 $0x10000, s7;
	s12 =	simm.s32 $0x0;
	[dreg:$0x9] =	wrdreg s18  }
0x17: {  	s6 =	sadd.s32 s17, s16;
	[dreg:$0xe] =	wrdreg s24;
	s17 =	sadd.s32 s2, s26  }
0x18: {  	s18 =	simm.s32 $0x1C000;
	s24 =	simm.s32 $0x1;
	s6 =	sshll.u32 s6, $0x5  }
0x19: {  	s26 =	simm.s32 $0x6;
	s2 =	simm.s32 $0x7;
	s25 =	sadd.s32 s6, s8  }
0x1a: {  	s0 =	sadd.s32 s6, s0;
	s6 =	simm.s32 $0x1C300;
	s8 =	simm.s32 $0x4  }
0x1b: {  	s10 =	sadd.s32 $0xE0, s25;
	s16 =	sadd.s32 $0x80, s0;
	s25 =	simm.s32 $0x1C080  }
0x1c: {  	v0 =	vimm.f32 $0.0e+00;
	s0 =	simm.s32 $0x1C180;
	[dreg:$0x4] =	wrdreg s10;
	s10 =	simm.s32 $0x8  }
.LBB2_1:
0x1d: {  	s5 =	rddreg [dreg:$0x5]  }
0x1e: {  	[tilespmem:s18], [sflag:$0x5] =	stream.linear.gather [hbm4b:s5+s4], $0x100, $0x38;
	[tilespmem:$0x1C400] =	vst v63  }
0x1f: {  	s15 =	rddreg [dreg:$0x6];
	s13 =	simm.s32 $0x0;
	s14 =	simm.s32 $0x200  }
0x20: {  	[tilespmem:s19], [sflag:$0x6] =	stream.linear.gather [hbm4b:s15+s4], $0x100, $0x38;
	[tilespmem:$0x1C400] =	vst v63  }
.LBB2_2:
0x21: {  	p0 =	sne.s32 s14, $0xFE00;
	[tilespmem:s13+$0x14070] =	vst v0  }
0x22: {  	[tilespmem:s13+$0x14000] =	vst v0  }
0x23: {  	[tilespmem:s13+$0x14010] =	vst v0  }
.Ltmp0:
0x24: {  	[tilespmem:s13+$0x14020] =	vst v0;
	(pc) =	sbr.rel @p0 .LBB2_2-.Ltmp0, $4  }
0x25: {  	[tilespmem:s13+$0x14030] =	vst v0  }
0x26: {  	[tilespmem:s13+$0x14040] =	vst v0  }
0x27: {  	[tilespmem:s13+$0x14050] =	vst v0  }
0x28: {  	[tilespmem:s13+$0x14060] =	vst v0;
	s13 =	sshra.s32 s14, $0x2;
	s14 =	sadd.s32 $0x200, s14  }
0x29: {  	[tilespmem:s13+$0x14070] =	vst v0  }
0x2a: {  	[tilespmem:s13+$0x14000] =	vst v0  }
0x2b: {  	[tilespmem:s13+$0x14010] =	vst v0  }
0x2c: {  	[tilespmem:s13+$0x14020] =	vst v0  }
0x2d: {  	[tilespmem:s13+$0x14030] =	vst v0  }
0x2e: {  	[tilespmem:s13+$0x14040] =	vst v0  }
0x2f: {  	[tilespmem:s13+$0x14050] =	vst v0  }
0x30: {  	[tilespmem:s13+$0x14060] =	vst v0  }
0x31: {  	[spmem:s7] =	stream.linear.scatter [tilespmem:s20], [sflag:$0x9], $0x4000, $0x38;
	[tilespmem:$0x1C400] =	vst v63  }
0x32: {  	_ =	swait.ge [sflag:s21], $0x4000  }
0x33: {  	[sflag:s21] =	ssyncset.done $0x0  }
0x34: {  	s5 =	rddreg [dreg:$0xb];
	[sflag:s21] =	ssyncadd.s32 $0xFFFFC000  }
0x35: {  	[spmem:s5] =	stream.linear.scatter [tilespmem:s20], [sflag:$0x9], $0x4000, $0x38;
	[tilespmem:$0x1C400] =	vst v63  }
0x36: {  	_ =	swait.ge [sflag:s21], $0x4000  }
0x37: {  	[sflag:s21] =	ssyncset.done $0x0  }
0x38: {  	s14 =	rddreg [dreg:$0xc];
	[sflag:s21] =	ssyncadd.s32 $0xFFFFC000  }
0x39: {  	[spmem:s14] =	stream.linear.scatter [tilespmem:s20], [sflag:$0x9], $0x4000, $0x38;
	[tilespmem:$0x1C400] =	vst v63  }
0x3a: {  	_ =	swait.ge [sflag:s21], $0x4000  }
0x3b: {  	[sflag:s21] =	ssyncset.done $0x0  }
0x3c: {  	s15 =	rddreg [dreg:$0xd];
	[sflag:s21] =	ssyncadd.s32 $0xFFFFC000  }
0x3d: {  	[spmem:s15] =	stream.linear.scatter [tilespmem:s20], [sflag:$0x9], $0x4000, $0x38;
	[tilespmem:$0x1C400] =	vst v63  }
0x3e: {  	_ =	swait.ge [sflag:s21], $0x4000  }
0x3f: {  	[sflag:s21] =	ssyncset.done $0x0  }
0x40: {  	s13 =	rddreg [dreg:$0xe];
	[sflag:s21] =	ssyncadd.s32 $0xFFFFC000  }
0x41: {  	[spmem:s13] =	stream.linear.scatter [tilespmem:s20], [sflag:$0x9], $0x4000, $0x38;
	[tilespmem:$0x1C400] =	vst v63  }
0x42: {  	_ =	swait.ge [sflag:s21], $0x4000  }
0x43: {  	[sflag:s21] =	ssyncset.done $0x0  }
0x44: {  	[sflag:s21] =	ssyncadd.s32 $0xFFFFC000  }
0x45: {  	_ =	swait.ge [sflag:s22], $0x100  }
0x46: {  	[sflag:s22] =	ssyncset.done $0x0  }
0x47: {  	[sflag:s22] =	ssyncadd.s32 $0xFFFFFF00  }
0x48: {  	[tilespmem:s20], [sflag:$0x1] =	stream.indirect.gather [hbm4b:s1+s23], $0x80, s18, s23, $0xb8;
	[tilespmem:$0x1C400] =	vst v63  }
0x49: {  	[bflag:$0x0] =	sbarrier.arrive $0xFFFF  }
0x4a: {  	_ =	swait.ge [sflag:s24], $0x4000  }
0x4b: {  	[sflag:s24] =	ssyncset.done $0x0  }
0x4c: {  	[sflag:s24] =	ssyncadd.s32 $0xFFFFC000  }
0x4d: {  	[spmem:s3] =	stream.indirect.scatter.add.f32 [tilespmem:s20], [sflag:$0x3], $0x80, s25, s23, $0xb8;
	[tilespmem:$0x1C400] =	vst v63  }
0x4e: {  	_ =	swait.ge [sflag:s26], $0x100  }
0x4f: {  	[sflag:s26] =	ssyncset.done $0x0  }
0x50: {  	[sflag:s26] =	ssyncadd.s32 $0xFFFFFF00  }
0x51: {  	[tilespmem:s28], [sflag:$0x2] =	stream.indirect.gather [hbm4b:s1+s23], $0x80, s19, s23, $0xb8;
	[tilespmem:$0x1C400] =	vst v63  }
0x52: {  	s13 =	simm.s32 $0x0;
	s14 =	rddreg [dreg:$0x7]  }
0x53: {  	[tilespmem:s29], [sflag:$0x7] =	stream.linear.gather [hbm4b:s14+s13], $0x100, $0x38;
	[tilespmem:$0x1C400] =	vst v63  }
0x54: {  	_ =	swait.ge [sflag:s30], $0x4000  }
0x55: {  	[sflag:s30] =	ssyncset.done $0x0  }
0x56: {  	[sflag:s30] =	ssyncadd.s32 $0xFFFFC000  }
0x57: {  	_ =	swait.ge [sflag:s31], $0x4000  }
0x58: {  	[sflag:s31] =	ssyncset.done $0x0  }
0x59: {  	[sflag:s31] =	ssyncadd.s32 $0xFFFFC000  }
0x5a: {  	[spmem:s3] =	stream.indirect.scatter.add.f32 [tilespmem:s28], [sflag:$0x4], $0x80, s0, s23, $0xb8;
	[tilespmem:$0x1C400] =	vst v63  }
0x5b: {  	_ =	swait.ge [sflag:s2], $0x100  }
0x5c: {  	[sflag:s2] =	ssyncset.done $0x0  }
0x5d: {  	[sflag:s2] =	ssyncadd.s32 $0xFFFFFF00  }
0x5e: {  	[tilespmem:s20], [sflag:$0x1] =	stream.indirect.gather [hbm4b:s1+s23], $0x80, s29, s23, $0xb8;
	[tilespmem:$0x1C400] =	vst v63  }
0x5f: {  	s15 =	rddreg [dreg:$0x8]  }
0x60: {  	[tilespmem:s6], [sflag:$0x8] =	stream.linear.gather [hbm4b:s15+s13], $0x100, $0x38;
	[tilespmem:$0x1C400] =	vst v63  }
0x61: {  	_ =	swait.ge [sflag:s24], $0x4000  }
0x62: {  	[sflag:s24] =	ssyncset.done $0x0  }
0x63: {  	[sflag:s24] =	ssyncadd.s32 $0xFFFFC000  }
0x64: {  	_ =	swait.ge [sflag:s8], $0x4000  }
0x65: {  	[sflag:s8] =	ssyncset.done $0x0  }
0x66: {  	[sflag:s8] =	ssyncadd.s32 $0xFFFFC000  }
0x67: {  	[spmem:s3] =	stream.indirect.scatter.add.f32 [tilespmem:s20], [sflag:$0x3], $0x80, s9, s23, $0xb8;
	[tilespmem:$0x1C400] =	vst v63  }
0x68: {  	_ =	swait.ge [sflag:s10], $0x100  }
0x69: {  	[sflag:s10] =	ssyncset.done $0x0  }
0x6a: {  	s5 =	sadd.s32 $0x0, s17;
	[sflag:s10] =	ssyncadd.s32 $0xFFFFFF00  }
0x6b: {  	[tilespmem:s28], [sflag:$0x2] =	stream.indirect.gather [hbm4b:s1+s23], $0x80, s6, s23, $0xb8;
	[tilespmem:$0x1C400] =	vst v63  }
0x6c: {  	s14 =	sadd.s32 $0x80, s5  }
0x6d: {  	[tilespmem:s18], [sflag:$0x5] =	stream.linear.gather [hbm4b:s14+s4], $0x100, $0x38;
	[tilespmem:$0x1C400] =	vst v63  }
0x6e: {  	_ =	swait.ge [sflag:s30], $0x4000  }
0x6f: {  	[sflag:s30] =	ssyncset.done $0x0  }
0x70: {  	[sflag:s30] =	ssyncadd.s32 $0xFFFFC000  }
0x71: {  	_ =	swait.ge [sflag:s31], $0x4000  }
0x72: {  	[sflag:s31] =	ssyncset.done $0x0  }
0x73: {  	[sflag:s31] =	ssyncadd.s32 $0xFFFFC000  }
0x74: {  	[spmem:s3] =	stream.indirect.scatter.add.f32 [tilespmem:s28], [sflag:$0x4], $0x80, s11, s23, $0xb8;
	[tilespmem:$0x1C400] =	vst v63  }
0x75: {  	_ =	swait.ge [sflag:s22], $0x100  }
0x76: {  	[sflag:s22] =	ssyncset.done $0x0  }
0x77: {  	[sflag:s22] =	ssyncadd.s32 $0xFFFFFF00  }
0x78: {  	[tilespmem:s20], [sflag:$0x1] =	stream.indirect.gather [hbm4b:s1+s23], $0x80, s18, s23, $0xb8;
	[tilespmem:$0x1C400] =	vst v63  }
0x79: {  	s13 =	sadd.s32 $0xA0, s5  }
0x7a: {  	[tilespmem:s19], [sflag:$0x6] =	stream.linear.gather [hbm4b:s13+s4], $0x100, $0x38;
	[tilespmem:$0x1C400] =	vst v63  }
0x7b: {  	_ =	swait.ge [sflag:s24], $0x4000  }
0x7c: {  	[sflag:s24] =	ssyncset.done $0x0  }
0x7d: {  	[sflag:s24] =	ssyncadd.s32 $0xFFFFC000  }
0x7e: {  	_ =	swait.ge [sflag:s8], $0x4000  }
0x7f: {  	[sflag:s8] =	ssyncset.done $0x0  }
0x80: {  	[sflag:s8] =	ssyncadd.s32 $0xFFFFC000  }
0x81: {  	[spmem:s3] =	stream.indirect.scatter.add.f32 [tilespmem:s20], [sflag:$0x3], $0x80, s25, s23, $0xb8;
	[tilespmem:$0x1C400] =	vst v63  }
0x82: {  	_ =	swait.ge [sflag:s26], $0x100  }
0x83: {  	[sflag:s26] =	ssyncset.done $0x0  }
0x84: {  	[sflag:s26] =	ssyncadd.s32 $0xFFFFFF00  }
0x85: {  	[tilespmem:s28], [sflag:$0x2] =	stream.indirect.gather [hbm4b:s1+s23], $0x80, s19, s23, $0xb8;
	[tilespmem:$0x1C400] =	vst v63  }
0x86: {  	s14 =	sadd.s32 $0x0, s16  }
0x87: {  	[tilespmem:s29], [sflag:$0x7] =	stream.linear.gather [hbm4b:s14+s4], $0x100, $0x38;
	[tilespmem:$0x1C400] =	vst v63  }
0x88: {  	_ =	swait.ge [sflag:s30], $0x4000  }
0x89: {  	[sflag:s30] =	ssyncset.done $0x0  }
0x8a: {  	[sflag:s30] =	ssyncadd.s32 $0xFFFFC000  }
0x8b: {  	_ =	swait.ge [sflag:s31], $0x4000  }
0x8c: {  	[sflag:s31] =	ssyncset.done $0x0  }
0x8d: {  	[sflag:s31] =	ssyncadd.s32 $0xFFFFC000  }
0x8e: {  	[spmem:s3] =	stream.indirect.scatter.add.f32 [tilespmem:s28], [sflag:$0x4], $0x80, s0, s23, $0xb8;
	[tilespmem:$0x1C400] =	vst v63  }
0x8f: {  	_ =	swait.ge [sflag:s2], $0x100  }
0x90: {  	[sflag:s2] =	ssyncset.done $0x0;
	s15 =	rddreg [dreg:$0x4]  }
0x91: {  	s13 =	simm.s32 $0x80;
	[sflag:s2] =	ssyncadd.s32 $0xFFFFFF00;
	s14 =	sadd.s32 $0x0, s15  }
0x92: {  	[tilespmem:s20], [sflag:$0x1] =	stream.indirect.gather [hbm4b:s1+s23], $0x80, s29, s23, $0xb8;
	[tilespmem:$0x1C400] =	vst v63  }
.LBB2_4:
0x93: {  	[tilespmem:s6], [sflag:$0x8] =	stream.linear.gather [hbm4b:s14+s4], $0x100, $0x38;
	[tilespmem:$0x1C400] =	vst v63  }
0x94: {  	_ =	swait.ge [sflag:s24], $0x4000  }
0x95: {  	[sflag:s24] =	ssyncset.done $0x0  }
0x96: {  	[sflag:s24] =	ssyncadd.s32 $0xFFFFC000  }
0x97: {  	_ =	swait.ge [sflag:s8], $0x4000  }
0x98: {  	[sflag:s8] =	ssyncset.done $0x0  }
0x99: {  	[sflag:s8] =	ssyncadd.s32 $0xFFFFC000  }
0x9a: {  	[spmem:s3] =	stream.indirect.scatter.add.f32 [tilespmem:s20], [sflag:$0x3], $0x80, s9, s23, $0xb8;
	[tilespmem:$0x1C400] =	vst v63  }
0x9b: {  	_ =	swait.ge [sflag:s10], $0x100  }
0x9c: {  	s14 =	smov.u32 s13;
	[sflag:s10] =	ssyncset.done $0x0  }
0x9d: {  	s15 =	sadd.s32 s14, s17;
	[sflag:s10] =	ssyncadd.s32 $0xFFFFFF00  }
0x9e: {  	[tilespmem:s28], [sflag:$0x2] =	stream.indirect.gather [hbm4b:s1+s23], $0x80, s6, s23, $0xb8;
	[tilespmem:$0x1C400] =	vst v63  }
0x9f: {  	s5 =	sadd.s32 $0x80, s15  }
0xa0: {  	[tilespmem:s18], [sflag:$0x5] =	stream.linear.gather [hbm4b:s5+s4], $0x100, $0x38;
	[tilespmem:$0x1C400] =	vst v63  }
0xa1: {  	_ =	swait.ge [sflag:s30], $0x4000  }
0xa2: {  	[sflag:s30] =	ssyncset.done $0x0  }
0xa3: {  	[sflag:s30] =	ssyncadd.s32 $0xFFFFC000  }
0xa4: {  	_ =	swait.ge [sflag:s31], $0x4000  }
0xa5: {  	[sflag:s31] =	ssyncset.done $0x0  }
0xa6: {  	[sflag:s31] =	ssyncadd.s32 $0xFFFFC000  }
0xa7: {  	[spmem:s3] =	stream.indirect.scatter.add.f32 [tilespmem:s28], [sflag:$0x4], $0x80, s11, s23, $0xb8;
	[tilespmem:$0x1C400] =	vst v63  }
0xa8: {  	_ =	swait.ge [sflag:s22], $0x100  }
0xa9: {  	[sflag:s22] =	ssyncset.done $0x0  }
0xaa: {  	[sflag:s22] =	ssyncadd.s32 $0xFFFFFF00  }
0xab: {  	[tilespmem:s20], [sflag:$0x1] =	stream.indirect.gather [hbm4b:s1+s23], $0x80, s18, s23, $0xb8;
	[tilespmem:$0x1C400] =	vst v63  }
0xac: {  	s15 =	sadd.s32 $0xA0, s15  }
0xad: {  	[tilespmem:s19], [sflag:$0x6] =	stream.linear.gather [hbm4b:s15+s4], $0x100, $0x38;
	[tilespmem:$0x1C400] =	vst v63  }
0xae: {  	_ =	swait.ge [sflag:s24], $0x4000  }
0xaf: {  	[sflag:s24] =	ssyncset.done $0x0  }
0xb0: {  	[sflag:s24] =	ssyncadd.s32 $0xFFFFC000  }
0xb1: {  	_ =	swait.ge [sflag:s8], $0x4000  }
0xb2: {  	[sflag:s8] =	ssyncset.done $0x0  }
0xb3: {  	[sflag:s8] =	ssyncadd.s32 $0xFFFFC000  }
0xb4: {  	[spmem:s3] =	stream.indirect.scatter.add.f32 [tilespmem:s20], [sflag:$0x3], $0x80, s25, s23, $0xb8;
	[tilespmem:$0x1C400] =	vst v63  }
0xb5: {  	_ =	swait.ge [sflag:s26], $0x100  }
0xb6: {  	[sflag:s26] =	ssyncset.done $0x0  }
0xb7: {  	[sflag:s26] =	ssyncadd.s32 $0xFFFFFF00  }
0xb8: {  	[tilespmem:s28], [sflag:$0x2] =	stream.indirect.gather [hbm4b:s1+s23], $0x80, s19, s23, $0xb8;
	[tilespmem:$0x1C400] =	vst v63  }
0xb9: {  	s15 =	sadd.s32 s14, s16  }
0xba: {  	[tilespmem:s29], [sflag:$0x7] =	stream.linear.gather [hbm4b:s15+s4], $0x100, $0x38;
	[tilespmem:$0x1C400] =	vst v63  }
0xbb: {  	_ =	swait.ge [sflag:s30], $0x4000  }
0xbc: {  	[sflag:s30] =	ssyncset.done $0x0  }
0xbd: {  	[sflag:s30] =	ssyncadd.s32 $0xFFFFC000  }
0xbe: {  	_ =	swait.ge [sflag:s31], $0x4000  }
0xbf: {  	[sflag:s31] =	ssyncset.done $0x0  }
0xc0: {  	p0 =	sne.s32 s13, $0x900;
	[sflag:s31] =	ssyncadd.s32 $0xFFFFC000  }
0xc1: {  	[spmem:s3] =	stream.indirect.scatter.add.f32 [tilespmem:s28], [sflag:$0x4], $0x80, s0, s23, $0xb8;
	[tilespmem:$0x1C400] =	vst v63  }
.Ltmp1:
0xc2: {  	_ = 	snop;
	(pc) =	sbr.rel @p0 .LBB2_4-.Ltmp1, $4  }
0xc3: {  	_ =	swait.ge [sflag:s2], $0x100  }
0xc4: {  	[sflag:s2] =	ssyncset.done $0x0;
	s15 =	rddreg [dreg:$0x4]  }
0xc5: {  	s13 =	sadd.s32 $0x80, s13;
	[sflag:s2] =	ssyncadd.s32 $0xFFFFFF00;
	s14 =	sadd.s32 s14, s15  }
0xc6: {  	[tilespmem:s20], [sflag:$0x1] =	stream.indirect.gather [hbm4b:s1+s23], $0x80, s29, s23, $0xb8;
	[tilespmem:$0x1C400] =	vst v63  }
0xc7: {  	[tilespmem:s6], [sflag:$0x8] =	stream.linear.gather [hbm4b:s14+s4], $0x100, $0x38;
	[tilespmem:$0x1C400] =	vst v63  }
0xc8: {  	_ =	swait.ge [sflag:s24], $0x4000  }
0xc9: {  	[sflag:s24] =	ssyncset.done $0x0  }
0xca: {  	[sflag:s24] =	ssyncadd.s32 $0xFFFFC000  }
0xcb: {  	_ =	swait.ge [sflag:s8], $0x4000  }
0xcc: {  	[sflag:s8] =	ssyncset.done $0x0  }
0xcd: {  	[sflag:s8] =	ssyncadd.s32 $0xFFFFC000  }
0xce: {  	[spmem:s3] =	stream.indirect.scatter.add.f32 [tilespmem:s20], [sflag:$0x3], $0x80, s9, s23, $0xb8;
	[tilespmem:$0x1C400] =	vst v63  }
0xcf: {  	_ =	swait.ge [sflag:s10], $0x100  }
0xd0: {  	[sflag:s10] =	ssyncset.done $0x0  }
0xd1: {  	[sflag:s10] =	ssyncadd.s32 $0xFFFFFF00  }
0xd2: {  	[tilespmem:s28], [sflag:$0x2] =	stream.indirect.gather [hbm4b:s1+s23], $0x80, s6, s23, $0xb8;
	[tilespmem:$0x1C400] =	vst v63  }
0xd3: {  	_ =	swait.ge [sflag:s30], $0x4000  }
0xd4: {  	[sflag:s30] =	ssyncset.done $0x0  }
0xd5: {  	[sflag:s30] =	ssyncadd.s32 $0xFFFFC000  }
0xd6: {  	_ =	swait.ge [sflag:s31], $0x4000  }
0xd7: {  	[sflag:s31] =	ssyncset.done $0x0  }
0xd8: {  	[sflag:s31] =	ssyncadd.s32 $0xFFFFC000  }
0xd9: {  	[spmem:s3] =	stream.indirect.scatter.add.f32 [tilespmem:s28], [sflag:$0x4], $0x80, s11, s23, $0xb8;
	[tilespmem:$0x1C400] =	vst v63  }
0xda: {  	_ =	swait.ge [sflag:s8], $0x4000  }
0xdb: {  	[sflag:s8] =	ssyncset.done $0x0  }
0xdc: {  	s5 =	stileid.u32;
	[sflag:s8] =	ssyncadd.s32 $0xFFFFC000  }
0xdd: {  	s5 =	sshll.u32 s5, $0x6;
	[bflag:$0x0] =	sbarrier.arrive $0xFFFF  }
0xde: {  	s13 =	sshrl.u32 s7, $0x3;
	s5 =	sor.u32 $0x1C09, s5;
	s15 =	rddreg [dreg:$0x9]  }
0xdf: {  	[hbm:s15], [sflag:s5] =	dma.local [spmem:s13], $0x2800  }
0xe0: {  	_ =	swait.ge [sflag:s21], $0x2800  }
0xe1: {  	s12 =	sadd.s32 $0x1, s12;
	s15 =	rddreg [dreg:$0xa]  }
0xe2: {  	p0 =	sne.s32 s12, s15  }
.Ltmp2:
0xe3: {  	_ = 	snop;
	(pc) =	sbr.rel @p0 .LBB2_1-.Ltmp2, $3  }
0xe4: {  	_ =	sdelay $0x1  }
0xe5: {  	[sflag:s21] =	ssyncset.done $0x0  }
0xe6: {  	[sflag:s21] =	ssyncadd.s32 $0xFFFFD800  }
0xe7: {  	_ =	sfence.sel $0x180000  }
0xe8: {  	[bflag:$0x0] =	sbarrier.arrive $0xFFFF  }
0xe9: {  	_ =	strace $0x90000047  }
0xea: {  	s0 =	stileid.u32;
	[bflag:$0x2] =	sbarrier.arrive $0xFFFF  }
0xeb: {  	p0 =	sne.s32 s0, $0x0;
	s0 =	rddreg [dreg:$0x3]  }
0xec: {  	s0 =	sadd.s32 @!p0 $0x100000, s0  }
0xed: {  	[sflag:s0] =	ssyncadd.tile.s32 @!p0 $0x1;
	_ =	shalt  }
.Lfunc_end2:
_tile_overlayer_lowered:
.L_overlay_start_2:
0xee: {  	(tag) =	ssettag $0x2  }
0xef: {  	s0 =	rddreg [dreg:$0x0];
	s2 =	stileid.u32  }
0xf0: {  	s1 =	rddreg [dreg:$0x1];
	p0 =	sne.s32 s2, $0x0  }
0xf1: {  	s3 =	rddreg [dreg:$0x2];
	[bflag:$0x3] =	sbarrier.arrive $0xFFFF;
	s2 =	simm.s32 @!p0 $0x1C09  }
0xf2: {  	[timem:s3], [sflag:s2] =	dma.local @!p0 [hbm:s0], s1  }
0xf3: {  	s0 =	simm.s32 @!p0 $0x9  }
0xf4: {  	_ =	swait.ge @!p0 [sflag:s0], s1  }
0xf5: {  	s1 =	ssub.s32 @!p0 $0x0, s1;
	[sflag:s0] =	ssyncset.done @!p0 $0x0  }
0xf6: {  	[sflag:s0] =	ssyncadd.s32 @!p0 s1  }
0xf7: {  	[bflag:$0x3] =	sbarrier.arrive $0xFFFF  }
0xf8: {  	_ =	shalt  }

// kernel: kernel.21.cloned.1.call-start
scs
__scs_entry_jumppad:
0x0: {  	(pc) =	sbr.rel $0x88, $3  }
0x1: {  	(tag) =	ssettag $0x0;
	lr =	simm.s32 $0x1  }
0x2: {  	[smem:$0x3F80] =	sst lr;
	_ =	strace $0xD0000000  }
0x3: {  	_ = 	snop  }
0x4: {  	_ = 	snop  }
0x5: {  	_ = 	snop  }
0x6: {  	_ = 	snop  }
0x7: {  	_ = 	snop  }
__scs_overlays_trampoline_lowered:
0x8: {  	[smem:$0x3F8F] =	sst s0  }
0x9: {  	[smem:$0x3F90] =	sst s1  }
0xa: {  	[smem:$0x3F91] =	sst s2  }
0xb: {  	[smem:$0x3F92] =	sst s3  }
0xc: {  	[smem:$0x3F93] =	sst s4  }
0xd: {  	[smem:$0x3F94] =	sst s5  }
0xe: {  	[smem:$0x3F95] =	sst s6  }
0xf: {  	[smem:$0x3F96] =	sst s7  }
0x10: {  	[smem:$0x3F97] =	sst s8  }
0x11: {  	[smem:$0x3F98] =	sst s9;
	s0 =	simm.s32 @!p0 $0x0  }
0x12: {  	s1 =	sld [smem:$0x3F7E];
	s0 =	simm.s32 @p0 $0x1  }
0x13: {  	[smem:$0x3F99] =	sst s0;
	s0 =	simm.s32 @!p1 $0x0  }
0x14: {  	s2 =	sld [smem:$0x3F7D];
	s0 =	simm.s32 @p1 $0x1  }
0x15: {  	[smem:$0x3F9A] =	sst s0;
	s0 =	simm.s32 @!p2 $0x0  }
0x16: {  	s3 =	sld [smem:$0x3FDB];
	s0 =	simm.s32 @p2 $0x1  }
0x17: {  	s4 =	simm.s32 $0x1BF5;
	[smem:$0x3F9C] =	sst s0  }
0x18: {  	s0 =	sld [smem:$0x3F7F];
	_ =	swait.ge [sflag:s4], $0x0  }
0x19: {  	s7 =	sld [smem:$0x3F80]  }
0x1a: {  	s8 =	sadd.s32 $0xFFFFE003, lr  }
0x1b: {  	s9 =	sadd.s32 $0xFFFFFEF7, lr;
	s5 =	simm.s32 $0xFFFFFFFF;
	p2 =	slt.u32 s8, $0xFFFFF086  }
0x1c: {  	p1 =	slt.u32 s9, $0xF7A;
	s5 =	simm.s32 @!p2 $0x0  }
0x1d: {  	s5 =	simm.s32 @p1 $0x1;
	p0 =	seq.s32 s7, s2  }
0x1e: {  	s7 =	smul.u32 @!p0 $0xF7A, s2;
	p2 =	seq.s32 @!p0 s5, $0x0  }
0x1f: {  	s9 =	smul.u32 $0xF7A, s1;
	s8 =	simm.s32 @!p0 $0x1BF5;
	p2 =	por !p2, p0  }
0x20: {  	[sflag:s8] =	ssyncset.s32 @!p0 $0xFFFFF086;
	s6 =	sadd.s32 @!p0 s3, s7;
	s7 =	simm.s32 @!p0 $0x108  }
0x21: {  	s3 =	sadd.s32 s3, s9;
	s6 =	sadd.s32 @!p0 $0x88, s6;
	s7 =	simm.s32 @p2 $0x1082  }
0x22: {  	[simem:s7], [sflag:s8] =	dma.local @!p0 [hbm:s6], $0xF7A  }
0x23: {  	s9 =	sor.u32 $0xD0000000, s2;
	s6 =	simm.s32 $0x108;
	_ =	swait.ge @!p0 [sflag:s8], $0x0  }
0x24: {  	s3 =	sadd.s32 $0x88, s3;
	s6 =	simm.s32 @!p1 $0x1082;
	[sflag:s4] =	ssyncset.s32 $0xFFFFF086  }
0x25: {  	[simem:s6], [sflag:s4] =	dma.local [hbm:s3], $0xF7A  }
0x26: {  	[smem:$0x3F80] =	sst s1;
	(tag) =	ssettag s2;
	_ =	strace s9  }
0x27: {  	s1 =	sld [smem:$0x3F90]  }
0x28: {  	s2 =	sld [smem:$0x3F91]  }
0x29: {  	s4 =	sld [smem:$0x3F93]  }
0x2a: {  	p0 =	seq.s32 s5, $0x0;
	s5 =	sld [smem:$0x3F94]  }
0x2b: {  	s6 =	sld [smem:$0x3F95]  }
0x2c: {  	s7 =	sld [smem:$0x3F96]  }
0x2d: {  	s3 =	simm.s32 $0x108;
	s8 =	sld [smem:$0x3F97]  }
0x2e: {  	s3 =	simm.s32 @!p0 $0x1082;
	s9 =	sld [smem:$0x3F98]  }
0x2f: {  	lr =	sadd.s32 s0, s3;
	s0 =	sld [smem:$0x3F8F]  }
0x30: {  	s3 =	sld [smem:$0x3F92]  }
0x31: {  	[smem:$0x3F9B] =	sst s10  }
0x32: {  	s10 =	sld [smem:$0x3F99];
	_ =	sdelay $0x3  }
0x33: {  	p0 =	seq.s32 s10, $0x1;
	s10 =	sld [smem:$0x3F9B];
	_ =	sdelay $0x3  }
0x34: {  	[smem:$0x3F9B] =	sst s10  }
0x35: {  	s10 =	sld [smem:$0x3F9A];
	_ =	sdelay $0x3  }
0x36: {  	p1 =	seq.s32 s10, $0x1;
	s10 =	sld [smem:$0x3F9B];
	_ =	sdelay $0x3  }
0x37: {  	[smem:$0x3F9B] =	sst s10  }
0x38: {  	s10 =	sld [smem:$0x3F9C]  }
0x39: {  	_ = 	snop;
	(pc) =	sbr.ind lr, $3  }
0x3a: {  	_ = 	snop  }
0x3b: {  	_ = 	snop  }
0x3c: {  	p2 =	seq.s32 s10, $0x1;
	s10 =	sld [smem:$0x3F9B]  }
0x3d: {  	_ =	shalt  }
0x3e: {  	_ =	shalt  }
0x3f: {  	_ =	shalt  }
0x40: {  	_ =	shalt  }
0x41: {  	_ =	shalt  }
0x42: {  	_ =	shalt  }
0x43: {  	_ =	shalt  }
0x44: {  	_ =	shalt  }
0x45: {  	_ =	shalt  }
0x46: {  	_ =	shalt  }
0x47: {  	_ =	shalt  }
0x48: {  	_ =	shalt  }
0x49: {  	_ =	shalt  }
0x4a: {  	_ =	shalt  }
0x4b: {  	_ =	shalt  }
0x4c: {  	_ =	shalt  }
0x4d: {  	_ =	shalt  }
0x4e: {  	_ =	shalt  }
0x4f: {  	_ =	shalt  }
0x50: {  	_ =	shalt  }
0x51: {  	_ =	shalt  }
0x52: {  	_ =	shalt  }
0x53: {  	_ =	shalt  }
0x54: {  	_ =	shalt  }
0x55: {  	_ =	shalt  }
0x56: {  	_ =	shalt  }
0x57: {  	_ =	shalt  }
0x58: {  	_ =	shalt  }
0x59: {  	_ =	shalt  }
0x5a: {  	_ =	shalt  }
0x5b: {  	_ =	shalt  }
0x5c: {  	_ =	shalt  }
0x5d: {  	_ =	shalt  }
0x5e: {  	_ =	shalt  }
0x5f: {  	_ =	shalt  }
0x60: {  	_ =	shalt  }
0x61: {  	_ =	shalt  }
0x62: {  	_ =	shalt  }
0x63: {  	_ =	shalt  }
0x64: {  	_ =	shalt  }
0x65: {  	_ =	shalt  }
0x66: {  	_ =	shalt  }
0x67: {  	_ =	shalt  }
0x68: {  	_ =	shalt  }
0x69: {  	_ =	shalt  }
0x6a: {  	_ =	shalt  }
0x6b: {  	_ =	shalt  }
0x6c: {  	_ =	shalt  }
0x6d: {  	_ =	shalt  }
0x6e: {  	_ =	shalt  }
0x6f: {  	_ =	shalt  }
0x70: {  	_ =	shalt  }
0x71: {  	_ =	shalt  }
0x72: {  	_ =	shalt  }
0x73: {  	_ =	shalt  }
0x74: {  	_ =	shalt  }
0x75: {  	_ =	shalt  }
0x76: {  	_ =	shalt  }
0x77: {  	_ =	shalt  }
0x78: {  	_ =	shalt  }
0x79: {  	_ =	shalt  }
0x7a: {  	_ =	shalt  }
0x7b: {  	_ =	shalt  }
0x7c: {  	_ =	shalt  }
0x7d: {  	_ =	shalt  }
0x7e: {  	_ =	shalt  }
0x7f: {  	_ =	shalt  }
0x80: {  	_ =	shalt  }
0x81: {  	_ =	shalt  }
0x82: {  	_ =	shalt  }
0x83: {  	_ =	shalt  }
0x84: {  	_ =	shalt  }
0x85: {  	_ =	shalt  }
0x86: {  	_ =	shalt  }
0x87: {  	_ =	shalt  }
.Lfunc_end0:
.L_simem_size_0:
called_computation.1_lowered:
.L_overlay_start_0:
0x88: {  	s2 =	sld [smem:$0x3FD9]  }
0x89: {  	s3 =	sld [smem:$0x3FFE];
	_ =	sdelay $0x1  }
0x8a: {  	s1 =	srdreg.scid  }
0x8b: {  	s0 =	sand.u32 $0x1, s1  }
0x8c: {  	s16 =	sshll.u32 s0, $0xA;
	s2 =	sadd.s32 s3, s2  }
0x8d: {  	s2 =	sadd.s32 s2, s16  }
0x8e: {  	[smem:$0x3FA7] =	sst s2  }
0x8f: {  	_ = 	snop  }
0x90: {  	(tm) =	ssettm $0x1  }
0x91: {  	s17 =	sld [smem:$0x3FFB];
	_ =	sdelay $0x3  }
0x92: {  	_ =	strace s17  }
0x93: {  	s2 =	sld [smem:$0x3FFC];
	_ =	sdelay $0x3  }
0x94: {  	_ =	strace s2  }
0x95: {  	s2 =	sld [smem:$0x3FFD];
	_ =	sdelay $0x3  }
0x96: {  	_ =	strace s2  }
0x97: {  	_ =	strace $0x8FFFFFFF  }
0x98: {  	s18 =	sld [smem:$0x3FDB];
	_ =	sdelay $0x1  }
0x99: {  	s19 =	simm.s32 $_scs_section_size  }
0x9a: {  	s4 =	simm.s32 $_size__tile_overlayer_lowered;
	s5 =	simm.s32 $_tile_overlayer_lowered  }
0x9b: {  	s22 =	simm.s32 $0x1BFF;
	s21 =	sshll.u32 s5, $0x1;
	s2 =	sadd.s32 s19, s18  }
0x9c: {  	s6 =	simm.s32 $0x0;
	s20 =	sshll.u32 s4, $0x1;
	s4 =	sadd.s32 s21, s2  }
0x9d: {  	[timem:s6], [sflag:s22] =	dma.local [hbm:s4], s20  }
0x9e: {  	_ =	swait.ge [sflag:s22], s20  }
0x9f: {  	s3 =	ssub.s32 $0x0, s20;
	[sflag:s22] =	ssyncset.done $0x0  }
0xa0: {  	[sflag:s22] =	ssyncadd.s32 s3;
	_ =	sdelay $0x1  }
0xa1: {  	s23 =	simm.s32 $0x1B8B  }
0xa2: {  	_ =	swait.ge [sflag:s23], $0x1  }
0xa3: {  	[sflag:s23] =	ssyncset.done $0x0  }
0xa4: {  	s25 =	simm.s32 $0x1B8E;
	s24 =	sld [smem:$0x3FFE];
	[sflag:s23] =	ssyncadd.s32 $0xFFFFFFFF  }
0xa5: {  	s26 =	simm.s32 $execute0_lowered;
	[smem:$0x3FD2] =	sst s25  }
0xa6: {  	s4 =	sshll.u32 s26, $0x1;
	_ =	strace $0x80000049;
	[dreg:$0x1] =	wrdreg $0xFFFFFFFF  }
0xa7: {  	s28 =	simm.s32 $_size_execute0_lowered;
	s2 =	sadd.s32 s2, s4;
	[dreg:$0x0] =	wrdreg $0x0  }
0xa8: {  	s4 =	sshll.u32 s28, $0x1;
	[dreg:$0x2] =	wrdreg s2  }
0xa9: {  	[dreg:$0x3] =	wrdreg s4  }
0xaa: {  	[dreg:$0x4] =	wrdreg $0xC0  }
0xab: {  	_ =	task [dreg:s6], $0x5FFFF  }
0xac: {  	[dreg:$0x1] =	wrdreg $0xFFFFFFFF  }
0xad: {  	[dreg:$0x0] =	wrdreg $0x60  }
0xae: {  	[dreg:$0x2] =	wrdreg s24  }
0xaf: {  	[dreg:$0x3] =	wrdreg $0x0  }
0xb0: {  	[dreg:$0x4] =	wrdreg $0x9  }
0xb1: {  	_ =	task.clear_ibuf [dreg:s6], $0x5FFFF;
	_ =	strace $0x90000049  }
0xb2: {  	s29 =	simm.s32 $0x9;
	_ =	strace $0x8000004B  }
0xb3: {  	_ =	swait.ge [sflag:s29], $0x1  }
0xb4: {  	[sflag:s29] =	ssyncadd.s32 $0xFFFFFFFF  }
0xb5: {  	_ =	strace $0x9000004B  }
0xb6: {  	_ =	sfence  }
0xb7: {  	s30 =	sld [smem:$0x0];
	_ =	sdelay $0x2  }
0xb8: {  	s31 =	sshll.u32 s1, $0xD;
	s1 =	sshrl.u32 s1, $0x2  }
0xb9: {  	s3 =	sand.u32 $0x4000, s31;
	s1 =	sadd.s32 s1, s30  }
0xba: {  	s0 =	sor.u32 s3, s0;
	s1 =	sshll.u32 s1, $0x11  }
0xbb: {  	s0 =	sor.u32 s1, s0  }
0xbc: {  	s0 =	sadd.s32 $0x8F2B, s0  }
0xbd: {  	[sflag:s0] =	ssyncadd.remote.s32 $0x1  }
0xbe: {  	_ =	sfence.sel $0xFFFF  }
0xbf: {  	[dreg:$0x0] =	wrdreg $0xFFFFFFFF;
	(pc) =	sbr.abs _section_cstart, $3  }
0xc0: {  	[dreg:$0x1] =	wrdreg $0xFFFFFFFF  }
0xc1: {  	_ =	task.clear_ibuf [dreg:s6], $0x2FFFF;
	_ =	strace $0x9FFFFFFF  }
0xc2: {  	(tm) =	ssettm $0x7FFFFFFF  }
0xc3: {  	_ =	shalt  }
tec
execute0_lowered:
.L_overlay_start_1:
0x0: {  	(tag) =	ssettag $0x1  }
0x1: {  	s0 =	rddreg [dreg:$0x0];
	s13 =	stileid.u32  }
0x2: {  	s1 =	rddreg [dreg:$0x1];
	s6 =	smul.u32 $0x14000, s13  }
0x3: {  	s2 =	srdreg.scid;
	s3 =	simm.s32 $0x0;
	s11 =	smul.u32 $0x50000, s13  }
0x4: {  	s28 =	simm.s32 $0x18000;
	s29 =	simm.s32 $0x1C200;
	s16 =	smul.u32 $0xA0, s13  }
0x5: {  	s30 =	simm.s32 $0x2;
	s2 =	sand.u32 $0x1, s2;
	s23 =	smul.u32 $0x1400, s13  }
0x6: {  	s31 =	simm.s32 $0x3;
	[smem:$0x7FF] =	sst s3;
	s5 =	smul.u32 $0x140000, s2  }
0x7: {  	s4 =	sshll.u32 s13, $0x1;
	s8 =	sadd.s32 $0x6C00, s0;
	s17 =	smul.u32 $0x50, s2  }
0x8: {  	s7 =	sor.u32 s2, s4;
	s9 =	ssub.s32 $0x2, s2;
	s2 =	smul.u32 $0xA00, s2  }
0x9: {  	_ =	strace $0x8000004A;
	s4 =	sadd.s32 $0x1AC00, s0;
	s24 =	smul.u32 $0xA00, s7  }
0xa: {  	s10 =	sshrl.u32 s9, $0x1;
	s15 =	sshrl.u32 s11, $0x2;
	s11 =	simm.s32 $0x1C380  }
0xb: {  	s5 =	sadd.s32 s6, s5;
	s9 =	ssub.s32 s9, s10;
	s7 =	sadd.s32 s15, s1  }
0xc: {  	s25 =	sshrl.u32 s5, $0x3;
	s26 =	sadd.s32 s8, s24;
	s19 =	smax.u32 s9, $0x1  }
0xd: {  	s20 =	sadd.s32 $0x4000, s7;
	s21 =	sadd.s32 $0x8000, s7;
	[dreg:$0x4] =	wrdreg s26  }
0xe: {  	s22 =	sadd.s32 $0xC000, s7;
	s9 =	simm.s32 $0x1C280;
	[dreg:$0x9] =	wrdreg s19  }
0xf: {  	s12 =	sadd.s32 s25, s0;
	s14 =	sadd.s32 $0x20, s26;
	[dreg:$0xa] =	wrdreg s20  }
0x10: {  	s0 =	sadd.s32 $0x6C40, s0;
	s5 =	sadd.s32 $0x60, s26;
	[dreg:$0xb] =	wrdreg s21  }
0x11: {  	[dreg:$0xc] =	wrdreg s22;
	s26 =	sadd.s32 s23, s8;
	s19 =	simm.s32 $0x1C100  }
0x12: {  	s20 =	simm.s32 $0x14000;
	s21 =	simm.s32 $0x9;
	[dreg:$0x5] =	wrdreg s14  }
0x13: {  	s22 =	simm.s32 $0x5;
	s6 =	sadd.s32 s24, s0;
	[dreg:$0x7] =	wrdreg s5  }
0x14: {  	s23 =	simm.s32 $0x80;
	s18 =	sadd.s32 $0x41E00, s12;
	[dreg:$0x6] =	wrdreg s6  }
0x15: {  	s24 =	sadd.s32 $0x10000, s7;
	s12 =	simm.s32 $0x0;
	[dreg:$0x8] =	wrdreg s18  }
0x16: {  	s6 =	sadd.s32 s17, s16;
	[dreg:$0xd] =	wrdreg s24;
	s17 =	sadd.s32 s2, s26  }
0x17: {  	s18 =	simm.s32 $0x1C000;
	s24 =	simm.s32 $0x1;
	s6 =	sshll.u32 s6, $0x5  }
0x18: {  	s26 =	simm.s32 $0x6;
	s2 =	simm.s32 $0x7;
	s25 =	sadd.s32 s6, s8  }
0x19: {  	s0 =	sadd.s32 s6, s0;
	s6 =	simm.s32 $0x1C300;
	s8 =	simm.s32 $0x4  }
0x1a: {  	s10 =	sadd.s32 $0xE0, s25;
	s16 =	sadd.s32 $0x80, s0;
	s25 =	simm.s32 $0x1C080  }
0x1b: {  	v0 =	vimm.f32 $0.0e+00;
	s0 =	simm.s32 $0x1C180;
	[dreg:$0x3] =	wrdreg s10;
	s10 =	simm.s32 $0x8  }
.LBB2_1:
0x1c: {  	s5 =	rddreg [dreg:$0x4]  }
0x1d: {  	[tilespmem:s18], [sflag:$0x5] =	stream.linear.gather [hbm4b:s5+s3], $0x100, $0x38;
	[tilespmem:$0x1C400] =	vst v63  }
0x1e: {  	s15 =	rddreg [dreg:$0x5];
	s13 =	simm.s32 $0x0;
	s14 =	simm.s32 $0x200  }
0x1f: {  	[tilespmem:s19], [sflag:$0x6] =	stream.linear.gather [hbm4b:s15+s3], $0x100, $0x38;
	[tilespmem:$0x1C400] =	vst v63  }
.LBB2_2:
0x20: {  	p0 =	sne.s32 s14, $0xFE00;
	[tilespmem:s13+$0x14070] =	vst v0  }
0x21: {  	[tilespmem:s13+$0x14000] =	vst v0  }
0x22: {  	[tilespmem:s13+$0x14010] =	vst v0  }
.Ltmp0:
0x23: {  	[tilespmem:s13+$0x14020] =	vst v0;
	(pc) =	sbr.rel @p0 .LBB2_2-.Ltmp0, $4  }
0x24: {  	[tilespmem:s13+$0x14030] =	vst v0  }
0x25: {  	[tilespmem:s13+$0x14040] =	vst v0  }
0x26: {  	[tilespmem:s13+$0x14050] =	vst v0  }
0x27: {  	[tilespmem:s13+$0x14060] =	vst v0;
	s13 =	sshra.s32 s14, $0x2;
	s14 =	sadd.s32 $0x200, s14  }
0x28: {  	[tilespmem:s13+$0x14070] =	vst v0  }
0x29: {  	[tilespmem:s13+$0x14000] =	vst v0  }
0x2a: {  	[tilespmem:s13+$0x14010] =	vst v0  }
0x2b: {  	[tilespmem:s13+$0x14020] =	vst v0  }
0x2c: {  	[tilespmem:s13+$0x14030] =	vst v0  }
0x2d: {  	[tilespmem:s13+$0x14040] =	vst v0  }
0x2e: {  	[tilespmem:s13+$0x14050] =	vst v0  }
0x2f: {  	[tilespmem:s13+$0x14060] =	vst v0  }
0x30: {  	[spmem:s7] =	stream.linear.scatter [tilespmem:s20], [sflag:$0x9], $0x4000, $0x38;
	[tilespmem:$0x1C400] =	vst v63  }
0x31: {  	_ =	swait.ge [sflag:s21], $0x4000  }
0x32: {  	[sflag:s21] =	ssyncset.done $0x0  }
0x33: {  	s5 =	rddreg [dreg:$0xa];
	[sflag:s21] =	ssyncadd.s32 $0xFFFFC000  }
0x34: {  	[spmem:s5] =	stream.linear.scatter [tilespmem:s20], [sflag:$0x9], $0x4000, $0x38;
	[tilespmem:$0x1C400] =	vst v63  }
0x35: {  	_ =	swait.ge [sflag:s21], $0x4000  }
0x36: {  	[sflag:s21] =	ssyncset.done $0x0  }
0x37: {  	s14 =	rddreg [dreg:$0xb];
	[sflag:s21] =	ssyncadd.s32 $0xFFFFC000  }
0x38: {  	[spmem:s14] =	stream.linear.scatter [tilespmem:s20], [sflag:$0x9], $0x4000, $0x38;
	[tilespmem:$0x1C400] =	vst v63  }
0x39: {  	_ =	swait.ge [sflag:s21], $0x4000  }
0x3a: {  	[sflag:s21] =	ssyncset.done $0x0  }
0x3b: {  	s15 =	rddreg [dreg:$0xc];
	[sflag:s21] =	ssyncadd.s32 $0xFFFFC000  }
0x3c: {  	[spmem:s15] =	stream.linear.scatter [tilespmem:s20], [sflag:$0x9], $0x4000, $0x38;
	[tilespmem:$0x1C400] =	vst v63  }
0x3d: {  	_ =	swait.ge [sflag:s21], $0x4000  }
0x3e: {  	[sflag:s21] =	ssyncset.done $0x0  }
0x3f: {  	s13 =	rddreg [dreg:$0xd];
	[sflag:s21] =	ssyncadd.s32 $0xFFFFC000  }
0x40: {  	[spmem:s13] =	stream.linear.scatter [tilespmem:s20], [sflag:$0x9], $0x4000, $0x38;
	[tilespmem:$0x1C400] =	vst v63  }
0x41: {  	_ =	swait.ge [sflag:s21], $0x4000  }
0x42: {  	[sflag:s21] =	ssyncset.done $0x0  }
0x43: {  	[sflag:s21] =	ssyncadd.s32 $0xFFFFC000  }
0x44: {  	_ =	swait.ge [sflag:s22], $0x100  }
0x45: {  	[sflag:s22] =	ssyncset.done $0x0  }
0x46: {  	[sflag:s22] =	ssyncadd.s32 $0xFFFFFF00  }
0x47: {  	[tilespmem:s20], [sflag:$0x1] =	stream.indirect.gather [hbm4b:s4+s23], $0x80, s18, s23, $0xb8;
	[tilespmem:$0x1C400] =	vst v63  }
0x48: {  	[bflag:$0x0] =	sbarrier.arrive $0xFFFF  }
0x49: {  	_ =	swait.ge [sflag:s24], $0x4000  }
0x4a: {  	[sflag:s24] =	ssyncset.done $0x0  }
0x4b: {  	[sflag:s24] =	ssyncadd.s32 $0xFFFFC000  }
0x4c: {  	[spmem:s1] =	stream.indirect.scatter.add.f32 [tilespmem:s20], [sflag:$0x3], $0x80, s25, s23, $0xb8;
	[tilespmem:$0x1C400] =	vst v63  }
0x4d: {  	_ =	swait.ge [sflag:s26], $0x100  }
0x4e: {  	[sflag:s26] =	ssyncset.done $0x0  }
0x4f: {  	[sflag:s26] =	ssyncadd.s32 $0xFFFFFF00  }
0x50: {  	[tilespmem:s28], [sflag:$0x2] =	stream.indirect.gather [hbm4b:s4+s23], $0x80, s19, s23, $0xb8;
	[tilespmem:$0x1C400] =	vst v63  }
0x51: {  	s13 =	simm.s32 $0x0;
	s14 =	rddreg [dreg:$0x6]  }
0x52: {  	[tilespmem:s29], [sflag:$0x7] =	stream.linear.gather [hbm4b:s14+s13], $0x100, $0x38;
	[tilespmem:$0x1C400] =	vst v63  }
0x53: {  	_ =	swait.ge [sflag:s30], $0x4000  }
0x54: {  	[sflag:s30] =	ssyncset.done $0x0  }
0x55: {  	[sflag:s30] =	ssyncadd.s32 $0xFFFFC000  }
0x56: {  	_ =	swait.ge [sflag:s31], $0x4000  }
0x57: {  	[sflag:s31] =	ssyncset.done $0x0  }
0x58: {  	[sflag:s31] =	ssyncadd.s32 $0xFFFFC000  }
0x59: {  	[spmem:s1] =	stream.indirect.scatter.add.f32 [tilespmem:s28], [sflag:$0x4], $0x80, s0, s23, $0xb8;
	[tilespmem:$0x1C400] =	vst v63  }
0x5a: {  	_ =	swait.ge [sflag:s2], $0x100  }
0x5b: {  	[sflag:s2] =	ssyncset.done $0x0  }
0x5c: {  	[sflag:s2] =	ssyncadd.s32 $0xFFFFFF00  }
0x5d: {  	[tilespmem:s20], [sflag:$0x1] =	stream.indirect.gather [hbm4b:s4+s23], $0x80, s29, s23, $0xb8;
	[tilespmem:$0x1C400] =	vst v63  }
0x5e: {  	s15 =	rddreg [dreg:$0x7]  }
0x5f: {  	[tilespmem:s6], [sflag:$0x8] =	stream.linear.gather [hbm4b:s15+s13], $0x100, $0x38;
	[tilespmem:$0x1C400] =	vst v63  }
0x60: {  	_ =	swait.ge [sflag:s24], $0x4000  }
0x61: {  	[sflag:s24] =	ssyncset.done $0x0  }
0x62: {  	[sflag:s24] =	ssyncadd.s32 $0xFFFFC000  }
0x63: {  	_ =	swait.ge [sflag:s8], $0x4000  }
0x64: {  	[sflag:s8] =	ssyncset.done $0x0  }
0x65: {  	[sflag:s8] =	ssyncadd.s32 $0xFFFFC000  }
0x66: {  	[spmem:s1] =	stream.indirect.scatter.add.f32 [tilespmem:s20], [sflag:$0x3], $0x80, s9, s23, $0xb8;
	[tilespmem:$0x1C400] =	vst v63  }
0x67: {  	_ =	swait.ge [sflag:s10], $0x100  }
0x68: {  	[sflag:s10] =	ssyncset.done $0x0  }
0x69: {  	s5 =	sadd.s32 $0x0, s17;
	[sflag:s10] =	ssyncadd.s32 $0xFFFFFF00  }
0x6a: {  	[tilespmem:s28], [sflag:$0x2] =	stream.indirect.gather [hbm4b:s4+s23], $0x80, s6, s23, $0xb8;
	[tilespmem:$0x1C400] =	vst v63  }
0x6b: {  	s14 =	sadd.s32 $0x80, s5  }
0x6c: {  	[tilespmem:s18], [sflag:$0x5] =	stream.linear.gather [hbm4b:s14+s3], $0x100, $0x38;
	[tilespmem:$0x1C400] =	vst v63  }
0x6d: {  	_ =	swait.ge [sflag:s30], $0x4000  }
0x6e: {  	[sflag:s30] =	ssyncset.done $0x0  }
0x6f: {  	[sflag:s30] =	ssyncadd.s32 $0xFFFFC000  }
0x70: {  	_ =	swait.ge [sflag:s31], $0x4000  }
0x71: {  	[sflag:s31] =	ssyncset.done $0x0  }
0x72: {  	[sflag:s31] =	ssyncadd.s32 $0xFFFFC000  }
0x73: {  	[spmem:s1] =	stream.indirect.scatter.add.f32 [tilespmem:s28], [sflag:$0x4], $0x80, s11, s23, $0xb8;
	[tilespmem:$0x1C400] =	vst v63  }
0x74: {  	_ =	swait.ge [sflag:s22], $0x100  }
0x75: {  	[sflag:s22] =	ssyncset.done $0x0  }
0x76: {  	[sflag:s22] =	ssyncadd.s32 $0xFFFFFF00  }
0x77: {  	[tilespmem:s20], [sflag:$0x1] =	stream.indirect.gather [hbm4b:s4+s23], $0x80, s18, s23, $0xb8;
	[tilespmem:$0x1C400] =	vst v63  }
0x78: {  	s13 =	sadd.s32 $0xA0, s5  }
0x79: {  	[tilespmem:s19], [sflag:$0x6] =	stream.linear.gather [hbm4b:s13+s3], $0x100, $0x38;
	[tilespmem:$0x1C400] =	vst v63  }
0x7a: {  	_ =	swait.ge [sflag:s24], $0x4000  }
0x7b: {  	[sflag:s24] =	ssyncset.done $0x0  }
0x7c: {  	[sflag:s24] =	ssyncadd.s32 $0xFFFFC000  }
0x7d: {  	_ =	swait.ge [sflag:s8], $0x4000  }
0x7e: {  	[sflag:s8] =	ssyncset.done $0x0  }
0x7f: {  	[sflag:s8] =	ssyncadd.s32 $0xFFFFC000  }
0x80: {  	[spmem:s1] =	stream.indirect.scatter.add.f32 [tilespmem:s20], [sflag:$0x3], $0x80, s25, s23, $0xb8;
	[tilespmem:$0x1C400] =	vst v63  }
0x81: {  	_ =	swait.ge [sflag:s26], $0x100  }
0x82: {  	[sflag:s26] =	ssyncset.done $0x0  }
0x83: {  	[sflag:s26] =	ssyncadd.s32 $0xFFFFFF00  }
0x84: {  	[tilespmem:s28], [sflag:$0x2] =	stream.indirect.gather [hbm4b:s4+s23], $0x80, s19, s23, $0xb8;
	[tilespmem:$0x1C400] =	vst v63  }
0x85: {  	s14 =	sadd.s32 $0x0, s16  }
0x86: {  	[tilespmem:s29], [sflag:$0x7] =	stream.linear.gather [hbm4b:s14+s3], $0x100, $0x38;
	[tilespmem:$0x1C400] =	vst v63  }
0x87: {  	_ =	swait.ge [sflag:s30], $0x4000  }
0x88: {  	[sflag:s30] =	ssyncset.done $0x0  }
0x89: {  	[sflag:s30] =	ssyncadd.s32 $0xFFFFC000  }
0x8a: {  	_ =	swait.ge [sflag:s31], $0x4000  }
0x8b: {  	[sflag:s31] =	ssyncset.done $0x0  }
0x8c: {  	[sflag:s31] =	ssyncadd.s32 $0xFFFFC000  }
0x8d: {  	[spmem:s1] =	stream.indirect.scatter.add.f32 [tilespmem:s28], [sflag:$0x4], $0x80, s0, s23, $0xb8;
	[tilespmem:$0x1C400] =	vst v63  }
0x8e: {  	_ =	swait.ge [sflag:s2], $0x100  }
0x8f: {  	[sflag:s2] =	ssyncset.done $0x0;
	s15 =	rddreg [dreg:$0x3]  }
0x90: {  	s13 =	simm.s32 $0x80;
	[sflag:s2] =	ssyncadd.s32 $0xFFFFFF00;
	s14 =	sadd.s32 $0x0, s15  }
0x91: {  	[tilespmem:s20], [sflag:$0x1] =	stream.indirect.gather [hbm4b:s4+s23], $0x80, s29, s23, $0xb8;
	[tilespmem:$0x1C400] =	vst v63  }
.LBB2_4:
0x92: {  	[tilespmem:s6], [sflag:$0x8] =	stream.linear.gather [hbm4b:s14+s3], $0x100, $0x38;
	[tilespmem:$0x1C400] =	vst v63  }
0x93: {  	_ =	swait.ge [sflag:s24], $0x4000  }
0x94: {  	[sflag:s24] =	ssyncset.done $0x0  }
0x95: {  	[sflag:s24] =	ssyncadd.s32 $0xFFFFC000  }
0x96: {  	_ =	swait.ge [sflag:s8], $0x4000  }
0x97: {  	[sflag:s8] =	ssyncset.done $0x0  }
0x98: {  	[sflag:s8] =	ssyncadd.s32 $0xFFFFC000  }
0x99: {  	[spmem:s1] =	stream.indirect.scatter.add.f32 [tilespmem:s20], [sflag:$0x3], $0x80, s9, s23, $0xb8;
	[tilespmem:$0x1C400] =	vst v63  }
0x9a: {  	_ =	swait.ge [sflag:s10], $0x100  }
0x9b: {  	s14 =	smov.u32 s13;
	[sflag:s10] =	ssyncset.done $0x0  }
0x9c: {  	s15 =	sadd.s32 s14, s17;
	[sflag:s10] =	ssyncadd.s32 $0xFFFFFF00  }
0x9d: {  	[tilespmem:s28], [sflag:$0x2] =	stream.indirect.gather [hbm4b:s4+s23], $0x80, s6, s23, $0xb8;
	[tilespmem:$0x1C400] =	vst v63  }
0x9e: {  	s5 =	sadd.s32 $0x80, s15  }
0x9f: {  	[tilespmem:s18], [sflag:$0x5] =	stream.linear.gather [hbm4b:s5+s3], $0x100, $0x38;
	[tilespmem:$0x1C400] =	vst v63  }
0xa0: {  	_ =	swait.ge [sflag:s30], $0x4000  }
0xa1: {  	[sflag:s30] =	ssyncset.done $0x0  }
0xa2: {  	[sflag:s30] =	ssyncadd.s32 $0xFFFFC000  }
0xa3: {  	_ =	swait.ge [sflag:s31], $0x4000  }
0xa4: {  	[sflag:s31] =	ssyncset.done $0x0  }
0xa5: {  	[sflag:s31] =	ssyncadd.s32 $0xFFFFC000  }
0xa6: {  	[spmem:s1] =	stream.indirect.scatter.add.f32 [tilespmem:s28], [sflag:$0x4], $0x80, s11, s23, $0xb8;
	[tilespmem:$0x1C400] =	vst v63  }
0xa7: {  	_ =	swait.ge [sflag:s22], $0x100  }
0xa8: {  	[sflag:s22] =	ssyncset.done $0x0  }
0xa9: {  	[sflag:s22] =	ssyncadd.s32 $0xFFFFFF00  }
0xaa: {  	[tilespmem:s20], [sflag:$0x1] =	stream.indirect.gather [hbm4b:s4+s23], $0x80, s18, s23, $0xb8;
	[tilespmem:$0x1C400] =	vst v63  }
0xab: {  	s15 =	sadd.s32 $0xA0, s15  }
0xac: {  	[tilespmem:s19], [sflag:$0x6] =	stream.linear.gather [hbm4b:s15+s3], $0x100, $0x38;
	[tilespmem:$0x1C400] =	vst v63  }
0xad: {  	_ =	swait.ge [sflag:s24], $0x4000  }
0xae: {  	[sflag:s24] =	ssyncset.done $0x0  }
0xaf: {  	[sflag:s24] =	ssyncadd.s32 $0xFFFFC000  }
0xb0: {  	_ =	swait.ge [sflag:s8], $0x4000  }
0xb1: {  	[sflag:s8] =	ssyncset.done $0x0  }
0xb2: {  	[sflag:s8] =	ssyncadd.s32 $0xFFFFC000  }
0xb3: {  	[spmem:s1] =	stream.indirect.scatter.add.f32 [tilespmem:s20], [sflag:$0x3], $0x80, s25, s23, $0xb8;
	[tilespmem:$0x1C400] =	vst v63  }
0xb4: {  	_ =	swait.ge [sflag:s26], $0x100  }
0xb5: {  	[sflag:s26] =	ssyncset.done $0x0  }
0xb6: {  	[sflag:s26] =	ssyncadd.s32 $0xFFFFFF00  }
0xb7: {  	[tilespmem:s28], [sflag:$0x2] =	stream.indirect.gather [hbm4b:s4+s23], $0x80, s19, s23, $0xb8;
	[tilespmem:$0x1C400] =	vst v63  }
0xb8: {  	s15 =	sadd.s32 s14, s16  }
0xb9: {  	[tilespmem:s29], [sflag:$0x7] =	stream.linear.gather [hbm4b:s15+s3], $0x100, $0x38;
	[tilespmem:$0x1C400] =	vst v63  }
0xba: {  	_ =	swait.ge [sflag:s30], $0x4000  }
0xbb: {  	[sflag:s30] =	ssyncset.done $0x0  }
0xbc: {  	[sflag:s30] =	ssyncadd.s32 $0xFFFFC000  }
0xbd: {  	_ =	swait.ge [sflag:s31], $0x4000  }
0xbe: {  	[sflag:s31] =	ssyncset.done $0x0  }
0xbf: {  	p0 =	sne.s32 s13, $0x900;
	[sflag:s31] =	ssyncadd.s32 $0xFFFFC000  }
0xc0: {  	[spmem:s1] =	stream.indirect.scatter.add.f32 [tilespmem:s28], [sflag:$0x4], $0x80, s0, s23, $0xb8;
	[tilespmem:$0x1C400] =	vst v63  }
.Ltmp1:
0xc1: {  	_ = 	snop;
	(pc) =	sbr.rel @p0 .LBB2_4-.Ltmp1, $4  }
0xc2: {  	_ =	swait.ge [sflag:s2], $0x100  }
0xc3: {  	[sflag:s2] =	ssyncset.done $0x0;
	s15 =	rddreg [dreg:$0x3]  }
0xc4: {  	s13 =	sadd.s32 $0x80, s13;
	[sflag:s2] =	ssyncadd.s32 $0xFFFFFF00;
	s14 =	sadd.s32 s14, s15  }
0xc5: {  	[tilespmem:s20], [sflag:$0x1] =	stream.indirect.gather [hbm4b:s4+s23], $0x80, s29, s23, $0xb8;
	[tilespmem:$0x1C400] =	vst v63  }
0xc6: {  	[tilespmem:s6], [sflag:$0x8] =	stream.linear.gather [hbm4b:s14+s3], $0x100, $0x38;
	[tilespmem:$0x1C400] =	vst v63  }
0xc7: {  	_ =	swait.ge [sflag:s24], $0x4000  }
0xc8: {  	[sflag:s24] =	ssyncset.done $0x0  }
0xc9: {  	[sflag:s24] =	ssyncadd.s32 $0xFFFFC000  }
0xca: {  	_ =	swait.ge [sflag:s8], $0x4000  }
0xcb: {  	[sflag:s8] =	ssyncset.done $0x0  }
0xcc: {  	[sflag:s8] =	ssyncadd.s32 $0xFFFFC000  }
0xcd: {  	[spmem:s1] =	stream.indirect.scatter.add.f32 [tilespmem:s20], [sflag:$0x3], $0x80, s9, s23, $0xb8;
	[tilespmem:$0x1C400] =	vst v63  }
0xce: {  	_ =	swait.ge [sflag:s10], $0x100  }
0xcf: {  	[sflag:s10] =	ssyncset.done $0x0  }
0xd0: {  	[sflag:s10] =	ssyncadd.s32 $0xFFFFFF00  }
0xd1: {  	[tilespmem:s28], [sflag:$0x2] =	stream.indirect.gather [hbm4b:s4+s23], $0x80, s6, s23, $0xb8;
	[tilespmem:$0x1C400] =	vst v63  }
0xd2: {  	_ =	swait.ge [sflag:s30], $0x4000  }
0xd3: {  	[sflag:s30] =	ssyncset.done $0x0  }
0xd4: {  	[sflag:s30] =	ssyncadd.s32 $0xFFFFC000  }
0xd5: {  	_ =	swait.ge [sflag:s31], $0x4000  }
0xd6: {  	[sflag:s31] =	ssyncset.done $0x0  }
0xd7: {  	[sflag:s31] =	ssyncadd.s32 $0xFFFFC000  }
0xd8: {  	[spmem:s1] =	stream.indirect.scatter.add.f32 [tilespmem:s28], [sflag:$0x4], $0x80, s11, s23, $0xb8;
	[tilespmem:$0x1C400] =	vst v63  }
0xd9: {  	_ =	swait.ge [sflag:s8], $0x4000  }
0xda: {  	[sflag:s8] =	ssyncset.done $0x0  }
0xdb: {  	s5 =	stileid.u32;
	[sflag:s8] =	ssyncadd.s32 $0xFFFFC000  }
0xdc: {  	s5 =	sshll.u32 s5, $0x6;
	[bflag:$0x0] =	sbarrier.arrive $0xFFFF  }
0xdd: {  	s13 =	sshrl.u32 s7, $0x3;
	s5 =	sor.u32 $0x1C09, s5;
	s15 =	rddreg [dreg:$0x8]  }
0xde: {  	[hbm:s15], [sflag:s5] =	dma.local [spmem:s13], $0x2800  }
0xdf: {  	_ =	swait.ge [sflag:s21], $0x2800  }
0xe0: {  	s12 =	sadd.s32 $0x1, s12;
	s15 =	rddreg [dreg:$0x9]  }
0xe1: {  	p0 =	sne.s32 s12, s15  }
.Ltmp2:
0xe2: {  	_ = 	snop;
	(pc) =	sbr.rel @p0 .LBB2_1-.Ltmp2, $3  }
0xe3: {  	_ =	sdelay $0x1  }
0xe4: {  	[sflag:s21] =	ssyncset.done $0x0  }
0xe5: {  	[sflag:s21] =	ssyncadd.s32 $0xFFFFD800  }
0xe6: {  	_ =	sfence.sel $0x180000  }
0xe7: {  	[bflag:$0x0] =	sbarrier.arrive $0xFFFF  }
0xe8: {  	_ =	strace $0x9000004A  }
0xe9: {  	s0 =	stileid.u32;
	[bflag:$0x2] =	sbarrier.arrive $0xFFFF  }
0xea: {  	p0 =	sne.s32 s0, $0x0;
	s0 =	rddreg [dreg:$0x2]  }
0xeb: {  	s0 =	sadd.s32 @!p0 $0x100000, s0  }
0xec: {  	[sflag:s0] =	ssyncadd.tile.s32 @!p0 $0x1;
	_ =	shalt  }
.Lfunc_end2:
_tile_overlayer_lowered:
.L_overlay_start_2:
0xed: {  	(tag) =	ssettag $0x2  }
0xee: {  	s0 =	rddreg [dreg:$0x0];
	s2 =	stileid.u32  }
0xef: {  	s1 =	rddreg [dreg:$0x1];
	p0 =	sne.s32 s2, $0x0  }
0xf0: {  	s3 =	rddreg [dreg:$0x2];
	[bflag:$0x3] =	sbarrier.arrive $0xFFFF;
	s2 =	simm.s32 @!p0 $0x1C09  }
0xf1: {  	[timem:s3], [sflag:s2] =	dma.local @!p0 [hbm:s0], s1  }
0xf2: {  	s0 =	simm.s32 @!p0 $0x9  }
0xf3: {  	_ =	swait.ge @!p0 [sflag:s0], s1  }
0xf4: {  	s1 =	ssub.s32 @!p0 $0x0, s1;
	[sflag:s0] =	ssyncset.done @!p0 $0x0  }
0xf5: {  	[sflag:s0] =	ssyncadd.s32 @!p0 s1  }
0xf6: {  	[bflag:$0x3] =	sbarrier.arrive $0xFFFF  }
0xf7: {  	_ =	shalt  }

// kernel: kernel.24.cloned.1.call-start
scs
__scs_entry_jumppad:
0x0: {  	(pc) =	sbr.rel $0x88, $3  }
0x1: {  	(tag) =	ssettag $0x0;
	lr =	simm.s32 $0x1  }
0x2: {  	[smem:$0x3F80] =	sst lr;
	_ =	strace $0xD0000000  }
0x3: {  	_ = 	snop  }
0x4: {  	_ = 	snop  }
0x5: {  	_ = 	snop  }
0x6: {  	_ = 	snop  }
0x7: {  	_ = 	snop  }
__scs_overlays_trampoline_lowered:
0x8: {  	[smem:$0x3F8F] =	sst s0  }
0x9: {  	[smem:$0x3F90] =	sst s1  }
0xa: {  	[smem:$0x3F91] =	sst s2  }
0xb: {  	[smem:$0x3F92] =	sst s3  }
0xc: {  	[smem:$0x3F93] =	sst s4  }
0xd: {  	[smem:$0x3F94] =	sst s5  }
0xe: {  	[smem:$0x3F95] =	sst s6  }
0xf: {  	[smem:$0x3F96] =	sst s7  }
0x10: {  	[smem:$0x3F97] =	sst s8  }
0x11: {  	[smem:$0x3F98] =	sst s9;
	s0 =	simm.s32 @!p0 $0x0  }
0x12: {  	s1 =	sld [smem:$0x3F7E];
	s0 =	simm.s32 @p0 $0x1  }
0x13: {  	[smem:$0x3F99] =	sst s0;
	s0 =	simm.s32 @!p1 $0x0  }
0x14: {  	s2 =	sld [smem:$0x3F7D];
	s0 =	simm.s32 @p1 $0x1  }
0x15: {  	[smem:$0x3F9A] =	sst s0;
	s0 =	simm.s32 @!p2 $0x0  }
0x16: {  	s3 =	sld [smem:$0x3FDB];
	s0 =	simm.s32 @p2 $0x1  }
0x17: {  	s4 =	simm.s32 $0x1BF5;
	[smem:$0x3F9C] =	sst s0  }
0x18: {  	s0 =	sld [smem:$0x3F7F];
	_ =	swait.ge [sflag:s4], $0x0  }
0x19: {  	s7 =	sld [smem:$0x3F80]  }
0x1a: {  	s8 =	sadd.s32 $0xFFFFE003, lr  }
0x1b: {  	s9 =	sadd.s32 $0xFFFFFEF7, lr;
	s5 =	simm.s32 $0xFFFFFFFF;
	p2 =	slt.u32 s8, $0xFFFFF086  }
0x1c: {  	p1 =	slt.u32 s9, $0xF7A;
	s5 =	simm.s32 @!p2 $0x0  }
0x1d: {  	s5 =	simm.s32 @p1 $0x1;
	p0 =	seq.s32 s7, s2  }
0x1e: {  	s7 =	smul.u32 @!p0 $0xF7A, s2;
	p2 =	seq.s32 @!p0 s5, $0x0  }
0x1f: {  	s9 =	smul.u32 $0xF7A, s1;
	s8 =	simm.s32 @!p0 $0x1BF5;
	p2 =	por !p2, p0  }
0x20: {  	[sflag:s8] =	ssyncset.s32 @!p0 $0xFFFFF086;
	s6 =	sadd.s32 @!p0 s3, s7;
	s7 =	simm.s32 @!p0 $0x108  }
0x21: {  	s3 =	sadd.s32 s3, s9;
	s6 =	sadd.s32 @!p0 $0x88, s6;
	s7 =	simm.s32 @p2 $0x1082  }
0x22: {  	[simem:s7], [sflag:s8] =	dma.local @!p0 [hbm:s6], $0xF7A  }
0x23: {  	s9 =	sor.u32 $0xD0000000, s2;
	s6 =	simm.s32 $0x108;
	_ =	swait.ge @!p0 [sflag:s8], $0x0  }
0x24: {  	s3 =	sadd.s32 $0x88, s3;
	s6 =	simm.s32 @!p1 $0x1082;
	[sflag:s4] =	ssyncset.s32 $0xFFFFF086  }
0x25: {  	[simem:s6], [sflag:s4] =	dma.local [hbm:s3], $0xF7A  }
0x26: {  	[smem:$0x3F80] =	sst s1;
	(tag) =	ssettag s2;
	_ =	strace s9  }
0x27: {  	s1 =	sld [smem:$0x3F90]  }
0x28: {  	s2 =	sld [smem:$0x3F91]  }
0x29: {  	s4 =	sld [smem:$0x3F93]  }
0x2a: {  	p0 =	seq.s32 s5, $0x0;
	s5 =	sld [smem:$0x3F94]  }
0x2b: {  	s6 =	sld [smem:$0x3F95]  }
0x2c: {  	s7 =	sld [smem:$0x3F96]  }
0x2d: {  	s3 =	simm.s32 $0x108;
	s8 =	sld [smem:$0x3F97]  }
0x2e: {  	s3 =	simm.s32 @!p0 $0x1082;
	s9 =	sld [smem:$0x3F98]  }
0x2f: {  	lr =	sadd.s32 s0, s3;
	s0 =	sld [smem:$0x3F8F]  }
0x30: {  	s3 =	sld [smem:$0x3F92]  }
0x31: {  	[smem:$0x3F9B] =	sst s10  }
0x32: {  	s10 =	sld [smem:$0x3F99];
	_ =	sdelay $0x3  }
0x33: {  	p0 =	seq.s32 s10, $0x1;
	s10 =	sld [smem:$0x3F9B];
	_ =	sdelay $0x3  }
0x34: {  	[smem:$0x3F9B] =	sst s10  }
0x35: {  	s10 =	sld [smem:$0x3F9A];
	_ =	sdelay $0x3  }
0x36: {  	p1 =	seq.s32 s10, $0x1;
	s10 =	sld [smem:$0x3F9B];
	_ =	sdelay $0x3  }
0x37: {  	[smem:$0x3F9B] =	sst s10  }
0x38: {  	s10 =	sld [smem:$0x3F9C]  }
0x39: {  	_ = 	snop;
	(pc) =	sbr.ind lr, $3  }
0x3a: {  	_ = 	snop  }
0x3b: {  	_ = 	snop  }
0x3c: {  	p2 =	seq.s32 s10, $0x1;
	s10 =	sld [smem:$0x3F9B]  }
0x3d: {  	_ =	shalt  }
0x3e: {  	_ =	shalt  }
0x3f: {  	_ =	shalt  }
0x40: {  	_ =	shalt  }
0x41: {  	_ =	shalt  }
0x42: {  	_ =	shalt  }
0x43: {  	_ =	shalt  }
0x44: {  	_ =	shalt  }
0x45: {  	_ =	shalt  }
0x46: {  	_ =	shalt  }
0x47: {  	_ =	shalt  }
0x48: {  	_ =	shalt  }
0x49: {  	_ =	shalt  }
0x4a: {  	_ =	shalt  }
0x4b: {  	_ =	shalt  }
0x4c: {  	_ =	shalt  }
0x4d: {  	_ =	shalt  }
0x4e: {  	_ =	shalt  }
0x4f: {  	_ =	shalt  }
0x50: {  	_ =	shalt  }
0x51: {  	_ =	shalt  }
0x52: {  	_ =	shalt  }
0x53: {  	_ =	shalt  }
0x54: {  	_ =	shalt  }
0x55: {  	_ =	shalt  }
0x56: {  	_ =	shalt  }
0x57: {  	_ =	shalt  }
0x58: {  	_ =	shalt  }
0x59: {  	_ =	shalt  }
0x5a: {  	_ =	shalt  }
0x5b: {  	_ =	shalt  }
0x5c: {  	_ =	shalt  }
0x5d: {  	_ =	shalt  }
0x5e: {  	_ =	shalt  }
0x5f: {  	_ =	shalt  }
0x60: {  	_ =	shalt  }
0x61: {  	_ =	shalt  }
0x62: {  	_ =	shalt  }
0x63: {  	_ =	shalt  }
0x64: {  	_ =	shalt  }
0x65: {  	_ =	shalt  }
0x66: {  	_ =	shalt  }
0x67: {  	_ =	shalt  }
0x68: {  	_ =	shalt  }
0x69: {  	_ =	shalt  }
0x6a: {  	_ =	shalt  }
0x6b: {  	_ =	shalt  }
0x6c: {  	_ =	shalt  }
0x6d: {  	_ =	shalt  }
0x6e: {  	_ =	shalt  }
0x6f: {  	_ =	shalt  }
0x70: {  	_ =	shalt  }
0x71: {  	_ =	shalt  }
0x72: {  	_ =	shalt  }
0x73: {  	_ =	shalt  }
0x74: {  	_ =	shalt  }
0x75: {  	_ =	shalt  }
0x76: {  	_ =	shalt  }
0x77: {  	_ =	shalt  }
0x78: {  	_ =	shalt  }
0x79: {  	_ =	shalt  }
0x7a: {  	_ =	shalt  }
0x7b: {  	_ =	shalt  }
0x7c: {  	_ =	shalt  }
0x7d: {  	_ =	shalt  }
0x7e: {  	_ =	shalt  }
0x7f: {  	_ =	shalt  }
0x80: {  	_ =	shalt  }
0x81: {  	_ =	shalt  }
0x82: {  	_ =	shalt  }
0x83: {  	_ =	shalt  }
0x84: {  	_ =	shalt  }
0x85: {  	_ =	shalt  }
0x86: {  	_ =	shalt  }
0x87: {  	_ =	shalt  }
.Lfunc_end0:
.L_simem_size_0:
called_computation.2_lowered:
.L_overlay_start_0:
0x88: {  	s2 =	sld [smem:$0x3FD9]  }
0x89: {  	s3 =	sld [smem:$0x3FFE];
	_ =	sdelay $0x1  }
0x8a: {  	s1 =	srdreg.scid  }
0x8b: {  	s0 =	sand.u32 $0x1, s1  }
0x8c: {  	s16 =	sshll.u32 s0, $0xA;
	s2 =	sadd.s32 s3, s2  }
0x8d: {  	s2 =	sadd.s32 s2, s16  }
0x8e: {  	[smem:$0x3FA7] =	sst s2  }
0x8f: {  	_ = 	snop  }
0x90: {  	(tm) =	ssettm $0x1  }
0x91: {  	s17 =	sld [smem:$0x3FFB];
	_ =	sdelay $0x3  }
0x92: {  	_ =	strace s17  }
0x93: {  	s2 =	sld [smem:$0x3FFC];
	_ =	sdelay $0x3  }
0x94: {  	_ =	strace s2  }
0x95: {  	s2 =	sld [smem:$0x3FFD];
	_ =	sdelay $0x3  }
0x96: {  	_ =	strace s2  }
0x97: {  	_ =	strace $0x8FFFFFFF  }
0x98: {  	s18 =	sld [smem:$0x3FDB];
	_ =	sdelay $0x1  }
0x99: {  	s19 =	simm.s32 $_scs_section_size  }
0x9a: {  	s4 =	simm.s32 $_size__tile_overlayer_lowered;
	s5 =	simm.s32 $_tile_overlayer_lowered  }
0x9b: {  	s22 =	simm.s32 $0x1BFF;
	s21 =	sshll.u32 s5, $0x1;
	s2 =	sadd.s32 s19, s18  }
0x9c: {  	s6 =	simm.s32 $0x0;
	s20 =	sshll.u32 s4, $0x1;
	s4 =	sadd.s32 s21, s2  }
0x9d: {  	[timem:s6], [sflag:s22] =	dma.local [hbm:s4], s20  }
0x9e: {  	_ =	swait.ge [sflag:s22], s20  }
0x9f: {  	s3 =	ssub.s32 $0x0, s20;
	[sflag:s22] =	ssyncset.done $0x0  }
0xa0: {  	[sflag:s22] =	ssyncadd.s32 s3;
	_ =	sdelay $0x1  }
0xa1: {  	s23 =	simm.s32 $0x1B8B  }
0xa2: {  	_ =	swait.ge [sflag:s23], $0x1  }
0xa3: {  	[sflag:s23] =	ssyncset.done $0x0  }
0xa4: {  	s25 =	simm.s32 $0x1B8E;
	s24 =	sld [smem:$0x3FFE];
	[sflag:s23] =	ssyncadd.s32 $0xFFFFFFFF  }
0xa5: {  	s26 =	simm.s32 $execute0_lowered;
	[smem:$0x3FD2] =	sst s25  }
0xa6: {  	s4 =	sshll.u32 s26, $0x1;
	_ =	strace $0x8000004C;
	[dreg:$0x1] =	wrdreg $0xFFFFFFFF  }
0xa7: {  	s28 =	simm.s32 $_size_execute0_lowered;
	s2 =	sadd.s32 s2, s4;
	[dreg:$0x0] =	wrdreg $0x0  }
0xa8: {  	s4 =	sshll.u32 s28, $0x1;
	[dreg:$0x2] =	wrdreg s2  }
0xa9: {  	[dreg:$0x3] =	wrdreg s4  }
0xaa: {  	[dreg:$0x4] =	wrdreg $0xC0  }
0xab: {  	_ =	task [dreg:s6], $0x5FFFF  }
0xac: {  	[dreg:$0x1] =	wrdreg $0xFFFFFFFF  }
0xad: {  	[dreg:$0x0] =	wrdreg $0x60  }
0xae: {  	[dreg:$0x2] =	wrdreg s24  }
0xaf: {  	[dreg:$0x3] =	wrdreg $0x0  }
0xb0: {  	[dreg:$0x4] =	wrdreg $0x9  }
0xb1: {  	_ =	task.clear_ibuf [dreg:s6], $0x5FFFF;
	_ =	strace $0x9000004C  }
0xb2: {  	s29 =	simm.s32 $0x9;
	_ =	strace $0x8000004E  }
0xb3: {  	_ =	swait.ge [sflag:s29], $0x1  }
0xb4: {  	[sflag:s29] =	ssyncadd.s32 $0xFFFFFFFF  }
0xb5: {  	_ =	strace $0x9000004E  }
0xb6: {  	_ =	sfence  }
0xb7: {  	s30 =	sld [smem:$0x0];
	_ =	sdelay $0x2  }
0xb8: {  	s31 =	sshll.u32 s1, $0xD;
	s1 =	sshrl.u32 s1, $0x2  }
0xb9: {  	s3 =	sand.u32 $0x4000, s31;
	s1 =	sadd.s32 s1, s30  }
0xba: {  	s0 =	sor.u32 s3, s0;
	s1 =	sshll.u32 s1, $0x11  }
0xbb: {  	s0 =	sor.u32 s1, s0  }
0xbc: {  	s0 =	sadd.s32 $0x8F2B, s0  }
0xbd: {  	[sflag:s0] =	ssyncadd.remote.s32 $0x1  }
0xbe: {  	_ =	sfence.sel $0xFFFF  }
0xbf: {  	[dreg:$0x0] =	wrdreg $0xFFFFFFFF;
	(pc) =	sbr.abs _section_cstart, $3  }
0xc0: {  	[dreg:$0x1] =	wrdreg $0xFFFFFFFF  }
0xc1: {  	_ =	task.clear_ibuf [dreg:s6], $0x2FFFF;
	_ =	strace $0x9FFFFFFF  }
0xc2: {  	(tm) =	ssettm $0x7FFFFFFF  }
0xc3: {  	_ =	shalt  }
tec
execute0_lowered:
.L_overlay_start_1:
0x0: {  	(tag) =	ssettag $0x1  }
0x1: {  	s0 =	rddreg [dreg:$0x0];
	s13 =	stileid.u32  }
0x2: {  	s1 =	rddreg [dreg:$0x1];
	s6 =	smul.u32 $0x14000, s13  }
0x3: {  	s2 =	srdreg.scid;
	s3 =	simm.s32 $0x0;
	s11 =	smul.u32 $0x50000, s13  }
0x4: {  	s28 =	simm.s32 $0x18000;
	s29 =	simm.s32 $0x1C200;
	s16 =	smul.u32 $0xA0, s13  }
0x5: {  	s30 =	simm.s32 $0x2;
	s2 =	sand.u32 $0x1, s2;
	s23 =	smul.u32 $0x1400, s13  }
0x6: {  	s31 =	simm.s32 $0x3;
	[smem:$0x7FF] =	sst s3;
	s5 =	smul.u32 $0x140000, s2  }
0x7: {  	s4 =	sshll.u32 s13, $0x1;
	s8 =	sadd.s32 $0x6C00, s0;
	s17 =	smul.u32 $0x50, s2  }
0x8: {  	s7 =	sor.u32 s2, s4;
	s9 =	ssub.s32 $0x2, s2;
	s2 =	smul.u32 $0xA00, s2  }
0x9: {  	_ =	strace $0x8000004D;
	s4 =	sadd.s32 $0x1AC00, s0;
	s24 =	smul.u32 $0xA00, s7  }
0xa: {  	s10 =	sshrl.u32 s9, $0x1;
	s15 =	sshrl.u32 s11, $0x2;
	s11 =	simm.s32 $0x1C380  }
0xb: {  	s5 =	sadd.s32 s6, s5;
	s9 =	ssub.s32 s9, s10;
	s7 =	sadd.s32 s15, s1  }
0xc: {  	s25 =	sshrl.u32 s5, $0x3;
	s26 =	sadd.s32 s8, s24;
	s19 =	smax.u32 s9, $0x1  }
0xd: {  	s20 =	sadd.s32 $0x4000, s7;
	s21 =	sadd.s32 $0x8000, s7;
	[dreg:$0x4] =	wrdreg s26  }
0xe: {  	s22 =	sadd.s32 $0xC000, s7;
	s9 =	simm.s32 $0x1C280;
	[dreg:$0x9] =	wrdreg s19  }
0xf: {  	s12 =	sadd.s32 s25, s0;
	s14 =	sadd.s32 $0x20, s26;
	[dreg:$0xa] =	wrdreg s20  }
0x10: {  	s0 =	sadd.s32 $0x6C40, s0;
	s5 =	sadd.s32 $0x60, s26;
	[dreg:$0xb] =	wrdreg s21  }
0x11: {  	[dreg:$0xc] =	wrdreg s22;
	s26 =	sadd.s32 s23, s8;
	s19 =	simm.s32 $0x1C100  }
0x12: {  	s20 =	simm.s32 $0x14000;
	s21 =	simm.s32 $0x9;
	[dreg:$0x5] =	wrdreg s14  }
0x13: {  	s22 =	simm.s32 $0x5;
	s6 =	sadd.s32 s24, s0;
	[dreg:$0x7] =	wrdreg s5  }
0x14: {  	s23 =	simm.s32 $0x80;
	s18 =	sadd.s32 $0x41E00, s12;
	[dreg:$0x6] =	wrdreg s6  }
0x15: {  	s24 =	sadd.s32 $0x10000, s7;
	s12 =	simm.s32 $0x0;
	[dreg:$0x8] =	wrdreg s18  }
0x16: {  	s6 =	sadd.s32 s17, s16;
	[dreg:$0xd] =	wrdreg s24;
	s17 =	sadd.s32 s2, s26  }
0x17: {  	s18 =	simm.s32 $0x1C000;
	s24 =	simm.s32 $0x1;
	s6 =	sshll.u32 s6, $0x5  }
0x18: {  	s26 =	simm.s32 $0x6;
	s2 =	simm.s32 $0x7;
	s25 =	sadd.s32 s6, s8  }
0x19: {  	s0 =	sadd.s32 s6, s0;
	s6 =	simm.s32 $0x1C300;
	s8 =	simm.s32 $0x4  }
0x1a: {  	s10 =	sadd.s32 $0xE0, s25;
	s16 =	sadd.s32 $0x80, s0;
	s25 =	simm.s32 $0x1C080  }
0x1b: {  	v0 =	vimm.f32 $0.0e+00;
	s0 =	simm.s32 $0x1C180;
	[dreg:$0x3] =	wrdreg s10;
	s10 =	simm.s32 $0x8  }
.LBB2_1:
0x1c: {  	s5 =	rddreg [dreg:$0x4]  }
0x1d: {  	[tilespmem:s18], [sflag:$0x5] =	stream.linear.gather [hbm4b:s5+s3], $0x100, $0x38;
	[tilespmem:$0x1C400] =	vst v63  }
0x1e: {  	s15 =	rddreg [dreg:$0x5];
	s13 =	simm.s32 $0x0;
	s14 =	simm.s32 $0x200  }
0x1f: {  	[tilespmem:s19], [sflag:$0x6] =	stream.linear.gather [hbm4b:s15+s3], $0x100, $0x38;
	[tilespmem:$0x1C400] =	vst v63  }
.LBB2_2:
0x20: {  	p0 =	sne.s32 s14, $0xFE00;
	[tilespmem:s13+$0x14070] =	vst v0  }
0x21: {  	[tilespmem:s13+$0x14000] =	vst v0  }
0x22: {  	[tilespmem:s13+$0x14010] =	vst v0  }
.Ltmp0:
0x23: {  	[tilespmem:s13+$0x14020] =	vst v0;
	(pc) =	sbr.rel @p0 .LBB2_2-.Ltmp0, $4  }
0x24: {  	[tilespmem:s13+$0x14030] =	vst v0  }
0x25: {  	[tilespmem:s13+$0x14040] =	vst v0  }
0x26: {  	[tilespmem:s13+$0x14050] =	vst v0  }
0x27: {  	[tilespmem:s13+$0x14060] =	vst v0;
	s13 =	sshra.s32 s14, $0x2;
	s14 =	sadd.s32 $0x200, s14  }
0x28: {  	[tilespmem:s13+$0x14070] =	vst v0  }
0x29: {  	[tilespmem:s13+$0x14000] =	vst v0  }
0x2a: {  	[tilespmem:s13+$0x14010] =	vst v0  }
0x2b: {  	[tilespmem:s13+$0x14020] =	vst v0  }
0x2c: {  	[tilespmem:s13+$0x14030] =	vst v0  }
0x2d: {  	[tilespmem:s13+$0x14040] =	vst v0  }
0x2e: {  	[tilespmem:s13+$0x14050] =	vst v0  }
0x2f: {  	[tilespmem:s13+$0x14060] =	vst v0  }
0x30: {  	[spmem:s7] =	stream.linear.scatter [tilespmem:s20], [sflag:$0x9], $0x4000, $0x38;
	[tilespmem:$0x1C400] =	vst v63  }
0x31: {  	_ =	swait.ge [sflag:s21], $0x4000  }
0x32: {  	[sflag:s21] =	ssyncset.done $0x0  }
0x33: {  	s5 =	rddreg [dreg:$0xa];
	[sflag:s21] =	ssyncadd.s32 $0xFFFFC000  }
0x34: {  	[spmem:s5] =	stream.linear.scatter [tilespmem:s20], [sflag:$0x9], $0x4000, $0x38;
	[tilespmem:$0x1C400] =	vst v63  }
0x35: {  	_ =	swait.ge [sflag:s21], $0x4000  }
0x36: {  	[sflag:s21] =	ssyncset.done $0x0  }
0x37: {  	s14 =	rddreg [dreg:$0xb];
	[sflag:s21] =	ssyncadd.s32 $0xFFFFC000  }
0x38: {  	[spmem:s14] =	stream.linear.scatter [tilespmem:s20], [sflag:$0x9], $0x4000, $0x38;
	[tilespmem:$0x1C400] =	vst v63  }
0x39: {  	_ =	swait.ge [sflag:s21], $0x4000  }
0x3a: {  	[sflag:s21] =	ssyncset.done $0x0  }
0x3b: {  	s15 =	rddreg [dreg:$0xc];
	[sflag:s21] =	ssyncadd.s32 $0xFFFFC000  }
0x3c: {  	[spmem:s15] =	stream.linear.scatter [tilespmem:s20], [sflag:$0x9], $0x4000, $0x38;
	[tilespmem:$0x1C400] =	vst v63  }
0x3d: {  	_ =	swait.ge [sflag:s21], $0x4000  }
0x3e: {  	[sflag:s21] =	ssyncset.done $0x0  }
0x3f: {  	s13 =	rddreg [dreg:$0xd];
	[sflag:s21] =	ssyncadd.s32 $0xFFFFC000  }
0x40: {  	[spmem:s13] =	stream.linear.scatter [tilespmem:s20], [sflag:$0x9], $0x4000, $0x38;
	[tilespmem:$0x1C400] =	vst v63  }
0x41: {  	_ =	swait.ge [sflag:s21], $0x4000  }
0x42: {  	[sflag:s21] =	ssyncset.done $0x0  }
0x43: {  	[sflag:s21] =	ssyncadd.s32 $0xFFFFC000  }
0x44: {  	_ =	swait.ge [sflag:s22], $0x100  }
0x45: {  	[sflag:s22] =	ssyncset.done $0x0  }
0x46: {  	[sflag:s22] =	ssyncadd.s32 $0xFFFFFF00  }
0x47: {  	[tilespmem:s20], [sflag:$0x1] =	stream.indirect.gather [hbm4b:s4+s23], $0x80, s18, s23, $0xb8;
	[tilespmem:$0x1C400] =	vst v63  }
0x48: {  	[bflag:$0x0] =	sbarrier.arrive $0xFFFF  }
0x49: {  	_ =	swait.ge [sflag:s24], $0x4000  }
0x4a: {  	[sflag:s24] =	ssyncset.done $0x0  }
0x4b: {  	[sflag:s24] =	ssyncadd.s32 $0xFFFFC000  }
0x4c: {  	[spmem:s1] =	stream.indirect.scatter.add.f32 [tilespmem:s20], [sflag:$0x3], $0x80, s25, s23, $0xb8;
	[tilespmem:$0x1C400] =	vst v63  }
0x4d: {  	_ =	swait.ge [sflag:s26], $0x100  }
0x4e: {  	[sflag:s26] =	ssyncset.done $0x0  }
0x4f: {  	[sflag:s26] =	ssyncadd.s32 $0xFFFFFF00  }
0x50: {  	[tilespmem:s28], [sflag:$0x2] =	stream.indirect.gather [hbm4b:s4+s23], $0x80, s19, s23, $0xb8;
	[tilespmem:$0x1C400] =	vst v63  }
0x51: {  	s13 =	simm.s32 $0x0;
	s14 =	rddreg [dreg:$0x6]  }
0x52: {  	[tilespmem:s29], [sflag:$0x7] =	stream.linear.gather [hbm4b:s14+s13], $0x100, $0x38;
	[tilespmem:$0x1C400] =	vst v63  }
0x53: {  	_ =	swait.ge [sflag:s30], $0x4000  }
0x54: {  	[sflag:s30] =	ssyncset.done $0x0  }
0x55: {  	[sflag:s30] =	ssyncadd.s32 $0xFFFFC000  }
0x56: {  	_ =	swait.ge [sflag:s31], $0x4000  }
0x57: {  	[sflag:s31] =	ssyncset.done $0x0  }
0x58: {  	[sflag:s31] =	ssyncadd.s32 $0xFFFFC000  }
0x59: {  	[spmem:s1] =	stream.indirect.scatter.add.f32 [tilespmem:s28], [sflag:$0x4], $0x80, s0, s23, $0xb8;
	[tilespmem:$0x1C400] =	vst v63  }
0x5a: {  	_ =	swait.ge [sflag:s2], $0x100  }
0x5b: {  	[sflag:s2] =	ssyncset.done $0x0  }
0x5c: {  	[sflag:s2] =	ssyncadd.s32 $0xFFFFFF00  }
0x5d: {  	[tilespmem:s20], [sflag:$0x1] =	stream.indirect.gather [hbm4b:s4+s23], $0x80, s29, s23, $0xb8;
	[tilespmem:$0x1C400] =	vst v63  }
0x5e: {  	s15 =	rddreg [dreg:$0x7]  }
0x5f: {  	[tilespmem:s6], [sflag:$0x8] =	stream.linear.gather [hbm4b:s15+s13], $0x100, $0x38;
	[tilespmem:$0x1C400] =	vst v63  }
0x60: {  	_ =	swait.ge [sflag:s24], $0x4000  }
0x61: {  	[sflag:s24] =	ssyncset.done $0x0  }
0x62: {  	[sflag:s24] =	ssyncadd.s32 $0xFFFFC000  }
0x63: {  	_ =	swait.ge [sflag:s8], $0x4000  }
0x64: {  	[sflag:s8] =	ssyncset.done $0x0  }
0x65: {  	[sflag:s8] =	ssyncadd.s32 $0xFFFFC000  }
0x66: {  	[spmem:s1] =	stream.indirect.scatter.add.f32 [tilespmem:s20], [sflag:$0x3], $0x80, s9, s23, $0xb8;
	[tilespmem:$0x1C400] =	vst v63  }
0x67: {  	_ =	swait.ge [sflag:s10], $0x100  }
0x68: {  	[sflag:s10] =	ssyncset.done $0x0  }
0x69: {  	s5 =	sadd.s32 $0x0, s17;
	[sflag:s10] =	ssyncadd.s32 $0xFFFFFF00  }
0x6a: {  	[tilespmem:s28], [sflag:$0x2] =	stream.indirect.gather [hbm4b:s4+s23], $0x80, s6, s23, $0xb8;
	[tilespmem:$0x1C400] =	vst v63  }
0x6b: {  	s14 =	sadd.s32 $0x80, s5  }
0x6c: {  	[tilespmem:s18], [sflag:$0x5] =	stream.linear.gather [hbm4b:s14+s3], $0x100, $0x38;
	[tilespmem:$0x1C400] =	vst v63  }
0x6d: {  	_ =	swait.ge [sflag:s30], $0x4000  }
0x6e: {  	[sflag:s30] =	ssyncset.done $0x0  }
0x6f: {  	[sflag:s30] =	ssyncadd.s32 $0xFFFFC000  }
0x70: {  	_ =	swait.ge [sflag:s31], $0x4000  }
0x71: {  	[sflag:s31] =	ssyncset.done $0x0  }
0x72: {  	[sflag:s31] =	ssyncadd.s32 $0xFFFFC000  }
0x73: {  	[spmem:s1] =	stream.indirect.scatter.add.f32 [tilespmem:s28], [sflag:$0x4], $0x80, s11, s23, $0xb8;
	[tilespmem:$0x1C400] =	vst v63  }
0x74: {  	_ =	swait.ge [sflag:s22], $0x100  }
0x75: {  	[sflag:s22] =	ssyncset.done $0x0  }
0x76: {  	[sflag:s22] =	ssyncadd.s32 $0xFFFFFF00  }
0x77: {  	[tilespmem:s20], [sflag:$0x1] =	stream.indirect.gather [hbm4b:s4+s23], $0x80, s18, s23, $0xb8;
	[tilespmem:$0x1C400] =	vst v63  }
0x78: {  	s13 =	sadd.s32 $0xA0, s5  }
0x79: {  	[tilespmem:s19], [sflag:$0x6] =	stream.linear.gather [hbm4b:s13+s3], $0x100, $0x38;
	[tilespmem:$0x1C400] =	vst v63  }
0x7a: {  	_ =	swait.ge [sflag:s24], $0x4000  }
0x7b: {  	[sflag:s24] =	ssyncset.done $0x0  }
0x7c: {  	[sflag:s24] =	ssyncadd.s32 $0xFFFFC000  }
0x7d: {  	_ =	swait.ge [sflag:s8], $0x4000  }
0x7e: {  	[sflag:s8] =	ssyncset.done $0x0  }
0x7f: {  	[sflag:s8] =	ssyncadd.s32 $0xFFFFC000  }
0x80: {  	[spmem:s1] =	stream.indirect.scatter.add.f32 [tilespmem:s20], [sflag:$0x3], $0x80, s25, s23, $0xb8;
	[tilespmem:$0x1C400] =	vst v63  }
0x81: {  	_ =	swait.ge [sflag:s26], $0x100  }
0x82: {  	[sflag:s26] =	ssyncset.done $0x0  }
0x83: {  	[sflag:s26] =	ssyncadd.s32 $0xFFFFFF00  }
0x84: {  	[tilespmem:s28], [sflag:$0x2] =	stream.indirect.gather [hbm4b:s4+s23], $0x80, s19, s23, $0xb8;
	[tilespmem:$0x1C400] =	vst v63  }
0x85: {  	s14 =	sadd.s32 $0x0, s16  }
0x86: {  	[tilespmem:s29], [sflag:$0x7] =	stream.linear.gather [hbm4b:s14+s3], $0x100, $0x38;
	[tilespmem:$0x1C400] =	vst v63  }
0x87: {  	_ =	swait.ge [sflag:s30], $0x4000  }
0x88: {  	[sflag:s30] =	ssyncset.done $0x0  }
0x89: {  	[sflag:s30] =	ssyncadd.s32 $0xFFFFC000  }
0x8a: {  	_ =	swait.ge [sflag:s31], $0x4000  }
0x8b: {  	[sflag:s31] =	ssyncset.done $0x0  }
0x8c: {  	[sflag:s31] =	ssyncadd.s32 $0xFFFFC000  }
0x8d: {  	[spmem:s1] =	stream.indirect.scatter.add.f32 [tilespmem:s28], [sflag:$0x4], $0x80, s0, s23, $0xb8;
	[tilespmem:$0x1C400] =	vst v63  }
0x8e: {  	_ =	swait.ge [sflag:s2], $0x100  }
0x8f: {  	[sflag:s2] =	ssyncset.done $0x0;
	s15 =	rddreg [dreg:$0x3]  }
0x90: {  	s13 =	simm.s32 $0x80;
	[sflag:s2] =	ssyncadd.s32 $0xFFFFFF00;
	s14 =	sadd.s32 $0x0, s15  }
0x91: {  	[tilespmem:s20], [sflag:$0x1] =	stream.indirect.gather [hbm4b:s4+s23], $0x80, s29, s23, $0xb8;
	[tilespmem:$0x1C400] =	vst v63  }
.LBB2_4:
0x92: {  	[tilespmem:s6], [sflag:$0x8] =	stream.linear.gather [hbm4b:s14+s3], $0x100, $0x38;
	[tilespmem:$0x1C400] =	vst v63  }
0x93: {  	_ =	swait.ge [sflag:s24], $0x4000  }
0x94: {  	[sflag:s24] =	ssyncset.done $0x0  }
0x95: {  	[sflag:s24] =	ssyncadd.s32 $0xFFFFC000  }
0x96: {  	_ =	swait.ge [sflag:s8], $0x4000  }
0x97: {  	[sflag:s8] =	ssyncset.done $0x0  }
0x98: {  	[sflag:s8] =	ssyncadd.s32 $0xFFFFC000  }
0x99: {  	[spmem:s1] =	stream.indirect.scatter.add.f32 [tilespmem:s20], [sflag:$0x3], $0x80, s9, s23, $0xb8;
	[tilespmem:$0x1C400] =	vst v63  }
0x9a: {  	_ =	swait.ge [sflag:s10], $0x100  }
0x9b: {  	s14 =	smov.u32 s13;
	[sflag:s10] =	ssyncset.done $0x0  }
0x9c: {  	s15 =	sadd.s32 s14, s17;
	[sflag:s10] =	ssyncadd.s32 $0xFFFFFF00  }
0x9d: {  	[tilespmem:s28], [sflag:$0x2] =	stream.indirect.gather [hbm4b:s4+s23], $0x80, s6, s23, $0xb8;
	[tilespmem:$0x1C400] =	vst v63  }
0x9e: {  	s5 =	sadd.s32 $0x80, s15  }
0x9f: {  	[tilespmem:s18], [sflag:$0x5] =	stream.linear.gather [hbm4b:s5+s3], $0x100, $0x38;
	[tilespmem:$0x1C400] =	vst v63  }
0xa0: {  	_ =	swait.ge [sflag:s30], $0x4000  }
0xa1: {  	[sflag:s30] =	ssyncset.done $0x0  }
0xa2: {  	[sflag:s30] =	ssyncadd.s32 $0xFFFFC000  }
0xa3: {  	_ =	swait.ge [sflag:s31], $0x4000  }
0xa4: {  	[sflag:s31] =	ssyncset.done $0x0  }
0xa5: {  	[sflag:s31] =	ssyncadd.s32 $0xFFFFC000  }
0xa6: {  	[spmem:s1] =	stream.indirect.scatter.add.f32 [tilespmem:s28], [sflag:$0x4], $0x80, s11, s23, $0xb8;
	[tilespmem:$0x1C400] =	vst v63  }
0xa7: {  	_ =	swait.ge [sflag:s22], $0x100  }
0xa8: {  	[sflag:s22] =	ssyncset.done $0x0  }
0xa9: {  	[sflag:s22] =	ssyncadd.s32 $0xFFFFFF00  }
0xaa: {  	[tilespmem:s20], [sflag:$0x1] =	stream.indirect.gather [hbm4b:s4+s23], $0x80, s18, s23, $0xb8;
	[tilespmem:$0x1C400] =	vst v63  }
0xab: {  	s15 =	sadd.s32 $0xA0, s15  }
0xac: {  	[tilespmem:s19], [sflag:$0x6] =	stream.linear.gather [hbm4b:s15+s3], $0x100, $0x38;
	[tilespmem:$0x1C400] =	vst v63  }
0xad: {  	_ =	swait.ge [sflag:s24], $0x4000  }
0xae: {  	[sflag:s24] =	ssyncset.done $0x0  }
0xaf: {  	[sflag:s24] =	ssyncadd.s32 $0xFFFFC000  }
0xb0: {  	_ =	swait.ge [sflag:s8], $0x4000  }
0xb1: {  	[sflag:s8] =	ssyncset.done $0x0  }
0xb2: {  	[sflag:s8] =	ssyncadd.s32 $0xFFFFC000  }
0xb3: {  	[spmem:s1] =	stream.indirect.scatter.add.f32 [tilespmem:s20], [sflag:$0x3], $0x80, s25, s23, $0xb8;
	[tilespmem:$0x1C400] =	vst v63  }
0xb4: {  	_ =	swait.ge [sflag:s26], $0x100  }
0xb5: {  	[sflag:s26] =	ssyncset.done $0x0  }
0xb6: {  	[sflag:s26] =	ssyncadd.s32 $0xFFFFFF00  }
0xb7: {  	[tilespmem:s28], [sflag:$0x2] =	stream.indirect.gather [hbm4b:s4+s23], $0x80, s19, s23, $0xb8;
	[tilespmem:$0x1C400] =	vst v63  }
0xb8: {  	s15 =	sadd.s32 s14, s16  }
0xb9: {  	[tilespmem:s29], [sflag:$0x7] =	stream.linear.gather [hbm4b:s15+s3], $0x100, $0x38;
	[tilespmem:$0x1C400] =	vst v63  }
0xba: {  	_ =	swait.ge [sflag:s30], $0x4000  }
0xbb: {  	[sflag:s30] =	ssyncset.done $0x0  }
0xbc: {  	[sflag:s30] =	ssyncadd.s32 $0xFFFFC000  }
0xbd: {  	_ =	swait.ge [sflag:s31], $0x4000  }
0xbe: {  	[sflag:s31] =	ssyncset.done $0x0  }
0xbf: {  	p0 =	sne.s32 s13, $0x900;
	[sflag:s31] =	ssyncadd.s32 $0xFFFFC000  }
0xc0: {  	[spmem:s1] =	stream.indirect.scatter.add.f32 [tilespmem:s28], [sflag:$0x4], $0x80, s0, s23, $0xb8;
	[tilespmem:$0x1C400] =	vst v63  }
.Ltmp1:
0xc1: {  	_ = 	snop;
	(pc) =	sbr.rel @p0 .LBB2_4-.Ltmp1, $4  }
0xc2: {  	_ =	swait.ge [sflag:s2], $0x100  }
0xc3: {  	[sflag:s2] =	ssyncset.done $0x0;
	s15 =	rddreg [dreg:$0x3]  }
0xc4: {  	s13 =	sadd.s32 $0x80, s13;
	[sflag:s2] =	ssyncadd.s32 $0xFFFFFF00;
	s14 =	sadd.s32 s14, s15  }
0xc5: {  	[tilespmem:s20], [sflag:$0x1] =	stream.indirect.gather [hbm4b:s4+s23], $0x80, s29, s23, $0xb8;
	[tilespmem:$0x1C400] =	vst v63  }
0xc6: {  	[tilespmem:s6], [sflag:$0x8] =	stream.linear.gather [hbm4b:s14+s3], $0x100, $0x38;
	[tilespmem:$0x1C400] =	vst v63  }
0xc7: {  	_ =	swait.ge [sflag:s24], $0x4000  }
0xc8: {  	[sflag:s24] =	ssyncset.done $0x0  }
0xc9: {  	[sflag:s24] =	ssyncadd.s32 $0xFFFFC000  }
0xca: {  	_ =	swait.ge [sflag:s8], $0x4000  }
0xcb: {  	[sflag:s8] =	ssyncset.done $0x0  }
0xcc: {  	[sflag:s8] =	ssyncadd.s32 $0xFFFFC000  }
0xcd: {  	[spmem:s1] =	stream.indirect.scatter.add.f32 [tilespmem:s20], [sflag:$0x3], $0x80, s9, s23, $0xb8;
	[tilespmem:$0x1C400] =	vst v63  }
0xce: {  	_ =	swait.ge [sflag:s10], $0x100  }
0xcf: {  	[sflag:s10] =	ssyncset.done $0x0  }
0xd0: {  	[sflag:s10] =	ssyncadd.s32 $0xFFFFFF00  }
0xd1: {  	[tilespmem:s28], [sflag:$0x2] =	stream.indirect.gather [hbm4b:s4+s23], $0x80, s6, s23, $0xb8;
	[tilespmem:$0x1C400] =	vst v63  }
0xd2: {  	_ =	swait.ge [sflag:s30], $0x4000  }
0xd3: {  	[sflag:s30] =	ssyncset.done $0x0  }
0xd4: {  	[sflag:s30] =	ssyncadd.s32 $0xFFFFC000  }
0xd5: {  	_ =	swait.ge [sflag:s31], $0x4000  }
0xd6: {  	[sflag:s31] =	ssyncset.done $0x0  }
0xd7: {  	[sflag:s31] =	ssyncadd.s32 $0xFFFFC000  }
0xd8: {  	[spmem:s1] =	stream.indirect.scatter.add.f32 [tilespmem:s28], [sflag:$0x4], $0x80, s11, s23, $0xb8;
	[tilespmem:$0x1C400] =	vst v63  }
0xd9: {  	_ =	swait.ge [sflag:s8], $0x4000  }
0xda: {  	[sflag:s8] =	ssyncset.done $0x0  }
0xdb: {  	s5 =	stileid.u32;
	[sflag:s8] =	ssyncadd.s32 $0xFFFFC000  }
0xdc: {  	s5 =	sshll.u32 s5, $0x6;
	[bflag:$0x0] =	sbarrier.arrive $0xFFFF  }
0xdd: {  	s13 =	sshrl.u32 s7, $0x3;
	s5 =	sor.u32 $0x1C09, s5;
	s15 =	rddreg [dreg:$0x8]  }
0xde: {  	[hbm:s15], [sflag:s5] =	dma.local [spmem:s13], $0x2800  }
0xdf: {  	_ =	swait.ge [sflag:s21], $0x2800  }
0xe0: {  	s12 =	sadd.s32 $0x1, s12;
	s15 =	rddreg [dreg:$0x9]  }
0xe1: {  	p0 =	sne.s32 s12, s15  }
.Ltmp2:
0xe2: {  	_ = 	snop;
	(pc) =	sbr.rel @p0 .LBB2_1-.Ltmp2, $3  }
0xe3: {  	_ =	sdelay $0x1  }
0xe4: {  	[sflag:s21] =	ssyncset.done $0x0  }
0xe5: {  	[sflag:s21] =	ssyncadd.s32 $0xFFFFD800  }
0xe6: {  	_ =	sfence.sel $0x180000  }
0xe7: {  	[bflag:$0x0] =	sbarrier.arrive $0xFFFF  }
0xe8: {  	_ =	strace $0x9000004D  }
0xe9: {  	s0 =	stileid.u32;
	[bflag:$0x2] =	sbarrier.arrive $0xFFFF  }
0xea: {  	p0 =	sne.s32 s0, $0x0;
	s0 =	rddreg [dreg:$0x2]  }
0xeb: {  	s0 =	sadd.s32 @!p0 $0x100000, s0  }
0xec: {  	[sflag:s0] =	ssyncadd.tile.s32 @!p0 $0x1;
	_ =	shalt  }
.Lfunc_end2:
_tile_overlayer_lowered:
.L_overlay_start_2:
0xed: {  	(tag) =	ssettag $0x2  }
0xee: {  	s0 =	rddreg [dreg:$0x0];
	s2 =	stileid.u32  }
0xef: {  	s1 =	rddreg [dreg:$0x1];
	p0 =	sne.s32 s2, $0x0  }
0xf0: {  	s3 =	rddreg [dreg:$0x2];
	[bflag:$0x3] =	sbarrier.arrive $0xFFFF;
	s2 =	simm.s32 @!p0 $0x1C09  }
0xf1: {  	[timem:s3], [sflag:s2] =	dma.local @!p0 [hbm:s0], s1  }
0xf2: {  	s0 =	simm.s32 @!p0 $0x9  }
0xf3: {  	_ =	swait.ge @!p0 [sflag:s0], s1  }
0xf4: {  	s1 =	ssub.s32 @!p0 $0x0, s1;
	[sflag:s0] =	ssyncset.done @!p0 $0x0  }
0xf5: {  	[sflag:s0] =	ssyncadd.s32 @!p0 s1  }
0xf6: {  	[bflag:$0x3] =	sbarrier.arrive $0xFFFF  }
0xf7: {  	_ =	shalt  }

// kernel: kernel.27.cloned.1.call-start
scs
__scs_entry_jumppad:
0x0: {  	(pc) =	sbr.rel $0x88, $3  }
0x1: {  	(tag) =	ssettag $0x0;
	lr =	simm.s32 $0x1  }
0x2: {  	[smem:$0x3F80] =	sst lr;
	_ =	strace $0xD0000000  }
0x3: {  	_ = 	snop  }
0x4: {  	_ = 	snop  }
0x5: {  	_ = 	snop  }
0x6: {  	_ = 	snop  }
0x7: {  	_ = 	snop  }
__scs_overlays_trampoline_lowered:
0x8: {  	[smem:$0x3F8F] =	sst s0  }
0x9: {  	[smem:$0x3F90] =	sst s1  }
0xa: {  	[smem:$0x3F91] =	sst s2  }
0xb: {  	[smem:$0x3F92] =	sst s3  }
0xc: {  	[smem:$0x3F93] =	sst s4  }
0xd: {  	[smem:$0x3F94] =	sst s5  }
0xe: {  	[smem:$0x3F95] =	sst s6  }
0xf: {  	[smem:$0x3F96] =	sst s7  }
0x10: {  	[smem:$0x3F97] =	sst s8  }
0x11: {  	[smem:$0x3F98] =	sst s9;
	s0 =	simm.s32 @!p0 $0x0  }
0x12: {  	s1 =	sld [smem:$0x3F7E];
	s0 =	simm.s32 @p0 $0x1  }
0x13: {  	[smem:$0x3F99] =	sst s0;
	s0 =	simm.s32 @!p1 $0x0  }
0x14: {  	s2 =	sld [smem:$0x3F7D];
	s0 =	simm.s32 @p1 $0x1  }
0x15: {  	[smem:$0x3F9A] =	sst s0;
	s0 =	simm.s32 @!p2 $0x0  }
0x16: {  	s3 =	sld [smem:$0x3FDB];
	s0 =	simm.s32 @p2 $0x1  }
0x17: {  	s4 =	simm.s32 $0x1BF5;
	[smem:$0x3F9C] =	sst s0  }
0x18: {  	s0 =	sld [smem:$0x3F7F];
	_ =	swait.ge [sflag:s4], $0x0  }
0x19: {  	s7 =	sld [smem:$0x3F80]  }
0x1a: {  	s8 =	sadd.s32 $0xFFFFE003, lr  }
0x1b: {  	s9 =	sadd.s32 $0xFFFFFEF7, lr;
	s5 =	simm.s32 $0xFFFFFFFF;
	p2 =	slt.u32 s8, $0xFFFFF086  }
0x1c: {  	p1 =	slt.u32 s9, $0xF7A;
	s5 =	simm.s32 @!p2 $0x0  }
0x1d: {  	s5 =	simm.s32 @p1 $0x1;
	p0 =	seq.s32 s7, s2  }
0x1e: {  	s7 =	smul.u32 @!p0 $0xF7A, s2;
	p2 =	seq.s32 @!p0 s5, $0x0  }
0x1f: {  	s9 =	smul.u32 $0xF7A, s1;
	s8 =	simm.s32 @!p0 $0x1BF5;
	p2 =	por !p2, p0  }
0x20: {  	[sflag:s8] =	ssyncset.s32 @!p0 $0xFFFFF086;
	s6 =	sadd.s32 @!p0 s3, s7;
	s7 =	simm.s32 @!p0 $0x108  }
0x21: {  	s3 =	sadd.s32 s3, s9;
	s6 =	sadd.s32 @!p0 $0x88, s6;
	s7 =	simm.s32 @p2 $0x1082  }
0x22: {  	[simem:s7], [sflag:s8] =	dma.local @!p0 [hbm:s6], $0xF7A  }
0x23: {  	s9 =	sor.u32 $0xD0000000, s2;
	s6 =	simm.s32 $0x108;
	_ =	swait.ge @!p0 [sflag:s8], $0x0  }
0x24: {  	s3 =	sadd.s32 $0x88, s3;
	s6 =	simm.s32 @!p1 $0x1082;
	[sflag:s4] =	ssyncset.s32 $0xFFFFF086  }
0x25: {  	[simem:s6], [sflag:s4] =	dma.local [hbm:s3], $0xF7A  }
0x26: {  	[smem:$0x3F80] =	sst s1;
	(tag) =	ssettag s2;
	_ =	strace s9  }
0x27: {  	s1 =	sld [smem:$0x3F90]  }
0x28: {  	s2 =	sld [smem:$0x3F91]  }
0x29: {  	s4 =	sld [smem:$0x3F93]  }
0x2a: {  	p0 =	seq.s32 s5, $0x0;
	s5 =	sld [smem:$0x3F94]  }
0x2b: {  	s6 =	sld [smem:$0x3F95]  }
0x2c: {  	s7 =	sld [smem:$0x3F96]  }
0x2d: {  	s3 =	simm.s32 $0x108;
	s8 =	sld [smem:$0x3F97]  }
0x2e: {  	s3 =	simm.s32 @!p0 $0x1082;
	s9 =	sld [smem:$0x3F98]  }
0x2f: {  	lr =	sadd.s32 s0, s3;
	s0 =	sld [smem:$0x3F8F]  }
0x30: {  	s3 =	sld [smem:$0x3F92]  }
0x31: {  	[smem:$0x3F9B] =	sst s10  }
0x32: {  	s10 =	sld [smem:$0x3F99];
	_ =	sdelay $0x3  }
0x33: {  	p0 =	seq.s32 s10, $0x1;
	s10 =	sld [smem:$0x3F9B];
	_ =	sdelay $0x3  }
0x34: {  	[smem:$0x3F9B] =	sst s10  }
0x35: {  	s10 =	sld [smem:$0x3F9A];
	_ =	sdelay $0x3  }
0x36: {  	p1 =	seq.s32 s10, $0x1;
	s10 =	sld [smem:$0x3F9B];
	_ =	sdelay $0x3  }
0x37: {  	[smem:$0x3F9B] =	sst s10  }
0x38: {  	s10 =	sld [smem:$0x3F9C]  }
0x39: {  	_ = 	snop;
	(pc) =	sbr.ind lr, $3  }
0x3a: {  	_ = 	snop  }
0x3b: {  	_ = 	snop  }
0x3c: {  	p2 =	seq.s32 s10, $0x1;
	s10 =	sld [smem:$0x3F9B]  }
0x3d: {  	_ =	shalt  }
0x3e: {  	_ =	shalt  }
0x3f: {  	_ =	shalt  }
0x40: {  	_ =	shalt  }
0x41: {  	_ =	shalt  }
0x42: {  	_ =	shalt  }
0x43: {  	_ =	shalt  }
0x44: {  	_ =	shalt  }
0x45: {  	_ =	shalt  }
0x46: {  	_ =	shalt  }
0x47: {  	_ =	shalt  }
0x48: {  	_ =	shalt  }
0x49: {  	_ =	shalt  }
0x4a: {  	_ =	shalt  }
0x4b: {  	_ =	shalt  }
0x4c: {  	_ =	shalt  }
0x4d: {  	_ =	shalt  }
0x4e: {  	_ =	shalt  }
0x4f: {  	_ =	shalt  }
0x50: {  	_ =	shalt  }
0x51: {  	_ =	shalt  }
0x52: {  	_ =	shalt  }
0x53: {  	_ =	shalt  }
0x54: {  	_ =	shalt  }
0x55: {  	_ =	shalt  }
0x56: {  	_ =	shalt  }
0x57: {  	_ =	shalt  }
0x58: {  	_ =	shalt  }
0x59: {  	_ =	shalt  }
0x5a: {  	_ =	shalt  }
0x5b: {  	_ =	shalt  }
0x5c: {  	_ =	shalt  }
0x5d: {  	_ =	shalt  }
0x5e: {  	_ =	shalt  }
0x5f: {  	_ =	shalt  }
0x60: {  	_ =	shalt  }
0x61: {  	_ =	shalt  }
0x62: {  	_ =	shalt  }
0x63: {  	_ =	shalt  }
0x64: {  	_ =	shalt  }
0x65: {  	_ =	shalt  }
0x66: {  	_ =	shalt  }
0x67: {  	_ =	shalt  }
0x68: {  	_ =	shalt  }
0x69: {  	_ =	shalt  }
0x6a: {  	_ =	shalt  }
0x6b: {  	_ =	shalt  }
0x6c: {  	_ =	shalt  }
0x6d: {  	_ =	shalt  }
0x6e: {  	_ =	shalt  }
0x6f: {  	_ =	shalt  }
0x70: {  	_ =	shalt  }
0x71: {  	_ =	shalt  }
0x72: {  	_ =	shalt  }
0x73: {  	_ =	shalt  }
0x74: {  	_ =	shalt  }
0x75: {  	_ =	shalt  }
0x76: {  	_ =	shalt  }
0x77: {  	_ =	shalt  }
0x78: {  	_ =	shalt  }
0x79: {  	_ =	shalt  }
0x7a: {  	_ =	shalt  }
0x7b: {  	_ =	shalt  }
0x7c: {  	_ =	shalt  }
0x7d: {  	_ =	shalt  }
0x7e: {  	_ =	shalt  }
0x7f: {  	_ =	shalt  }
0x80: {  	_ =	shalt  }
0x81: {  	_ =	shalt  }
0x82: {  	_ =	shalt  }
0x83: {  	_ =	shalt  }
0x84: {  	_ =	shalt  }
0x85: {  	_ =	shalt  }
0x86: {  	_ =	shalt  }
0x87: {  	_ =	shalt  }
.Lfunc_end0:
.L_simem_size_0:
called_computation.3_lowered:
.L_overlay_start_0:
0x88: {  	s2 =	sld [smem:$0x3FD9]  }
0x89: {  	s3 =	sld [smem:$0x3FFE];
	_ =	sdelay $0x1  }
0x8a: {  	s1 =	srdreg.scid  }
0x8b: {  	s0 =	sand.u32 $0x1, s1  }
0x8c: {  	s16 =	sshll.u32 s0, $0xA;
	s2 =	sadd.s32 s3, s2  }
0x8d: {  	s2 =	sadd.s32 s2, s16  }
0x8e: {  	[smem:$0x3FA7] =	sst s2  }
0x8f: {  	_ = 	snop  }
0x90: {  	(tm) =	ssettm $0x1  }
0x91: {  	s17 =	sld [smem:$0x3FFB];
	_ =	sdelay $0x3  }
0x92: {  	_ =	strace s17  }
0x93: {  	s2 =	sld [smem:$0x3FFC];
	_ =	sdelay $0x3  }
0x94: {  	_ =	strace s2  }
0x95: {  	s2 =	sld [smem:$0x3FFD];
	_ =	sdelay $0x3  }
0x96: {  	_ =	strace s2  }
0x97: {  	_ =	strace $0x8FFFFFFF  }
0x98: {  	s18 =	sld [smem:$0x3FDB];
	_ =	sdelay $0x1  }
0x99: {  	s19 =	simm.s32 $_scs_section_size  }
0x9a: {  	s4 =	simm.s32 $_size__tile_overlayer_lowered;
	s5 =	simm.s32 $_tile_overlayer_lowered  }
0x9b: {  	s22 =	simm.s32 $0x1BFF;
	s21 =	sshll.u32 s5, $0x1;
	s2 =	sadd.s32 s19, s18  }
0x9c: {  	s6 =	simm.s32 $0x0;
	s20 =	sshll.u32 s4, $0x1;
	s4 =	sadd.s32 s21, s2  }
0x9d: {  	[timem:s6], [sflag:s22] =	dma.local [hbm:s4], s20  }
0x9e: {  	_ =	swait.ge [sflag:s22], s20  }
0x9f: {  	s3 =	ssub.s32 $0x0, s20;
	[sflag:s22] =	ssyncset.done $0x0  }
0xa0: {  	[sflag:s22] =	ssyncadd.s32 s3;
	_ =	sdelay $0x1  }
0xa1: {  	s23 =	simm.s32 $0x1B8B  }
0xa2: {  	_ =	swait.ge [sflag:s23], $0x1  }
0xa3: {  	[sflag:s23] =	ssyncset.done $0x0  }
0xa4: {  	s25 =	simm.s32 $0x1B8E;
	s24 =	sld [smem:$0x3FFE];
	[sflag:s23] =	ssyncadd.s32 $0xFFFFFFFF  }
0xa5: {  	s26 =	simm.s32 $execute0_lowered;
	[smem:$0x3FD2] =	sst s25  }
0xa6: {  	s4 =	sshll.u32 s26, $0x1;
	_ =	strace $0x8000004F;
	[dreg:$0x1] =	wrdreg $0xFFFFFFFF  }
0xa7: {  	s28 =	simm.s32 $_size_execute0_lowered;
	s2 =	sadd.s32 s2, s4;
	[dreg:$0x0] =	wrdreg $0x0  }
0xa8: {  	s4 =	sshll.u32 s28, $0x1;
	[dreg:$0x2] =	wrdreg s2  }
0xa9: {  	[dreg:$0x3] =	wrdreg s4  }
0xaa: {  	[dreg:$0x4] =	wrdreg $0xC0  }
0xab: {  	_ =	task [dreg:s6], $0x5FFFF  }
0xac: {  	[dreg:$0x1] =	wrdreg $0xFFFFFFFF  }
0xad: {  	[dreg:$0x0] =	wrdreg $0x60  }
0xae: {  	[dreg:$0x2] =	wrdreg s24  }
0xaf: {  	[dreg:$0x3] =	wrdreg $0x0  }
0xb0: {  	[dreg:$0x4] =	wrdreg $0x9  }
0xb1: {  	_ =	task.clear_ibuf [dreg:s6], $0x5FFFF;
	_ =	strace $0x9000004F  }
0xb2: {  	s29 =	simm.s32 $0x9;
	_ =	strace $0x80000051  }
0xb3: {  	_ =	swait.ge [sflag:s29], $0x1  }
0xb4: {  	[sflag:s29] =	ssyncadd.s32 $0xFFFFFFFF  }
0xb5: {  	_ =	strace $0x90000051  }
0xb6: {  	_ =	sfence  }
0xb7: {  	s30 =	sld [smem:$0x0];
	_ =	sdelay $0x2  }
0xb8: {  	s31 =	sshll.u32 s1, $0xD;
	s1 =	sshrl.u32 s1, $0x2  }
0xb9: {  	s3 =	sand.u32 $0x4000, s31;
	s1 =	sadd.s32 s1, s30  }
0xba: {  	s0 =	sor.u32 s3, s0;
	s1 =	sshll.u32 s1, $0x11  }
0xbb: {  	s0 =	sor.u32 s1, s0  }
0xbc: {  	s0 =	sadd.s32 $0x8F2B, s0  }
0xbd: {  	[sflag:s0] =	ssyncadd.remote.s32 $0x1  }
0xbe: {  	_ =	sfence.sel $0xFFFF  }
0xbf: {  	[dreg:$0x0] =	wrdreg $0xFFFFFFFF;
	(pc) =	sbr.abs _section_cstart, $3  }
0xc0: {  	[dreg:$0x1] =	wrdreg $0xFFFFFFFF  }
0xc1: {  	_ =	task.clear_ibuf [dreg:s6], $0x2FFFF;
	_ =	strace $0x9FFFFFFF  }
0xc2: {  	(tm) =	ssettm $0x7FFFFFFF  }
0xc3: {  	_ =	shalt  }
tec
execute0_lowered:
.L_overlay_start_1:
0x0: {  	(tag) =	ssettag $0x1  }
0x1: {  	s0 =	rddreg [dreg:$0x0];
	s13 =	stileid.u32  }
0x2: {  	s1 =	rddreg [dreg:$0x1];
	s6 =	smul.u32 $0x14000, s13  }
0x3: {  	s2 =	srdreg.scid;
	s3 =	simm.s32 $0x0;
	s11 =	smul.u32 $0x50000, s13  }
0x4: {  	s28 =	simm.s32 $0x18000;
	s29 =	simm.s32 $0x1C200;
	s16 =	smul.u32 $0xA0, s13  }
0x5: {  	s30 =	simm.s32 $0x2;
	s2 =	sand.u32 $0x1, s2;
	s23 =	smul.u32 $0x1400, s13  }
0x6: {  	s31 =	simm.s32 $0x3;
	[smem:$0x7FF] =	sst s3;
	s5 =	smul.u32 $0x140000, s2  }
0x7: {  	s4 =	sshll.u32 s13, $0x1;
	s8 =	sadd.s32 $0x6C00, s0;
	s17 =	smul.u32 $0x50, s2  }
0x8: {  	s7 =	sor.u32 s2, s4;
	s9 =	ssub.s32 $0x2, s2;
	s2 =	smul.u32 $0xA00, s2  }
0x9: {  	_ =	strace $0x80000050;
	s4 =	sadd.s32 $0x1AC00, s0;
	s24 =	smul.u32 $0xA00, s7  }
0xa: {  	s10 =	sshrl.u32 s9, $0x1;
	s15 =	sshrl.u32 s11, $0x2;
	s11 =	simm.s32 $0x1C380  }
0xb: {  	s5 =	sadd.s32 s6, s5;
	s9 =	ssub.s32 s9, s10;
	s7 =	sadd.s32 s15, s1  }
0xc: {  	s25 =	sshrl.u32 s5, $0x3;
	s26 =	sadd.s32 s8, s24;
	s19 =	smax.u32 s9, $0x1  }
0xd: {  	s20 =	sadd.s32 $0x4000, s7;
	s21 =	sadd.s32 $0x8000, s7;
	[dreg:$0x4] =	wrdreg s26  }
0xe: {  	s22 =	sadd.s32 $0xC000, s7;
	s9 =	simm.s32 $0x1C280;
	[dreg:$0x9] =	wrdreg s19  }
0xf: {  	s12 =	sadd.s32 s25, s0;
	s14 =	sadd.s32 $0x20, s26;
	[dreg:$0xa] =	wrdreg s20  }
0x10: {  	s0 =	sadd.s32 $0x6C40, s0;
	s5 =	sadd.s32 $0x60, s26;
	[dreg:$0xb] =	wrdreg s21  }
0x11: {  	[dreg:$0xc] =	wrdreg s22;
	s26 =	sadd.s32 s23, s8;
	s19 =	simm.s32 $0x1C100  }
0x12: {  	s20 =	simm.s32 $0x14000;
	s21 =	simm.s32 $0x9;
	[dreg:$0x5] =	wrdreg s14  }
0x13: {  	s22 =	simm.s32 $0x5;
	s6 =	sadd.s32 s24, s0;
	[dreg:$0x7] =	wrdreg s5  }
0x14: {  	s23 =	simm.s32 $0x80;
	s18 =	sadd.s32 $0x41E00, s12;
	[dreg:$0x6] =	wrdreg s6  }
0x15: {  	s24 =	sadd.s32 $0x10000, s7;
	s12 =	simm.s32 $0x0;
	[dreg:$0x8] =	wrdreg s18  }
0x16: {  	s6 =	sadd.s32 s17, s16;
	[dreg:$0xd] =	wrdreg s24;
	s17 =	sadd.s32 s2, s26  }
0x17: {  	s18 =	simm.s32 $0x1C000;
	s24 =	simm.s32 $0x1;
	s6 =	sshll.u32 s6, $0x5  }
0x18: {  	s26 =	simm.s32 $0x6;
	s2 =	simm.s32 $0x7;
	s25 =	sadd.s32 s6, s8  }
0x19: {  	s0 =	sadd.s32 s6, s0;
	s6 =	simm.s32 $0x1C300;
	s8 =	simm.s32 $0x4  }
0x1a: {  	s10 =	sadd.s32 $0xE0, s25;
	s16 =	sadd.s32 $0x80, s0;
	s25 =	simm.s32 $0x1C080  }
0x1b: {  	v0 =	vimm.f32 $0.0e+00;
	s0 =	simm.s32 $0x1C180;
	[dreg:$0x3] =	wrdreg s10;
	s10 =	simm.s32 $0x8  }
.LBB2_1:
0x1c: {  	s5 =	rddreg [dreg:$0x4]  }
0x1d: {  	[tilespmem:s18], [sflag:$0x5] =	stream.linear.gather [hbm4b:s5+s3], $0x100, $0x38;
	[tilespmem:$0x1C400] =	vst v63  }
0x1e: {  	s15 =	rddreg [dreg:$0x5];
	s13 =	simm.s32 $0x0;
	s14 =	simm.s32 $0x200  }
0x1f: {  	[tilespmem:s19], [sflag:$0x6] =	stream.linear.gather [hbm4b:s15+s3], $0x100, $0x38;
	[tilespmem:$0x1C400] =	vst v63  }
.LBB2_2:
0x20: {  	p0 =	sne.s32 s14, $0xFE00;
	[tilespmem:s13+$0x14070] =	vst v0  }
0x21: {  	[tilespmem:s13+$0x14000] =	vst v0  }
0x22: {  	[tilespmem:s13+$0x14010] =	vst v0  }
.Ltmp0:
0x23: {  	[tilespmem:s13+$0x14020] =	vst v0;
	(pc) =	sbr.rel @p0 .LBB2_2-.Ltmp0, $4  }
0x24: {  	[tilespmem:s13+$0x14030] =	vst v0  }
0x25: {  	[tilespmem:s13+$0x14040] =	vst v0  }
0x26: {  	[tilespmem:s13+$0x14050] =	vst v0  }
0x27: {  	[tilespmem:s13+$0x14060] =	vst v0;
	s13 =	sshra.s32 s14, $0x2;
	s14 =	sadd.s32 $0x200, s14  }
0x28: {  	[tilespmem:s13+$0x14070] =	vst v0  }
0x29: {  	[tilespmem:s13+$0x14000] =	vst v0  }
0x2a: {  	[tilespmem:s13+$0x14010] =	vst v0  }
0x2b: {  	[tilespmem:s13+$0x14020] =	vst v0  }
0x2c: {  	[tilespmem:s13+$0x14030] =	vst v0  }
0x2d: {  	[tilespmem:s13+$0x14040] =	vst v0  }
0x2e: {  	[tilespmem:s13+$0x14050] =	vst v0  }
0x2f: {  	[tilespmem:s13+$0x14060] =	vst v0  }
0x30: {  	[spmem:s7] =	stream.linear.scatter [tilespmem:s20], [sflag:$0x9], $0x4000, $0x38;
	[tilespmem:$0x1C400] =	vst v63  }
0x31: {  	_ =	swait.ge [sflag:s21], $0x4000  }
0x32: {  	[sflag:s21] =	ssyncset.done $0x0  }
0x33: {  	s5 =	rddreg [dreg:$0xa];
	[sflag:s21] =	ssyncadd.s32 $0xFFFFC000  }
0x34: {  	[spmem:s5] =	stream.linear.scatter [tilespmem:s20], [sflag:$0x9], $0x4000, $0x38;
	[tilespmem:$0x1C400] =	vst v63  }
0x35: {  	_ =	swait.ge [sflag:s21], $0x4000  }
0x36: {  	[sflag:s21] =	ssyncset.done $0x0  }
0x37: {  	s14 =	rddreg [dreg:$0xb];
	[sflag:s21] =	ssyncadd.s32 $0xFFFFC000  }
0x38: {  	[spmem:s14] =	stream.linear.scatter [tilespmem:s20], [sflag:$0x9], $0x4000, $0x38;
	[tilespmem:$0x1C400] =	vst v63  }
0x39: {  	_ =	swait.ge [sflag:s21], $0x4000  }
0x3a: {  	[sflag:s21] =	ssyncset.done $0x0  }
0x3b: {  	s15 =	rddreg [dreg:$0xc];
	[sflag:s21] =	ssyncadd.s32 $0xFFFFC000  }
0x3c: {  	[spmem:s15] =	stream.linear.scatter [tilespmem:s20], [sflag:$0x9], $0x4000, $0x38;
	[tilespmem:$0x1C400] =	vst v63  }
0x3d: {  	_ =	swait.ge [sflag:s21], $0x4000  }
0x3e: {  	[sflag:s21] =	ssyncset.done $0x0  }
0x3f: {  	s13 =	rddreg [dreg:$0xd];
	[sflag:s21] =	ssyncadd.s32 $0xFFFFC000  }
0x40: {  	[spmem:s13] =	stream.linear.scatter [tilespmem:s20], [sflag:$0x9], $0x4000, $0x38;
	[tilespmem:$0x1C400] =	vst v63  }
0x41: {  	_ =	swait.ge [sflag:s21], $0x4000  }
0x42: {  	[sflag:s21] =	ssyncset.done $0x0  }
0x43: {  	[sflag:s21] =	ssyncadd.s32 $0xFFFFC000  }
0x44: {  	_ =	swait.ge [sflag:s22], $0x100  }
0x45: {  	[sflag:s22] =	ssyncset.done $0x0  }
0x46: {  	[sflag:s22] =	ssyncadd.s32 $0xFFFFFF00  }
0x47: {  	[tilespmem:s20], [sflag:$0x1] =	stream.indirect.gather [hbm4b:s4+s23], $0x80, s18, s23, $0xb8;
	[tilespmem:$0x1C400] =	vst v63  }
0x48: {  	[bflag:$0x0] =	sbarrier.arrive $0xFFFF  }
0x49: {  	_ =	swait.ge [sflag:s24], $0x4000  }
0x4a: {  	[sflag:s24] =	ssyncset.done $0x0  }
0x4b: {  	[sflag:s24] =	ssyncadd.s32 $0xFFFFC000  }
0x4c: {  	[spmem:s1] =	stream.indirect.scatter.add.f32 [tilespmem:s20], [sflag:$0x3], $0x80, s25, s23, $0xb8;
	[tilespmem:$0x1C400] =	vst v63  }
0x4d: {  	_ =	swait.ge [sflag:s26], $0x100  }
0x4e: {  	[sflag:s26] =	ssyncset.done $0x0  }
0x4f: {  	[sflag:s26] =	ssyncadd.s32 $0xFFFFFF00  }
0x50: {  	[tilespmem:s28], [sflag:$0x2] =	stream.indirect.gather [hbm4b:s4+s23], $0x80, s19, s23, $0xb8;
	[tilespmem:$0x1C400] =	vst v63  }
0x51: {  	s13 =	simm.s32 $0x0;
	s14 =	rddreg [dreg:$0x6]  }
0x52: {  	[tilespmem:s29], [sflag:$0x7] =	stream.linear.gather [hbm4b:s14+s13], $0x100, $0x38;
	[tilespmem:$0x1C400] =	vst v63  }
0x53: {  	_ =	swait.ge [sflag:s30], $0x4000  }
0x54: {  	[sflag:s30] =	ssyncset.done $0x0  }
0x55: {  	[sflag:s30] =	ssyncadd.s32 $0xFFFFC000  }
0x56: {  	_ =	swait.ge [sflag:s31], $0x4000  }
0x57: {  	[sflag:s31] =	ssyncset.done $0x0  }
0x58: {  	[sflag:s31] =	ssyncadd.s32 $0xFFFFC000  }
0x59: {  	[spmem:s1] =	stream.indirect.scatter.add.f32 [tilespmem:s28], [sflag:$0x4], $0x80, s0, s23, $0xb8;
	[tilespmem:$0x1C400] =	vst v63  }
0x5a: {  	_ =	swait.ge [sflag:s2], $0x100  }
0x5b: {  	[sflag:s2] =	ssyncset.done $0x0  }
0x5c: {  	[sflag:s2] =	ssyncadd.s32 $0xFFFFFF00  }
0x5d: {  	[tilespmem:s20], [sflag:$0x1] =	stream.indirect.gather [hbm4b:s4+s23], $0x80, s29, s23, $0xb8;
	[tilespmem:$0x1C400] =	vst v63  }
0x5e: {  	s15 =	rddreg [dreg:$0x7]  }
0x5f: {  	[tilespmem:s6], [sflag:$0x8] =	stream.linear.gather [hbm4b:s15+s13], $0x100, $0x38;
	[tilespmem:$0x1C400] =	vst v63  }
0x60: {  	_ =	swait.ge [sflag:s24], $0x4000  }
0x61: {  	[sflag:s24] =	ssyncset.done $0x0  }
0x62: {  	[sflag:s24] =	ssyncadd.s32 $0xFFFFC000  }
0x63: {  	_ =	swait.ge [sflag:s8], $0x4000  }
0x64: {  	[sflag:s8] =	ssyncset.done $0x0  }
0x65: {  	[sflag:s8] =	ssyncadd.s32 $0xFFFFC000  }
0x66: {  	[spmem:s1] =	stream.indirect.scatter.add.f32 [tilespmem:s20], [sflag:$0x3], $0x80, s9, s23, $0xb8;
	[tilespmem:$0x1C400] =	vst v63  }
0x67: {  	_ =	swait.ge [sflag:s10], $0x100  }
0x68: {  	[sflag:s10] =	ssyncset.done $0x0  }
0x69: {  	s5 =	sadd.s32 $0x0, s17;
	[sflag:s10] =	ssyncadd.s32 $0xFFFFFF00  }
0x6a: {  	[tilespmem:s28], [sflag:$0x2] =	stream.indirect.gather [hbm4b:s4+s23], $0x80, s6, s23, $0xb8;
	[tilespmem:$0x1C400] =	vst v63  }
0x6b: {  	s14 =	sadd.s32 $0x80, s5  }
0x6c: {  	[tilespmem:s18], [sflag:$0x5] =	stream.linear.gather [hbm4b:s14+s3], $0x100, $0x38;
	[tilespmem:$0x1C400] =	vst v63  }
0x6d: {  	_ =	swait.ge [sflag:s30], $0x4000  }
0x6e: {  	[sflag:s30] =	ssyncset.done $0x0  }
0x6f: {  	[sflag:s30] =	ssyncadd.s32 $0xFFFFC000  }
0x70: {  	_ =	swait.ge [sflag:s31], $0x4000  }
0x71: {  	[sflag:s31] =	ssyncset.done $0x0  }
0x72: {  	[sflag:s31] =	ssyncadd.s32 $0xFFFFC000  }
0x73: {  	[spmem:s1] =	stream.indirect.scatter.add.f32 [tilespmem:s28], [sflag:$0x4], $0x80, s11, s23, $0xb8;
	[tilespmem:$0x1C400] =	vst v63  }
0x74: {  	_ =	swait.ge [sflag:s22], $0x100  }
0x75: {  	[sflag:s22] =	ssyncset.done $0x0  }
0x76: {  	[sflag:s22] =	ssyncadd.s32 $0xFFFFFF00  }
0x77: {  	[tilespmem:s20], [sflag:$0x1] =	stream.indirect.gather [hbm4b:s4+s23], $0x80, s18, s23, $0xb8;
	[tilespmem:$0x1C400] =	vst v63  }
0x78: {  	s13 =	sadd.s32 $0xA0, s5  }
0x79: {  	[tilespmem:s19], [sflag:$0x6] =	stream.linear.gather [hbm4b:s13+s3], $0x100, $0x38;
	[tilespmem:$0x1C400] =	vst v63  }
0x7a: {  	_ =	swait.ge [sflag:s24], $0x4000  }
0x7b: {  	[sflag:s24] =	ssyncset.done $0x0  }
0x7c: {  	[sflag:s24] =	ssyncadd.s32 $0xFFFFC000  }
0x7d: {  	_ =	swait.ge [sflag:s8], $0x4000  }
0x7e: {  	[sflag:s8] =	ssyncset.done $0x0  }
0x7f: {  	[sflag:s8] =	ssyncadd.s32 $0xFFFFC000  }
0x80: {  	[spmem:s1] =	stream.indirect.scatter.add.f32 [tilespmem:s20], [sflag:$0x3], $0x80, s25, s23, $0xb8;
	[tilespmem:$0x1C400] =	vst v63  }
0x81: {  	_ =	swait.ge [sflag:s26], $0x100  }
0x82: {  	[sflag:s26] =	ssyncset.done $0x0  }
0x83: {  	[sflag:s26] =	ssyncadd.s32 $0xFFFFFF00  }
0x84: {  	[tilespmem:s28], [sflag:$0x2] =	stream.indirect.gather [hbm4b:s4+s23], $0x80, s19, s23, $0xb8;
	[tilespmem:$0x1C400] =	vst v63  }
0x85: {  	s14 =	sadd.s32 $0x0, s16  }
0x86: {  	[tilespmem:s29], [sflag:$0x7] =	stream.linear.gather [hbm4b:s14+s3], $0x100, $0x38;
	[tilespmem:$0x1C400] =	vst v63  }
0x87: {  	_ =	swait.ge [sflag:s30], $0x4000  }
0x88: {  	[sflag:s30] =	ssyncset.done $0x0  }
0x89: {  	[sflag:s30] =	ssyncadd.s32 $0xFFFFC000  }
0x8a: {  	_ =	swait.ge [sflag:s31], $0x4000  }
0x8b: {  	[sflag:s31] =	ssyncset.done $0x0  }
0x8c: {  	[sflag:s31] =	ssyncadd.s32 $0xFFFFC000  }
0x8d: {  	[spmem:s1] =	stream.indirect.scatter.add.f32 [tilespmem:s28], [sflag:$0x4], $0x80, s0, s23, $0xb8;
	[tilespmem:$0x1C400] =	vst v63  }
0x8e: {  	_ =	swait.ge [sflag:s2], $0x100  }
0x8f: {  	[sflag:s2] =	ssyncset.done $0x0;
	s15 =	rddreg [dreg:$0x3]  }
0x90: {  	s13 =	simm.s32 $0x80;
	[sflag:s2] =	ssyncadd.s32 $0xFFFFFF00;
	s14 =	sadd.s32 $0x0, s15  }
0x91: {  	[tilespmem:s20], [sflag:$0x1] =	stream.indirect.gather [hbm4b:s4+s23], $0x80, s29, s23, $0xb8;
	[tilespmem:$0x1C400] =	vst v63  }
.LBB2_4:
0x92: {  	[tilespmem:s6], [sflag:$0x8] =	stream.linear.gather [hbm4b:s14+s3], $0x100, $0x38;
	[tilespmem:$0x1C400] =	vst v63  }
0x93: {  	_ =	swait.ge [sflag:s24], $0x4000  }
0x94: {  	[sflag:s24] =	ssyncset.done $0x0  }
0x95: {  	[sflag:s24] =	ssyncadd.s32 $0xFFFFC000  }
0x96: {  	_ =	swait.ge [sflag:s8], $0x4000  }
0x97: {  	[sflag:s8] =	ssyncset.done $0x0  }
0x98: {  	[sflag:s8] =	ssyncadd.s32 $0xFFFFC000  }
0x99: {  	[spmem:s1] =	stream.indirect.scatter.add.f32 [tilespmem:s20], [sflag:$0x3], $0x80, s9, s23, $0xb8;
	[tilespmem:$0x1C400] =	vst v63  }
0x9a: {  	_ =	swait.ge [sflag:s10], $0x100  }
0x9b: {  	s14 =	smov.u32 s13;
	[sflag:s10] =	ssyncset.done $0x0  }
0x9c: {  	s15 =	sadd.s32 s14, s17;
	[sflag:s10] =	ssyncadd.s32 $0xFFFFFF00  }
0x9d: {  	[tilespmem:s28], [sflag:$0x2] =	stream.indirect.gather [hbm4b:s4+s23], $0x80, s6, s23, $0xb8;
	[tilespmem:$0x1C400] =	vst v63  }
0x9e: {  	s5 =	sadd.s32 $0x80, s15  }
0x9f: {  	[tilespmem:s18], [sflag:$0x5] =	stream.linear.gather [hbm4b:s5+s3], $0x100, $0x38;
	[tilespmem:$0x1C400] =	vst v63  }
0xa0: {  	_ =	swait.ge [sflag:s30], $0x4000  }
0xa1: {  	[sflag:s30] =	ssyncset.done $0x0  }
0xa2: {  	[sflag:s30] =	ssyncadd.s32 $0xFFFFC000  }
0xa3: {  	_ =	swait.ge [sflag:s31], $0x4000  }
0xa4: {  	[sflag:s31] =	ssyncset.done $0x0  }
0xa5: {  	[sflag:s31] =	ssyncadd.s32 $0xFFFFC000  }
0xa6: {  	[spmem:s1] =	stream.indirect.scatter.add.f32 [tilespmem:s28], [sflag:$0x4], $0x80, s11, s23, $0xb8;
	[tilespmem:$0x1C400] =	vst v63  }
0xa7: {  	_ =	swait.ge [sflag:s22], $0x100  }
0xa8: {  	[sflag:s22] =	ssyncset.done $0x0  }
0xa9: {  	[sflag:s22] =	ssyncadd.s32 $0xFFFFFF00  }
0xaa: {  	[tilespmem:s20], [sflag:$0x1] =	stream.indirect.gather [hbm4b:s4+s23], $0x80, s18, s23, $0xb8;
	[tilespmem:$0x1C400] =	vst v63  }
0xab: {  	s15 =	sadd.s32 $0xA0, s15  }
0xac: {  	[tilespmem:s19], [sflag:$0x6] =	stream.linear.gather [hbm4b:s15+s3], $0x100, $0x38;
	[tilespmem:$0x1C400] =	vst v63  }
0xad: {  	_ =	swait.ge [sflag:s24], $0x4000  }
0xae: {  	[sflag:s24] =	ssyncset.done $0x0  }
0xaf: {  	[sflag:s24] =	ssyncadd.s32 $0xFFFFC000  }
0xb0: {  	_ =	swait.ge [sflag:s8], $0x4000  }
0xb1: {  	[sflag:s8] =	ssyncset.done $0x0  }
0xb2: {  	[sflag:s8] =	ssyncadd.s32 $0xFFFFC000  }
0xb3: {  	[spmem:s1] =	stream.indirect.scatter.add.f32 [tilespmem:s20], [sflag:$0x3], $0x80, s25, s23, $0xb8;
	[tilespmem:$0x1C400] =	vst v63  }
0xb4: {  	_ =	swait.ge [sflag:s26], $0x100  }
0xb5: {  	[sflag:s26] =	ssyncset.done $0x0  }
0xb6: {  	[sflag:s26] =	ssyncadd.s32 $0xFFFFFF00  }
0xb7: {  	[tilespmem:s28], [sflag:$0x2] =	stream.indirect.gather [hbm4b:s4+s23], $0x80, s19, s23, $0xb8;
	[tilespmem:$0x1C400] =	vst v63  }
0xb8: {  	s15 =	sadd.s32 s14, s16  }
0xb9: {  	[tilespmem:s29], [sflag:$0x7] =	stream.linear.gather [hbm4b:s15+s3], $0x100, $0x38;
	[tilespmem:$0x1C400] =	vst v63  }
0xba: {  	_ =	swait.ge [sflag:s30], $0x4000  }
0xbb: {  	[sflag:s30] =	ssyncset.done $0x0  }
0xbc: {  	[sflag:s30] =	ssyncadd.s32 $0xFFFFC000  }
0xbd: {  	_ =	swait.ge [sflag:s31], $0x4000  }
0xbe: {  	[sflag:s31] =	ssyncset.done $0x0  }
0xbf: {  	p0 =	sne.s32 s13, $0x900;
	[sflag:s31] =	ssyncadd.s32 $0xFFFFC000  }
0xc0: {  	[spmem:s1] =	stream.indirect.scatter.add.f32 [tilespmem:s28], [sflag:$0x4], $0x80, s0, s23, $0xb8;
	[tilespmem:$0x1C400] =	vst v63  }
.Ltmp1:
0xc1: {  	_ = 	snop;
	(pc) =	sbr.rel @p0 .LBB2_4-.Ltmp1, $4  }
0xc2: {  	_ =	swait.ge [sflag:s2], $0x100  }
0xc3: {  	[sflag:s2] =	ssyncset.done $0x0;
	s15 =	rddreg [dreg:$0x3]  }
0xc4: {  	s13 =	sadd.s32 $0x80, s13;
	[sflag:s2] =	ssyncadd.s32 $0xFFFFFF00;
	s14 =	sadd.s32 s14, s15  }
0xc5: {  	[tilespmem:s20], [sflag:$0x1] =	stream.indirect.gather [hbm4b:s4+s23], $0x80, s29, s23, $0xb8;
	[tilespmem:$0x1C400] =	vst v63  }
0xc6: {  	[tilespmem:s6], [sflag:$0x8] =	stream.linear.gather [hbm4b:s14+s3], $0x100, $0x38;
	[tilespmem:$0x1C400] =	vst v63  }
0xc7: {  	_ =	swait.ge [sflag:s24], $0x4000  }
0xc8: {  	[sflag:s24] =	ssyncset.done $0x0  }
0xc9: {  	[sflag:s24] =	ssyncadd.s32 $0xFFFFC000  }
0xca: {  	_ =	swait.ge [sflag:s8], $0x4000  }
0xcb: {  	[sflag:s8] =	ssyncset.done $0x0  }
0xcc: {  	[sflag:s8] =	ssyncadd.s32 $0xFFFFC000  }
0xcd: {  	[spmem:s1] =	stream.indirect.scatter.add.f32 [tilespmem:s20], [sflag:$0x3], $0x80, s9, s23, $0xb8;
	[tilespmem:$0x1C400] =	vst v63  }
0xce: {  	_ =	swait.ge [sflag:s10], $0x100  }
0xcf: {  	[sflag:s10] =	ssyncset.done $0x0  }
0xd0: {  	[sflag:s10] =	ssyncadd.s32 $0xFFFFFF00  }
0xd1: {  	[tilespmem:s28], [sflag:$0x2] =	stream.indirect.gather [hbm4b:s4+s23], $0x80, s6, s23, $0xb8;
	[tilespmem:$0x1C400] =	vst v63  }
0xd2: {  	_ =	swait.ge [sflag:s30], $0x4000  }
0xd3: {  	[sflag:s30] =	ssyncset.done $0x0  }
0xd4: {  	[sflag:s30] =	ssyncadd.s32 $0xFFFFC000  }
0xd5: {  	_ =	swait.ge [sflag:s31], $0x4000  }
0xd6: {  	[sflag:s31] =	ssyncset.done $0x0  }
0xd7: {  	[sflag:s31] =	ssyncadd.s32 $0xFFFFC000  }
0xd8: {  	[spmem:s1] =	stream.indirect.scatter.add.f32 [tilespmem:s28], [sflag:$0x4], $0x80, s11, s23, $0xb8;
	[tilespmem:$0x1C400] =	vst v63  }
0xd9: {  	_ =	swait.ge [sflag:s8], $0x4000  }
0xda: {  	[sflag:s8] =	ssyncset.done $0x0  }
0xdb: {  	s5 =	stileid.u32;
	[sflag:s8] =	ssyncadd.s32 $0xFFFFC000  }
0xdc: {  	s5 =	sshll.u32 s5, $0x6;
	[bflag:$0x0] =	sbarrier.arrive $0xFFFF  }
0xdd: {  	s13 =	sshrl.u32 s7, $0x3;
	s5 =	sor.u32 $0x1C09, s5;
	s15 =	rddreg [dreg:$0x8]  }
0xde: {  	[hbm:s15], [sflag:s5] =	dma.local [spmem:s13], $0x2800  }
0xdf: {  	_ =	swait.ge [sflag:s21], $0x2800  }
0xe0: {  	s12 =	sadd.s32 $0x1, s12;
	s15 =	rddreg [dreg:$0x9]  }
0xe1: {  	p0 =	sne.s32 s12, s15  }
.Ltmp2:
0xe2: {  	_ = 	snop;
	(pc) =	sbr.rel @p0 .LBB2_1-.Ltmp2, $3  }
0xe3: {  	_ =	sdelay $0x1  }
0xe4: {  	[sflag:s21] =	ssyncset.done $0x0  }
0xe5: {  	[sflag:s21] =	ssyncadd.s32 $0xFFFFD800  }
0xe6: {  	_ =	sfence.sel $0x180000  }
0xe7: {  	[bflag:$0x0] =	sbarrier.arrive $0xFFFF  }
0xe8: {  	_ =	strace $0x90000050  }
0xe9: {  	s0 =	stileid.u32;
	[bflag:$0x2] =	sbarrier.arrive $0xFFFF  }
0xea: {  	p0 =	sne.s32 s0, $0x0;
	s0 =	rddreg [dreg:$0x2]  }
0xeb: {  	s0 =	sadd.s32 @!p0 $0x100000, s0  }
0xec: {  	[sflag:s0] =	ssyncadd.tile.s32 @!p0 $0x1;
	_ =	shalt  }
.Lfunc_end2:
_tile_overlayer_lowered:
.L_overlay_start_2:
0xed: {  	(tag) =	ssettag $0x2  }
0xee: {  	s0 =	rddreg [dreg:$0x0];
	s2 =	stileid.u32  }
0xef: {  	s1 =	rddreg [dreg:$0x1];
	p0 =	sne.s32 s2, $0x0  }
0xf0: {  	s3 =	rddreg [dreg:$0x2];
	[bflag:$0x3] =	sbarrier.arrive $0xFFFF;
	s2 =	simm.s32 @!p0 $0x1C09  }
0xf1: {  	[timem:s3], [sflag:s2] =	dma.local @!p0 [hbm:s0], s1  }
0xf2: {  	s0 =	simm.s32 @!p0 $0x9  }
0xf3: {  	_ =	swait.ge @!p0 [sflag:s0], s1  }
0xf4: {  	s1 =	ssub.s32 @!p0 $0x0, s1;
	[sflag:s0] =	ssyncset.done @!p0 $0x0  }
0xf5: {  	[sflag:s0] =	ssyncadd.s32 @!p0 s1  }
0xf6: {  	[bflag:$0x3] =	sbarrier.arrive $0xFFFF  }
0xf7: {  	_ =	shalt  }

// kernel: kernel.30.cloned.1.call-start
scs
__scs_entry_jumppad:
0x0: {  	(pc) =	sbr.rel $0x88, $3  }
0x1: {  	(tag) =	ssettag $0x0;
	lr =	simm.s32 $0x1  }
0x2: {  	[smem:$0x3F80] =	sst lr;
	_ =	strace $0xD0000000  }
0x3: {  	_ = 	snop  }
0x4: {  	_ = 	snop  }
0x5: {  	_ = 	snop  }
0x6: {  	_ = 	snop  }
0x7: {  	_ = 	snop  }
__scs_overlays_trampoline_lowered:
0x8: {  	[smem:$0x3F8F] =	sst s0  }
0x9: {  	[smem:$0x3F90] =	sst s1  }
0xa: {  	[smem:$0x3F91] =	sst s2  }
0xb: {  	[smem:$0x3F92] =	sst s3  }
0xc: {  	[smem:$0x3F93] =	sst s4  }
0xd: {  	[smem:$0x3F94] =	sst s5  }
0xe: {  	[smem:$0x3F95] =	sst s6  }
0xf: {  	[smem:$0x3F96] =	sst s7  }
0x10: {  	[smem:$0x3F97] =	sst s8  }
0x11: {  	[smem:$0x3F98] =	sst s9;
	s0 =	simm.s32 @!p0 $0x0  }
0x12: {  	s1 =	sld [smem:$0x3F7E];
	s0 =	simm.s32 @p0 $0x1  }
0x13: {  	[smem:$0x3F99] =	sst s0;
	s0 =	simm.s32 @!p1 $0x0  }
0x14: {  	s2 =	sld [smem:$0x3F7D];
	s0 =	simm.s32 @p1 $0x1  }
0x15: {  	[smem:$0x3F9A] =	sst s0;
	s0 =	simm.s32 @!p2 $0x0  }
0x16: {  	s3 =	sld [smem:$0x3FDB];
	s0 =	simm.s32 @p2 $0x1  }
0x17: {  	s4 =	simm.s32 $0x1BF5;
	[smem:$0x3F9C] =	sst s0  }
0x18: {  	s0 =	sld [smem:$0x3F7F];
	_ =	swait.ge [sflag:s4], $0x0  }
0x19: {  	s7 =	sld [smem:$0x3F80]  }
0x1a: {  	s8 =	sadd.s32 $0xFFFFE003, lr  }
0x1b: {  	s9 =	sadd.s32 $0xFFFFFEF7, lr;
	s5 =	simm.s32 $0xFFFFFFFF;
	p2 =	slt.u32 s8, $0xFFFFF086  }
0x1c: {  	p1 =	slt.u32 s9, $0xF7A;
	s5 =	simm.s32 @!p2 $0x0  }
0x1d: {  	s5 =	simm.s32 @p1 $0x1;
	p0 =	seq.s32 s7, s2  }
0x1e: {  	s7 =	smul.u32 @!p0 $0xF7A, s2;
	p2 =	seq.s32 @!p0 s5, $0x0  }
0x1f: {  	s9 =	smul.u32 $0xF7A, s1;
	s8 =	simm.s32 @!p0 $0x1BF5;
	p2 =	por !p2, p0  }
0x20: {  	[sflag:s8] =	ssyncset.s32 @!p0 $0xFFFFF086;
	s6 =	sadd.s32 @!p0 s3, s7;
	s7 =	simm.s32 @!p0 $0x108  }
0x21: {  	s3 =	sadd.s32 s3, s9;
	s6 =	sadd.s32 @!p0 $0x88, s6;
	s7 =	simm.s32 @p2 $0x1082  }
0x22: {  	[simem:s7], [sflag:s8] =	dma.local @!p0 [hbm:s6], $0xF7A  }
0x23: {  	s9 =	sor.u32 $0xD0000000, s2;
	s6 =	simm.s32 $0x108;
	_ =	swait.ge @!p0 [sflag:s8], $0x0  }
0x24: {  	s3 =	sadd.s32 $0x88, s3;
	s6 =	simm.s32 @!p1 $0x1082;
	[sflag:s4] =	ssyncset.s32 $0xFFFFF086  }
0x25: {  	[simem:s6], [sflag:s4] =	dma.local [hbm:s3], $0xF7A  }
0x26: {  	[smem:$0x3F80] =	sst s1;
	(tag) =	ssettag s2;
	_ =	strace s9  }
0x27: {  	s1 =	sld [smem:$0x3F90]  }
0x28: {  	s2 =	sld [smem:$0x3F91]  }
0x29: {  	s4 =	sld [smem:$0x3F93]  }
0x2a: {  	p0 =	seq.s32 s5, $0x0;
	s5 =	sld [smem:$0x3F94]  }
0x2b: {  	s6 =	sld [smem:$0x3F95]  }
0x2c: {  	s7 =	sld [smem:$0x3F96]  }
0x2d: {  	s3 =	simm.s32 $0x108;
	s8 =	sld [smem:$0x3F97]  }
0x2e: {  	s3 =	simm.s32 @!p0 $0x1082;
	s9 =	sld [smem:$0x3F98]  }
0x2f: {  	lr =	sadd.s32 s0, s3;
	s0 =	sld [smem:$0x3F8F]  }
0x30: {  	s3 =	sld [smem:$0x3F92]  }
0x31: {  	[smem:$0x3F9B] =	sst s10  }
0x32: {  	s10 =	sld [smem:$0x3F99];
	_ =	sdelay $0x3  }
0x33: {  	p0 =	seq.s32 s10, $0x1;
	s10 =	sld [smem:$0x3F9B];
	_ =	sdelay $0x3  }
0x34: {  	[smem:$0x3F9B] =	sst s10  }
0x35: {  	s10 =	sld [smem:$0x3F9A];
	_ =	sdelay $0x3  }
0x36: {  	p1 =	seq.s32 s10, $0x1;
	s10 =	sld [smem:$0x3F9B];
	_ =	sdelay $0x3  }
0x37: {  	[smem:$0x3F9B] =	sst s10  }
0x38: {  	s10 =	sld [smem:$0x3F9C]  }
0x39: {  	_ = 	snop;
	(pc) =	sbr.ind lr, $3  }
0x3a: {  	_ = 	snop  }
0x3b: {  	_ = 	snop  }
0x3c: {  	p2 =	seq.s32 s10, $0x1;
	s10 =	sld [smem:$0x3F9B]  }
0x3d: {  	_ =	shalt  }
0x3e: {  	_ =	shalt  }
0x3f: {  	_ =	shalt  }
0x40: {  	_ =	shalt  }
0x41: {  	_ =	shalt  }
0x42: {  	_ =	shalt  }
0x43: {  	_ =	shalt  }
0x44: {  	_ =	shalt  }
0x45: {  	_ =	shalt  }
0x46: {  	_ =	shalt  }
0x47: {  	_ =	shalt  }
0x48: {  	_ =	shalt  }
0x49: {  	_ =	shalt  }
0x4a: {  	_ =	shalt  }
0x4b: {  	_ =	shalt  }
0x4c: {  	_ =	shalt  }
0x4d: {  	_ =	shalt  }
0x4e: {  	_ =	shalt  }
0x4f: {  	_ =	shalt  }
0x50: {  	_ =	shalt  }
0x51: {  	_ =	shalt  }
0x52: {  	_ =	shalt  }
0x53: {  	_ =	shalt  }
0x54: {  	_ =	shalt  }
0x55: {  	_ =	shalt  }
0x56: {  	_ =	shalt  }
0x57: {  	_ =	shalt  }
0x58: {  	_ =	shalt  }
0x59: {  	_ =	shalt  }
0x5a: {  	_ =	shalt  }
0x5b: {  	_ =	shalt  }
0x5c: {  	_ =	shalt  }
0x5d: {  	_ =	shalt  }
0x5e: {  	_ =	shalt  }
0x5f: {  	_ =	shalt  }
0x60: {  	_ =	shalt  }
0x61: {  	_ =	shalt  }
0x62: {  	_ =	shalt  }
0x63: {  	_ =	shalt  }
0x64: {  	_ =	shalt  }
0x65: {  	_ =	shalt  }
0x66: {  	_ =	shalt  }
0x67: {  	_ =	shalt  }
0x68: {  	_ =	shalt  }
0x69: {  	_ =	shalt  }
0x6a: {  	_ =	shalt  }
0x6b: {  	_ =	shalt  }
0x6c: {  	_ =	shalt  }
0x6d: {  	_ =	shalt  }
0x6e: {  	_ =	shalt  }
0x6f: {  	_ =	shalt  }
0x70: {  	_ =	shalt  }
0x71: {  	_ =	shalt  }
0x72: {  	_ =	shalt  }
0x73: {  	_ =	shalt  }
0x74: {  	_ =	shalt  }
0x75: {  	_ =	shalt  }
0x76: {  	_ =	shalt  }
0x77: {  	_ =	shalt  }
0x78: {  	_ =	shalt  }
0x79: {  	_ =	shalt  }
0x7a: {  	_ =	shalt  }
0x7b: {  	_ =	shalt  }
0x7c: {  	_ =	shalt  }
0x7d: {  	_ =	shalt  }
0x7e: {  	_ =	shalt  }
0x7f: {  	_ =	shalt  }
0x80: {  	_ =	shalt  }
0x81: {  	_ =	shalt  }
0x82: {  	_ =	shalt  }
0x83: {  	_ =	shalt  }
0x84: {  	_ =	shalt  }
0x85: {  	_ =	shalt  }
0x86: {  	_ =	shalt  }
0x87: {  	_ =	shalt  }
.Lfunc_end0:
.L_simem_size_0:
called_computation.4_lowered:
.L_overlay_start_0:
0x88: {  	s2 =	sld [smem:$0x3FD9]  }
0x89: {  	s3 =	sld [smem:$0x3FFE];
	_ =	sdelay $0x1  }
0x8a: {  	s1 =	srdreg.scid  }
0x8b: {  	s0 =	sand.u32 $0x1, s1  }
0x8c: {  	s16 =	sshll.u32 s0, $0xA;
	s2 =	sadd.s32 s3, s2  }
0x8d: {  	s2 =	sadd.s32 s2, s16  }
0x8e: {  	[smem:$0x3FA7] =	sst s2  }
0x8f: {  	_ = 	snop  }
0x90: {  	(tm) =	ssettm $0x1  }
0x91: {  	s17 =	sld [smem:$0x3FFB];
	_ =	sdelay $0x3  }
0x92: {  	_ =	strace s17  }
0x93: {  	s2 =	sld [smem:$0x3FFC];
	_ =	sdelay $0x3  }
0x94: {  	_ =	strace s2  }
0x95: {  	s2 =	sld [smem:$0x3FFD];
	_ =	sdelay $0x3  }
0x96: {  	_ =	strace s2  }
0x97: {  	_ =	strace $0x8FFFFFFF  }
0x98: {  	s18 =	sld [smem:$0x3FDB];
	_ =	sdelay $0x1  }
0x99: {  	s19 =	simm.s32 $_scs_section_size  }
0x9a: {  	s4 =	simm.s32 $_size__tile_overlayer_lowered;
	s5 =	simm.s32 $_tile_overlayer_lowered  }
0x9b: {  	s22 =	simm.s32 $0x1BFF;
	s21 =	sshll.u32 s5, $0x1;
	s2 =	sadd.s32 s19, s18  }
0x9c: {  	s6 =	simm.s32 $0x0;
	s20 =	sshll.u32 s4, $0x1;
	s4 =	sadd.s32 s21, s2  }
0x9d: {  	[timem:s6], [sflag:s22] =	dma.local [hbm:s4], s20  }
0x9e: {  	_ =	swait.ge [sflag:s22], s20  }
0x9f: {  	s3 =	ssub.s32 $0x0, s20;
	[sflag:s22] =	ssyncset.done $0x0  }
0xa0: {  	[sflag:s22] =	ssyncadd.s32 s3;
	_ =	sdelay $0x1  }
0xa1: {  	s23 =	simm.s32 $0x1B8B  }
0xa2: {  	_ =	swait.ge [sflag:s23], $0x1  }
0xa3: {  	[sflag:s23] =	ssyncset.done $0x0  }
0xa4: {  	s25 =	simm.s32 $0x1B8E;
	s24 =	sld [smem:$0x3FFE];
	[sflag:s23] =	ssyncadd.s32 $0xFFFFFFFF  }
0xa5: {  	s26 =	simm.s32 $execute0_lowered;
	[smem:$0x3FD2] =	sst s25  }
0xa6: {  	s4 =	sshll.u32 s26, $0x1;
	_ =	strace $0x80000052;
	[dreg:$0x1] =	wrdreg $0xFFFFFFFF  }
0xa7: {  	s28 =	simm.s32 $_size_execute0_lowered;
	s2 =	sadd.s32 s2, s4;
	[dreg:$0x0] =	wrdreg $0x0  }
0xa8: {  	s4 =	sshll.u32 s28, $0x1;
	[dreg:$0x2] =	wrdreg s2  }
0xa9: {  	[dreg:$0x3] =	wrdreg s4  }
0xaa: {  	[dreg:$0x4] =	wrdreg $0xC0  }
0xab: {  	_ =	task [dreg:s6], $0x5FFFF  }
0xac: {  	[dreg:$0x1] =	wrdreg $0xFFFFFFFF  }
0xad: {  	[dreg:$0x0] =	wrdreg $0x60  }
0xae: {  	[dreg:$0x2] =	wrdreg s24  }
0xaf: {  	[dreg:$0x3] =	wrdreg $0x0  }
0xb0: {  	[dreg:$0x4] =	wrdreg $0x9  }
0xb1: {  	_ =	task.clear_ibuf [dreg:s6], $0x5FFFF;
	_ =	strace $0x90000052  }
0xb2: {  	s29 =	simm.s32 $0x9;
	_ =	strace $0x80000054  }
0xb3: {  	_ =	swait.ge [sflag:s29], $0x1  }
0xb4: {  	[sflag:s29] =	ssyncadd.s32 $0xFFFFFFFF  }
0xb5: {  	_ =	strace $0x90000054  }
0xb6: {  	_ =	sfence  }
0xb7: {  	s30 =	sld [smem:$0x0];
	_ =	sdelay $0x2  }
0xb8: {  	s31 =	sshll.u32 s1, $0xD;
	s1 =	sshrl.u32 s1, $0x2  }
0xb9: {  	s3 =	sand.u32 $0x4000, s31;
	s1 =	sadd.s32 s1, s30  }
0xba: {  	s0 =	sor.u32 s3, s0;
	s1 =	sshll.u32 s1, $0x11  }
0xbb: {  	s0 =	sor.u32 s1, s0  }
0xbc: {  	s0 =	sadd.s32 $0x8F2B, s0  }
0xbd: {  	[sflag:s0] =	ssyncadd.remote.s32 $0x1  }
0xbe: {  	_ =	sfence.sel $0xFFFF  }
0xbf: {  	[dreg:$0x0] =	wrdreg $0xFFFFFFFF;
	(pc) =	sbr.abs _section_cstart, $3  }
0xc0: {  	[dreg:$0x1] =	wrdreg $0xFFFFFFFF  }
0xc1: {  	_ =	task.clear_ibuf [dreg:s6], $0x2FFFF;
	_ =	strace $0x9FFFFFFF  }
0xc2: {  	(tm) =	ssettm $0x7FFFFFFF  }
0xc3: {  	_ =	shalt  }
tec
execute0_lowered:
.L_overlay_start_1:
0x0: {  	(tag) =	ssettag $0x1  }
0x1: {  	s0 =	rddreg [dreg:$0x0];
	s13 =	stileid.u32  }
0x2: {  	s1 =	rddreg [dreg:$0x1];
	s6 =	smul.u32 $0x14000, s13  }
0x3: {  	s2 =	srdreg.scid;
	s3 =	simm.s32 $0x0;
	s11 =	smul.u32 $0x50000, s13  }
0x4: {  	s28 =	simm.s32 $0x18000;
	s29 =	simm.s32 $0x1C200;
	s16 =	smul.u32 $0xA0, s13  }
0x5: {  	s30 =	simm.s32 $0x2;
	s2 =	sand.u32 $0x1, s2;
	s23 =	smul.u32 $0x1400, s13  }
0x6: {  	s31 =	simm.s32 $0x3;
	[smem:$0x7FF] =	sst s3;
	s5 =	smul.u32 $0x140000, s2  }
0x7: {  	s4 =	sshll.u32 s13, $0x1;
	s8 =	sadd.s32 $0x6C00, s0;
	s17 =	smul.u32 $0x50, s2  }
0x8: {  	s7 =	sor.u32 s2, s4;
	s9 =	ssub.s32 $0x2, s2;
	s2 =	smul.u32 $0xA00, s2  }
0x9: {  	_ =	strace $0x80000053;
	s4 =	sadd.s32 $0x1AC00, s0;
	s24 =	smul.u32 $0xA00, s7  }
0xa: {  	s10 =	sshrl.u32 s9, $0x1;
	s15 =	sshrl.u32 s11, $0x2;
	s11 =	simm.s32 $0x1C380  }
0xb: {  	s5 =	sadd.s32 s6, s5;
	s9 =	ssub.s32 s9, s10;
	s7 =	sadd.s32 s15, s1  }
0xc: {  	s25 =	sshrl.u32 s5, $0x3;
	s26 =	sadd.s32 s8, s24;
	s19 =	smax.u32 s9, $0x1  }
0xd: {  	s20 =	sadd.s32 $0x4000, s7;
	s21 =	sadd.s32 $0x8000, s7;
	[dreg:$0x4] =	wrdreg s26  }
0xe: {  	s22 =	sadd.s32 $0xC000, s7;
	s9 =	simm.s32 $0x1C280;
	[dreg:$0x9] =	wrdreg s19  }
0xf: {  	s12 =	sadd.s32 s25, s0;
	s14 =	sadd.s32 $0x20, s26;
	[dreg:$0xa] =	wrdreg s20  }
0x10: {  	s0 =	sadd.s32 $0x6C40, s0;
	s5 =	sadd.s32 $0x60, s26;
	[dreg:$0xb] =	wrdreg s21  }
0x11: {  	[dreg:$0xc] =	wrdreg s22;
	s26 =	sadd.s32 s23, s8;
	s19 =	simm.s32 $0x1C100  }
0x12: {  	s20 =	simm.s32 $0x14000;
	s21 =	simm.s32 $0x9;
	[dreg:$0x5] =	wrdreg s14  }
0x13: {  	s22 =	simm.s32 $0x5;
	s6 =	sadd.s32 s24, s0;
	[dreg:$0x7] =	wrdreg s5  }
0x14: {  	s23 =	simm.s32 $0x80;
	s18 =	sadd.s32 $0x41E00, s12;
	[dreg:$0x6] =	wrdreg s6  }
0x15: {  	s24 =	sadd.s32 $0x10000, s7;
	s12 =	simm.s32 $0x0;
	[dreg:$0x8] =	wrdreg s18  }
0x16: {  	s6 =	sadd.s32 s17, s16;
	[dreg:$0xd] =	wrdreg s24;
	s17 =	sadd.s32 s2, s26  }
0x17: {  	s18 =	simm.s32 $0x1C000;
	s24 =	simm.s32 $0x1;
	s6 =	sshll.u32 s6, $0x5  }
0x18: {  	s26 =	simm.s32 $0x6;
	s2 =	simm.s32 $0x7;
	s25 =	sadd.s32 s6, s8  }
0x19: {  	s0 =	sadd.s32 s6, s0;
	s6 =	simm.s32 $0x1C300;
	s8 =	simm.s32 $0x4  }
0x1a: {  	s10 =	sadd.s32 $0xE0, s25;
	s16 =	sadd.s32 $0x80, s0;
	s25 =	simm.s32 $0x1C080  }
0x1b: {  	v0 =	vimm.f32 $0.0e+00;
	s0 =	simm.s32 $0x1C180;
	[dreg:$0x3] =	wrdreg s10;
	s10 =	simm.s32 $0x8  }
.LBB2_1:
0x1c: {  	s5 =	rddreg [dreg:$0x4]  }
0x1d: {  	[tilespmem:s18], [sflag:$0x5] =	stream.linear.gather [hbm4b:s5+s3], $0x100, $0x38;
	[tilespmem:$0x1C400] =	vst v63  }
0x1e: {  	s15 =	rddreg [dreg:$0x5];
	s13 =	simm.s32 $0x0;
	s14 =	simm.s32 $0x200  }
0x1f: {  	[tilespmem:s19], [sflag:$0x6] =	stream.linear.gather [hbm4b:s15+s3], $0x100, $0x38;
	[tilespmem:$0x1C400] =	vst v63  }
.LBB2_2:
0x20: {  	p0 =	sne.s32 s14, $0xFE00;
	[tilespmem:s13+$0x14070] =	vst v0  }
0x21: {  	[tilespmem:s13+$0x14000] =	vst v0  }
0x22: {  	[tilespmem:s13+$0x14010] =	vst v0  }
.Ltmp0:
0x23: {  	[tilespmem:s13+$0x14020] =	vst v0;
	(pc) =	sbr.rel @p0 .LBB2_2-.Ltmp0, $4  }
0x24: {  	[tilespmem:s13+$0x14030] =	vst v0  }
0x25: {  	[tilespmem:s13+$0x14040] =	vst v0  }
0x26: {  	[tilespmem:s13+$0x14050] =	vst v0  }
0x27: {  	[tilespmem:s13+$0x14060] =	vst v0;
	s13 =	sshra.s32 s14, $0x2;
	s14 =	sadd.s32 $0x200, s14  }
0x28: {  	[tilespmem:s13+$0x14070] =	vst v0  }
0x29: {  	[tilespmem:s13+$0x14000] =	vst v0  }
0x2a: {  	[tilespmem:s13+$0x14010] =	vst v0  }
0x2b: {  	[tilespmem:s13+$0x14020] =	vst v0  }
0x2c: {  	[tilespmem:s13+$0x14030] =	vst v0  }
0x2d: {  	[tilespmem:s13+$0x14040] =	vst v0  }
0x2e: {  	[tilespmem:s13+$0x14050] =	vst v0  }
0x2f: {  	[tilespmem:s13+$0x14060] =	vst v0  }
0x30: {  	[spmem:s7] =	stream.linear.scatter [tilespmem:s20], [sflag:$0x9], $0x4000, $0x38;
	[tilespmem:$0x1C400] =	vst v63  }
0x31: {  	_ =	swait.ge [sflag:s21], $0x4000  }
0x32: {  	[sflag:s21] =	ssyncset.done $0x0  }
0x33: {  	s5 =	rddreg [dreg:$0xa];
	[sflag:s21] =	ssyncadd.s32 $0xFFFFC000  }
0x34: {  	[spmem:s5] =	stream.linear.scatter [tilespmem:s20], [sflag:$0x9], $0x4000, $0x38;
	[tilespmem:$0x1C400] =	vst v63  }
0x35: {  	_ =	swait.ge [sflag:s21], $0x4000  }
0x36: {  	[sflag:s21] =	ssyncset.done $0x0  }
0x37: {  	s14 =	rddreg [dreg:$0xb];
	[sflag:s21] =	ssyncadd.s32 $0xFFFFC000  }
0x38: {  	[spmem:s14] =	stream.linear.scatter [tilespmem:s20], [sflag:$0x9], $0x4000, $0x38;
	[tilespmem:$0x1C400] =	vst v63  }
0x39: {  	_ =	swait.ge [sflag:s21], $0x4000  }
0x3a: {  	[sflag:s21] =	ssyncset.done $0x0  }
0x3b: {  	s15 =	rddreg [dreg:$0xc];
	[sflag:s21] =	ssyncadd.s32 $0xFFFFC000  }
0x3c: {  	[spmem:s15] =	stream.linear.scatter [tilespmem:s20], [sflag:$0x9], $0x4000, $0x38;
	[tilespmem:$0x1C400] =	vst v63  }
0x3d: {  	_ =	swait.ge [sflag:s21], $0x4000  }
0x3e: {  	[sflag:s21] =	ssyncset.done $0x0  }
0x3f: {  	s13 =	rddreg [dreg:$0xd];
	[sflag:s21] =	ssyncadd.s32 $0xFFFFC000  }
0x40: {  	[spmem:s13] =	stream.linear.scatter [tilespmem:s20], [sflag:$0x9], $0x4000, $0x38;
	[tilespmem:$0x1C400] =	vst v63  }
0x41: {  	_ =	swait.ge [sflag:s21], $0x4000  }
0x42: {  	[sflag:s21] =	ssyncset.done $0x0  }
0x43: {  	[sflag:s21] =	ssyncadd.s32 $0xFFFFC000  }
0x44: {  	_ =	swait.ge [sflag:s22], $0x100  }
0x45: {  	[sflag:s22] =	ssyncset.done $0x0  }
0x46: {  	[sflag:s22] =	ssyncadd.s32 $0xFFFFFF00  }
0x47: {  	[tilespmem:s20], [sflag:$0x1] =	stream.indirect.gather [hbm4b:s4+s23], $0x80, s18, s23, $0xb8;
	[tilespmem:$0x1C400] =	vst v63  }
0x48: {  	[bflag:$0x0] =	sbarrier.arrive $0xFFFF  }
0x49: {  	_ =	swait.ge [sflag:s24], $0x4000  }
0x4a: {  	[sflag:s24] =	ssyncset.done $0x0  }
0x4b: {  	[sflag:s24] =	ssyncadd.s32 $0xFFFFC000  }
0x4c: {  	[spmem:s1] =	stream.indirect.scatter.add.f32 [tilespmem:s20], [sflag:$0x3], $0x80, s25, s23, $0xb8;
	[tilespmem:$0x1C400] =	vst v63  }
0x4d: {  	_ =	swait.ge [sflag:s26], $0x100  }
0x4e: {  	[sflag:s26] =	ssyncset.done $0x0  }
0x4f: {  	[sflag:s26] =	ssyncadd.s32 $0xFFFFFF00  }
0x50: {  	[tilespmem:s28], [sflag:$0x2] =	stream.indirect.gather [hbm4b:s4+s23], $0x80, s19, s23, $0xb8;
	[tilespmem:$0x1C400] =	vst v63  }
0x51: {  	s13 =	simm.s32 $0x0;
	s14 =	rddreg [dreg:$0x6]  }
0x52: {  	[tilespmem:s29], [sflag:$0x7] =	stream.linear.gather [hbm4b:s14+s13], $0x100, $0x38;
	[tilespmem:$0x1C400] =	vst v63  }
0x53: {  	_ =	swait.ge [sflag:s30], $0x4000  }
0x54: {  	[sflag:s30] =	ssyncset.done $0x0  }
0x55: {  	[sflag:s30] =	ssyncadd.s32 $0xFFFFC000  }
0x56: {  	_ =	swait.ge [sflag:s31], $0x4000  }
0x57: {  	[sflag:s31] =	ssyncset.done $0x0  }
0x58: {  	[sflag:s31] =	ssyncadd.s32 $0xFFFFC000  }
0x59: {  	[spmem:s1] =	stream.indirect.scatter.add.f32 [tilespmem:s28], [sflag:$0x4], $0x80, s0, s23, $0xb8;
	[tilespmem:$0x1C400] =	vst v63  }
0x5a: {  	_ =	swait.ge [sflag:s2], $0x100  }
0x5b: {  	[sflag:s2] =	ssyncset.done $0x0  }
0x5c: {  	[sflag:s2] =	ssyncadd.s32 $0xFFFFFF00  }
0x5d: {  	[tilespmem:s20], [sflag:$0x1] =	stream.indirect.gather [hbm4b:s4+s23], $0x80, s29, s23, $0xb8;
	[tilespmem:$0x1C400] =	vst v63  }
0x5e: {  	s15 =	rddreg [dreg:$0x7]  }
0x5f: {  	[tilespmem:s6], [sflag:$0x8] =	stream.linear.gather [hbm4b:s15+s13], $0x100, $0x38;
	[tilespmem:$0x1C400] =	vst v63  }
0x60: {  	_ =	swait.ge [sflag:s24], $0x4000  }
0x61: {  	[sflag:s24] =	ssyncset.done $0x0  }
0x62: {  	[sflag:s24] =	ssyncadd.s32 $0xFFFFC000  }
0x63: {  	_ =	swait.ge [sflag:s8], $0x4000  }
0x64: {  	[sflag:s8] =	ssyncset.done $0x0  }
0x65: {  	[sflag:s8] =	ssyncadd.s32 $0xFFFFC000  }
0x66: {  	[spmem:s1] =	stream.indirect.scatter.add.f32 [tilespmem:s20], [sflag:$0x3], $0x80, s9, s23, $0xb8;
	[tilespmem:$0x1C400] =	vst v63  }
0x67: {  	_ =	swait.ge [sflag:s10], $0x100  }
0x68: {  	[sflag:s10] =	ssyncset.done $0x0  }
0x69: {  	s5 =	sadd.s32 $0x0, s17;
	[sflag:s10] =	ssyncadd.s32 $0xFFFFFF00  }
0x6a: {  	[tilespmem:s28], [sflag:$0x2] =	stream.indirect.gather [hbm4b:s4+s23], $0x80, s6, s23, $0xb8;
	[tilespmem:$0x1C400] =	vst v63  }
0x6b: {  	s14 =	sadd.s32 $0x80, s5  }
0x6c: {  	[tilespmem:s18], [sflag:$0x5] =	stream.linear.gather [hbm4b:s14+s3], $0x100, $0x38;
	[tilespmem:$0x1C400] =	vst v63  }
0x6d: {  	_ =	swait.ge [sflag:s30], $0x4000  }
0x6e: {  	[sflag:s30] =	ssyncset.done $0x0  }
0x6f: {  	[sflag:s30] =	ssyncadd.s32 $0xFFFFC000  }
0x70: {  	_ =	swait.ge [sflag:s31], $0x4000  }
0x71: {  	[sflag:s31] =	ssyncset.done $0x0  }
0x72: {  	[sflag:s31] =	ssyncadd.s32 $0xFFFFC000  }
0x73: {  	[spmem:s1] =	stream.indirect.scatter.add.f32 [tilespmem:s28], [sflag:$0x4], $0x80, s11, s23, $0xb8;
	[tilespmem:$0x1C400] =	vst v63  }
0x74: {  	_ =	swait.ge [sflag:s22], $0x100  }
0x75: {  	[sflag:s22] =	ssyncset.done $0x0  }
0x76: {  	[sflag:s22] =	ssyncadd.s32 $0xFFFFFF00  }
0x77: {  	[tilespmem:s20], [sflag:$0x1] =	stream.indirect.gather [hbm4b:s4+s23], $0x80, s18, s23, $0xb8;
	[tilespmem:$0x1C400] =	vst v63  }
0x78: {  	s13 =	sadd.s32 $0xA0, s5  }
0x79: {  	[tilespmem:s19], [sflag:$0x6] =	stream.linear.gather [hbm4b:s13+s3], $0x100, $0x38;
	[tilespmem:$0x1C400] =	vst v63  }
0x7a: {  	_ =	swait.ge [sflag:s24], $0x4000  }
0x7b: {  	[sflag:s24] =	ssyncset.done $0x0  }
0x7c: {  	[sflag:s24] =	ssyncadd.s32 $0xFFFFC000  }
0x7d: {  	_ =	swait.ge [sflag:s8], $0x4000  }
0x7e: {  	[sflag:s8] =	ssyncset.done $0x0  }
0x7f: {  	[sflag:s8] =	ssyncadd.s32 $0xFFFFC000  }
0x80: {  	[spmem:s1] =	stream.indirect.scatter.add.f32 [tilespmem:s20], [sflag:$0x3], $0x80, s25, s23, $0xb8;
	[tilespmem:$0x1C400] =	vst v63  }
0x81: {  	_ =	swait.ge [sflag:s26], $0x100  }
0x82: {  	[sflag:s26] =	ssyncset.done $0x0  }
0x83: {  	[sflag:s26] =	ssyncadd.s32 $0xFFFFFF00  }
0x84: {  	[tilespmem:s28], [sflag:$0x2] =	stream.indirect.gather [hbm4b:s4+s23], $0x80, s19, s23, $0xb8;
	[tilespmem:$0x1C400] =	vst v63  }
0x85: {  	s14 =	sadd.s32 $0x0, s16  }
0x86: {  	[tilespmem:s29], [sflag:$0x7] =	stream.linear.gather [hbm4b:s14+s3], $0x100, $0x38;
	[tilespmem:$0x1C400] =	vst v63  }
0x87: {  	_ =	swait.ge [sflag:s30], $0x4000  }
0x88: {  	[sflag:s30] =	ssyncset.done $0x0  }
0x89: {  	[sflag:s30] =	ssyncadd.s32 $0xFFFFC000  }
0x8a: {  	_ =	swait.ge [sflag:s31], $0x4000  }
0x8b: {  	[sflag:s31] =	ssyncset.done $0x0  }
0x8c: {  	[sflag:s31] =	ssyncadd.s32 $0xFFFFC000  }
0x8d: {  	[spmem:s1] =	stream.indirect.scatter.add.f32 [tilespmem:s28], [sflag:$0x4], $0x80, s0, s23, $0xb8;
	[tilespmem:$0x1C400] =	vst v63  }
0x8e: {  	_ =	swait.ge [sflag:s2], $0x100  }
0x8f: {  	[sflag:s2] =	ssyncset.done $0x0;
	s15 =	rddreg [dreg:$0x3]  }
0x90: {  	s13 =	simm.s32 $0x80;
	[sflag:s2] =	ssyncadd.s32 $0xFFFFFF00;
	s14 =	sadd.s32 $0x0, s15  }
0x91: {  	[tilespmem:s20], [sflag:$0x1] =	stream.indirect.gather [hbm4b:s4+s23], $0x80, s29, s23, $0xb8;
	[tilespmem:$0x1C400] =	vst v63  }
.LBB2_4:
0x92: {  	[tilespmem:s6], [sflag:$0x8] =	stream.linear.gather [hbm4b:s14+s3], $0x100, $0x38;
	[tilespmem:$0x1C400] =	vst v63  }
0x93: {  	_ =	swait.ge [sflag:s24], $0x4000  }
0x94: {  	[sflag:s24] =	ssyncset.done $0x0  }
0x95: {  	[sflag:s24] =	ssyncadd.s32 $0xFFFFC000  }
0x96: {  	_ =	swait.ge [sflag:s8], $0x4000  }
0x97: {  	[sflag:s8] =	ssyncset.done $0x0  }
0x98: {  	[sflag:s8] =	ssyncadd.s32 $0xFFFFC000  }
0x99: {  	[spmem:s1] =	stream.indirect.scatter.add.f32 [tilespmem:s20], [sflag:$0x3], $0x80, s9, s23, $0xb8;
	[tilespmem:$0x1C400] =	vst v63  }
0x9a: {  	_ =	swait.ge [sflag:s10], $0x100  }
0x9b: {  	s14 =	smov.u32 s13;
	[sflag:s10] =	ssyncset.done $0x0  }
0x9c: {  	s15 =	sadd.s32 s14, s17;
	[sflag:s10] =	ssyncadd.s32 $0xFFFFFF00  }
0x9d: {  	[tilespmem:s28], [sflag:$0x2] =	stream.indirect.gather [hbm4b:s4+s23], $0x80, s6, s23, $0xb8;
	[tilespmem:$0x1C400] =	vst v63  }
0x9e: {  	s5 =	sadd.s32 $0x80, s15  }
0x9f: {  	[tilespmem:s18], [sflag:$0x5] =	stream.linear.gather [hbm4b:s5+s3], $0x100, $0x38;
	[tilespmem:$0x1C400] =	vst v63  }
0xa0: {  	_ =	swait.ge [sflag:s30], $0x4000  }
0xa1: {  	[sflag:s30] =	ssyncset.done $0x0  }
0xa2: {  	[sflag:s30] =	ssyncadd.s32 $0xFFFFC000  }
0xa3: {  	_ =	swait.ge [sflag:s31], $0x4000  }
0xa4: {  	[sflag:s31] =	ssyncset.done $0x0  }
0xa5: {  	[sflag:s31] =	ssyncadd.s32 $0xFFFFC000  }
0xa6: {  	[spmem:s1] =	stream.indirect.scatter.add.f32 [tilespmem:s28], [sflag:$0x4], $0x80, s11, s23, $0xb8;
	[tilespmem:$0x1C400] =	vst v63  }
0xa7: {  	_ =	swait.ge [sflag:s22], $0x100  }
0xa8: {  	[sflag:s22] =	ssyncset.done $0x0  }
0xa9: {  	[sflag:s22] =	ssyncadd.s32 $0xFFFFFF00  }
0xaa: {  	[tilespmem:s20], [sflag:$0x1] =	stream.indirect.gather [hbm4b:s4+s23], $0x80, s18, s23, $0xb8;
	[tilespmem:$0x1C400] =	vst v63  }
0xab: {  	s15 =	sadd.s32 $0xA0, s15  }
0xac: {  	[tilespmem:s19], [sflag:$0x6] =	stream.linear.gather [hbm4b:s15+s3], $0x100, $0x38;
	[tilespmem:$0x1C400] =	vst v63  }
0xad: {  	_ =	swait.ge [sflag:s24], $0x4000  }
0xae: {  	[sflag:s24] =	ssyncset.done $0x0  }
0xaf: {  	[sflag:s24] =	ssyncadd.s32 $0xFFFFC000  }
0xb0: {  	_ =	swait.ge [sflag:s8], $0x4000  }
0xb1: {  	[sflag:s8] =	ssyncset.done $0x0  }
0xb2: {  	[sflag:s8] =	ssyncadd.s32 $0xFFFFC000  }
0xb3: {  	[spmem:s1] =	stream.indirect.scatter.add.f32 [tilespmem:s20], [sflag:$0x3], $0x80, s25, s23, $0xb8;
	[tilespmem:$0x1C400] =	vst v63  }
0xb4: {  	_ =	swait.ge [sflag:s26], $0x100  }
0xb5: {  	[sflag:s26] =	ssyncset.done $0x0  }
0xb6: {  	[sflag:s26] =	ssyncadd.s32 $0xFFFFFF00  }
0xb7: {  	[tilespmem:s28], [sflag:$0x2] =	stream.indirect.gather [hbm4b:s4+s23], $0x80, s19, s23, $0xb8;
	[tilespmem:$0x1C400] =	vst v63  }
0xb8: {  	s15 =	sadd.s32 s14, s16  }
0xb9: {  	[tilespmem:s29], [sflag:$0x7] =	stream.linear.gather [hbm4b:s15+s3], $0x100, $0x38;
	[tilespmem:$0x1C400] =	vst v63  }
0xba: {  	_ =	swait.ge [sflag:s30], $0x4000  }
0xbb: {  	[sflag:s30] =	ssyncset.done $0x0  }
0xbc: {  	[sflag:s30] =	ssyncadd.s32 $0xFFFFC000  }
0xbd: {  	_ =	swait.ge [sflag:s31], $0x4000  }
0xbe: {  	[sflag:s31] =	ssyncset.done $0x0  }
0xbf: {  	p0 =	sne.s32 s13, $0x900;
	[sflag:s31] =	ssyncadd.s32 $0xFFFFC000  }
0xc0: {  	[spmem:s1] =	stream.indirect.scatter.add.f32 [tilespmem:s28], [sflag:$0x4], $0x80, s0, s23, $0xb8;
	[tilespmem:$0x1C400] =	vst v63  }
.Ltmp1:
0xc1: {  	_ = 	snop;
	(pc) =	sbr.rel @p0 .LBB2_4-.Ltmp1, $4  }
0xc2: {  	_ =	swait.ge [sflag:s2], $0x100  }
0xc3: {  	[sflag:s2] =	ssyncset.done $0x0;
	s15 =	rddreg [dreg:$0x3]  }
0xc4: {  	s13 =	sadd.s32 $0x80, s13;
	[sflag:s2] =	ssyncadd.s32 $0xFFFFFF00;
	s14 =	sadd.s32 s14, s15  }
0xc5: {  	[tilespmem:s20], [sflag:$0x1] =	stream.indirect.gather [hbm4b:s4+s23], $0x80, s29, s23, $0xb8;
	[tilespmem:$0x1C400] =	vst v63  }
0xc6: {  	[tilespmem:s6], [sflag:$0x8] =	stream.linear.gather [hbm4b:s14+s3], $0x100, $0x38;
	[tilespmem:$0x1C400] =	vst v63  }
0xc7: {  	_ =	swait.ge [sflag:s24], $0x4000  }
0xc8: {  	[sflag:s24] =	ssyncset.done $0x0  }
0xc9: {  	[sflag:s24] =	ssyncadd.s32 $0xFFFFC000  }
0xca: {  	_ =	swait.ge [sflag:s8], $0x4000  }
0xcb: {  	[sflag:s8] =	ssyncset.done $0x0  }
0xcc: {  	[sflag:s8] =	ssyncadd.s32 $0xFFFFC000  }
0xcd: {  	[spmem:s1] =	stream.indirect.scatter.add.f32 [tilespmem:s20], [sflag:$0x3], $0x80, s9, s23, $0xb8;
	[tilespmem:$0x1C400] =	vst v63  }
0xce: {  	_ =	swait.ge [sflag:s10], $0x100  }
0xcf: {  	[sflag:s10] =	ssyncset.done $0x0  }
0xd0: {  	[sflag:s10] =	ssyncadd.s32 $0xFFFFFF00  }
0xd1: {  	[tilespmem:s28], [sflag:$0x2] =	stream.indirect.gather [hbm4b:s4+s23], $0x80, s6, s23, $0xb8;
	[tilespmem:$0x1C400] =	vst v63  }
0xd2: {  	_ =	swait.ge [sflag:s30], $0x4000  }
0xd3: {  	[sflag:s30] =	ssyncset.done $0x0  }
0xd4: {  	[sflag:s30] =	ssyncadd.s32 $0xFFFFC000  }
0xd5: {  	_ =	swait.ge [sflag:s31], $0x4000  }
0xd6: {  	[sflag:s31] =	ssyncset.done $0x0  }
0xd7: {  	[sflag:s31] =	ssyncadd.s32 $0xFFFFC000  }
0xd8: {  	[spmem:s1] =	stream.indirect.scatter.add.f32 [tilespmem:s28], [sflag:$0x4], $0x80, s11, s23, $0xb8;
	[tilespmem:$0x1C400] =	vst v63  }
0xd9: {  	_ =	swait.ge [sflag:s8], $0x4000  }
0xda: {  	[sflag:s8] =	ssyncset.done $0x0  }
0xdb: {  	s5 =	stileid.u32;
	[sflag:s8] =	ssyncadd.s32 $0xFFFFC000  }
0xdc: {  	s5 =	sshll.u32 s5, $0x6;
	[bflag:$0x0] =	sbarrier.arrive $0xFFFF  }
0xdd: {  	s13 =	sshrl.u32 s7, $0x3;
	s5 =	sor.u32 $0x1C09, s5;
	s15 =	rddreg [dreg:$0x8]  }
0xde: {  	[hbm:s15], [sflag:s5] =	dma.local [spmem:s13], $0x2800  }
0xdf: {  	_ =	swait.ge [sflag:s21], $0x2800  }
0xe0: {  	s12 =	sadd.s32 $0x1, s12;
	s15 =	rddreg [dreg:$0x9]  }
0xe1: {  	p0 =	sne.s32 s12, s15  }
.Ltmp2:
0xe2: {  	_ = 	snop;
	(pc) =	sbr.rel @p0 .LBB2_1-.Ltmp2, $3  }
0xe3: {  	_ =	sdelay $0x1  }
0xe4: {  	[sflag:s21] =	ssyncset.done $0x0  }
0xe5: {  	[sflag:s21] =	ssyncadd.s32 $0xFFFFD800  }
0xe6: {  	_ =	sfence.sel $0x180000  }
0xe7: {  	[bflag:$0x0] =	sbarrier.arrive $0xFFFF  }
0xe8: {  	_ =	strace $0x90000053  }
0xe9: {  	s0 =	stileid.u32;
	[bflag:$0x2] =	sbarrier.arrive $0xFFFF  }
0xea: {  	p0 =	sne.s32 s0, $0x0;
	s0 =	rddreg [dreg:$0x2]  }
0xeb: {  	s0 =	sadd.s32 @!p0 $0x100000, s0  }
0xec: {  	[sflag:s0] =	ssyncadd.tile.s32 @!p0 $0x1;
	_ =	shalt  }
.Lfunc_end2:
_tile_overlayer_lowered:
.L_overlay_start_2:
0xed: {  	(tag) =	ssettag $0x2  }
0xee: {  	s0 =	rddreg [dreg:$0x0];
	s2 =	stileid.u32  }
0xef: {  	s1 =	rddreg [dreg:$0x1];
	p0 =	sne.s32 s2, $0x0  }
0xf0: {  	s3 =	rddreg [dreg:$0x2];
	[bflag:$0x3] =	sbarrier.arrive $0xFFFF;
	s2 =	simm.s32 @!p0 $0x1C09  }
0xf1: {  	[timem:s3], [sflag:s2] =	dma.local @!p0 [hbm:s0], s1  }
0xf2: {  	s0 =	simm.s32 @!p0 $0x9  }
0xf3: {  	_ =	swait.ge @!p0 [sflag:s0], s1  }
0xf4: {  	s1 =	ssub.s32 @!p0 $0x0, s1;
	[sflag:s0] =	ssyncset.done @!p0 $0x0  }
0xf5: {  	[sflag:s0] =	ssyncadd.s32 @!p0 s1  }
0xf6: {  	[bflag:$0x3] =	sbarrier.arrive $0xFFFF  }
0xf7: {  	_ =	shalt  }

</sc_bundles>
